<compile_context>
chip_gen: v7x
topology: tpu7x:2x2x1
jax: 0.10.2.dev20260603
libtpu: 0.0.44.dev20260713+nightly
codegen_flags: <defaults>
</compile_context>

<pallas_src>
import functools

import jax
import jax.numpy as jnp
from jax import lax
from jax.experimental import pallas as pl
from jax.experimental.pallas import tpu as pltpu
from jax.experimental.pallas import tpu_sc as plsc

_N = 10000
_E = 320000
_D = 128
_EDIM = 16
_HEADS = [8, 8, 1]
_C = 128
_NEG = 0.2
_EPS = 1e-5
_HP = 16
_E1 = _E + _N
_NW = 32
_B = 128
_EP = 331776
_EW = _EP // _NW
_NBLK = _EW // _B
_NP = 10240
_STR = _NP // 16

_f32 = jnp.float32
_i32 = jnp.int32



def _tk_in(x, w, b):
    bn = 2000

    def body(x_ref, w_ref, b_ref, o_ref):
        o_ref[...] = jnp.dot(x_ref[...], w_ref[...],
                             preferred_element_type=_f32) + b_ref[...]

    return pl.pallas_call(
        body,
        grid=(_N // bn,),
        in_specs=[
            pl.BlockSpec((bn, _D), lambda i: (i, 0)),
            pl.BlockSpec((_D, _C), lambda i: (0, 0)),
            pl.BlockSpec((1, _C), lambda i: (0, 0)),
        ],
        out_specs=pl.BlockSpec((bn, _C), lambda i: (i, 0)),
        out_shape=jax.ShapeDtypeStruct((_N, _C), _f32),
    )(x, w, b.reshape(1, _C))


def _tk_proj(h, hcur, W, a_s, a_d):
    bn = 1000
    nb = _N // bn

    def body(h_ref, w_ref, as_ref, ad_ref, xw_ref, s_ref, d_ref):
        k = pl.program_id(1)
        xb = jnp.dot(h_ref[...], w_ref[...], preferred_element_type=_f32)
        xw_ref[...] = xb
        cs = jnp.sum(xb * as_ref[0], axis=1)
        cd = jnp.sum(xb * ad_ref[0], axis=1)
        lane = lax.broadcasted_iota(_i32, (bn, _HP), 1)
        ms = jnp.where(lane == k, cs[:, None], 0.0)
        md = jnp.where(lane == k, cd[:, None], 0.0)

        @pl.when(k == 0)
        def _():
            s_ref[...] = ms
            d_ref[...] = md

        @pl.when(k > 0)
        def _():
            s_ref[...] += ms
            d_ref[...] += md

    return pl.pallas_call(
        body,
        grid=(nb, h),
        in_specs=[
            pl.BlockSpec((bn, _C), lambda i, k: (i, 0)),
            pl.BlockSpec((_C, _C), lambda i, k: (0, k)),
            pl.BlockSpec((1, 1, _C), lambda i, k: (k, 0, 0)),
            pl.BlockSpec((1, 1, _C), lambda i, k: (k, 0, 0)),
        ],
        out_specs=[
            pl.BlockSpec((bn, _C), lambda i, k: (i, k)),
            pl.BlockSpec((bn, _HP), lambda i, k: (i, 0)),
            pl.BlockSpec((bn, _HP), lambda i, k: (i, 0)),
        ],
        out_shape=[
            jax.ShapeDtypeStruct((_N, h * _C), _f32),
            jax.ShapeDtypeStruct((_N, _HP), _f32),
            jax.ShapeDtypeStruct((_N, _HP), _f32),
        ],
    )(hcur, W, a_s.reshape(h, 1, _C), a_d.reshape(h, 1, _C))


def _tk_edge(h, edge_attr, We, a_e):
    be = 2000
    nbe = _E // be

    def body(ea_ref, we_ref, ae_ref, al_ref, es_ref, sf_ref):
        i = pl.program_id(0)
        Ae = jnp.sum(we_ref[...].reshape(_EDIM, h, _C) * ae_ref[...][None],
                     axis=-1)
        ab = jnp.dot(ea_ref[...], Ae, preferred_element_type=_f32)
        if h < _HP:
            ab = jnp.concatenate([ab, jnp.zeros((be, _HP - h), _f32)], axis=1)
        al_ref[...] = ab
        s = jnp.sum(ea_ref[...], axis=0)[None]

        @pl.when(i == 0)
        def _():
            es_ref[...] = s

        @pl.when(i > 0)
        def _():
            es_ref[...] += s

        @pl.when(i == nbe - 1)
        def _():
            m = es_ref[...] / float(_E)
            aes = jnp.dot(m, Ae, preferred_element_type=_f32)
            if h < _HP:
                aes = jnp.concatenate(
                    [aes, jnp.zeros((1, _HP - h), _f32)], axis=1)
            sf_ref[...] = aes

    return pl.pallas_call(
        body,
        grid=(nbe,),
        in_specs=[
            pl.BlockSpec((be, _EDIM), lambda i: (i, 0)),
            pl.BlockSpec((_EDIM, h * _C), lambda i: (0, 0)),
            pl.BlockSpec((h, _C), lambda i: (0, 0)),
        ],
        out_specs=[
            pl.BlockSpec((be, _HP), lambda i: (i, 0)),
            pl.BlockSpec((1, _EDIM), lambda i: (0, 0)),
            pl.BlockSpec((1, _HP), lambda i: (0, 0)),
        ],
        out_shape=[
            jax.ShapeDtypeStruct((_E, _HP), _f32),
            jax.ShapeDtypeStruct((1, _EDIM), _f32),
            jax.ShapeDtypeStruct((1, _HP), _f32),
        ],
    )(edge_attr, We, a_e)


def _tk_final1(h, num_p, den_p, b):
    bn = 1280
    nb = _NP // bn
    inv_h = 1.0 / h

    def body(n0_ref, n1_ref, d0_ref, d1_ref, b_ref, y_ref, s_ref):
        i = pl.program_id(0)
        k = pl.program_id(1)
        acc = n0_ref[...] + n1_ref[...]
        d = d0_ref[...] + d1_ref[...]
        lane = lax.broadcasted_iota(_i32, (bn, _HP), 1)
        dk = jnp.sum(jnp.where(lane == k, d, 0.0), axis=1)
        contrib = acc * (inv_h / (dk + 1e-16))[:, None]

        @pl.when(k == 0)
        def _():
            y_ref[...] = contrib

        @pl.when(k > 0)
        def _():
            y_ref[...] += contrib

        @pl.when(k == h - 1)
        def _():
            yf = y_ref[...] + b_ref[...]
            y_ref[...] = yf
            row = lax.broadcasted_iota(_i32, (bn, _C), 0) + i * bn
            ym = jnp.where(row < _N, yf, 0.0)
            s = jnp.concatenate([jnp.sum(ym, axis=0)[None],
                                 jnp.sum(ym * ym, axis=0)[None]], axis=0)

            @pl.when(i == 0)
            def _():
                s_ref[...] = s

            @pl.when(i > 0)
            def _():
                s_ref[...] += s

    return pl.pallas_call(
        body,
        grid=(nb, h),
        in_specs=[
            pl.BlockSpec((bn, _C), lambda i, k: (k * nb + i, 0)),
            pl.BlockSpec((bn, _C), lambda i, k: ((h + k) * nb + i, 0)),
            pl.BlockSpec((bn, _HP), lambda i, k: (i, 0)),
            pl.BlockSpec((bn, _HP), lambda i, k: (nb + i, 0)),
            pl.BlockSpec((1, _C), lambda i, k: (0, 0)),
        ],
        out_specs=[
            pl.BlockSpec((bn, _C), lambda i, k: (i, 0)),
            pl.BlockSpec((2, _C), lambda i, k: (0, 0)),
        ],
        out_shape=[
            jax.ShapeDtypeStruct((_NP, _C), _f32),
            jax.ShapeDtypeStruct((2, _C), _f32),
        ],
    )(num_p, num_p, den_p, den_p, b.reshape(1, _C))


def _tk_final2(y, sums, g, beta, res):
    bn = 1000

    def body(y_ref, s_ref, g_ref, be_ref, r_ref, o_ref):
        mu = s_ref[0] / float(_N)
        var = s_ref[1] / float(_N) - mu * mu
        inv = lax.rsqrt(var + _EPS)
        z = (y_ref[...] - mu) * inv * g_ref[...] + be_ref[...]
        z = jnp.where(z > 0, z, jnp.exp(z) - 1.0)
        o_ref[...] = z + r_ref[...]

    return pl.pallas_call(
        body,
        grid=(_N // bn,),
        in_specs=[
            pl.BlockSpec((bn, _C), lambda i: (i, 0)),
            pl.BlockSpec((2, _C), lambda i: (0, 0)),
            pl.BlockSpec((1, _C), lambda i: (0, 0)),
            pl.BlockSpec((1, _C), lambda i: (0, 0)),
            pl.BlockSpec((bn, _C), lambda i: (i, 0)),
        ],
        out_specs=pl.BlockSpec((bn, _C), lambda i: (i, 0)),
        out_shape=jax.ShapeDtypeStruct((_N, _C), _f32),
    )(y, sums, g.reshape(1, _C), beta.reshape(1, _C), res)



def _sck1(asrc, adst, aef, srcp, dstp, zeros8):
    mesh = plsc.VectorSubcoreMesh(core_axis_name="c", subcore_axis_name="s")

    @functools.partial(
        pl.kernel,
        out_type=[
            jax.ShapeDtypeStruct((_EP, _HP), _f32),
            jax.ShapeDtypeStruct((2 * _NP, _HP), _f32),
        ],
        mesh=mesh,
        compiler_params=pltpu.CompilerParams(use_tc_tiling_on_sc=False),
        scratch_types=[
            pltpu.VMEM((_B,), _i32),
            pltpu.VMEM((_B,), _i32),
            pltpu.VMEM((_B, _HP), _f32),
            pltpu.VMEM((_B, _HP), _f32),
            pltpu.VMEM((_B, _HP), _f32),
            pltpu.VMEM((_B, _HP), _f32),
            pltpu.VMEM_SHARED((_NP, _HP), _f32),
            pltpu.SemaphoreType.DMA,
            pltpu.SemaphoreType.DMA,
        ],
    )
    def k1(as_hbm, ad_hbm, ae_hbm, src_hbm, dst_hbm, z8_hbm,
           w_hbm, den_hbm, srcv, dstv, gsv, gdv, aev, wv, densh, sem1, sem2):
        cid = lax.axis_index("c")
        sid = lax.axis_index("s")
        wid = cid * 16 + sid
        pltpu.sync_copy(z8_hbm.at[pl.ds(sid * _STR, _STR)],
                        densh.at[pl.ds(sid * _STR, _STR)])
        plsc.subcore_barrier()

        def blk(bi, carry):
            e0 = wid * _EW + bi * _B
            pltpu.sync_copy(src_hbm.at[pl.ds(e0, _B)], srcv)
            pltpu.sync_copy(dst_hbm.at[pl.ds(e0, _B)], dstv)
            cp1 = pltpu.async_copy(as_hbm.at[srcv], gsv, sem1)
            cp2 = pltpu.async_copy(ad_hbm.at[dstv], gdv, sem2)
            pltpu.sync_copy(ae_hbm.at[pl.ds(e0, _B)], aev)
            cp1.wait()
            cp2.wait()

            def edge(e, c2):
                a = gsv[e, :] + gdv[e, :] + aev[e, :]
                a = jnp.where(a >= 0, a, _NEG * a)
                wv[e, :] = jnp.exp(a)
                return c2

            lax.fori_loop(0, _B, edge, 0, unroll=4)
            pltpu.sync_copy(wv, w_hbm.at[pl.ds(e0, _B)])
            pltpu.sync_copy(wv, densh.at[dstv], add=True)
            return carry

        lax.fori_loop(0, _NBLK, blk, 0)
        plsc.subcore_barrier()
        pltpu.sync_copy(densh.at[pl.ds(sid * _STR, _STR)],
                        den_hbm.at[pl.ds(cid * _NP + sid * _STR, _STR)])

    return k1(asrc, adst, aef, srcp, dstp, zeros8)


def _sck2(h, xw_flat, srcp, dstp, w, zeros128):
    mesh = plsc.VectorSubcoreMesh(core_axis_name="c", subcore_axis_name="s")

    @functools.partial(
        pl.kernel,
        out_type=jax.ShapeDtypeStruct((2 * h * _NP, _C), _f32),
        mesh=mesh,
        compiler_params=pltpu.CompilerParams(use_tc_tiling_on_sc=False),
        scratch_types=[
            pltpu.VMEM((_B,), _i32),
            pltpu.VMEM((_B,), _i32),
            pltpu.VMEM((_B,), _i32),
            pltpu.VMEM((_B, _HP), _f32),
            pltpu.VMEM((_B, _C), _f32),
            pltpu.VMEM_SHARED((_NP, _C), _f32),
            pltpu.SemaphoreType.DMA,
        ],
    )
    def k2(xw_hbm, src_hbm, dst_hbm, w_hbm, z_hbm, num_hbm,
           srcv, dstv, idxv, wv, rowsv, numsh, sem):
        cid = lax.axis_index("c")
        sid = lax.axis_index("s")
        wid = cid * 16 + sid

        def pass_k(k, carry):
            pltpu.sync_copy(z_hbm.at[pl.ds(sid * _STR, _STR)],
                            numsh.at[pl.ds(sid * _STR, _STR)])
            plsc.subcore_barrier()

            def blk(bi, c2):
                e0 = wid * _EW + bi * _B
                pltpu.sync_copy(src_hbm.at[pl.ds(e0, _B)], srcv)
                pltpu.sync_copy(dst_hbm.at[pl.ds(e0, _B)], dstv)
                pltpu.sync_copy(w_hbm.at[pl.ds(e0, _B)], wv)

                def gidx(g, c3):
                    s = srcv[pl.ds(g * 16, 16)]
                    idxv[pl.ds(g * 16, 16)] = s * h + k
                    return c3

                lax.fori_loop(0, _B // 16, gidx, 0, unroll=4)
                pltpu.async_copy(xw_hbm.at[idxv], rowsv, sem).wait()
                kvec = jnp.full((16, 1), k, _i32)
                dnums = lax.GatherDimensionNumbers(
                    offset_dims=(), collapsed_slice_dims=(0,),
                    start_index_map=(0,))

                def edge(e, c3):
                    wj = lax.gather(
                        wv[e, :], kvec, dnums, slice_sizes=(1,),
                        mode=lax.GatherScatterMode.PROMISE_IN_BOUNDS)

                    def col(c, c4):
                        sl = pl.ds(c * 16, 16)
                        rowsv[e, sl] = rowsv[e, sl] * wj
                        return c4

                    lax.fori_loop(0, _C // 16, col, 0, unroll=8)
                    return c3

                lax.fori_loop(0, _B, edge, 0)
                pltpu.sync_copy(rowsv, numsh.at[dstv], add=True)
                return c2

            lax.fori_loop(0, _NBLK, blk, 0)
            plsc.subcore_barrier()
            pltpu.sync_copy(
                numsh.at[pl.ds(sid * _STR, _STR)],
                num_hbm.at[pl.ds((cid * h + k) * _NP + sid * _STR, _STR)])
            plsc.subcore_barrier()
            return carry

        lax.fori_loop(0, h, pass_k, 0)

    return k2(xw_flat, srcp, dstp, w, zeros128)



def kernel(x, edge_index, edge_attr, params):
    loop = jnp.arange(_N, dtype=edge_index.dtype)
    pad = jnp.zeros((_EP - _E1,), edge_index.dtype)
    srcp = jnp.concatenate([edge_index[0], loop, pad]).astype(_i32)
    dstp = jnp.concatenate([edge_index[1], loop, pad]).astype(_i32)
    zeros8 = jnp.zeros((_NP, _HP), _f32)
    zeros128 = jnp.zeros((_NP, _C), _f32)

    hcur = _tk_in(x, params['in_W'], params['in_b'])
    for i, h in enumerate(_HEADS):
        res = hcur
        xw, asrc, adst = _tk_proj(h, hcur, params['W%d' % i],
                                  params['as%d' % i], params['ad%d' % i])
        ae, _es, aeself = _tk_edge(h, edge_attr, params['We%d' % i],
                                   params['ae%d' % i])
        aef = jnp.concatenate([
            ae,
            jnp.broadcast_to(aeself, (_N, _HP)),
            jnp.full((_EP - _E1, _HP), -1e30, _f32),
        ], axis=0)
        w, den_p = _sck1(asrc, adst, aef, srcp, dstp, zeros8)
        num_p = _sck2(h, xw.reshape(_N * h, _C), srcp, dstp, w, zeros128)
        y, sums = _tk_final1(h, num_p, den_p, params['b%d' % i])
        hcur = _tk_final2(y, sums, params['g%d' % i],
                          params['beta%d' % i], res)
    return hcur

# --- scband reference (transcript-rebuilt; emitter-appended) ---
"""Pipeline reference for scband-graph-attention-network-12275016532267 (READ-ONLY COPY).

The authoritative reference and input builder live on the scoring server;
editing this copy changes nothing except your own understanding.
"""

import jax, jax.numpy as jnp
import numpy as np

N = 10000
E = 320000
D = 128
EDIM = 16
HEADS = [8, 8, 1]
C = 128
NEG_SLOPE = 0.2
EPS = 1e-5


def setup_inputs(seed: int = 0):
    key = jax.random.key(seed)
    ks = jax.random.split(key, 64)
    x = jax.random.normal(ks[0], (N, D), dtype=jnp.float32)
    edge_index = jax.random.randint(ks[1], (2, E), 0, N)
    edge_attr = jax.random.normal(ks[2], (E, EDIM), dtype=jnp.float32)
    params = {
        'in_W': jax.random.normal(ks[3], (D, C), dtype=jnp.float32) * 0.05,
        'in_b': jnp.zeros((C,), jnp.float32),
    }
    k = 4
    for i, h in enumerate(HEADS):
        params['W%d' % i] = jax.random.normal(ks[k], (C, h * C), dtype=jnp.float32) * 0.05; k += 1
        params['as%d' % i] = jax.random.normal(ks[k], (h, C), dtype=jnp.float32) * 0.05; k += 1
        params['ad%d' % i] = jax.random.normal(ks[k], (h, C), dtype=jnp.float32) * 0.05; k += 1
        params['We%d' % i] = jax.random.normal(ks[k], (EDIM, h * C), dtype=jnp.float32) * 0.05; k += 1
        params['ae%d' % i] = jax.random.normal(ks[k], (h, C), dtype=jnp.float32) * 0.05; k += 1
        params['b%d' % i] = jnp.zeros((C,), jnp.float32)
        params['g%d' % i] = jnp.ones((C,), jnp.float32)
        params['beta%d' % i] = jnp.zeros((C,), jnp.float32)
    return {'x': x, 'edge_index': edge_index, 'edge_attr': edge_attr, 'params': params}


def _gat_layer(x, src, dst, ea_full, W, a_s, a_d, We, a_e, b, h):
    n = x.shape[0]
    xw = (x @ W).reshape(n, h, C)
    alpha_src = (xw * a_s).sum(-1)
    alpha_dst = (xw * a_d).sum(-1)
    alpha = alpha_src[src] + alpha_dst[dst]
    ef = (ea_full @ We).reshape(-1, h, C)
    alpha = alpha + (ef * a_e).sum(-1)
    alpha = jnp.where(alpha >= 0, alpha, NEG_SLOPE * alpha)
    amax = jax.ops.segment_max(alpha, dst, num_segments=n)
    ex = jnp.exp(alpha - amax[dst])
    den = jax.ops.segment_sum(ex, dst, num_segments=n)
    att = ex / (den[dst] + 1e-16)
    out = jax.ops.segment_sum(xw[src] * att[:, :, None], dst, num_segments=n)
    return out.mean(axis=1) + b


def _batch_norm(x, g, b):
    mu = x.mean(axis=0)
    var = x.var(axis=0)
    return (x - mu) / jnp.sqrt(var + EPS) * g + b


def _forward(x, edge_index, edge_attr, params):
    loop = jnp.arange(N, dtype=edge_index.dtype)
    src = jnp.concatenate([edge_index[0], loop])
    dst = jnp.concatenate([edge_index[1], loop])
    ea_full = jnp.concatenate([edge_attr, jnp.broadcast_to(edge_attr.mean(axis=0), (N, EDIM))], axis=0)
    h = x @ params['in_W'] + params['in_b']
    for i, nh in enumerate(HEADS):
        res = h
        h = _gat_layer(h, src, dst, ea_full,
                       params['W%d' % i], params['as%d' % i], params['ad%d' % i],
                       params['We%d' % i], params['ae%d' % i], params['b%d' % i], nh)
        h = _batch_norm(h, params['g%d' % i], params['beta%d' % i])
        h = jax.nn.elu(h)
        h = h + res
    return h


def reference(x, edge_index, edge_attr, params):
    return _forward(x, edge_index, edge_attr, params)

if __name__ == "__main__":
    import jax
    _d = setup_inputs()
    print(jax.jit(kernel)(*tuple(_d.values())))

</pallas_src>

<mosaic_0001>
#map = affine_map<(d0, d1) -> (0, 0)>
#map1 = affine_map<(d0, d1) -> (0)>
module attributes {stable_mosaic.version = 14 : i64} {
  func.func @k2(%arg0: i32, %arg1: i32, %arg2: memref<80000x128xf32, #tpu.memory_space<hbm>>, %arg3: memref<331776xi32, #tpu.memory_space<hbm>>, %arg4: memref<331776xi32, #tpu.memory_space<hbm>>, %arg5: memref<331776x16xf32, #tpu.memory_space<hbm>>, %arg6: memref<10240x128xf32, #tpu.memory_space<hbm>>, %arg7: memref<163840x128xf32, #tpu.memory_space<hbm>>, %arg8: memref<128xi32, #tpu.memory_space<vmem>>, %arg9: memref<128xi32, #tpu.memory_space<vmem>>, %arg10: memref<128xi32, #tpu.memory_space<vmem>>, %arg11: memref<128x16xf32, #tpu.memory_space<vmem>>, %arg12: memref<128x128xf32, #tpu.memory_space<vmem>>, %arg13: memref<10240x128xf32, #tpu.memory_space<vmem_shared>>, %arg14: memref<!tpu.dma_semaphore, #tpu.memory_space<semaphore_mem>>) attributes {dimension_semantics = [#tpu.dimension_semantics<core_parallel>, #tpu.dimension_semantics<subcore_parallel>], iteration_bounds = array<i64: 2, 16>, scalar_prefetch = 0 : i64, scratch_operands = 7 : i64, tpu.core_type = #tpu.core_type<sc_vector_subcore>, window_params = [{transform_indices = #map}, {transform_indices = #map1}, {transform_indices = #map1}, {transform_indices = #map}, {transform_indices = #map}, {transform_indices = #map}]} {
    %mul3A = arith.constant 16 : i32
    %mul3A_0 = arith.muli %arg0, %mul3A : i32
    %add3A = arith.addi %mul3A_0, %arg1 : i32
    %scan3A = arith.constant 0 : i32
    %scan3A_1 = arith.constant 0 : i32
    %scan3A_2 = arith.constant 8 : i32
    %scan3A_3 = arith.addi %scan3A_1, %scan3A_2 : i32
    %scan3A_4 = arith.constant 1 : i32
    scf.for %scan3A_6 = %scan3A_1 to %scan3A_3 step %scan3A_4  : i32 {
      %mul3A_7 = arith.constant 640 : i32
      %mul3A_8 = arith.muli %arg1, %mul3A_7 : i32
      %mul3A_9 = arith.constant 640 : i32
      %mul3A_10 = arith.muli %arg1, %mul3A_9 : i32
      "tpu.region"() ({
        %run_scoped3A = tpu.sem_alloc : memref<!tpu.dma_semaphore, #tpu.memory_space<semaphore_mem>>
        %dma_start3A = arith.constant 0 : i32
        %dma_start3A_29 = tpu.memref_slice %arg13[%mul3A_10, %dma_start3A] : memref<10240x128xf32, #tpu.memory_space<vmem_shared>> -> memref<640x128xf32, #tpu.memory_space<vmem_shared>>
        %dma_start3A_30 = arith.constant 0 : i32
        %dma_start3A_31 = tpu.memref_slice %arg6[%mul3A_8, %dma_start3A_30] : memref<10240x128xf32, #tpu.memory_space<hbm>> -> memref<640x128xf32, #tpu.memory_space<hbm>>
        tpu.enqueue_dma source(%dma_start3A_31 : memref<640x128xf32, #tpu.memory_space<hbm>>) target(%dma_start3A_29 : memref<640x128xf32, #tpu.memory_space<vmem_shared>>) target_semaphore(%run_scoped3A : memref<!tpu.dma_semaphore, #tpu.memory_space<semaphore_mem>>)
        %dma_wait3A = arith.constant 0 : i32
        %dma_wait3A_32 = tpu.memref_slice %arg13[%mul3A_10, %dma_wait3A] : memref<10240x128xf32, #tpu.memory_space<vmem_shared>> -> memref<640x128xf32, #tpu.memory_space<vmem_shared>>
        %dma_wait3A_33 = arith.constant 0 : i32
        %dma_wait3A_34 = tpu.memref_slice %arg6[%mul3A_8, %dma_wait3A_33] : memref<10240x128xf32, #tpu.memory_space<hbm>> -> memref<640x128xf32, #tpu.memory_space<hbm>>
        tpu.wait_dma2 semaphore(%run_scoped3A : memref<!tpu.dma_semaphore, #tpu.memory_space<semaphore_mem>>) src(%dma_wait3A_34 : memref<640x128xf32, #tpu.memory_space<hbm>>) dst(%dma_wait3A_32 : memref<640x128xf32, #tpu.memory_space<vmem_shared>>)
        tpu.yield
      }) : () -> ()
      %barrier3A = arith.constant 0 : index
      tpu.barrier barrier_id(%barrier3A)
      %scan3A_11 = arith.constant 0 : i32
      %scan3A_12 = arith.constant 0 : i32
      %scan3A_13 = arith.constant 81 : i32
      %scan3A_14 = arith.addi %scan3A_12, %scan3A_13 : i32
      %scan3A_15 = arith.constant 1 : i32
      scf.for %scan3A_29 = %scan3A_12 to %scan3A_14 step %scan3A_15  : i32 {
        %mul3A_30 = arith.constant 10368 : i32
        %mul3A_31 = arith.muli %add3A, %mul3A_30 : i32
        %mul3A_32 = arith.constant 128 : i32
        %mul3A_33 = arith.muli %scan3A_29, %mul3A_32 : i32
        %add3A_34 = arith.addi %mul3A_31, %mul3A_33 : i32
        "tpu.region"() ({
          %run_scoped3A = tpu.sem_alloc : memref<!tpu.dma_semaphore, #tpu.memory_space<semaphore_mem>>
          %dma_start3A_51 = tpu.memref_slice %arg3[%add3A_34] : memref<331776xi32, #tpu.memory_space<hbm>> -> memref<128xi32, #tpu.memory_space<hbm>>
          %dma_start3A_52 = tpu.memref_slice %arg3[%add3A_34] : memref<331776xi32, #tpu.memory_space<hbm>> -> memref<128xi32, #tpu.memory_space<hbm>>
          tpu.enqueue_dma source(%dma_start3A_52 : memref<128xi32, #tpu.memory_space<hbm>>) target(%arg8 : memref<128xi32, #tpu.memory_space<vmem>>) target_semaphore(%run_scoped3A : memref<!tpu.dma_semaphore, #tpu.memory_space<semaphore_mem>>)
          %dma_wait3A_53 = tpu.memref_slice %arg3[%add3A_34] : memref<331776xi32, #tpu.memory_space<hbm>> -> memref<128xi32, #tpu.memory_space<hbm>>
          %dma_wait3A_54 = tpu.memref_slice %arg3[%add3A_34] : memref<331776xi32, #tpu.memory_space<hbm>> -> memref<128xi32, #tpu.memory_space<hbm>>
          tpu.wait_dma2 semaphore(%run_scoped3A : memref<!tpu.dma_semaphore, #tpu.memory_space<semaphore_mem>>) src(%dma_wait3A_54 : memref<128xi32, #tpu.memory_space<hbm>>) dst(%arg8 : memref<128xi32, #tpu.memory_space<vmem>>)
          tpu.yield
        }) : () -> ()
        "tpu.region"() ({
          %run_scoped3A = tpu.sem_alloc : memref<!tpu.dma_semaphore, #tpu.memory_space<semaphore_mem>>
          %dma_start3A_51 = tpu.memref_slice %arg4[%add3A_34] : memref<331776xi32, #tpu.memory_space<hbm>> -> memref<128xi32, #tpu.memory_space<hbm>>
          %dma_start3A_52 = tpu.memref_slice %arg4[%add3A_34] : memref<331776xi32, #tpu.memory_space<hbm>> -> memref<128xi32, #tpu.memory_space<hbm>>
          tpu.enqueue_dma source(%dma_start3A_52 : memref<128xi32, #tpu.memory_space<hbm>>) target(%arg9 : memref<128xi32, #tpu.memory_space<vmem>>) target_semaphore(%run_scoped3A : memref<!tpu.dma_semaphore, #tpu.memory_space<semaphore_mem>>)
          %dma_wait3A_53 = tpu.memref_slice %arg4[%add3A_34] : memref<331776xi32, #tpu.memory_space<hbm>> -> memref<128xi32, #tpu.memory_space<hbm>>
          %dma_wait3A_54 = tpu.memref_slice %arg4[%add3A_34] : memref<331776xi32, #tpu.memory_space<hbm>> -> memref<128xi32, #tpu.memory_space<hbm>>
          tpu.wait_dma2 semaphore(%run_scoped3A : memref<!tpu.dma_semaphore, #tpu.memory_space<semaphore_mem>>) src(%dma_wait3A_54 : memref<128xi32, #tpu.memory_space<hbm>>) dst(%arg9 : memref<128xi32, #tpu.memory_space<vmem>>)
          tpu.yield
        }) : () -> ()
        "tpu.region"() ({
          %run_scoped3A = tpu.sem_alloc : memref<!tpu.dma_semaphore, #tpu.memory_space<semaphore_mem>>
          %dma_start3A_51 = arith.constant 0 : i32
          %dma_start3A_52 = tpu.memref_slice %arg5[%add3A_34, %dma_start3A_51] : memref<331776x16xf32, #tpu.memory_space<hbm>> -> memref<128x16xf32, #tpu.memory_space<hbm>>
          %dma_start3A_53 = arith.constant 0 : i32
          %dma_start3A_54 = tpu.memref_slice %arg5[%add3A_34, %dma_start3A_53] : memref<331776x16xf32, #tpu.memory_space<hbm>> -> memref<128x16xf32, #tpu.memory_space<hbm>>
          tpu.enqueue_dma source(%dma_start3A_54 : memref<128x16xf32, #tpu.memory_space<hbm>>) target(%arg11 : memref<128x16xf32, #tpu.memory_space<vmem>>) target_semaphore(%run_scoped3A : memref<!tpu.dma_semaphore, #tpu.memory_space<semaphore_mem>>)
          %dma_wait3A_55 = arith.constant 0 : i32
          %dma_wait3A_56 = tpu.memref_slice %arg5[%add3A_34, %dma_wait3A_55] : memref<331776x16xf32, #tpu.memory_space<hbm>> -> memref<128x16xf32, #tpu.memory_space<hbm>>
          %dma_wait3A_57 = arith.constant 0 : i32
          %dma_wait3A_58 = tpu.memref_slice %arg5[%add3A_34, %dma_wait3A_57] : memref<331776x16xf32, #tpu.memory_space<hbm>> -> memref<128x16xf32, #tpu.memory_space<hbm>>
          tpu.wait_dma2 semaphore(%run_scoped3A : memref<!tpu.dma_semaphore, #tpu.memory_space<semaphore_mem>>) src(%dma_wait3A_58 : memref<128x16xf32, #tpu.memory_space<hbm>>) dst(%arg11 : memref<128x16xf32, #tpu.memory_space<vmem>>)
          tpu.yield
        }) : () -> ()
        %scan3A_35 = arith.constant 0 : i32
        %scan3A_36 = arith.constant 0 : i32
        %scan3A_37 = arith.constant 8 : i32
        %scan3A_38 = arith.addi %scan3A_36, %scan3A_37 : i32
        %scan3A_39 = arith.constant 4 : i32
        scf.for %scan3A_51 = %scan3A_36 to %scan3A_38 step %scan3A_39  : i32 {
          %mul3A_52 = arith.constant 16 : i32
          %mul3A_53 = arith.muli %scan3A_51, %mul3A_52 : i32
          %get3A = arith.index_cast %mul3A_53 : i32 to index
          %get3A_54 = tpu.vector_load %arg8[%get3A] {strides = array<i32>} : memref<128xi32, #tpu.memory_space<vmem>>, vector<16xi32>,
          %get3A_55 = vector.shape_cast %get3A_54 : vector<16xi32> to vector<16xi32>
          %mul3A_56 = arith.constant 8 : i32
          %mul3A_57 = vector.broadcast %mul3A_56 : i32 to vector<16xi32>
          %mul3A_58 = arith.muli %get3A_55, %mul3A_57 : vector<16xi32>
          %add3A_59 = vector.broadcast %scan3A_6 : i32 to vector<16xi32>
          %add3A_60 = arith.addi %mul3A_58, %add3A_59 : vector<16xi32>
          %mul3A_61 = arith.constant 16 : i32
          %mul3A_62 = arith.muli %scan3A_51, %mul3A_61 : i32
          %swap3A = arith.index_cast %mul3A_62 : i32 to index
          %swap3A_63 = tpu.vector_load %arg10[%swap3A] {strides = array<i32>} : memref<128xi32, #tpu.memory_space<vmem>>, vector<16xi32>,
          %swap3A_64 = vector.shape_cast %swap3A_63 : vector<16xi32> to vector<16xi32>
          %swap3A_65 = vector.shape_cast %add3A_60 : vector<16xi32> to vector<16xi32>
          tpu.vector_store %arg10[%swap3A], %swap3A_65 {strides = array<i32>} : memref<128xi32, #tpu.memory_space<vmem>>, vector<16xi32>,
          %scan3A_66 = arith.constant 1 : i32
          %scan3A_67 = arith.addi %scan3A_51, %scan3A_66 : i32
          %mul3A_68 = arith.constant 16 : i32
          %mul3A_69 = arith.muli %scan3A_67, %mul3A_68 : i32
          %get3A_70 = arith.index_cast %mul3A_69 : i32 to index
          %get3A_71 = tpu.vector_load %arg8[%get3A_70] {strides = array<i32>} : memref<128xi32, #tpu.memory_space<vmem>>, vector<16xi32>,
          %get3A_72 = vector.shape_cast %get3A_71 : vector<16xi32> to vector<16xi32>
          %mul3A_73 = arith.constant 8 : i32
          %mul3A_74 = vector.broadcast %mul3A_73 : i32 to vector<16xi32>
          %mul3A_75 = arith.muli %get3A_72, %mul3A_74 : vector<16xi32>
          %add3A_76 = vector.broadcast %scan3A_6 : i32 to vector<16xi32>
          %add3A_77 = arith.addi %mul3A_75, %add3A_76 : vector<16xi32>
          %mul3A_78 = arith.constant 16 : i32
          %mul3A_79 = arith.muli %scan3A_67, %mul3A_78 : i32
          %swap3A_80 = arith.index_cast %mul3A_79 : i32 to index
          %swap3A_81 = tpu.vector_load %arg10[%swap3A_80] {strides = array<i32>} : memref<128xi32, #tpu.memory_space<vmem>>, vector<16xi32>,
          %swap3A_82 = vector.shape_cast %swap3A_81 : vector<16xi32> to vector<16xi32>
          %swap3A_83 = vector.shape_cast %add3A_77 : vector<16xi32> to vector<16xi32>
          tpu.vector_store %arg10[%swap3A_80], %swap3A_83 {strides = array<i32>} : memref<128xi32, #tpu.memory_space<vmem>>, vector<16xi32>,
          %scan3A_84 = arith.constant 2 : i32
          %scan3A_85 = arith.addi %scan3A_51, %scan3A_84 : i32
          %mul3A_86 = arith.constant 16 : i32
          %mul3A_87 = arith.muli %scan3A_85, %mul3A_86 : i32
          %get3A_88 = arith.index_cast %mul3A_87 : i32 to index
          %get3A_89 = tpu.vector_load %arg8[%get3A_88] {strides = array<i32>} : memref<128xi32, #tpu.memory_space<vmem>>, vector<16xi32>,
          %get3A_90 = vector.shape_cast %get3A_89 : vector<16xi32> to vector<16xi32>
          %mul3A_91 = arith.constant 8 : i32
          %mul3A_92 = vector.broadcast %mul3A_91 : i32 to vector<16xi32>
          %mul3A_93 = arith.muli %get3A_90, %mul3A_92 : vector<16xi32>
          %add3A_94 = vector.broadcast %scan3A_6 : i32 to vector<16xi32>
          %add3A_95 = arith.addi %mul3A_93, %add3A_94 : vector<16xi32>
          %mul3A_96 = arith.constant 16 : i32
          %mul3A_97 = arith.muli %scan3A_85, %mul3A_96 : i32
          %swap3A_98 = arith.index_cast %mul3A_97 : i32 to index
          %swap3A_99 = tpu.vector_load %arg10[%swap3A_98] {strides = array<i32>} : memref<128xi32, #tpu.memory_space<vmem>>, vector<16xi32>,
          %swap3A_100 = vector.shape_cast %swap3A_99 : vector<16xi32> to vector<16xi32>
          %swap3A_101 = vector.shape_cast %add3A_95 : vector<16xi32> to vector<16xi32>
          tpu.vector_store %arg10[%swap3A_98], %swap3A_101 {strides = array<i32>} : memref<128xi32, #tpu.memory_space<vmem>>, vector<16xi32>,
          %scan3A_102 = arith.constant 3 : i32
          %scan3A_103 = arith.addi %scan3A_51, %scan3A_102 : i32
          %mul3A_104 = arith.constant 16 : i32
          %mul3A_105 = arith.muli %scan3A_103, %mul3A_104 : i32
          %get3A_106 = arith.index_cast %mul3A_105 : i32 to index
          %get3A_107 = tpu.vector_load %arg8[%get3A_106] {strides = array<i32>} : memref<128xi32, #tpu.memory_space<vmem>>, vector<16xi32>,
          %get3A_108 = vector.shape_cast %get3A_107 : vector<16xi32> to vector<16xi32>
          %mul3A_109 = arith.constant 8 : i32
          %mul3A_110 = vector.broadcast %mul3A_109 : i32 to vector<16xi32>
          %mul3A_111 = arith.muli %get3A_108, %mul3A_110 : vector<16xi32>
          %add3A_112 = vector.broadcast %scan3A_6 : i32 to vector<16xi32>
          %add3A_113 = arith.addi %mul3A_111, %add3A_112 : vector<16xi32>
          %mul3A_114 = arith.constant 16 : i32
          %mul3A_115 = arith.muli %scan3A_103, %mul3A_114 : i32
          %swap3A_116 = arith.index_cast %mul3A_115 : i32 to index
          %swap3A_117 = tpu.vector_load %arg10[%swap3A_116] {strides = array<i32>} : memref<128xi32, #tpu.memory_space<vmem>>, vector<16xi32>,
          %swap3A_118 = vector.shape_cast %swap3A_117 : vector<16xi32> to vector<16xi32>
          %swap3A_119 = vector.shape_cast %add3A_113 : vector<16xi32> to vector<16xi32>
          tpu.vector_store %arg10[%swap3A_116], %swap3A_119 {strides = array<i32>} : memref<128xi32, #tpu.memory_space<vmem>>, vector<16xi32>,
        }
        %scan3A_40 = arith.constant 8 : i32
        %dma_start3A = arith.constant 0 : i32
        %dma_start3A_41 = arith.constant 0 : i32
        %dma_start3A_42 = tpu.memref_slice %arg2[%dma_start3A, %dma_start3A_41] : memref<80000x128xf32, #tpu.memory_space<hbm>> -> memref<80000x128xf32, #tpu.memory_space<hbm>>
        tpu.enqueue_indirect_dma source(%dma_start3A_42 : memref<80000x128xf32, #tpu.memory_space<hbm>>) target(%arg12 : memref<128x128xf32, #tpu.memory_space<vmem>>) offsets(%arg10 : memref<128xi32, #tpu.memory_space<vmem>>) semaphore(%arg14 : memref<!tpu.dma_semaphore, #tpu.memory_space<semaphore_mem>>)
        %dma_wait3A = arith.constant 0 : i32
        %dma_wait3A_43 = arith.constant 0 : i32
        %dma_wait3A_44 = tpu.memref_slice %arg2[%dma_wait3A, %dma_wait3A_43] : memref<80000x128xf32, #tpu.memory_space<hbm>> -> memref<80000x128xf32, #tpu.memory_space<hbm>>
        tpu.wait_indirect_dma semaphore(%arg14 : memref<!tpu.dma_semaphore, #tpu.memory_space<semaphore_mem>>) src(%dma_wait3A_44 : memref<80000x128xf32, #tpu.memory_space<hbm>>) dst(%arg12 : memref<128x128xf32, #tpu.memory_space<vmem>>)
        %broadcast_in_dim3A = vector.broadcast %scan3A_6 : i32 to vector<16x1xi32>
        %scan3A_45 = arith.constant 0 : i32
        %scan3A_46 = arith.constant 0 : i32
        %scan3A_47 = arith.constant 128 : i32
        %scan3A_48 = arith.addi %scan3A_46, %scan3A_47 : i32
        %scan3A_49 = arith.constant 1 : i32
        scf.for %scan3A_51 = %scan3A_46 to %scan3A_48 step %scan3A_49  : i32 {
          %get3A = arith.index_cast %scan3A_51 : i32 to index
          %get3A_52 = arith.constant 0 : index
          %get3A_53 = tpu.vector_load %arg11[%get3A, %get3A_52] {strides = array<i32>} : memref<128x16xf32, #tpu.memory_space<vmem>>, vector<1x16xf32>,
          %get3A_54 = vector.shape_cast %get3A_53 : vector<1x16xf32> to vector<16xf32>
          %gather3A = vector.shape_cast %broadcast_in_dim3A : vector<16x1xi32> to vector<16xi32>
          %gather3A_55 = tpu.dynamic_gather %get3A_54[%gather3A] in [0] : vector<16xf32>, vector<16xi32> -> vector<16xf32>
          %scan3A_56 = arith.constant 0 : i32
          %scan3A_57 = arith.constant 0 : i32
          %mul3A_58 = arith.constant 16 : i32
          %mul3A_59 = arith.muli %scan3A_57, %mul3A_58 : i32
          %get3A_60 = arith.index_cast %scan3A_51 : i32 to index
          %get3A_61 = arith.index_cast %mul3A_59 : i32 to index
          %get3A_62 = tpu.vector_load %arg12[%get3A_60, %get3A_61] {strides = array<i32>} : memref<128x128xf32, #tpu.memory_space<vmem>>, vector<1x16xf32>,
          %get3A_63 = vector.shape_cast %get3A_62 : vector<1x16xf32> to vector<16xf32>
          %mul3A_64 = arith.mulf %get3A_63, %gather3A_55 : vector<16xf32>
          %swap3A = arith.index_cast %scan3A_51 : i32 to index
          %swap3A_65 = arith.index_cast %mul3A_59 : i32 to index
          %swap3A_66 = tpu.vector_load %arg12[%swap3A, %swap3A_65] {strides = array<i32>} : memref<128x128xf32, #tpu.memory_space<vmem>>, vector<1x16xf32>,
          %swap3A_67 = vector.shape_cast %swap3A_66 : vector<1x16xf32> to vector<16xf32>
          %swap3A_68 = vector.shape_cast %mul3A_64 : vector<16xf32> to vector<1x16xf32>
          tpu.vector_store %arg12[%swap3A, %swap3A_65], %swap3A_68 {strides = array<i32>} : memref<128x128xf32, #tpu.memory_space<vmem>>, vector<1x16xf32>,
          %scan3A_69 = arith.constant 1 : i32
          %mul3A_70 = arith.constant 16 : i32
          %mul3A_71 = arith.muli %scan3A_69, %mul3A_70 : i32
          %get3A_72 = arith.index_cast %scan3A_51 : i32 to index
          %get3A_73 = arith.index_cast %mul3A_71 : i32 to index
          %get3A_74 = tpu.vector_load %arg12[%get3A_72, %get3A_73] {strides = array<i32>} : memref<128x128xf32, #tpu.memory_space<vmem>>, vector<1x16xf32>,
          %get3A_75 = vector.shape_cast %get3A_74 : vector<1x16xf32> to vector<16xf32>
          %mul3A_76 = arith.mulf %get3A_75, %gather3A_55 : vector<16xf32>
          %swap3A_77 = arith.index_cast %scan3A_51 : i32 to index
          %swap3A_78 = arith.index_cast %mul3A_71 : i32 to index
          %swap3A_79 = tpu.vector_load %arg12[%swap3A_77, %swap3A_78] {strides = array<i32>} : memref<128x128xf32, #tpu.memory_space<vmem>>, vector<1x16xf32>,
          %swap3A_80 = vector.shape_cast %swap3A_79 : vector<1x16xf32> to vector<16xf32>
          %swap3A_81 = vector.shape_cast %mul3A_76 : vector<16xf32> to vector<1x16xf32>
          tpu.vector_store %arg12[%swap3A_77, %swap3A_78], %swap3A_81 {strides = array<i32>} : memref<128x128xf32, #tpu.memory_space<vmem>>, vector<1x16xf32>,
          %scan3A_82 = arith.constant 2 : i32
          %mul3A_83 = arith.constant 16 : i32
          %mul3A_84 = arith.muli %scan3A_82, %mul3A_83 : i32
          %get3A_85 = arith.index_cast %scan3A_51 : i32 to index
          %get3A_86 = arith.index_cast %mul3A_84 : i32 to index
          %get3A_87 = tpu.vector_load %arg12[%get3A_85, %get3A_86] {strides = array<i32>} : memref<128x128xf32, #tpu.memory_space<vmem>>, vector<1x16xf32>,
          %get3A_88 = vector.shape_cast %get3A_87 : vector<1x16xf32> to vector<16xf32>
          %mul3A_89 = arith.mulf %get3A_88, %gather3A_55 : vector<16xf32>
          %swap3A_90 = arith.index_cast %scan3A_51 : i32 to index
          %swap3A_91 = arith.index_cast %mul3A_84 : i32 to index
          %swap3A_92 = tpu.vector_load %arg12[%swap3A_90, %swap3A_91] {strides = array<i32>} : memref<128x128xf32, #tpu.memory_space<vmem>>, vector<1x16xf32>,
          %swap3A_93 = vector.shape_cast %swap3A_92 : vector<1x16xf32> to vector<16xf32>
          %swap3A_94 = vector.shape_cast %mul3A_89 : vector<16xf32> to vector<1x16xf32>
          tpu.vector_store %arg12[%swap3A_90, %swap3A_91], %swap3A_94 {strides = array<i32>} : memref<128x128xf32, #tpu.memory_space<vmem>>, vector<1x16xf32>,
          %scan3A_95 = arith.constant 3 : i32
          %mul3A_96 = arith.constant 16 : i32
          %mul3A_97 = arith.muli %scan3A_95, %mul3A_96 : i32
          %get3A_98 = arith.index_cast %scan3A_51 : i32 to index
          %get3A_99 = arith.index_cast %mul3A_97 : i32 to index
          %get3A_100 = tpu.vector_load %arg12[%get3A_98, %get3A_99] {strides = array<i32>} : memref<128x128xf32, #tpu.memory_space<vmem>>, vector<1x16xf32>,
          %get3A_101 = vector.shape_cast %get3A_100 : vector<1x16xf32> to vector<16xf32>
          %mul3A_102 = arith.mulf %get3A_101, %gather3A_55 : vector<16xf32>
          %swap3A_103 = arith.index_cast %scan3A_51 : i32 to index
          %swap3A_104 = arith.index_cast %mul3A_97 : i32 to index
          %swap3A_105 = tpu.vector_load %arg12[%swap3A_103, %swap3A_104] {strides = array<i32>} : memref<128x128xf32, #tpu.memory_space<vmem>>, vector<1x16xf32>,
          %swap3A_106 = vector.shape_cast %swap3A_105 : vector<1x16xf32> to vector<16xf32>
          %swap3A_107 = vector.shape_cast %mul3A_102 : vector<16xf32> to vector<1x16xf32>
          tpu.vector_store %arg12[%swap3A_103, %swap3A_104], %swap3A_107 {strides = array<i32>} : memref<128x128xf32, #tpu.memory_space<vmem>>, vector<1x16xf32>,
          %scan3A_108 = arith.constant 4 : i32
          %mul3A_109 = arith.constant 16 : i32
          %mul3A_110 = arith.muli %scan3A_108, %mul3A_109 : i32
          %get3A_111 = arith.index_cast %scan3A_51 : i32 to index
          %get3A_112 = arith.index_cast %mul3A_110 : i32 to index
          %get3A_113 = tpu.vector_load %arg12[%get3A_111, %get3A_112] {strides = array<i32>} : memref<128x128xf32, #tpu.memory_space<vmem>>, vector<1x16xf32>,
          %get3A_114 = vector.shape_cast %get3A_113 : vector<1x16xf32> to vector<16xf32>
          %mul3A_115 = arith.mulf %get3A_114, %gather3A_55 : vector<16xf32>
          %swap3A_116 = arith.index_cast %scan3A_51 : i32 to index
          %swap3A_117 = arith.index_cast %mul3A_110 : i32 to index
          %swap3A_118 = tpu.vector_load %arg12[%swap3A_116, %swap3A_117] {strides = array<i32>} : memref<128x128xf32, #tpu.memory_space<vmem>>, vector<1x16xf32>,
          %swap3A_119 = vector.shape_cast %swap3A_118 : vector<1x16xf32> to vector<16xf32>
          %swap3A_120 = vector.shape_cast %mul3A_115 : vector<16xf32> to vector<1x16xf32>
          tpu.vector_store %arg12[%swap3A_116, %swap3A_117], %swap3A_120 {strides = array<i32>} : memref<128x128xf32, #tpu.memory_space<vmem>>, vector<1x16xf32>,
          %scan3A_121 = arith.constant 5 : i32
          %mul3A_122 = arith.constant 16 : i32
          %mul3A_123 = arith.muli %scan3A_121, %mul3A_122 : i32
          %get3A_124 = arith.index_cast %scan3A_51 : i32 to index
          %get3A_125 = arith.index_cast %mul3A_123 : i32 to index
          %get3A_126 = tpu.vector_load %arg12[%get3A_124, %get3A_125] {strides = array<i32>} : memref<128x128xf32, #tpu.memory_space<vmem>>, vector<1x16xf32>,
          %get3A_127 = vector.shape_cast %get3A_126 : vector<1x16xf32> to vector<16xf32>
          %mul3A_128 = arith.mulf %get3A_127, %gather3A_55 : vector<16xf32>
          %swap3A_129 = arith.index_cast %scan3A_51 : i32 to index
          %swap3A_130 = arith.index_cast %mul3A_123 : i32 to index
          %swap3A_131 = tpu.vector_load %arg12[%swap3A_129, %swap3A_130] {strides = array<i32>} : memref<128x128xf32, #tpu.memory_space<vmem>>, vector<1x16xf32>,
          %swap3A_132 = vector.shape_cast %swap3A_131 : vector<1x16xf32> to vector<16xf32>
          %swap3A_133 = vector.shape_cast %mul3A_128 : vector<16xf32> to vector<1x16xf32>
          tpu.vector_store %arg12[%swap3A_129, %swap3A_130], %swap3A_133 {strides = array<i32>} : memref<128x128xf32, #tpu.memory_space<vmem>>, vector<1x16xf32>,
          %scan3A_134 = arith.constant 6 : i32
          %mul3A_135 = arith.constant 16 : i32
          %mul3A_136 = arith.muli %scan3A_134, %mul3A_135 : i32
          %get3A_137 = arith.index_cast %scan3A_51 : i32 to index
          %get3A_138 = arith.index_cast %mul3A_136 : i32 to index
          %get3A_139 = tpu.vector_load %arg12[%get3A_137, %get3A_138] {strides = array<i32>} : memref<128x128xf32, #tpu.memory_space<vmem>>, vector<1x16xf32>,
          %get3A_140 = vector.shape_cast %get3A_139 : vector<1x16xf32> to vector<16xf32>
          %mul3A_141 = arith.mulf %get3A_140, %gather3A_55 : vector<16xf32>
          %swap3A_142 = arith.index_cast %scan3A_51 : i32 to index
          %swap3A_143 = arith.index_cast %mul3A_136 : i32 to index
          %swap3A_144 = tpu.vector_load %arg12[%swap3A_142, %swap3A_143] {strides = array<i32>} : memref<128x128xf32, #tpu.memory_space<vmem>>, vector<1x16xf32>,
          %swap3A_145 = vector.shape_cast %swap3A_144 : vector<1x16xf32> to vector<16xf32>
          %swap3A_146 = vector.shape_cast %mul3A_141 : vector<16xf32> to vector<1x16xf32>
          tpu.vector_store %arg12[%swap3A_142, %swap3A_143], %swap3A_146 {strides = array<i32>} : memref<128x128xf32, #tpu.memory_space<vmem>>, vector<1x16xf32>,
          %scan3A_147 = arith.constant 7 : i32
          %mul3A_148 = arith.constant 16 : i32
          %mul3A_149 = arith.muli %scan3A_147, %mul3A_148 : i32
          %get3A_150 = arith.index_cast %scan3A_51 : i32 to index
          %get3A_151 = arith.index_cast %mul3A_149 : i32 to index
          %get3A_152 = tpu.vector_load %arg12[%get3A_150, %get3A_151] {strides = array<i32>} : memref<128x128xf32, #tpu.memory_space<vmem>>, vector<1x16xf32>,
          %get3A_153 = vector.shape_cast %get3A_152 : vector<1x16xf32> to vector<16xf32>
          %mul3A_154 = arith.mulf %get3A_153, %gather3A_55 : vector<16xf32>
          %swap3A_155 = arith.index_cast %scan3A_51 : i32 to index
          %swap3A_156 = arith.index_cast %mul3A_149 : i32 to index
          %swap3A_157 = tpu.vector_load %arg12[%swap3A_155, %swap3A_156] {strides = array<i32>} : memref<128x128xf32, #tpu.memory_space<vmem>>, vector<1x16xf32>,
          %swap3A_158 = vector.shape_cast %swap3A_157 : vector<1x16xf32> to vector<16xf32>
          %swap3A_159 = vector.shape_cast %mul3A_154 : vector<16xf32> to vector<1x16xf32>
          tpu.vector_store %arg12[%swap3A_155, %swap3A_156], %swap3A_159 {strides = array<i32>} : memref<128x128xf32, #tpu.memory_space<vmem>>, vector<1x16xf32>,
          %scan3A_160 = arith.constant 8 : i32
        }
        %scan3A_50 = arith.constant 128 : i32
        "tpu.region"() ({
          %run_scoped3A = tpu.sem_alloc : memref<!tpu.dma_semaphore, #tpu.memory_space<semaphore_mem>>
          %dma_start3A_51 = arith.constant 0 : i32
          %dma_start3A_52 = arith.constant 0 : i32
          %dma_start3A_53 = tpu.memref_slice %arg13[%dma_start3A_51, %dma_start3A_52] : memref<10240x128xf32, #tpu.memory_space<vmem_shared>> -> memref<10240x128xf32, #tpu.memory_space<vmem_shared>>
          tpu.enqueue_indirect_dma source(%arg12 : memref<128x128xf32, #tpu.memory_space<vmem>>) target(%dma_start3A_53 : memref<10240x128xf32, #tpu.memory_space<vmem_shared>>) offsets(%arg9 : memref<128xi32, #tpu.memory_space<vmem>>) semaphore(%run_scoped3A : memref<!tpu.dma_semaphore, #tpu.memory_space<semaphore_mem>>) {add = true}
          %dma_wait3A_54 = arith.constant 0 : i32
          %dma_wait3A_55 = arith.constant 0 : i32
          %dma_wait3A_56 = tpu.memref_slice %arg13[%dma_wait3A_54, %dma_wait3A_55] : memref<10240x128xf32, #tpu.memory_space<vmem_shared>> -> memref<10240x128xf32, #tpu.memory_space<vmem_shared>>
          tpu.wait_indirect_dma semaphore(%run_scoped3A : memref<!tpu.dma_semaphore, #tpu.memory_space<semaphore_mem>>) src(%arg12 : memref<128x128xf32, #tpu.memory_space<vmem>>) dst(%dma_wait3A_56 : memref<10240x128xf32, #tpu.memory_space<vmem_shared>>)
          tpu.yield
        }) : () -> ()
      }
      %scan3A_16 = arith.constant 81 : i32
      %barrier3A_17 = arith.constant 0 : index
      tpu.barrier barrier_id(%barrier3A_17)
      %mul3A_18 = arith.constant 640 : i32
      %mul3A_19 = arith.muli %arg1, %mul3A_18 : i32
      %mul3A_20 = arith.constant 8 : i32
      %mul3A_21 = arith.muli %arg0, %mul3A_20 : i32
      %add3A_22 = arith.addi %mul3A_21, %scan3A_6 : i32
      %mul3A_23 = arith.constant 10240 : i32
      %mul3A_24 = arith.muli %add3A_22, %mul3A_23 : i32
      %mul3A_25 = arith.constant 640 : i32
      %mul3A_26 = arith.muli %arg1, %mul3A_25 : i32
      %add3A_27 = arith.addi %mul3A_24, %mul3A_26 : i32
      "tpu.region"() ({
        %run_scoped3A = tpu.sem_alloc : memref<!tpu.dma_semaphore, #tpu.memory_space<semaphore_mem>>
        %dma_start3A = arith.constant 0 : i32
        %dma_start3A_29 = tpu.memref_slice %arg7[%add3A_27, %dma_start3A] : memref<163840x128xf32, #tpu.memory_space<hbm>> -> memref<640x128xf32, #tpu.memory_space<hbm>>
        %dma_start3A_30 = arith.constant 0 : i32
        %dma_start3A_31 = tpu.memref_slice %arg13[%mul3A_19, %dma_start3A_30] : memref<10240x128xf32, #tpu.memory_space<vmem_shared>> -> memref<640x128xf32, #tpu.memory_space<vmem_shared>>
        tpu.enqueue_dma source(%dma_start3A_31 : memref<640x128xf32, #tpu.memory_space<vmem_shared>>) target(%dma_start3A_29 : memref<640x128xf32, #tpu.memory_space<hbm>>) target_semaphore(%run_scoped3A : memref<!tpu.dma_semaphore, #tpu.memory_space<semaphore_mem>>)
        %dma_wait3A = arith.constant 0 : i32
        %dma_wait3A_32 = tpu.memref_slice %arg7[%add3A_27, %dma_wait3A] : memref<163840x128xf32, #tpu.memory_space<hbm>> -> memref<640x128xf32, #tpu.memory_space<hbm>>
        %dma_wait3A_33 = arith.constant 0 : i32
        %dma_wait3A_34 = tpu.memref_slice %arg13[%mul3A_19, %dma_wait3A_33] : memref<10240x128xf32, #tpu.memory_space<vmem_shared>> -> memref<640x128xf32, #tpu.memory_space<vmem_shared>>
        tpu.wait_dma2 semaphore(%run_scoped3A : memref<!tpu.dma_semaphore, #tpu.memory_space<semaphore_mem>>) src(%dma_wait3A_34 : memref<640x128xf32, #tpu.memory_space<vmem_shared>>) dst(%dma_wait3A_32 : memref<640x128xf32, #tpu.memory_space<hbm>>)
        tpu.yield
      }) : () -> ()
      %barrier3A_28 = arith.constant 0 : index
      tpu.barrier barrier_id(%barrier3A_28)
    }
    %scan3A_5 = arith.constant 8 : i32
    return
  }
}

#map = affine_map<(d0, d1) -> (0, 0)>
#map1 = affine_map<(d0, d1) -> (0)>
module attributes {stable_mosaic.version = 14 : i64} {
  func.func @k1(%arg0: i32, %arg1: i32, %arg2: memref<10000x16xf32, #tpu.memory_space<hbm>>, %arg3: memref<10000x16xf32, #tpu.memory_space<hbm>>, %arg4: memref<331776x16xf32, #tpu.memory_space<hbm>>, %arg5: memref<331776xi32, #tpu.memory_space<hbm>>, %arg6: memref<331776xi32, #tpu.memory_space<hbm>>, %arg7: memref<10240x16xf32, #tpu.memory_space<hbm>>, %arg8: memref<331776x16xf32, #tpu.memory_space<hbm>>, %arg9: memref<20480x16xf32, #tpu.memory_space<hbm>>, %arg10: memref<128xi32, #tpu.memory_space<vmem>>, %arg11: memref<128xi32, #tpu.memory_space<vmem>>, %arg12: memref<128x16xf32, #tpu.memory_space<vmem>>, %arg13: memref<128x16xf32, #tpu.memory_space<vmem>>, %arg14: memref<128x16xf32, #tpu.memory_space<vmem>>, %arg15: memref<128x16xf32, #tpu.memory_space<vmem>>, %arg16: memref<10240x16xf32, #tpu.memory_space<vmem_shared>>, %arg17: memref<!tpu.dma_semaphore, #tpu.memory_space<semaphore_mem>>, %arg18: memref<!tpu.dma_semaphore, #tpu.memory_space<semaphore_mem>>) attributes {dimension_semantics = [#tpu.dimension_semantics<core_parallel>, #tpu.dimension_semantics<subcore_parallel>], iteration_bounds = array<i64: 2, 16>, scalar_prefetch = 0 : i64, scratch_operands = 9 : i64, tpu.core_type = #tpu.core_type<sc_vector_subcore>, window_params = [{transform_indices = #map}, {transform_indices = #map}, {transform_indices = #map}, {transform_indices = #map1}, {transform_indices = #map1}, {transform_indices = #map}, {transform_indices = #map}, {transform_indices = #map}]} {
    %mul3A = arith.constant 16 : i32
    %mul3A_0 = arith.muli %arg0, %mul3A : i32
    %add3A = arith.addi %mul3A_0, %arg1 : i32
    %mul3A_1 = arith.constant 640 : i32
    %mul3A_2 = arith.muli %arg1, %mul3A_1 : i32
    %mul3A_3 = arith.constant 640 : i32
    %mul3A_4 = arith.muli %arg1, %mul3A_3 : i32
    "tpu.region"() ({
      %run_scoped3A = tpu.sem_alloc : memref<!tpu.dma_semaphore, #tpu.memory_space<semaphore_mem>>
      %dma_start3A = arith.constant 0 : i32
      %dma_start3A_18 = tpu.memref_slice %arg16[%mul3A_4, %dma_start3A] : memref<10240x16xf32, #tpu.memory_space<vmem_shared>> -> memref<640x16xf32, #tpu.memory_space<vmem_shared>>
      %dma_start3A_19 = arith.constant 0 : i32
      %dma_start3A_20 = tpu.memref_slice %arg7[%mul3A_2, %dma_start3A_19] : memref<10240x16xf32, #tpu.memory_space<hbm>> -> memref<640x16xf32, #tpu.memory_space<hbm>>
      tpu.enqueue_dma source(%dma_start3A_20 : memref<640x16xf32, #tpu.memory_space<hbm>>) target(%dma_start3A_18 : memref<640x16xf32, #tpu.memory_space<vmem_shared>>) target_semaphore(%run_scoped3A : memref<!tpu.dma_semaphore, #tpu.memory_space<semaphore_mem>>)
      %dma_wait3A = arith.constant 0 : i32
      %dma_wait3A_21 = tpu.memref_slice %arg16[%mul3A_4, %dma_wait3A] : memref<10240x16xf32, #tpu.memory_space<vmem_shared>> -> memref<640x16xf32, #tpu.memory_space<vmem_shared>>
      %dma_wait3A_22 = arith.constant 0 : i32
      %dma_wait3A_23 = tpu.memref_slice %arg7[%mul3A_2, %dma_wait3A_22] : memref<10240x16xf32, #tpu.memory_space<hbm>> -> memref<640x16xf32, #tpu.memory_space<hbm>>
      tpu.wait_dma2 semaphore(%run_scoped3A : memref<!tpu.dma_semaphore, #tpu.memory_space<semaphore_mem>>) src(%dma_wait3A_23 : memref<640x16xf32, #tpu.memory_space<hbm>>) dst(%dma_wait3A_21 : memref<640x16xf32, #tpu.memory_space<vmem_shared>>)
      tpu.yield
    }) : () -> ()
    %barrier3A = arith.constant 0 : index
    tpu.barrier barrier_id(%barrier3A)
    %scan3A = arith.constant 0 : i32
    %scan3A_5 = arith.constant 0 : i32
    %scan3A_6 = arith.constant 81 : i32
    %scan3A_7 = arith.addi %scan3A_5, %scan3A_6 : i32
    %scan3A_8 = arith.constant 1 : i32
    scf.for %scan3A_18 = %scan3A_5 to %scan3A_7 step %scan3A_8  : i32 {
      %mul3A_19 = arith.constant 10368 : i32
      %mul3A_20 = arith.muli %add3A, %mul3A_19 : i32
      %mul3A_21 = arith.constant 128 : i32
      %mul3A_22 = arith.muli %scan3A_18, %mul3A_21 : i32
      %add3A_23 = arith.addi %mul3A_20, %mul3A_22 : i32
      "tpu.region"() ({
        %run_scoped3A = tpu.sem_alloc : memref<!tpu.dma_semaphore, #tpu.memory_space<semaphore_mem>>
        %dma_start3A_40 = tpu.memref_slice %arg5[%add3A_23] : memref<331776xi32, #tpu.memory_space<hbm>> -> memref<128xi32, #tpu.memory_space<hbm>>
        %dma_start3A_41 = tpu.memref_slice %arg5[%add3A_23] : memref<331776xi32, #tpu.memory_space<hbm>> -> memref<128xi32, #tpu.memory_space<hbm>>
        tpu.enqueue_dma source(%dma_start3A_41 : memref<128xi32, #tpu.memory_space<hbm>>) target(%arg10 : memref<128xi32, #tpu.memory_space<vmem>>) target_semaphore(%run_scoped3A : memref<!tpu.dma_semaphore, #tpu.memory_space<semaphore_mem>>)
        %dma_wait3A_42 = tpu.memref_slice %arg5[%add3A_23] : memref<331776xi32, #tpu.memory_space<hbm>> -> memref<128xi32, #tpu.memory_space<hbm>>
        %dma_wait3A_43 = tpu.memref_slice %arg5[%add3A_23] : memref<331776xi32, #tpu.memory_space<hbm>> -> memref<128xi32, #tpu.memory_space<hbm>>
        tpu.wait_dma2 semaphore(%run_scoped3A : memref<!tpu.dma_semaphore, #tpu.memory_space<semaphore_mem>>) src(%dma_wait3A_43 : memref<128xi32, #tpu.memory_space<hbm>>) dst(%arg10 : memref<128xi32, #tpu.memory_space<vmem>>)
        tpu.yield
      }) : () -> ()
      "tpu.region"() ({
        %run_scoped3A = tpu.sem_alloc : memref<!tpu.dma_semaphore, #tpu.memory_space<semaphore_mem>>
        %dma_start3A_40 = tpu.memref_slice %arg6[%add3A_23] : memref<331776xi32, #tpu.memory_space<hbm>> -> memref<128xi32, #tpu.memory_space<hbm>>
        %dma_start3A_41 = tpu.memref_slice %arg6[%add3A_23] : memref<331776xi32, #tpu.memory_space<hbm>> -> memref<128xi32, #tpu.memory_space<hbm>>
        tpu.enqueue_dma source(%dma_start3A_41 : memref<128xi32, #tpu.memory_space<hbm>>) target(%arg11 : memref<128xi32, #tpu.memory_space<vmem>>) target_semaphore(%run_scoped3A : memref<!tpu.dma_semaphore, #tpu.memory_space<semaphore_mem>>)
        %dma_wait3A_42 = tpu.memref_slice %arg6[%add3A_23] : memref<331776xi32, #tpu.memory_space<hbm>> -> memref<128xi32, #tpu.memory_space<hbm>>
        %dma_wait3A_43 = tpu.memref_slice %arg6[%add3A_23] : memref<331776xi32, #tpu.memory_space<hbm>> -> memref<128xi32, #tpu.memory_space<hbm>>
        tpu.wait_dma2 semaphore(%run_scoped3A : memref<!tpu.dma_semaphore, #tpu.memory_space<semaphore_mem>>) src(%dma_wait3A_43 : memref<128xi32, #tpu.memory_space<hbm>>) dst(%arg11 : memref<128xi32, #tpu.memory_space<vmem>>)
        tpu.yield
      }) : () -> ()
      %dma_start3A = arith.constant 0 : i32
      %dma_start3A_24 = arith.constant 0 : i32
      %dma_start3A_25 = tpu.memref_slice %arg2[%dma_start3A, %dma_start3A_24] : memref<10000x16xf32, #tpu.memory_space<hbm>> -> memref<10000x16xf32, #tpu.memory_space<hbm>>
      tpu.enqueue_indirect_dma source(%dma_start3A_25 : memref<10000x16xf32, #tpu.memory_space<hbm>>) target(%arg12 : memref<128x16xf32, #tpu.memory_space<vmem>>) offsets(%arg10 : memref<128xi32, #tpu.memory_space<vmem>>) semaphore(%arg17 : memref<!tpu.dma_semaphore, #tpu.memory_space<semaphore_mem>>)
      %dma_start3A_26 = arith.constant 0 : i32
      %dma_start3A_27 = arith.constant 0 : i32
      %dma_start3A_28 = tpu.memref_slice %arg3[%dma_start3A_26, %dma_start3A_27] : memref<10000x16xf32, #tpu.memory_space<hbm>> -> memref<10000x16xf32, #tpu.memory_space<hbm>>
      tpu.enqueue_indirect_dma source(%dma_start3A_28 : memref<10000x16xf32, #tpu.memory_space<hbm>>) target(%arg13 : memref<128x16xf32, #tpu.memory_space<vmem>>) offsets(%arg11 : memref<128xi32, #tpu.memory_space<vmem>>) semaphore(%arg18 : memref<!tpu.dma_semaphore, #tpu.memory_space<semaphore_mem>>)
      "tpu.region"() ({
        %run_scoped3A = tpu.sem_alloc : memref<!tpu.dma_semaphore, #tpu.memory_space<semaphore_mem>>
        %dma_start3A_40 = arith.constant 0 : i32
        %dma_start3A_41 = tpu.memref_slice %arg4[%add3A_23, %dma_start3A_40] : memref<331776x16xf32, #tpu.memory_space<hbm>> -> memref<128x16xf32, #tpu.memory_space<hbm>>
        %dma_start3A_42 = arith.constant 0 : i32
        %dma_start3A_43 = tpu.memref_slice %arg4[%add3A_23, %dma_start3A_42] : memref<331776x16xf32, #tpu.memory_space<hbm>> -> memref<128x16xf32, #tpu.memory_space<hbm>>
        tpu.enqueue_dma source(%dma_start3A_43 : memref<128x16xf32, #tpu.memory_space<hbm>>) target(%arg14 : memref<128x16xf32, #tpu.memory_space<vmem>>) target_semaphore(%run_scoped3A : memref<!tpu.dma_semaphore, #tpu.memory_space<semaphore_mem>>)
        %dma_wait3A_44 = arith.constant 0 : i32
        %dma_wait3A_45 = tpu.memref_slice %arg4[%add3A_23, %dma_wait3A_44] : memref<331776x16xf32, #tpu.memory_space<hbm>> -> memref<128x16xf32, #tpu.memory_space<hbm>>
        %dma_wait3A_46 = arith.constant 0 : i32
        %dma_wait3A_47 = tpu.memref_slice %arg4[%add3A_23, %dma_wait3A_46] : memref<331776x16xf32, #tpu.memory_space<hbm>> -> memref<128x16xf32, #tpu.memory_space<hbm>>
        tpu.wait_dma2 semaphore(%run_scoped3A : memref<!tpu.dma_semaphore, #tpu.memory_space<semaphore_mem>>) src(%dma_wait3A_47 : memref<128x16xf32, #tpu.memory_space<hbm>>) dst(%arg14 : memref<128x16xf32, #tpu.memory_space<vmem>>)
        tpu.yield
      }) : () -> ()
      %dma_wait3A = arith.constant 0 : i32
      %dma_wait3A_29 = arith.constant 0 : i32
      %dma_wait3A_30 = tpu.memref_slice %arg2[%dma_wait3A, %dma_wait3A_29] : memref<10000x16xf32, #tpu.memory_space<hbm>> -> memref<10000x16xf32, #tpu.memory_space<hbm>>
      tpu.wait_indirect_dma semaphore(%arg17 : memref<!tpu.dma_semaphore, #tpu.memory_space<semaphore_mem>>) src(%dma_wait3A_30 : memref<10000x16xf32, #tpu.memory_space<hbm>>) dst(%arg12 : memref<128x16xf32, #tpu.memory_space<vmem>>)
      %dma_wait3A_31 = arith.constant 0 : i32
      %dma_wait3A_32 = arith.constant 0 : i32
      %dma_wait3A_33 = tpu.memref_slice %arg3[%dma_wait3A_31, %dma_wait3A_32] : memref<10000x16xf32, #tpu.memory_space<hbm>> -> memref<10000x16xf32, #tpu.memory_space<hbm>>
      tpu.wait_indirect_dma semaphore(%arg18 : memref<!tpu.dma_semaphore, #tpu.memory_space<semaphore_mem>>) src(%dma_wait3A_33 : memref<10000x16xf32, #tpu.memory_space<hbm>>) dst(%arg13 : memref<128x16xf32, #tpu.memory_space<vmem>>)
      %scan3A_34 = arith.constant 0 : i32
      %scan3A_35 = arith.constant 0 : i32
      %scan3A_36 = arith.constant 128 : i32
      %scan3A_37 = arith.addi %scan3A_35, %scan3A_36 : i32
      %scan3A_38 = arith.constant 4 : i32
      scf.for %scan3A_40 = %scan3A_35 to %scan3A_37 step %scan3A_38  : i32 {
        %get3A = arith.index_cast %scan3A_40 : i32 to index
        %get3A_41 = arith.constant 0 : index
        %get3A_42 = tpu.vector_load %arg12[%get3A, %get3A_41] {strides = array<i32>} : memref<128x16xf32, #tpu.memory_space<vmem>>, vector<1x16xf32>,
        %get3A_43 = vector.shape_cast %get3A_42 : vector<1x16xf32> to vector<16xf32>
        %get3A_44 = arith.index_cast %scan3A_40 : i32 to index
        %get3A_45 = arith.constant 0 : index
        %get3A_46 = tpu.vector_load %arg13[%get3A_44, %get3A_45] {strides = array<i32>} : memref<128x16xf32, #tpu.memory_space<vmem>>, vector<1x16xf32>,
        %get3A_47 = vector.shape_cast %get3A_46 : vector<1x16xf32> to vector<16xf32>
        %add3A_48 = arith.addf %get3A_43, %get3A_47 : vector<16xf32>
        %get3A_49 = arith.index_cast %scan3A_40 : i32 to index
        %get3A_50 = arith.constant 0 : index
        %get3A_51 = tpu.vector_load %arg14[%get3A_49, %get3A_50] {strides = array<i32>} : memref<128x16xf32, #tpu.memory_space<vmem>>, vector<1x16xf32>,
        %get3A_52 = vector.shape_cast %get3A_51 : vector<1x16xf32> to vector<16xf32>
        %add3A_53 = arith.addf %add3A_48, %get3A_52 : vector<16xf32>
        %ge3A = arith.constant 0.000000e+00 : f32
        %ge3A_54 = vector.broadcast %ge3A : f32 to vector<16xf32>
        %ge3A_55 = arith.cmpf oge, %add3A_53, %ge3A_54 : vector<16xf32>
        %mul3A_56 = arith.constant 2.000000e-01 : f32
        %mul3A_57 = vector.broadcast %mul3A_56 : f32 to vector<16xf32>
        %mul3A_58 = arith.mulf %mul3A_57, %add3A_53 : vector<16xf32>
        %select_n3A = arith.select %ge3A_55, %add3A_53, %mul3A_58 : vector<16xi1>, vector<16xf32>
        %exp3A = math.exp %select_n3A : vector<16xf32>
        %swap3A = arith.index_cast %scan3A_40 : i32 to index
        %swap3A_59 = arith.constant 0 : index
        %swap3A_60 = tpu.vector_load %arg15[%swap3A, %swap3A_59] {strides = array<i32>} : memref<128x16xf32, #tpu.memory_space<vmem>>, vector<1x16xf32>,
        %swap3A_61 = vector.shape_cast %swap3A_60 : vector<1x16xf32> to vector<16xf32>
        %swap3A_62 = vector.shape_cast %exp3A : vector<16xf32> to vector<1x16xf32>
        tpu.vector_store %arg15[%swap3A, %swap3A_59], %swap3A_62 {strides = array<i32>} : memref<128x16xf32, #tpu.memory_space<vmem>>, vector<1x16xf32>,
        %scan3A_63 = arith.constant 1 : i32
        %scan3A_64 = arith.addi %scan3A_40, %scan3A_63 : i32
        %get3A_65 = arith.index_cast %scan3A_64 : i32 to index
        %get3A_66 = arith.constant 0 : index
        %get3A_67 = tpu.vector_load %arg12[%get3A_65, %get3A_66] {strides = array<i32>} : memref<128x16xf32, #tpu.memory_space<vmem>>, vector<1x16xf32>,
        %get3A_68 = vector.shape_cast %get3A_67 : vector<1x16xf32> to vector<16xf32>
        %get3A_69 = arith.index_cast %scan3A_64 : i32 to index
        %get3A_70 = arith.constant 0 : index
        %get3A_71 = tpu.vector_load %arg13[%get3A_69, %get3A_70] {strides = array<i32>} : memref<128x16xf32, #tpu.memory_space<vmem>>, vector<1x16xf32>,
        %get3A_72 = vector.shape_cast %get3A_71 : vector<1x16xf32> to vector<16xf32>
        %add3A_73 = arith.addf %get3A_68, %get3A_72 : vector<16xf32>
        %get3A_74 = arith.index_cast %scan3A_64 : i32 to index
        %get3A_75 = arith.constant 0 : index
        %get3A_76 = tpu.vector_load %arg14[%get3A_74, %get3A_75] {strides = array<i32>} : memref<128x16xf32, #tpu.memory_space<vmem>>, vector<1x16xf32>,
        %get3A_77 = vector.shape_cast %get3A_76 : vector<1x16xf32> to vector<16xf32>
        %add3A_78 = arith.addf %add3A_73, %get3A_77 : vector<16xf32>
        %ge3A_79 = arith.constant 0.000000e+00 : f32
        %ge3A_80 = vector.broadcast %ge3A_79 : f32 to vector<16xf32>
        %ge3A_81 = arith.cmpf oge, %add3A_78, %ge3A_80 : vector<16xf32>
        %mul3A_82 = arith.constant 2.000000e-01 : f32
        %mul3A_83 = vector.broadcast %mul3A_82 : f32 to vector<16xf32>
        %mul3A_84 = arith.mulf %mul3A_83, %add3A_78 : vector<16xf32>
        %select_n3A_85 = arith.select %ge3A_81, %add3A_78, %mul3A_84 : vector<16xi1>, vector<16xf32>
        %exp3A_86 = math.exp %select_n3A_85 : vector<16xf32>
        %swap3A_87 = arith.index_cast %scan3A_64 : i32 to index
        %swap3A_88 = arith.constant 0 : index
        %swap3A_89 = tpu.vector_load %arg15[%swap3A_87, %swap3A_88] {strides = array<i32>} : memref<128x16xf32, #tpu.memory_space<vmem>>, vector<1x16xf32>,
        %swap3A_90 = vector.shape_cast %swap3A_89 : vector<1x16xf32> to vector<16xf32>
        %swap3A_91 = vector.shape_cast %exp3A_86 : vector<16xf32> to vector<1x16xf32>
        tpu.vector_store %arg15[%swap3A_87, %swap3A_88], %swap3A_91 {strides = array<i32>} : memref<128x16xf32, #tpu.memory_space<vmem>>, vector<1x16xf32>,
        %scan3A_92 = arith.constant 2 : i32
        %scan3A_93 = arith.addi %scan3A_40, %scan3A_92 : i32
        %get3A_94 = arith.index_cast %scan3A_93 : i32 to index
        %get3A_95 = arith.constant 0 : index
        %get3A_96 = tpu.vector_load %arg12[%get3A_94, %get3A_95] {strides = array<i32>} : memref<128x16xf32, #tpu.memory_space<vmem>>, vector<1x16xf32>,
        %get3A_97 = vector.shape_cast %get3A_96 : vector<1x16xf32> to vector<16xf32>
        %get3A_98 = arith.index_cast %scan3A_93 : i32 to index
        %get3A_99 = arith.constant 0 : index
        %get3A_100 = tpu.vector_load %arg13[%get3A_98, %get3A_99] {strides = array<i32>} : memref<128x16xf32, #tpu.memory_space<vmem>>, vector<1x16xf32>,
        %get3A_101 = vector.shape_cast %get3A_100 : vector<1x16xf32> to vector<16xf32>
        %add3A_102 = arith.addf %get3A_97, %get3A_101 : vector<16xf32>
        %get3A_103 = arith.index_cast %scan3A_93 : i32 to index
        %get3A_104 = arith.constant 0 : index
        %get3A_105 = tpu.vector_load %arg14[%get3A_103, %get3A_104] {strides = array<i32>} : memref<128x16xf32, #tpu.memory_space<vmem>>, vector<1x16xf32>,
        %get3A_106 = vector.shape_cast %get3A_105 : vector<1x16xf32> to vector<16xf32>
        %add3A_107 = arith.addf %add3A_102, %get3A_106 : vector<16xf32>
        %ge3A_108 = arith.constant 0.000000e+00 : f32
        %ge3A_109 = vector.broadcast %ge3A_108 : f32 to vector<16xf32>
        %ge3A_110 = arith.cmpf oge, %add3A_107, %ge3A_109 : vector<16xf32>
        %mul3A_111 = arith.constant 2.000000e-01 : f32
        %mul3A_112 = vector.broadcast %mul3A_111 : f32 to vector<16xf32>
        %mul3A_113 = arith.mulf %mul3A_112, %add3A_107 : vector<16xf32>
        %select_n3A_114 = arith.select %ge3A_110, %add3A_107, %mul3A_113 : vector<16xi1>, vector<16xf32>
        %exp3A_115 = math.exp %select_n3A_114 : vector<16xf32>
        %swap3A_116 = arith.index_cast %scan3A_93 : i32 to index
        %swap3A_117 = arith.constant 0 : index
        %swap3A_118 = tpu.vector_load %arg15[%swap3A_116, %swap3A_117] {strides = array<i32>} : memref<128x16xf32, #tpu.memory_space<vmem>>, vector<1x16xf32>,
        %swap3A_119 = vector.shape_cast %swap3A_118 : vector<1x16xf32> to vector<16xf32>
        %swap3A_120 = vector.shape_cast %exp3A_115 : vector<16xf32> to vector<1x16xf32>
        tpu.vector_store %arg15[%swap3A_116, %swap3A_117], %swap3A_120 {strides = array<i32>} : memref<128x16xf32, #tpu.memory_space<vmem>>, vector<1x16xf32>,
        %scan3A_121 = arith.constant 3 : i32
        %scan3A_122 = arith.addi %scan3A_40, %scan3A_121 : i32
        %get3A_123 = arith.index_cast %scan3A_122 : i32 to index
        %get3A_124 = arith.constant 0 : index
        %get3A_125 = tpu.vector_load %arg12[%get3A_123, %get3A_124] {strides = array<i32>} : memref<128x16xf32, #tpu.memory_space<vmem>>, vector<1x16xf32>,
        %get3A_126 = vector.shape_cast %get3A_125 : vector<1x16xf32> to vector<16xf32>
        %get3A_127 = arith.index_cast %scan3A_122 : i32 to index
        %get3A_128 = arith.constant 0 : index
        %get3A_129 = tpu.vector_load %arg13[%get3A_127, %get3A_128] {strides = array<i32>} : memref<128x16xf32, #tpu.memory_space<vmem>>, vector<1x16xf32>,
        %get3A_130 = vector.shape_cast %get3A_129 : vector<1x16xf32> to vector<16xf32>
        %add3A_131 = arith.addf %get3A_126, %get3A_130 : vector<16xf32>
        %get3A_132 = arith.index_cast %scan3A_122 : i32 to index
        %get3A_133 = arith.constant 0 : index
        %get3A_134 = tpu.vector_load %arg14[%get3A_132, %get3A_133] {strides = array<i32>} : memref<128x16xf32, #tpu.memory_space<vmem>>, vector<1x16xf32>,
        %get3A_135 = vector.shape_cast %get3A_134 : vector<1x16xf32> to vector<16xf32>
        %add3A_136 = arith.addf %add3A_131, %get3A_135 : vector<16xf32>
        %ge3A_137 = arith.constant 0.000000e+00 : f32
        %ge3A_138 = vector.broadcast %ge3A_137 : f32 to vector<16xf32>
        %ge3A_139 = arith.cmpf oge, %add3A_136, %ge3A_138 : vector<16xf32>
        %mul3A_140 = arith.constant 2.000000e-01 : f32
        %mul3A_141 = vector.broadcast %mul3A_140 : f32 to vector<16xf32>
        %mul3A_142 = arith.mulf %mul3A_141, %add3A_136 : vector<16xf32>
        %select_n3A_143 = arith.select %ge3A_139, %add3A_136, %mul3A_142 : vector<16xi1>, vector<16xf32>
        %exp3A_144 = math.exp %select_n3A_143 : vector<16xf32>
        %swap3A_145 = arith.index_cast %scan3A_122 : i32 to index
        %swap3A_146 = arith.constant 0 : index
        %swap3A_147 = tpu.vector_load %arg15[%swap3A_145, %swap3A_146] {strides = array<i32>} : memref<128x16xf32, #tpu.memory_space<vmem>>, vector<1x16xf32>,
        %swap3A_148 = vector.shape_cast %swap3A_147 : vector<1x16xf32> to vector<16xf32>
        %swap3A_149 = vector.shape_cast %exp3A_144 : vector<16xf32> to vector<1x16xf32>
        tpu.vector_store %arg15[%swap3A_145, %swap3A_146], %swap3A_149 {strides = array<i32>} : memref<128x16xf32, #tpu.memory_space<vmem>>, vector<1x16xf32>,
      }
      %scan3A_39 = arith.constant 128 : i32
      "tpu.region"() ({
        %run_scoped3A = tpu.sem_alloc : memref<!tpu.dma_semaphore, #tpu.memory_space<semaphore_mem>>
        %dma_start3A_40 = arith.constant 0 : i32
        %dma_start3A_41 = tpu.memref_slice %arg8[%add3A_23, %dma_start3A_40] : memref<331776x16xf32, #tpu.memory_space<hbm>> -> memref<128x16xf32, #tpu.memory_space<hbm>>
        %dma_start3A_42 = arith.constant 0 : i32
        %dma_start3A_43 = tpu.memref_slice %arg8[%add3A_23, %dma_start3A_42] : memref<331776x16xf32, #tpu.memory_space<hbm>> -> memref<128x16xf32, #tpu.memory_space<hbm>>
        tpu.enqueue_dma source(%arg15 : memref<128x16xf32, #tpu.memory_space<vmem>>) target(%dma_start3A_43 : memref<128x16xf32, #tpu.memory_space<hbm>>) target_semaphore(%run_scoped3A : memref<!tpu.dma_semaphore, #tpu.memory_space<semaphore_mem>>)
        %dma_wait3A_44 = arith.constant 0 : i32
        %dma_wait3A_45 = tpu.memref_slice %arg8[%add3A_23, %dma_wait3A_44] : memref<331776x16xf32, #tpu.memory_space<hbm>> -> memref<128x16xf32, #tpu.memory_space<hbm>>
        %dma_wait3A_46 = arith.constant 0 : i32
        %dma_wait3A_47 = tpu.memref_slice %arg8[%add3A_23, %dma_wait3A_46] : memref<331776x16xf32, #tpu.memory_space<hbm>> -> memref<128x16xf32, #tpu.memory_space<hbm>>
        tpu.wait_dma2 semaphore(%run_scoped3A : memref<!tpu.dma_semaphore, #tpu.memory_space<semaphore_mem>>) src(%arg15 : memref<128x16xf32, #tpu.memory_space<vmem>>) dst(%dma_wait3A_47 : memref<128x16xf32, #tpu.memory_space<hbm>>)
        tpu.yield
      }) : () -> ()
      "tpu.region"() ({
        %run_scoped3A = tpu.sem_alloc : memref<!tpu.dma_semaphore, #tpu.memory_space<semaphore_mem>>
        %dma_start3A_40 = arith.constant 0 : i32
        %dma_start3A_41 = arith.constant 0 : i32
        %dma_start3A_42 = tpu.memref_slice %arg16[%dma_start3A_40, %dma_start3A_41] : memref<10240x16xf32, #tpu.memory_space<vmem_shared>> -> memref<10240x16xf32, #tpu.memory_space<vmem_shared>>
        tpu.enqueue_indirect_dma source(%arg15 : memref<128x16xf32, #tpu.memory_space<vmem>>) target(%dma_start3A_42 : memref<10240x16xf32, #tpu.memory_space<vmem_shared>>) offsets(%arg11 : memref<128xi32, #tpu.memory_space<vmem>>) semaphore(%run_scoped3A : memref<!tpu.dma_semaphore, #tpu.memory_space<semaphore_mem>>) {add = true}
        %dma_wait3A_43 = arith.constant 0 : i32
        %dma_wait3A_44 = arith.constant 0 : i32
        %dma_wait3A_45 = tpu.memref_slice %arg16[%dma_wait3A_43, %dma_wait3A_44] : memref<10240x16xf32, #tpu.memory_space<vmem_shared>> -> memref<10240x16xf32, #tpu.memory_space<vmem_shared>>
        tpu.wait_indirect_dma semaphore(%run_scoped3A : memref<!tpu.dma_semaphore, #tpu.memory_space<semaphore_mem>>) src(%arg15 : memref<128x16xf32, #tpu.memory_space<vmem>>) dst(%dma_wait3A_45 : memref<10240x16xf32, #tpu.memory_space<vmem_shared>>)
        tpu.yield
      }) : () -> ()
    }
    %scan3A_9 = arith.constant 81 : i32
    %barrier3A_10 = arith.constant 0 : index
    tpu.barrier barrier_id(%barrier3A_10)
    %mul3A_11 = arith.constant 640 : i32
    %mul3A_12 = arith.muli %arg1, %mul3A_11 : i32
    %mul3A_13 = arith.constant 10240 : i32
    %mul3A_14 = arith.muli %arg0, %mul3A_13 : i32
    %mul3A_15 = arith.constant 640 : i32
    %mul3A_16 = arith.muli %arg1, %mul3A_15 : i32
    %add3A_17 = arith.addi %mul3A_14, %mul3A_16 : i32
    "tpu.region"() ({
      %run_scoped3A = tpu.sem_alloc : memref<!tpu.dma_semaphore, #tpu.memory_space<semaphore_mem>>
      %dma_start3A = arith.constant 0 : i32
      %dma_start3A_18 = tpu.memref_slice %arg9[%add3A_17, %dma_start3A] : memref<20480x16xf32, #tpu.memory_space<hbm>> -> memref<640x16xf32, #tpu.memory_space<hbm>>
      %dma_start3A_19 = arith.constant 0 : i32
      %dma_start3A_20 = tpu.memref_slice %arg16[%mul3A_12, %dma_start3A_19] : memref<10240x16xf32, #tpu.memory_space<vmem_shared>> -> memref<640x16xf32, #tpu.memory_space<vmem_shared>>
      tpu.enqueue_dma source(%dma_start3A_20 : memref<640x16xf32, #tpu.memory_space<vmem_shared>>) target(%dma_start3A_18 : memref<640x16xf32, #tpu.memory_space<hbm>>) target_semaphore(%run_scoped3A : memref<!tpu.dma_semaphore, #tpu.memory_space<semaphore_mem>>)
      %dma_wait3A = arith.constant 0 : i32
      %dma_wait3A_21 = tpu.memref_slice %arg9[%add3A_17, %dma_wait3A] : memref<20480x16xf32, #tpu.memory_space<hbm>> -> memref<640x16xf32, #tpu.memory_space<hbm>>
      %dma_wait3A_22 = arith.constant 0 : i32
      %dma_wait3A_23 = tpu.memref_slice %arg16[%mul3A_12, %dma_wait3A_22] : memref<10240x16xf32, #tpu.memory_space<vmem_shared>> -> memref<640x16xf32, #tpu.memory_space<vmem_shared>>
      tpu.wait_dma2 semaphore(%run_scoped3A : memref<!tpu.dma_semaphore, #tpu.memory_space<semaphore_mem>>) src(%dma_wait3A_23 : memref<640x16xf32, #tpu.memory_space<vmem_shared>>) dst(%dma_wait3A_21 : memref<640x16xf32, #tpu.memory_space<hbm>>)
      tpu.yield
    }) : () -> ()
    return
  }
}

#map = affine_map<(d0, d1) -> (0, 0)>
#map1 = affine_map<(d0, d1) -> (0)>
module attributes {stable_mosaic.version = 14 : i64} {
  func.func @k1(%arg0: i32, %arg1: i32, %arg2: memref<10000x16xf32, #tpu.memory_space<hbm>>, %arg3: memref<10000x16xf32, #tpu.memory_space<hbm>>, %arg4: memref<331776x16xf32, #tpu.memory_space<hbm>>, %arg5: memref<331776xi32, #tpu.memory_space<hbm>>, %arg6: memref<331776xi32, #tpu.memory_space<hbm>>, %arg7: memref<10240x16xf32, #tpu.memory_space<hbm>>, %arg8: memref<331776x16xf32, #tpu.memory_space<hbm>>, %arg9: memref<20480x16xf32, #tpu.memory_space<hbm>>, %arg10: memref<128xi32, #tpu.memory_space<vmem>>, %arg11: memref<128xi32, #tpu.memory_space<vmem>>, %arg12: memref<128x16xf32, #tpu.memory_space<vmem>>, %arg13: memref<128x16xf32, #tpu.memory_space<vmem>>, %arg14: memref<128x16xf32, #tpu.memory_space<vmem>>, %arg15: memref<128x16xf32, #tpu.memory_space<vmem>>, %arg16: memref<10240x16xf32, #tpu.memory_space<vmem_shared>>, %arg17: memref<!tpu.dma_semaphore, #tpu.memory_space<semaphore_mem>>, %arg18: memref<!tpu.dma_semaphore, #tpu.memory_space<semaphore_mem>>) attributes {dimension_semantics = [#tpu.dimension_semantics<core_parallel>, #tpu.dimension_semantics<subcore_parallel>], iteration_bounds = array<i64: 2, 16>, scalar_prefetch = 0 : i64, scratch_operands = 9 : i64, tpu.core_type = #tpu.core_type<sc_vector_subcore>, window_params = [{transform_indices = #map}, {transform_indices = #map}, {transform_indices = #map}, {transform_indices = #map1}, {transform_indices = #map1}, {transform_indices = #map}, {transform_indices = #map}, {transform_indices = #map}]} {
    %mul3A = arith.constant 16 : i32
    %mul3A_0 = arith.muli %arg0, %mul3A : i32
    %add3A = arith.addi %mul3A_0, %arg1 : i32
    %mul3A_1 = arith.constant 640 : i32
    %mul3A_2 = arith.muli %arg1, %mul3A_1 : i32
    %mul3A_3 = arith.constant 640 : i32
    %mul3A_4 = arith.muli %arg1, %mul3A_3 : i32
    "tpu.region"() ({
      %run_scoped3A = tpu.sem_alloc : memref<!tpu.dma_semaphore, #tpu.memory_space<semaphore_mem>>
      %dma_start3A = arith.constant 0 : i32
      %dma_start3A_18 = tpu.memref_slice %arg16[%mul3A_4, %dma_start3A] : memref<10240x16xf32, #tpu.memory_space<vmem_shared>> -> memref<640x16xf32, #tpu.memory_space<vmem_shared>>
      %dma_start3A_19 = arith.constant 0 : i32
      %dma_start3A_20 = tpu.memref_slice %arg7[%mul3A_2, %dma_start3A_19] : memref<10240x16xf32, #tpu.memory_space<hbm>> -> memref<640x16xf32, #tpu.memory_space<hbm>>
      tpu.enqueue_dma source(%dma_start3A_20 : memref<640x16xf32, #tpu.memory_space<hbm>>) target(%dma_start3A_18 : memref<640x16xf32, #tpu.memory_space<vmem_shared>>) target_semaphore(%run_scoped3A : memref<!tpu.dma_semaphore, #tpu.memory_space<semaphore_mem>>)
      %dma_wait3A = arith.constant 0 : i32
      %dma_wait3A_21 = tpu.memref_slice %arg16[%mul3A_4, %dma_wait3A] : memref<10240x16xf32, #tpu.memory_space<vmem_shared>> -> memref<640x16xf32, #tpu.memory_space<vmem_shared>>
      %dma_wait3A_22 = arith.constant 0 : i32
      %dma_wait3A_23 = tpu.memref_slice %arg7[%mul3A_2, %dma_wait3A_22] : memref<10240x16xf32, #tpu.memory_space<hbm>> -> memref<640x16xf32, #tpu.memory_space<hbm>>
      tpu.wait_dma2 semaphore(%run_scoped3A : memref<!tpu.dma_semaphore, #tpu.memory_space<semaphore_mem>>) src(%dma_wait3A_23 : memref<640x16xf32, #tpu.memory_space<hbm>>) dst(%dma_wait3A_21 : memref<640x16xf32, #tpu.memory_space<vmem_shared>>)
      tpu.yield
    }) : () -> ()
    %barrier3A = arith.constant 0 : index
    tpu.barrier barrier_id(%barrier3A)
    %scan3A = arith.constant 0 : i32
    %scan3A_5 = arith.constant 0 : i32
    %scan3A_6 = arith.constant 81 : i32
    %scan3A_7 = arith.addi %scan3A_5, %scan3A_6 : i32
    %scan3A_8 = arith.constant 1 : i32
    scf.for %scan3A_18 = %scan3A_5 to %scan3A_7 step %scan3A_8  : i32 {
      %mul3A_19 = arith.constant 10368 : i32
      %mul3A_20 = arith.muli %add3A, %mul3A_19 : i32
      %mul3A_21 = arith.constant 128 : i32
      %mul3A_22 = arith.muli %scan3A_18, %mul3A_21 : i32
      %add3A_23 = arith.addi %mul3A_20, %mul3A_22 : i32
      "tpu.region"() ({
        %run_scoped3A = tpu.sem_alloc : memref<!tpu.dma_semaphore, #tpu.memory_space<semaphore_mem>>
        %dma_start3A_40 = tpu.memref_slice %arg5[%add3A_23] : memref<331776xi32, #tpu.memory_space<hbm>> -> memref<128xi32, #tpu.memory_space<hbm>>
        %dma_start3A_41 = tpu.memref_slice %arg5[%add3A_23] : memref<331776xi32, #tpu.memory_space<hbm>> -> memref<128xi32, #tpu.memory_space<hbm>>
        tpu.enqueue_dma source(%dma_start3A_41 : memref<128xi32, #tpu.memory_space<hbm>>) target(%arg10 : memref<128xi32, #tpu.memory_space<vmem>>) target_semaphore(%run_scoped3A : memref<!tpu.dma_semaphore, #tpu.memory_space<semaphore_mem>>)
        %dma_wait3A_42 = tpu.memref_slice %arg5[%add3A_23] : memref<331776xi32, #tpu.memory_space<hbm>> -> memref<128xi32, #tpu.memory_space<hbm>>
        %dma_wait3A_43 = tpu.memref_slice %arg5[%add3A_23] : memref<331776xi32, #tpu.memory_space<hbm>> -> memref<128xi32, #tpu.memory_space<hbm>>
        tpu.wait_dma2 semaphore(%run_scoped3A : memref<!tpu.dma_semaphore, #tpu.memory_space<semaphore_mem>>) src(%dma_wait3A_43 : memref<128xi32, #tpu.memory_space<hbm>>) dst(%arg10 : memref<128xi32, #tpu.memory_space<vmem>>)
        tpu.yield
      }) : () -> ()
      "tpu.region"() ({
        %run_scoped3A = tpu.sem_alloc : memref<!tpu.dma_semaphore, #tpu.memory_space<semaphore_mem>>
        %dma_start3A_40 = tpu.memref_slice %arg6[%add3A_23] : memref<331776xi32, #tpu.memory_space<hbm>> -> memref<128xi32, #tpu.memory_space<hbm>>
        %dma_start3A_41 = tpu.memref_slice %arg6[%add3A_23] : memref<331776xi32, #tpu.memory_space<hbm>> -> memref<128xi32, #tpu.memory_space<hbm>>
        tpu.enqueue_dma source(%dma_start3A_41 : memref<128xi32, #tpu.memory_space<hbm>>) target(%arg11 : memref<128xi32, #tpu.memory_space<vmem>>) target_semaphore(%run_scoped3A : memref<!tpu.dma_semaphore, #tpu.memory_space<semaphore_mem>>)
        %dma_wait3A_42 = tpu.memref_slice %arg6[%add3A_23] : memref<331776xi32, #tpu.memory_space<hbm>> -> memref<128xi32, #tpu.memory_space<hbm>>
        %dma_wait3A_43 = tpu.memref_slice %arg6[%add3A_23] : memref<331776xi32, #tpu.memory_space<hbm>> -> memref<128xi32, #tpu.memory_space<hbm>>
        tpu.wait_dma2 semaphore(%run_scoped3A : memref<!tpu.dma_semaphore, #tpu.memory_space<semaphore_mem>>) src(%dma_wait3A_43 : memref<128xi32, #tpu.memory_space<hbm>>) dst(%arg11 : memref<128xi32, #tpu.memory_space<vmem>>)
        tpu.yield
      }) : () -> ()
      %dma_start3A = arith.constant 0 : i32
      %dma_start3A_24 = arith.constant 0 : i32
      %dma_start3A_25 = tpu.memref_slice %arg2[%dma_start3A, %dma_start3A_24] : memref<10000x16xf32, #tpu.memory_space<hbm>> -> memref<10000x16xf32, #tpu.memory_space<hbm>>
      tpu.enqueue_indirect_dma source(%dma_start3A_25 : memref<10000x16xf32, #tpu.memory_space<hbm>>) target(%arg12 : memref<128x16xf32, #tpu.memory_space<vmem>>) offsets(%arg10 : memref<128xi32, #tpu.memory_space<vmem>>) semaphore(%arg17 : memref<!tpu.dma_semaphore, #tpu.memory_space<semaphore_mem>>)
      %dma_start3A_26 = arith.constant 0 : i32
      %dma_start3A_27 = arith.constant 0 : i32
      %dma_start3A_28 = tpu.memref_slice %arg3[%dma_start3A_26, %dma_start3A_27] : memref<10000x16xf32, #tpu.memory_space<hbm>> -> memref<10000x16xf32, #tpu.memory_space<hbm>>
      tpu.enqueue_indirect_dma source(%dma_start3A_28 : memref<10000x16xf32, #tpu.memory_space<hbm>>) target(%arg13 : memref<128x16xf32, #tpu.memory_space<vmem>>) offsets(%arg11 : memref<128xi32, #tpu.memory_space<vmem>>) semaphore(%arg18 : memref<!tpu.dma_semaphore, #tpu.memory_space<semaphore_mem>>)
      "tpu.region"() ({
        %run_scoped3A = tpu.sem_alloc : memref<!tpu.dma_semaphore, #tpu.memory_space<semaphore_mem>>
        %dma_start3A_40 = arith.constant 0 : i32
        %dma_start3A_41 = tpu.memref_slice %arg4[%add3A_23, %dma_start3A_40] : memref<331776x16xf32, #tpu.memory_space<hbm>> -> memref<128x16xf32, #tpu.memory_space<hbm>>
        %dma_start3A_42 = arith.constant 0 : i32
        %dma_start3A_43 = tpu.memref_slice %arg4[%add3A_23, %dma_start3A_42] : memref<331776x16xf32, #tpu.memory_space<hbm>> -> memref<128x16xf32, #tpu.memory_space<hbm>>
        tpu.enqueue_dma source(%dma_start3A_43 : memref<128x16xf32, #tpu.memory_space<hbm>>) target(%arg14 : memref<128x16xf32, #tpu.memory_space<vmem>>) target_semaphore(%run_scoped3A : memref<!tpu.dma_semaphore, #tpu.memory_space<semaphore_mem>>)
        %dma_wait3A_44 = arith.constant 0 : i32
        %dma_wait3A_45 = tpu.memref_slice %arg4[%add3A_23, %dma_wait3A_44] : memref<331776x16xf32, #tpu.memory_space<hbm>> -> memref<128x16xf32, #tpu.memory_space<hbm>>
        %dma_wait3A_46 = arith.constant 0 : i32
        %dma_wait3A_47 = tpu.memref_slice %arg4[%add3A_23, %dma_wait3A_46] : memref<331776x16xf32, #tpu.memory_space<hbm>> -> memref<128x16xf32, #tpu.memory_space<hbm>>
        tpu.wait_dma2 semaphore(%run_scoped3A : memref<!tpu.dma_semaphore, #tpu.memory_space<semaphore_mem>>) src(%dma_wait3A_47 : memref<128x16xf32, #tpu.memory_space<hbm>>) dst(%arg14 : memref<128x16xf32, #tpu.memory_space<vmem>>)
        tpu.yield
      }) : () -> ()
      %dma_wait3A = arith.constant 0 : i32
      %dma_wait3A_29 = arith.constant 0 : i32
      %dma_wait3A_30 = tpu.memref_slice %arg2[%dma_wait3A, %dma_wait3A_29] : memref<10000x16xf32, #tpu.memory_space<hbm>> -> memref<10000x16xf32, #tpu.memory_space<hbm>>
      tpu.wait_indirect_dma semaphore(%arg17 : memref<!tpu.dma_semaphore, #tpu.memory_space<semaphore_mem>>) src(%dma_wait3A_30 : memref<10000x16xf32, #tpu.memory_space<hbm>>) dst(%arg12 : memref<128x16xf32, #tpu.memory_space<vmem>>)
      %dma_wait3A_31 = arith.constant 0 : i32
      %dma_wait3A_32 = arith.constant 0 : i32
      %dma_wait3A_33 = tpu.memref_slice %arg3[%dma_wait3A_31, %dma_wait3A_32] : memref<10000x16xf32, #tpu.memory_space<hbm>> -> memref<10000x16xf32, #tpu.memory_space<hbm>>
      tpu.wait_indirect_dma semaphore(%arg18 : memref<!tpu.dma_semaphore, #tpu.memory_space<semaphore_mem>>) src(%dma_wait3A_33 : memref<10000x16xf32, #tpu.memory_space<hbm>>) dst(%arg13 : memref<128x16xf32, #tpu.memory_space<vmem>>)
      %scan3A_34 = arith.constant 0 : i32
      %scan3A_35 = arith.constant 0 : i32
      %scan3A_36 = arith.constant 128 : i32
      %scan3A_37 = arith.addi %scan3A_35, %scan3A_36 : i32
      %scan3A_38 = arith.constant 4 : i32
      scf.for %scan3A_40 = %scan3A_35 to %scan3A_37 step %scan3A_38  : i32 {
        %get3A = arith.index_cast %scan3A_40 : i32 to index
        %get3A_41 = arith.constant 0 : index
        %get3A_42 = tpu.vector_load %arg12[%get3A, %get3A_41] {strides = array<i32>} : memref<128x16xf32, #tpu.memory_space<vmem>>, vector<1x16xf32>,
        %get3A_43 = vector.shape_cast %get3A_42 : vector<1x16xf32> to vector<16xf32>
        %get3A_44 = arith.index_cast %scan3A_40 : i32 to index
        %get3A_45 = arith.constant 0 : index
        %get3A_46 = tpu.vector_load %arg13[%get3A_44, %get3A_45] {strides = array<i32>} : memref<128x16xf32, #tpu.memory_space<vmem>>, vector<1x16xf32>,
        %get3A_47 = vector.shape_cast %get3A_46 : vector<1x16xf32> to vector<16xf32>
        %add3A_48 = arith.addf %get3A_43, %get3A_47 : vector<16xf32>
        %get3A_49 = arith.index_cast %scan3A_40 : i32 to index
        %get3A_50 = arith.constant 0 : index
        %get3A_51 = tpu.vector_load %arg14[%get3A_49, %get3A_50] {strides = array<i32>} : memref<128x16xf32, #tpu.memory_space<vmem>>, vector<1x16xf32>,
        %get3A_52 = vector.shape_cast %get3A_51 : vector<1x16xf32> to vector<16xf32>
        %add3A_53 = arith.addf %add3A_48, %get3A_52 : vector<16xf32>
        %ge3A = arith.constant 0.000000e+00 : f32
        %ge3A_54 = vector.broadcast %ge3A : f32 to vector<16xf32>
        %ge3A_55 = arith.cmpf oge, %add3A_53, %ge3A_54 : vector<16xf32>
        %mul3A_56 = arith.constant 2.000000e-01 : f32
        %mul3A_57 = vector.broadcast %mul3A_56 : f32 to vector<16xf32>
        %mul3A_58 = arith.mulf %mul3A_57, %add3A_53 : vector<16xf32>
        %select_n3A = arith.select %ge3A_55, %add3A_53, %mul3A_58 : vector<16xi1>, vector<16xf32>
        %exp3A = math.exp %select_n3A : vector<16xf32>
        %swap3A = arith.index_cast %scan3A_40 : i32 to index
        %swap3A_59 = arith.constant 0 : index
        %swap3A_60 = tpu.vector_load %arg15[%swap3A, %swap3A_59] {strides = array<i32>} : memref<128x16xf32, #tpu.memory_space<vmem>>, vector<1x16xf32>,
        %swap3A_61 = vector.shape_cast %swap3A_60 : vector<1x16xf32> to vector<16xf32>
        %swap3A_62 = vector.shape_cast %exp3A : vector<16xf32> to vector<1x16xf32>
        tpu.vector_store %arg15[%swap3A, %swap3A_59], %swap3A_62 {strides = array<i32>} : memref<128x16xf32, #tpu.memory_space<vmem>>, vector<1x16xf32>,
        %scan3A_63 = arith.constant 1 : i32
        %scan3A_64 = arith.addi %scan3A_40, %scan3A_63 : i32
        %get3A_65 = arith.index_cast %scan3A_64 : i32 to index
        %get3A_66 = arith.constant 0 : index
        %get3A_67 = tpu.vector_load %arg12[%get3A_65, %get3A_66] {strides = array<i32>} : memref<128x16xf32, #tpu.memory_space<vmem>>, vector<1x16xf32>,
        %get3A_68 = vector.shape_cast %get3A_67 : vector<1x16xf32> to vector<16xf32>
        %get3A_69 = arith.index_cast %scan3A_64 : i32 to index
        %get3A_70 = arith.constant 0 : index
        %get3A_71 = tpu.vector_load %arg13[%get3A_69, %get3A_70] {strides = array<i32>} : memref<128x16xf32, #tpu.memory_space<vmem>>, vector<1x16xf32>,
        %get3A_72 = vector.shape_cast %get3A_71 : vector<1x16xf32> to vector<16xf32>
        %add3A_73 = arith.addf %get3A_68, %get3A_72 : vector<16xf32>
        %get3A_74 = arith.index_cast %scan3A_64 : i32 to index
        %get3A_75 = arith.constant 0 : index
        %get3A_76 = tpu.vector_load %arg14[%get3A_74, %get3A_75] {strides = array<i32>} : memref<128x16xf32, #tpu.memory_space<vmem>>, vector<1x16xf32>,
        %get3A_77 = vector.shape_cast %get3A_76 : vector<1x16xf32> to vector<16xf32>
        %add3A_78 = arith.addf %add3A_73, %get3A_77 : vector<16xf32>
        %ge3A_79 = arith.constant 0.000000e+00 : f32
        %ge3A_80 = vector.broadcast %ge3A_79 : f32 to vector<16xf32>
        %ge3A_81 = arith.cmpf oge, %add3A_78, %ge3A_80 : vector<16xf32>
        %mul3A_82 = arith.constant 2.000000e-01 : f32
        %mul3A_83 = vector.broadcast %mul3A_82 : f32 to vector<16xf32>
        %mul3A_84 = arith.mulf %mul3A_83, %add3A_78 : vector<16xf32>
        %select_n3A_85 = arith.select %ge3A_81, %add3A_78, %mul3A_84 : vector<16xi1>, vector<16xf32>
        %exp3A_86 = math.exp %select_n3A_85 : vector<16xf32>
        %swap3A_87 = arith.index_cast %scan3A_64 : i32 to index
        %swap3A_88 = arith.constant 0 : index
        %swap3A_89 = tpu.vector_load %arg15[%swap3A_87, %swap3A_88] {strides = array<i32>} : memref<128x16xf32, #tpu.memory_space<vmem>>, vector<1x16xf32>,
        %swap3A_90 = vector.shape_cast %swap3A_89 : vector<1x16xf32> to vector<16xf32>
        %swap3A_91 = vector.shape_cast %exp3A_86 : vector<16xf32> to vector<1x16xf32>
        tpu.vector_store %arg15[%swap3A_87, %swap3A_88], %swap3A_91 {strides = array<i32>} : memref<128x16xf32, #tpu.memory_space<vmem>>, vector<1x16xf32>,
        %scan3A_92 = arith.constant 2 : i32
        %scan3A_93 = arith.addi %scan3A_40, %scan3A_92 : i32
        %get3A_94 = arith.index_cast %scan3A_93 : i32 to index
        %get3A_95 = arith.constant 0 : index
        %get3A_96 = tpu.vector_load %arg12[%get3A_94, %get3A_95] {strides = array<i32>} : memref<128x16xf32, #tpu.memory_space<vmem>>, vector<1x16xf32>,
        %get3A_97 = vector.shape_cast %get3A_96 : vector<1x16xf32> to vector<16xf32>
        %get3A_98 = arith.index_cast %scan3A_93 : i32 to index
        %get3A_99 = arith.constant 0 : index
        %get3A_100 = tpu.vector_load %arg13[%get3A_98, %get3A_99] {strides = array<i32>} : memref<128x16xf32, #tpu.memory_space<vmem>>, vector<1x16xf32>,
        %get3A_101 = vector.shape_cast %get3A_100 : vector<1x16xf32> to vector<16xf32>
        %add3A_102 = arith.addf %get3A_97, %get3A_101 : vector<16xf32>
        %get3A_103 = arith.index_cast %scan3A_93 : i32 to index
        %get3A_104 = arith.constant 0 : index
        %get3A_105 = tpu.vector_load %arg14[%get3A_103, %get3A_104] {strides = array<i32>} : memref<128x16xf32, #tpu.memory_space<vmem>>, vector<1x16xf32>,
        %get3A_106 = vector.shape_cast %get3A_105 : vector<1x16xf32> to vector<16xf32>
        %add3A_107 = arith.addf %add3A_102, %get3A_106 : vector<16xf32>
        %ge3A_108 = arith.constant 0.000000e+00 : f32
        %ge3A_109 = vector.broadcast %ge3A_108 : f32 to vector<16xf32>
        %ge3A_110 = arith.cmpf oge, %add3A_107, %ge3A_109 : vector<16xf32>
        %mul3A_111 = arith.constant 2.000000e-01 : f32
        %mul3A_112 = vector.broadcast %mul3A_111 : f32 to vector<16xf32>
        %mul3A_113 = arith.mulf %mul3A_112, %add3A_107 : vector<16xf32>
        %select_n3A_114 = arith.select %ge3A_110, %add3A_107, %mul3A_113 : vector<16xi1>, vector<16xf32>
        %exp3A_115 = math.exp %select_n3A_114 : vector<16xf32>
        %swap3A_116 = arith.index_cast %scan3A_93 : i32 to index
        %swap3A_117 = arith.constant 0 : index
        %swap3A_118 = tpu.vector_load %arg15[%swap3A_116, %swap3A_117] {strides = array<i32>} : memref<128x16xf32, #tpu.memory_space<vmem>>, vector<1x16xf32>,
        %swap3A_119 = vector.shape_cast %swap3A_118 : vector<1x16xf32> to vector<16xf32>
        %swap3A_120 = vector.shape_cast %exp3A_115 : vector<16xf32> to vector<1x16xf32>
        tpu.vector_store %arg15[%swap3A_116, %swap3A_117], %swap3A_120 {strides = array<i32>} : memref<128x16xf32, #tpu.memory_space<vmem>>, vector<1x16xf32>,
        %scan3A_121 = arith.constant 3 : i32
        %scan3A_122 = arith.addi %scan3A_40, %scan3A_121 : i32
        %get3A_123 = arith.index_cast %scan3A_122 : i32 to index
        %get3A_124 = arith.constant 0 : index
        %get3A_125 = tpu.vector_load %arg12[%get3A_123, %get3A_124] {strides = array<i32>} : memref<128x16xf32, #tpu.memory_space<vmem>>, vector<1x16xf32>,
        %get3A_126 = vector.shape_cast %get3A_125 : vector<1x16xf32> to vector<16xf32>
        %get3A_127 = arith.index_cast %scan3A_122 : i32 to index
        %get3A_128 = arith.constant 0 : index
        %get3A_129 = tpu.vector_load %arg13[%get3A_127, %get3A_128] {strides = array<i32>} : memref<128x16xf32, #tpu.memory_space<vmem>>, vector<1x16xf32>,
        %get3A_130 = vector.shape_cast %get3A_129 : vector<1x16xf32> to vector<16xf32>
        %add3A_131 = arith.addf %get3A_126, %get3A_130 : vector<16xf32>
        %get3A_132 = arith.index_cast %scan3A_122 : i32 to index
        %get3A_133 = arith.constant 0 : index
        %get3A_134 = tpu.vector_load %arg14[%get3A_132, %get3A_133] {strides = array<i32>} : memref<128x16xf32, #tpu.memory_space<vmem>>, vector<1x16xf32>,
        %get3A_135 = vector.shape_cast %get3A_134 : vector<1x16xf32> to vector<16xf32>
        %add3A_136 = arith.addf %add3A_131, %get3A_135 : vector<16xf32>
        %ge3A_137 = arith.constant 0.000000e+00 : f32
        %ge3A_138 = vector.broadcast %ge3A_137 : f32 to vector<16xf32>
        %ge3A_139 = arith.cmpf oge, %add3A_136, %ge3A_138 : vector<16xf32>
        %mul3A_140 = arith.constant 2.000000e-01 : f32
        %mul3A_141 = vector.broadcast %mul3A_140 : f32 to vector<16xf32>
        %mul3A_142 = arith.mulf %mul3A_141, %add3A_136 : vector<16xf32>
        %select_n3A_143 = arith.select %ge3A_139, %add3A_136, %mul3A_142 : vector<16xi1>, vector<16xf32>
        %exp3A_144 = math.exp %select_n3A_143 : vector<16xf32>
        %swap3A_145 = arith.index_cast %scan3A_122 : i32 to index
        %swap3A_146 = arith.constant 0 : index
        %swap3A_147 = tpu.vector_load %arg15[%swap3A_145, %swap3A_146] {strides = array<i32>} : memref<128x16xf32, #tpu.memory_space<vmem>>, vector<1x16xf32>,
        %swap3A_148 = vector.shape_cast %swap3A_147 : vector<1x16xf32> to vector<16xf32>
        %swap3A_149 = vector.shape_cast %exp3A_144 : vector<16xf32> to vector<1x16xf32>
        tpu.vector_store %arg15[%swap3A_145, %swap3A_146], %swap3A_149 {strides = array<i32>} : memref<128x16xf32, #tpu.memory_space<vmem>>, vector<1x16xf32>,
      }
      %scan3A_39 = arith.constant 128 : i32
      "tpu.region"() ({
        %run_scoped3A = tpu.sem_alloc : memref<!tpu.dma_semaphore, #tpu.memory_space<semaphore_mem>>
        %dma_start3A_40 = arith.constant 0 : i32
        %dma_start3A_41 = tpu.memref_slice %arg8[%add3A_23, %dma_start3A_40] : memref<331776x16xf32, #tpu.memory_space<hbm>> -> memref<128x16xf32, #tpu.memory_space<hbm>>
        %dma_start3A_42 = arith.constant 0 : i32
        %dma_start3A_43 = tpu.memref_slice %arg8[%add3A_23, %dma_start3A_42] : memref<331776x16xf32, #tpu.memory_space<hbm>> -> memref<128x16xf32, #tpu.memory_space<hbm>>
        tpu.enqueue_dma source(%arg15 : memref<128x16xf32, #tpu.memory_space<vmem>>) target(%dma_start3A_43 : memref<128x16xf32, #tpu.memory_space<hbm>>) target_semaphore(%run_scoped3A : memref<!tpu.dma_semaphore, #tpu.memory_space<semaphore_mem>>)
        %dma_wait3A_44 = arith.constant 0 : i32
        %dma_wait3A_45 = tpu.memref_slice %arg8[%add3A_23, %dma_wait3A_44] : memref<331776x16xf32, #tpu.memory_space<hbm>> -> memref<128x16xf32, #tpu.memory_space<hbm>>
        %dma_wait3A_46 = arith.constant 0 : i32
        %dma_wait3A_47 = tpu.memref_slice %arg8[%add3A_23, %dma_wait3A_46] : memref<331776x16xf32, #tpu.memory_space<hbm>> -> memref<128x16xf32, #tpu.memory_space<hbm>>
        tpu.wait_dma2 semaphore(%run_scoped3A : memref<!tpu.dma_semaphore, #tpu.memory_space<semaphore_mem>>) src(%arg15 : memref<128x16xf32, #tpu.memory_space<vmem>>) dst(%dma_wait3A_47 : memref<128x16xf32, #tpu.memory_space<hbm>>)
        tpu.yield
      }) : () -> ()
      "tpu.region"() ({
        %run_scoped3A = tpu.sem_alloc : memref<!tpu.dma_semaphore, #tpu.memory_space<semaphore_mem>>
        %dma_start3A_40 = arith.constant 0 : i32
        %dma_start3A_41 = arith.constant 0 : i32
        %dma_start3A_42 = tpu.memref_slice %arg16[%dma_start3A_40, %dma_start3A_41] : memref<10240x16xf32, #tpu.memory_space<vmem_shared>> -> memref<10240x16xf32, #tpu.memory_space<vmem_shared>>
        tpu.enqueue_indirect_dma source(%arg15 : memref<128x16xf32, #tpu.memory_space<vmem>>) target(%dma_start3A_42 : memref<10240x16xf32, #tpu.memory_space<vmem_shared>>) offsets(%arg11 : memref<128xi32, #tpu.memory_space<vmem>>) semaphore(%run_scoped3A : memref<!tpu.dma_semaphore, #tpu.memory_space<semaphore_mem>>) {add = true}
        %dma_wait3A_43 = arith.constant 0 : i32
        %dma_wait3A_44 = arith.constant 0 : i32
        %dma_wait3A_45 = tpu.memref_slice %arg16[%dma_wait3A_43, %dma_wait3A_44] : memref<10240x16xf32, #tpu.memory_space<vmem_shared>> -> memref<10240x16xf32, #tpu.memory_space<vmem_shared>>
        tpu.wait_indirect_dma semaphore(%run_scoped3A : memref<!tpu.dma_semaphore, #tpu.memory_space<semaphore_mem>>) src(%arg15 : memref<128x16xf32, #tpu.memory_space<vmem>>) dst(%dma_wait3A_45 : memref<10240x16xf32, #tpu.memory_space<vmem_shared>>)
        tpu.yield
      }) : () -> ()
    }
    %scan3A_9 = arith.constant 81 : i32
    %barrier3A_10 = arith.constant 0 : index
    tpu.barrier barrier_id(%barrier3A_10)
    %mul3A_11 = arith.constant 640 : i32
    %mul3A_12 = arith.muli %arg1, %mul3A_11 : i32
    %mul3A_13 = arith.constant 10240 : i32
    %mul3A_14 = arith.muli %arg0, %mul3A_13 : i32
    %mul3A_15 = arith.constant 640 : i32
    %mul3A_16 = arith.muli %arg1, %mul3A_15 : i32
    %add3A_17 = arith.addi %mul3A_14, %mul3A_16 : i32
    "tpu.region"() ({
      %run_scoped3A = tpu.sem_alloc : memref<!tpu.dma_semaphore, #tpu.memory_space<semaphore_mem>>
      %dma_start3A = arith.constant 0 : i32
      %dma_start3A_18 = tpu.memref_slice %arg9[%add3A_17, %dma_start3A] : memref<20480x16xf32, #tpu.memory_space<hbm>> -> memref<640x16xf32, #tpu.memory_space<hbm>>
      %dma_start3A_19 = arith.constant 0 : i32
      %dma_start3A_20 = tpu.memref_slice %arg16[%mul3A_12, %dma_start3A_19] : memref<10240x16xf32, #tpu.memory_space<vmem_shared>> -> memref<640x16xf32, #tpu.memory_space<vmem_shared>>
      tpu.enqueue_dma source(%dma_start3A_20 : memref<640x16xf32, #tpu.memory_space<vmem_shared>>) target(%dma_start3A_18 : memref<640x16xf32, #tpu.memory_space<hbm>>) target_semaphore(%run_scoped3A : memref<!tpu.dma_semaphore, #tpu.memory_space<semaphore_mem>>)
      %dma_wait3A = arith.constant 0 : i32
      %dma_wait3A_21 = tpu.memref_slice %arg9[%add3A_17, %dma_wait3A] : memref<20480x16xf32, #tpu.memory_space<hbm>> -> memref<640x16xf32, #tpu.memory_space<hbm>>
      %dma_wait3A_22 = arith.constant 0 : i32
      %dma_wait3A_23 = tpu.memref_slice %arg16[%mul3A_12, %dma_wait3A_22] : memref<10240x16xf32, #tpu.memory_space<vmem_shared>> -> memref<640x16xf32, #tpu.memory_space<vmem_shared>>
      tpu.wait_dma2 semaphore(%run_scoped3A : memref<!tpu.dma_semaphore, #tpu.memory_space<semaphore_mem>>) src(%dma_wait3A_23 : memref<640x16xf32, #tpu.memory_space<vmem_shared>>) dst(%dma_wait3A_21 : memref<640x16xf32, #tpu.memory_space<hbm>>)
      tpu.yield
    }) : () -> ()
    return
  }
}

#map = affine_map<(d0, d1) -> (0, 0)>
#map1 = affine_map<(d0, d1) -> (0)>
module attributes {stable_mosaic.version = 14 : i64} {
  func.func @k2(%arg0: i32, %arg1: i32, %arg2: memref<80000x128xf32, #tpu.memory_space<hbm>>, %arg3: memref<331776xi32, #tpu.memory_space<hbm>>, %arg4: memref<331776xi32, #tpu.memory_space<hbm>>, %arg5: memref<331776x16xf32, #tpu.memory_space<hbm>>, %arg6: memref<10240x128xf32, #tpu.memory_space<hbm>>, %arg7: memref<163840x128xf32, #tpu.memory_space<hbm>>, %arg8: memref<128xi32, #tpu.memory_space<vmem>>, %arg9: memref<128xi32, #tpu.memory_space<vmem>>, %arg10: memref<128xi32, #tpu.memory_space<vmem>>, %arg11: memref<128x16xf32, #tpu.memory_space<vmem>>, %arg12: memref<128x128xf32, #tpu.memory_space<vmem>>, %arg13: memref<10240x128xf32, #tpu.memory_space<vmem_shared>>, %arg14: memref<!tpu.dma_semaphore, #tpu.memory_space<semaphore_mem>>) attributes {dimension_semantics = [#tpu.dimension_semantics<core_parallel>, #tpu.dimension_semantics<subcore_parallel>], iteration_bounds = array<i64: 2, 16>, scalar_prefetch = 0 : i64, scratch_operands = 7 : i64, tpu.core_type = #tpu.core_type<sc_vector_subcore>, window_params = [{transform_indices = #map}, {transform_indices = #map1}, {transform_indices = #map1}, {transform_indices = #map}, {transform_indices = #map}, {transform_indices = #map}]} {
    %mul3A = arith.constant 16 : i32
    %mul3A_0 = arith.muli %arg0, %mul3A : i32
    %add3A = arith.addi %mul3A_0, %arg1 : i32
    %scan3A = arith.constant 0 : i32
    %scan3A_1 = arith.constant 0 : i32
    %scan3A_2 = arith.constant 8 : i32
    %scan3A_3 = arith.addi %scan3A_1, %scan3A_2 : i32
    %scan3A_4 = arith.constant 1 : i32
    scf.for %scan3A_6 = %scan3A_1 to %scan3A_3 step %scan3A_4  : i32 {
      %mul3A_7 = arith.constant 640 : i32
      %mul3A_8 = arith.muli %arg1, %mul3A_7 : i32
      %mul3A_9 = arith.constant 640 : i32
      %mul3A_10 = arith.muli %arg1, %mul3A_9 : i32
      "tpu.region"() ({
        %run_scoped3A = tpu.sem_alloc : memref<!tpu.dma_semaphore, #tpu.memory_space<semaphore_mem>>
        %dma_start3A = arith.constant 0 : i32
        %dma_start3A_29 = tpu.memref_slice %arg13[%mul3A_10, %dma_start3A] : memref<10240x128xf32, #tpu.memory_space<vmem_shared>> -> memref<640x128xf32, #tpu.memory_space<vmem_shared>>
        %dma_start3A_30 = arith.constant 0 : i32
        %dma_start3A_31 = tpu.memref_slice %arg6[%mul3A_8, %dma_start3A_30] : memref<10240x128xf32, #tpu.memory_space<hbm>> -> memref<640x128xf32, #tpu.memory_space<hbm>>
        tpu.enqueue_dma source(%dma_start3A_31 : memref<640x128xf32, #tpu.memory_space<hbm>>) target(%dma_start3A_29 : memref<640x128xf32, #tpu.memory_space<vmem_shared>>) target_semaphore(%run_scoped3A : memref<!tpu.dma_semaphore, #tpu.memory_space<semaphore_mem>>)
        %dma_wait3A = arith.constant 0 : i32
        %dma_wait3A_32 = tpu.memref_slice %arg13[%mul3A_10, %dma_wait3A] : memref<10240x128xf32, #tpu.memory_space<vmem_shared>> -> memref<640x128xf32, #tpu.memory_space<vmem_shared>>
        %dma_wait3A_33 = arith.constant 0 : i32
        %dma_wait3A_34 = tpu.memref_slice %arg6[%mul3A_8, %dma_wait3A_33] : memref<10240x128xf32, #tpu.memory_space<hbm>> -> memref<640x128xf32, #tpu.memory_space<hbm>>
        tpu.wait_dma2 semaphore(%run_scoped3A : memref<!tpu.dma_semaphore, #tpu.memory_space<semaphore_mem>>) src(%dma_wait3A_34 : memref<640x128xf32, #tpu.memory_space<hbm>>) dst(%dma_wait3A_32 : memref<640x128xf32, #tpu.memory_space<vmem_shared>>)
        tpu.yield
      }) : () -> ()
      %barrier3A = arith.constant 0 : index
      tpu.barrier barrier_id(%barrier3A)
      %scan3A_11 = arith.constant 0 : i32
      %scan3A_12 = arith.constant 0 : i32
      %scan3A_13 = arith.constant 81 : i32
      %scan3A_14 = arith.addi %scan3A_12, %scan3A_13 : i32
      %scan3A_15 = arith.constant 1 : i32
      scf.for %scan3A_29 = %scan3A_12 to %scan3A_14 step %scan3A_15  : i32 {
        %mul3A_30 = arith.constant 10368 : i32
        %mul3A_31 = arith.muli %add3A, %mul3A_30 : i32
        %mul3A_32 = arith.constant 128 : i32
        %mul3A_33 = arith.muli %scan3A_29, %mul3A_32 : i32
        %add3A_34 = arith.addi %mul3A_31, %mul3A_33 : i32
        "tpu.region"() ({
          %run_scoped3A = tpu.sem_alloc : memref<!tpu.dma_semaphore, #tpu.memory_space<semaphore_mem>>
          %dma_start3A_51 = tpu.memref_slice %arg3[%add3A_34] : memref<331776xi32, #tpu.memory_space<hbm>> -> memref<128xi32, #tpu.memory_space<hbm>>
          %dma_start3A_52 = tpu.memref_slice %arg3[%add3A_34] : memref<331776xi32, #tpu.memory_space<hbm>> -> memref<128xi32, #tpu.memory_space<hbm>>
          tpu.enqueue_dma source(%dma_start3A_52 : memref<128xi32, #tpu.memory_space<hbm>>) target(%arg8 : memref<128xi32, #tpu.memory_space<vmem>>) target_semaphore(%run_scoped3A : memref<!tpu.dma_semaphore, #tpu.memory_space<semaphore_mem>>)
          %dma_wait3A_53 = tpu.memref_slice %arg3[%add3A_34] : memref<331776xi32, #tpu.memory_space<hbm>> -> memref<128xi32, #tpu.memory_space<hbm>>
          %dma_wait3A_54 = tpu.memref_slice %arg3[%add3A_34] : memref<331776xi32, #tpu.memory_space<hbm>> -> memref<128xi32, #tpu.memory_space<hbm>>
          tpu.wait_dma2 semaphore(%run_scoped3A : memref<!tpu.dma_semaphore, #tpu.memory_space<semaphore_mem>>) src(%dma_wait3A_54 : memref<128xi32, #tpu.memory_space<hbm>>) dst(%arg8 : memref<128xi32, #tpu.memory_space<vmem>>)
          tpu.yield
        }) : () -> ()
        "tpu.region"() ({
          %run_scoped3A = tpu.sem_alloc : memref<!tpu.dma_semaphore, #tpu.memory_space<semaphore_mem>>
          %dma_start3A_51 = tpu.memref_slice %arg4[%add3A_34] : memref<331776xi32, #tpu.memory_space<hbm>> -> memref<128xi32, #tpu.memory_space<hbm>>
          %dma_start3A_52 = tpu.memref_slice %arg4[%add3A_34] : memref<331776xi32, #tpu.memory_space<hbm>> -> memref<128xi32, #tpu.memory_space<hbm>>
          tpu.enqueue_dma source(%dma_start3A_52 : memref<128xi32, #tpu.memory_space<hbm>>) target(%arg9 : memref<128xi32, #tpu.memory_space<vmem>>) target_semaphore(%run_scoped3A : memref<!tpu.dma_semaphore, #tpu.memory_space<semaphore_mem>>)
          %dma_wait3A_53 = tpu.memref_slice %arg4[%add3A_34] : memref<331776xi32, #tpu.memory_space<hbm>> -> memref<128xi32, #tpu.memory_space<hbm>>
          %dma_wait3A_54 = tpu.memref_slice %arg4[%add3A_34] : memref<331776xi32, #tpu.memory_space<hbm>> -> memref<128xi32, #tpu.memory_space<hbm>>
          tpu.wait_dma2 semaphore(%run_scoped3A : memref<!tpu.dma_semaphore, #tpu.memory_space<semaphore_mem>>) src(%dma_wait3A_54 : memref<128xi32, #tpu.memory_space<hbm>>) dst(%arg9 : memref<128xi32, #tpu.memory_space<vmem>>)
          tpu.yield
        }) : () -> ()
        "tpu.region"() ({
          %run_scoped3A = tpu.sem_alloc : memref<!tpu.dma_semaphore, #tpu.memory_space<semaphore_mem>>
          %dma_start3A_51 = arith.constant 0 : i32
          %dma_start3A_52 = tpu.memref_slice %arg5[%add3A_34, %dma_start3A_51] : memref<331776x16xf32, #tpu.memory_space<hbm>> -> memref<128x16xf32, #tpu.memory_space<hbm>>
          %dma_start3A_53 = arith.constant 0 : i32
          %dma_start3A_54 = tpu.memref_slice %arg5[%add3A_34, %dma_start3A_53] : memref<331776x16xf32, #tpu.memory_space<hbm>> -> memref<128x16xf32, #tpu.memory_space<hbm>>
          tpu.enqueue_dma source(%dma_start3A_54 : memref<128x16xf32, #tpu.memory_space<hbm>>) target(%arg11 : memref<128x16xf32, #tpu.memory_space<vmem>>) target_semaphore(%run_scoped3A : memref<!tpu.dma_semaphore, #tpu.memory_space<semaphore_mem>>)
          %dma_wait3A_55 = arith.constant 0 : i32
          %dma_wait3A_56 = tpu.memref_slice %arg5[%add3A_34, %dma_wait3A_55] : memref<331776x16xf32, #tpu.memory_space<hbm>> -> memref<128x16xf32, #tpu.memory_space<hbm>>
          %dma_wait3A_57 = arith.constant 0 : i32
          %dma_wait3A_58 = tpu.memref_slice %arg5[%add3A_34, %dma_wait3A_57] : memref<331776x16xf32, #tpu.memory_space<hbm>> -> memref<128x16xf32, #tpu.memory_space<hbm>>
          tpu.wait_dma2 semaphore(%run_scoped3A : memref<!tpu.dma_semaphore, #tpu.memory_space<semaphore_mem>>) src(%dma_wait3A_58 : memref<128x16xf32, #tpu.memory_space<hbm>>) dst(%arg11 : memref<128x16xf32, #tpu.memory_space<vmem>>)
          tpu.yield
        }) : () -> ()
        %scan3A_35 = arith.constant 0 : i32
        %scan3A_36 = arith.constant 0 : i32
        %scan3A_37 = arith.constant 8 : i32
        %scan3A_38 = arith.addi %scan3A_36, %scan3A_37 : i32
        %scan3A_39 = arith.constant 4 : i32
        scf.for %scan3A_51 = %scan3A_36 to %scan3A_38 step %scan3A_39  : i32 {
          %mul3A_52 = arith.constant 16 : i32
          %mul3A_53 = arith.muli %scan3A_51, %mul3A_52 : i32
          %get3A = arith.index_cast %mul3A_53 : i32 to index
          %get3A_54 = tpu.vector_load %arg8[%get3A] {strides = array<i32>} : memref<128xi32, #tpu.memory_space<vmem>>, vector<16xi32>,
          %get3A_55 = vector.shape_cast %get3A_54 : vector<16xi32> to vector<16xi32>
          %mul3A_56 = arith.constant 8 : i32
          %mul3A_57 = vector.broadcast %mul3A_56 : i32 to vector<16xi32>
          %mul3A_58 = arith.muli %get3A_55, %mul3A_57 : vector<16xi32>
          %add3A_59 = vector.broadcast %scan3A_6 : i32 to vector<16xi32>
          %add3A_60 = arith.addi %mul3A_58, %add3A_59 : vector<16xi32>
          %mul3A_61 = arith.constant 16 : i32
          %mul3A_62 = arith.muli %scan3A_51, %mul3A_61 : i32
          %swap3A = arith.index_cast %mul3A_62 : i32 to index
          %swap3A_63 = tpu.vector_load %arg10[%swap3A] {strides = array<i32>} : memref<128xi32, #tpu.memory_space<vmem>>, vector<16xi32>,
          %swap3A_64 = vector.shape_cast %swap3A_63 : vector<16xi32> to vector<16xi32>
          %swap3A_65 = vector.shape_cast %add3A_60 : vector<16xi32> to vector<16xi32>
          tpu.vector_store %arg10[%swap3A], %swap3A_65 {strides = array<i32>} : memref<128xi32, #tpu.memory_space<vmem>>, vector<16xi32>,
          %scan3A_66 = arith.constant 1 : i32
          %scan3A_67 = arith.addi %scan3A_51, %scan3A_66 : i32
          %mul3A_68 = arith.constant 16 : i32
          %mul3A_69 = arith.muli %scan3A_67, %mul3A_68 : i32
          %get3A_70 = arith.index_cast %mul3A_69 : i32 to index
          %get3A_71 = tpu.vector_load %arg8[%get3A_70] {strides = array<i32>} : memref<128xi32, #tpu.memory_space<vmem>>, vector<16xi32>,
          %get3A_72 = vector.shape_cast %get3A_71 : vector<16xi32> to vector<16xi32>
          %mul3A_73 = arith.constant 8 : i32
          %mul3A_74 = vector.broadcast %mul3A_73 : i32 to vector<16xi32>
          %mul3A_75 = arith.muli %get3A_72, %mul3A_74 : vector<16xi32>
          %add3A_76 = vector.broadcast %scan3A_6 : i32 to vector<16xi32>
          %add3A_77 = arith.addi %mul3A_75, %add3A_76 : vector<16xi32>
          %mul3A_78 = arith.constant 16 : i32
          %mul3A_79 = arith.muli %scan3A_67, %mul3A_78 : i32
          %swap3A_80 = arith.index_cast %mul3A_79 : i32 to index
          %swap3A_81 = tpu.vector_load %arg10[%swap3A_80] {strides = array<i32>} : memref<128xi32, #tpu.memory_space<vmem>>, vector<16xi32>,
          %swap3A_82 = vector.shape_cast %swap3A_81 : vector<16xi32> to vector<16xi32>
          %swap3A_83 = vector.shape_cast %add3A_77 : vector<16xi32> to vector<16xi32>
          tpu.vector_store %arg10[%swap3A_80], %swap3A_83 {strides = array<i32>} : memref<128xi32, #tpu.memory_space<vmem>>, vector<16xi32>,
          %scan3A_84 = arith.constant 2 : i32
          %scan3A_85 = arith.addi %scan3A_51, %scan3A_84 : i32
          %mul3A_86 = arith.constant 16 : i32
          %mul3A_87 = arith.muli %scan3A_85, %mul3A_86 : i32
          %get3A_88 = arith.index_cast %mul3A_87 : i32 to index
          %get3A_89 = tpu.vector_load %arg8[%get3A_88] {strides = array<i32>} : memref<128xi32, #tpu.memory_space<vmem>>, vector<16xi32>,
          %get3A_90 = vector.shape_cast %get3A_89 : vector<16xi32> to vector<16xi32>
          %mul3A_91 = arith.constant 8 : i32
          %mul3A_92 = vector.broadcast %mul3A_91 : i32 to vector<16xi32>
          %mul3A_93 = arith.muli %get3A_90, %mul3A_92 : vector<16xi32>
          %add3A_94 = vector.broadcast %scan3A_6 : i32 to vector<16xi32>
          %add3A_95 = arith.addi %mul3A_93, %add3A_94 : vector<16xi32>
          %mul3A_96 = arith.constant 16 : i32
          %mul3A_97 = arith.muli %scan3A_85, %mul3A_96 : i32
          %swap3A_98 = arith.index_cast %mul3A_97 : i32 to index
          %swap3A_99 = tpu.vector_load %arg10[%swap3A_98] {strides = array<i32>} : memref<128xi32, #tpu.memory_space<vmem>>, vector<16xi32>,
          %swap3A_100 = vector.shape_cast %swap3A_99 : vector<16xi32> to vector<16xi32>
          %swap3A_101 = vector.shape_cast %add3A_95 : vector<16xi32> to vector<16xi32>
          tpu.vector_store %arg10[%swap3A_98], %swap3A_101 {strides = array<i32>} : memref<128xi32, #tpu.memory_space<vmem>>, vector<16xi32>,
          %scan3A_102 = arith.constant 3 : i32
          %scan3A_103 = arith.addi %scan3A_51, %scan3A_102 : i32
          %mul3A_104 = arith.constant 16 : i32
          %mul3A_105 = arith.muli %scan3A_103, %mul3A_104 : i32
          %get3A_106 = arith.index_cast %mul3A_105 : i32 to index
          %get3A_107 = tpu.vector_load %arg8[%get3A_106] {strides = array<i32>} : memref<128xi32, #tpu.memory_space<vmem>>, vector<16xi32>,
          %get3A_108 = vector.shape_cast %get3A_107 : vector<16xi32> to vector<16xi32>
          %mul3A_109 = arith.constant 8 : i32
          %mul3A_110 = vector.broadcast %mul3A_109 : i32 to vector<16xi32>
          %mul3A_111 = arith.muli %get3A_108, %mul3A_110 : vector<16xi32>
          %add3A_112 = vector.broadcast %scan3A_6 : i32 to vector<16xi32>
          %add3A_113 = arith.addi %mul3A_111, %add3A_112 : vector<16xi32>
          %mul3A_114 = arith.constant 16 : i32
          %mul3A_115 = arith.muli %scan3A_103, %mul3A_114 : i32
          %swap3A_116 = arith.index_cast %mul3A_115 : i32 to index
          %swap3A_117 = tpu.vector_load %arg10[%swap3A_116] {strides = array<i32>} : memref<128xi32, #tpu.memory_space<vmem>>, vector<16xi32>,
          %swap3A_118 = vector.shape_cast %swap3A_117 : vector<16xi32> to vector<16xi32>
          %swap3A_119 = vector.shape_cast %add3A_113 : vector<16xi32> to vector<16xi32>
          tpu.vector_store %arg10[%swap3A_116], %swap3A_119 {strides = array<i32>} : memref<128xi32, #tpu.memory_space<vmem>>, vector<16xi32>,
        }
        %scan3A_40 = arith.constant 8 : i32
        %dma_start3A = arith.constant 0 : i32
        %dma_start3A_41 = arith.constant 0 : i32
        %dma_start3A_42 = tpu.memref_slice %arg2[%dma_start3A, %dma_start3A_41] : memref<80000x128xf32, #tpu.memory_space<hbm>> -> memref<80000x128xf32, #tpu.memory_space<hbm>>
        tpu.enqueue_indirect_dma source(%dma_start3A_42 : memref<80000x128xf32, #tpu.memory_space<hbm>>) target(%arg12 : memref<128x128xf32, #tpu.memory_space<vmem>>) offsets(%arg10 : memref<128xi32, #tpu.memory_space<vmem>>) semaphore(%arg14 : memref<!tpu.dma_semaphore, #tpu.memory_space<semaphore_mem>>)
        %dma_wait3A = arith.constant 0 : i32
        %dma_wait3A_43 = arith.constant 0 : i32
        %dma_wait3A_44 = tpu.memref_slice %arg2[%dma_wait3A, %dma_wait3A_43] : memref<80000x128xf32, #tpu.memory_space<hbm>> -> memref<80000x128xf32, #tpu.memory_space<hbm>>
        tpu.wait_indirect_dma semaphore(%arg14 : memref<!tpu.dma_semaphore, #tpu.memory_space<semaphore_mem>>) src(%dma_wait3A_44 : memref<80000x128xf32, #tpu.memory_space<hbm>>) dst(%arg12 : memref<128x128xf32, #tpu.memory_space<vmem>>)
        %broadcast_in_dim3A = vector.broadcast %scan3A_6 : i32 to vector<16x1xi32>
        %scan3A_45 = arith.constant 0 : i32
        %scan3A_46 = arith.constant 0 : i32
        %scan3A_47 = arith.constant 128 : i32
        %scan3A_48 = arith.addi %scan3A_46, %scan3A_47 : i32
        %scan3A_49 = arith.constant 1 : i32
        scf.for %scan3A_51 = %scan3A_46 to %scan3A_48 step %scan3A_49  : i32 {
          %get3A = arith.index_cast %scan3A_51 : i32 to index
          %get3A_52 = arith.constant 0 : index
          %get3A_53 = tpu.vector_load %arg11[%get3A, %get3A_52] {strides = array<i32>} : memref<128x16xf32, #tpu.memory_space<vmem>>, vector<1x16xf32>,
          %get3A_54 = vector.shape_cast %get3A_53 : vector<1x16xf32> to vector<16xf32>
          %gather3A = vector.shape_cast %broadcast_in_dim3A : vector<16x1xi32> to vector<16xi32>
          %gather3A_55 = tpu.dynamic_gather %get3A_54[%gather3A] in [0] : vector<16xf32>, vector<16xi32> -> vector<16xf32>
          %scan3A_56 = arith.constant 0 : i32
          %scan3A_57 = arith.constant 0 : i32
          %mul3A_58 = arith.constant 16 : i32
          %mul3A_59 = arith.muli %scan3A_57, %mul3A_58 : i32
          %get3A_60 = arith.index_cast %scan3A_51 : i32 to index
          %get3A_61 = arith.index_cast %mul3A_59 : i32 to index
          %get3A_62 = tpu.vector_load %arg12[%get3A_60, %get3A_61] {strides = array<i32>} : memref<128x128xf32, #tpu.memory_space<vmem>>, vector<1x16xf32>,
          %get3A_63 = vector.shape_cast %get3A_62 : vector<1x16xf32> to vector<16xf32>
          %mul3A_64 = arith.mulf %get3A_63, %gather3A_55 : vector<16xf32>
          %swap3A = arith.index_cast %scan3A_51 : i32 to index
          %swap3A_65 = arith.index_cast %mul3A_59 : i32 to index
          %swap3A_66 = tpu.vector_load %arg12[%swap3A, %swap3A_65] {strides = array<i32>} : memref<128x128xf32, #tpu.memory_space<vmem>>, vector<1x16xf32>,
          %swap3A_67 = vector.shape_cast %swap3A_66 : vector<1x16xf32> to vector<16xf32>
          %swap3A_68 = vector.shape_cast %mul3A_64 : vector<16xf32> to vector<1x16xf32>
          tpu.vector_store %arg12[%swap3A, %swap3A_65], %swap3A_68 {strides = array<i32>} : memref<128x128xf32, #tpu.memory_space<vmem>>, vector<1x16xf32>,
          %scan3A_69 = arith.constant 1 : i32
          %mul3A_70 = arith.constant 16 : i32
          %mul3A_71 = arith.muli %scan3A_69, %mul3A_70 : i32
          %get3A_72 = arith.index_cast %scan3A_51 : i32 to index
          %get3A_73 = arith.index_cast %mul3A_71 : i32 to index
          %get3A_74 = tpu.vector_load %arg12[%get3A_72, %get3A_73] {strides = array<i32>} : memref<128x128xf32, #tpu.memory_space<vmem>>, vector<1x16xf32>,
          %get3A_75 = vector.shape_cast %get3A_74 : vector<1x16xf32> to vector<16xf32>
          %mul3A_76 = arith.mulf %get3A_75, %gather3A_55 : vector<16xf32>
          %swap3A_77 = arith.index_cast %scan3A_51 : i32 to index
          %swap3A_78 = arith.index_cast %mul3A_71 : i32 to index
          %swap3A_79 = tpu.vector_load %arg12[%swap3A_77, %swap3A_78] {strides = array<i32>} : memref<128x128xf32, #tpu.memory_space<vmem>>, vector<1x16xf32>,
          %swap3A_80 = vector.shape_cast %swap3A_79 : vector<1x16xf32> to vector<16xf32>
          %swap3A_81 = vector.shape_cast %mul3A_76 : vector<16xf32> to vector<1x16xf32>
          tpu.vector_store %arg12[%swap3A_77, %swap3A_78], %swap3A_81 {strides = array<i32>} : memref<128x128xf32, #tpu.memory_space<vmem>>, vector<1x16xf32>,
          %scan3A_82 = arith.constant 2 : i32
          %mul3A_83 = arith.constant 16 : i32
          %mul3A_84 = arith.muli %scan3A_82, %mul3A_83 : i32
          %get3A_85 = arith.index_cast %scan3A_51 : i32 to index
          %get3A_86 = arith.index_cast %mul3A_84 : i32 to index
          %get3A_87 = tpu.vector_load %arg12[%get3A_85, %get3A_86] {strides = array<i32>} : memref<128x128xf32, #tpu.memory_space<vmem>>, vector<1x16xf32>,
          %get3A_88 = vector.shape_cast %get3A_87 : vector<1x16xf32> to vector<16xf32>
          %mul3A_89 = arith.mulf %get3A_88, %gather3A_55 : vector<16xf32>
          %swap3A_90 = arith.index_cast %scan3A_51 : i32 to index
          %swap3A_91 = arith.index_cast %mul3A_84 : i32 to index
          %swap3A_92 = tpu.vector_load %arg12[%swap3A_90, %swap3A_91] {strides = array<i32>} : memref<128x128xf32, #tpu.memory_space<vmem>>, vector<1x16xf32>,
          %swap3A_93 = vector.shape_cast %swap3A_92 : vector<1x16xf32> to vector<16xf32>
          %swap3A_94 = vector.shape_cast %mul3A_89 : vector<16xf32> to vector<1x16xf32>
          tpu.vector_store %arg12[%swap3A_90, %swap3A_91], %swap3A_94 {strides = array<i32>} : memref<128x128xf32, #tpu.memory_space<vmem>>, vector<1x16xf32>,
          %scan3A_95 = arith.constant 3 : i32
          %mul3A_96 = arith.constant 16 : i32
          %mul3A_97 = arith.muli %scan3A_95, %mul3A_96 : i32
          %get3A_98 = arith.index_cast %scan3A_51 : i32 to index
          %get3A_99 = arith.index_cast %mul3A_97 : i32 to index
          %get3A_100 = tpu.vector_load %arg12[%get3A_98, %get3A_99] {strides = array<i32>} : memref<128x128xf32, #tpu.memory_space<vmem>>, vector<1x16xf32>,
          %get3A_101 = vector.shape_cast %get3A_100 : vector<1x16xf32> to vector<16xf32>
          %mul3A_102 = arith.mulf %get3A_101, %gather3A_55 : vector<16xf32>
          %swap3A_103 = arith.index_cast %scan3A_51 : i32 to index
          %swap3A_104 = arith.index_cast %mul3A_97 : i32 to index
          %swap3A_105 = tpu.vector_load %arg12[%swap3A_103, %swap3A_104] {strides = array<i32>} : memref<128x128xf32, #tpu.memory_space<vmem>>, vector<1x16xf32>,
          %swap3A_106 = vector.shape_cast %swap3A_105 : vector<1x16xf32> to vector<16xf32>
          %swap3A_107 = vector.shape_cast %mul3A_102 : vector<16xf32> to vector<1x16xf32>
          tpu.vector_store %arg12[%swap3A_103, %swap3A_104], %swap3A_107 {strides = array<i32>} : memref<128x128xf32, #tpu.memory_space<vmem>>, vector<1x16xf32>,
          %scan3A_108 = arith.constant 4 : i32
          %mul3A_109 = arith.constant 16 : i32
          %mul3A_110 = arith.muli %scan3A_108, %mul3A_109 : i32
          %get3A_111 = arith.index_cast %scan3A_51 : i32 to index
          %get3A_112 = arith.index_cast %mul3A_110 : i32 to index
          %get3A_113 = tpu.vector_load %arg12[%get3A_111, %get3A_112] {strides = array<i32>} : memref<128x128xf32, #tpu.memory_space<vmem>>, vector<1x16xf32>,
          %get3A_114 = vector.shape_cast %get3A_113 : vector<1x16xf32> to vector<16xf32>
          %mul3A_115 = arith.mulf %get3A_114, %gather3A_55 : vector<16xf32>
          %swap3A_116 = arith.index_cast %scan3A_51 : i32 to index
          %swap3A_117 = arith.index_cast %mul3A_110 : i32 to index
          %swap3A_118 = tpu.vector_load %arg12[%swap3A_116, %swap3A_117] {strides = array<i32>} : memref<128x128xf32, #tpu.memory_space<vmem>>, vector<1x16xf32>,
          %swap3A_119 = vector.shape_cast %swap3A_118 : vector<1x16xf32> to vector<16xf32>
          %swap3A_120 = vector.shape_cast %mul3A_115 : vector<16xf32> to vector<1x16xf32>
          tpu.vector_store %arg12[%swap3A_116, %swap3A_117], %swap3A_120 {strides = array<i32>} : memref<128x128xf32, #tpu.memory_space<vmem>>, vector<1x16xf32>,
          %scan3A_121 = arith.constant 5 : i32
          %mul3A_122 = arith.constant 16 : i32
          %mul3A_123 = arith.muli %scan3A_121, %mul3A_122 : i32
          %get3A_124 = arith.index_cast %scan3A_51 : i32 to index
          %get3A_125 = arith.index_cast %mul3A_123 : i32 to index
          %get3A_126 = tpu.vector_load %arg12[%get3A_124, %get3A_125] {strides = array<i32>} : memref<128x128xf32, #tpu.memory_space<vmem>>, vector<1x16xf32>,
          %get3A_127 = vector.shape_cast %get3A_126 : vector<1x16xf32> to vector<16xf32>
          %mul3A_128 = arith.mulf %get3A_127, %gather3A_55 : vector<16xf32>
          %swap3A_129 = arith.index_cast %scan3A_51 : i32 to index
          %swap3A_130 = arith.index_cast %mul3A_123 : i32 to index
          %swap3A_131 = tpu.vector_load %arg12[%swap3A_129, %swap3A_130] {strides = array<i32>} : memref<128x128xf32, #tpu.memory_space<vmem>>, vector<1x16xf32>,
          %swap3A_132 = vector.shape_cast %swap3A_131 : vector<1x16xf32> to vector<16xf32>
          %swap3A_133 = vector.shape_cast %mul3A_128 : vector<16xf32> to vector<1x16xf32>
          tpu.vector_store %arg12[%swap3A_129, %swap3A_130], %swap3A_133 {strides = array<i32>} : memref<128x128xf32, #tpu.memory_space<vmem>>, vector<1x16xf32>,
          %scan3A_134 = arith.constant 6 : i32
          %mul3A_135 = arith.constant 16 : i32
          %mul3A_136 = arith.muli %scan3A_134, %mul3A_135 : i32
          %get3A_137 = arith.index_cast %scan3A_51 : i32 to index
          %get3A_138 = arith.index_cast %mul3A_136 : i32 to index
          %get3A_139 = tpu.vector_load %arg12[%get3A_137, %get3A_138] {strides = array<i32>} : memref<128x128xf32, #tpu.memory_space<vmem>>, vector<1x16xf32>,
          %get3A_140 = vector.shape_cast %get3A_139 : vector<1x16xf32> to vector<16xf32>
          %mul3A_141 = arith.mulf %get3A_140, %gather3A_55 : vector<16xf32>
          %swap3A_142 = arith.index_cast %scan3A_51 : i32 to index
          %swap3A_143 = arith.index_cast %mul3A_136 : i32 to index
          %swap3A_144 = tpu.vector_load %arg12[%swap3A_142, %swap3A_143] {strides = array<i32>} : memref<128x128xf32, #tpu.memory_space<vmem>>, vector<1x16xf32>,
          %swap3A_145 = vector.shape_cast %swap3A_144 : vector<1x16xf32> to vector<16xf32>
          %swap3A_146 = vector.shape_cast %mul3A_141 : vector<16xf32> to vector<1x16xf32>
          tpu.vector_store %arg12[%swap3A_142, %swap3A_143], %swap3A_146 {strides = array<i32>} : memref<128x128xf32, #tpu.memory_space<vmem>>, vector<1x16xf32>,
          %scan3A_147 = arith.constant 7 : i32
          %mul3A_148 = arith.constant 16 : i32
          %mul3A_149 = arith.muli %scan3A_147, %mul3A_148 : i32
          %get3A_150 = arith.index_cast %scan3A_51 : i32 to index
          %get3A_151 = arith.index_cast %mul3A_149 : i32 to index
          %get3A_152 = tpu.vector_load %arg12[%get3A_150, %get3A_151] {strides = array<i32>} : memref<128x128xf32, #tpu.memory_space<vmem>>, vector<1x16xf32>,
          %get3A_153 = vector.shape_cast %get3A_152 : vector<1x16xf32> to vector<16xf32>
          %mul3A_154 = arith.mulf %get3A_153, %gather3A_55 : vector<16xf32>
          %swap3A_155 = arith.index_cast %scan3A_51 : i32 to index
          %swap3A_156 = arith.index_cast %mul3A_149 : i32 to index
          %swap3A_157 = tpu.vector_load %arg12[%swap3A_155, %swap3A_156] {strides = array<i32>} : memref<128x128xf32, #tpu.memory_space<vmem>>, vector<1x16xf32>,
          %swap3A_158 = vector.shape_cast %swap3A_157 : vector<1x16xf32> to vector<16xf32>
          %swap3A_159 = vector.shape_cast %mul3A_154 : vector<16xf32> to vector<1x16xf32>
          tpu.vector_store %arg12[%swap3A_155, %swap3A_156], %swap3A_159 {strides = array<i32>} : memref<128x128xf32, #tpu.memory_space<vmem>>, vector<1x16xf32>,
          %scan3A_160 = arith.constant 8 : i32
        }
        %scan3A_50 = arith.constant 128 : i32
        "tpu.region"() ({
          %run_scoped3A = tpu.sem_alloc : memref<!tpu.dma_semaphore, #tpu.memory_space<semaphore_mem>>
          %dma_start3A_51 = arith.constant 0 : i32
          %dma_start3A_52 = arith.constant 0 : i32
          %dma_start3A_53 = tpu.memref_slice %arg13[%dma_start3A_51, %dma_start3A_52] : memref<10240x128xf32, #tpu.memory_space<vmem_shared>> -> memref<10240x128xf32, #tpu.memory_space<vmem_shared>>
          tpu.enqueue_indirect_dma source(%arg12 : memref<128x128xf32, #tpu.memory_space<vmem>>) target(%dma_start3A_53 : memref<10240x128xf32, #tpu.memory_space<vmem_shared>>) offsets(%arg9 : memref<128xi32, #tpu.memory_space<vmem>>) semaphore(%run_scoped3A : memref<!tpu.dma_semaphore, #tpu.memory_space<semaphore_mem>>) {add = true}
          %dma_wait3A_54 = arith.constant 0 : i32
          %dma_wait3A_55 = arith.constant 0 : i32
          %dma_wait3A_56 = tpu.memref_slice %arg13[%dma_wait3A_54, %dma_wait3A_55] : memref<10240x128xf32, #tpu.memory_space<vmem_shared>> -> memref<10240x128xf32, #tpu.memory_space<vmem_shared>>
          tpu.wait_indirect_dma semaphore(%run_scoped3A : memref<!tpu.dma_semaphore, #tpu.memory_space<semaphore_mem>>) src(%arg12 : memref<128x128xf32, #tpu.memory_space<vmem>>) dst(%dma_wait3A_56 : memref<10240x128xf32, #tpu.memory_space<vmem_shared>>)
          tpu.yield
        }) : () -> ()
      }
      %scan3A_16 = arith.constant 81 : i32
      %barrier3A_17 = arith.constant 0 : index
      tpu.barrier barrier_id(%barrier3A_17)
      %mul3A_18 = arith.constant 640 : i32
      %mul3A_19 = arith.muli %arg1, %mul3A_18 : i32
      %mul3A_20 = arith.constant 8 : i32
      %mul3A_21 = arith.muli %arg0, %mul3A_20 : i32
      %add3A_22 = arith.addi %mul3A_21, %scan3A_6 : i32
      %mul3A_23 = arith.constant 10240 : i32
      %mul3A_24 = arith.muli %add3A_22, %mul3A_23 : i32
      %mul3A_25 = arith.constant 640 : i32
      %mul3A_26 = arith.muli %arg1, %mul3A_25 : i32
      %add3A_27 = arith.addi %mul3A_24, %mul3A_26 : i32
      "tpu.region"() ({
        %run_scoped3A = tpu.sem_alloc : memref<!tpu.dma_semaphore, #tpu.memory_space<semaphore_mem>>
        %dma_start3A = arith.constant 0 : i32
        %dma_start3A_29 = tpu.memref_slice %arg7[%add3A_27, %dma_start3A] : memref<163840x128xf32, #tpu.memory_space<hbm>> -> memref<640x128xf32, #tpu.memory_space<hbm>>
        %dma_start3A_30 = arith.constant 0 : i32
        %dma_start3A_31 = tpu.memref_slice %arg13[%mul3A_19, %dma_start3A_30] : memref<10240x128xf32, #tpu.memory_space<vmem_shared>> -> memref<640x128xf32, #tpu.memory_space<vmem_shared>>
        tpu.enqueue_dma source(%dma_start3A_31 : memref<640x128xf32, #tpu.memory_space<vmem_shared>>) target(%dma_start3A_29 : memref<640x128xf32, #tpu.memory_space<hbm>>) target_semaphore(%run_scoped3A : memref<!tpu.dma_semaphore, #tpu.memory_space<semaphore_mem>>)
        %dma_wait3A = arith.constant 0 : i32
        %dma_wait3A_32 = tpu.memref_slice %arg7[%add3A_27, %dma_wait3A] : memref<163840x128xf32, #tpu.memory_space<hbm>> -> memref<640x128xf32, #tpu.memory_space<hbm>>
        %dma_wait3A_33 = arith.constant 0 : i32
        %dma_wait3A_34 = tpu.memref_slice %arg13[%mul3A_19, %dma_wait3A_33] : memref<10240x128xf32, #tpu.memory_space<vmem_shared>> -> memref<640x128xf32, #tpu.memory_space<vmem_shared>>
        tpu.wait_dma2 semaphore(%run_scoped3A : memref<!tpu.dma_semaphore, #tpu.memory_space<semaphore_mem>>) src(%dma_wait3A_34 : memref<640x128xf32, #tpu.memory_space<vmem_shared>>) dst(%dma_wait3A_32 : memref<640x128xf32, #tpu.memory_space<hbm>>)
        tpu.yield
      }) : () -> ()
      %barrier3A_28 = arith.constant 0 : index
      tpu.barrier barrier_id(%barrier3A_28)
    }
    %scan3A_5 = arith.constant 8 : i32
    return
  }
}

#map = affine_map<(d0, d1) -> (0, 0)>
#map1 = affine_map<(d0, d1) -> (0)>
module attributes {stable_mosaic.version = 14 : i64} {
  func.func @k1(%arg0: i32, %arg1: i32, %arg2: memref<10000x16xf32, #tpu.memory_space<hbm>>, %arg3: memref<10000x16xf32, #tpu.memory_space<hbm>>, %arg4: memref<331776x16xf32, #tpu.memory_space<hbm>>, %arg5: memref<331776xi32, #tpu.memory_space<hbm>>, %arg6: memref<331776xi32, #tpu.memory_space<hbm>>, %arg7: memref<10240x16xf32, #tpu.memory_space<hbm>>, %arg8: memref<331776x16xf32, #tpu.memory_space<hbm>>, %arg9: memref<20480x16xf32, #tpu.memory_space<hbm>>, %arg10: memref<128xi32, #tpu.memory_space<vmem>>, %arg11: memref<128xi32, #tpu.memory_space<vmem>>, %arg12: memref<128x16xf32, #tpu.memory_space<vmem>>, %arg13: memref<128x16xf32, #tpu.memory_space<vmem>>, %arg14: memref<128x16xf32, #tpu.memory_space<vmem>>, %arg15: memref<128x16xf32, #tpu.memory_space<vmem>>, %arg16: memref<10240x16xf32, #tpu.memory_space<vmem_shared>>, %arg17: memref<!tpu.dma_semaphore, #tpu.memory_space<semaphore_mem>>, %arg18: memref<!tpu.dma_semaphore, #tpu.memory_space<semaphore_mem>>) attributes {dimension_semantics = [#tpu.dimension_semantics<core_parallel>, #tpu.dimension_semantics<subcore_parallel>], iteration_bounds = array<i64: 2, 16>, scalar_prefetch = 0 : i64, scratch_operands = 9 : i64, tpu.core_type = #tpu.core_type<sc_vector_subcore>, window_params = [{transform_indices = #map}, {transform_indices = #map}, {transform_indices = #map}, {transform_indices = #map1}, {transform_indices = #map1}, {transform_indices = #map}, {transform_indices = #map}, {transform_indices = #map}]} {
    %mul3A = arith.constant 16 : i32
    %mul3A_0 = arith.muli %arg0, %mul3A : i32
    %add3A = arith.addi %mul3A_0, %arg1 : i32
    %mul3A_1 = arith.constant 640 : i32
    %mul3A_2 = arith.muli %arg1, %mul3A_1 : i32
    %mul3A_3 = arith.constant 640 : i32
    %mul3A_4 = arith.muli %arg1, %mul3A_3 : i32
    "tpu.region"() ({
      %run_scoped3A = tpu.sem_alloc : memref<!tpu.dma_semaphore, #tpu.memory_space<semaphore_mem>>
      %dma_start3A = arith.constant 0 : i32
      %dma_start3A_18 = tpu.memref_slice %arg16[%mul3A_4, %dma_start3A] : memref<10240x16xf32, #tpu.memory_space<vmem_shared>> -> memref<640x16xf32, #tpu.memory_space<vmem_shared>>
      %dma_start3A_19 = arith.constant 0 : i32
      %dma_start3A_20 = tpu.memref_slice %arg7[%mul3A_2, %dma_start3A_19] : memref<10240x16xf32, #tpu.memory_space<hbm>> -> memref<640x16xf32, #tpu.memory_space<hbm>>
      tpu.enqueue_dma source(%dma_start3A_20 : memref<640x16xf32, #tpu.memory_space<hbm>>) target(%dma_start3A_18 : memref<640x16xf32, #tpu.memory_space<vmem_shared>>) target_semaphore(%run_scoped3A : memref<!tpu.dma_semaphore, #tpu.memory_space<semaphore_mem>>)
      %dma_wait3A = arith.constant 0 : i32
      %dma_wait3A_21 = tpu.memref_slice %arg16[%mul3A_4, %dma_wait3A] : memref<10240x16xf32, #tpu.memory_space<vmem_shared>> -> memref<640x16xf32, #tpu.memory_space<vmem_shared>>
      %dma_wait3A_22 = arith.constant 0 : i32
      %dma_wait3A_23 = tpu.memref_slice %arg7[%mul3A_2, %dma_wait3A_22] : memref<10240x16xf32, #tpu.memory_space<hbm>> -> memref<640x16xf32, #tpu.memory_space<hbm>>
      tpu.wait_dma2 semaphore(%run_scoped3A : memref<!tpu.dma_semaphore, #tpu.memory_space<semaphore_mem>>) src(%dma_wait3A_23 : memref<640x16xf32, #tpu.memory_space<hbm>>) dst(%dma_wait3A_21 : memref<640x16xf32, #tpu.memory_space<vmem_shared>>)
      tpu.yield
    }) : () -> ()
    %barrier3A = arith.constant 0 : index
    tpu.barrier barrier_id(%barrier3A)
    %scan3A = arith.constant 0 : i32
    %scan3A_5 = arith.constant 0 : i32
    %scan3A_6 = arith.constant 81 : i32
    %scan3A_7 = arith.addi %scan3A_5, %scan3A_6 : i32
    %scan3A_8 = arith.constant 1 : i32
    scf.for %scan3A_18 = %scan3A_5 to %scan3A_7 step %scan3A_8  : i32 {
      %mul3A_19 = arith.constant 10368 : i32
      %mul3A_20 = arith.muli %add3A, %mul3A_19 : i32
      %mul3A_21 = arith.constant 128 : i32
      %mul3A_22 = arith.muli %scan3A_18, %mul3A_21 : i32
      %add3A_23 = arith.addi %mul3A_20, %mul3A_22 : i32
      "tpu.region"() ({
        %run_scoped3A = tpu.sem_alloc : memref<!tpu.dma_semaphore, #tpu.memory_space<semaphore_mem>>
        %dma_start3A_40 = tpu.memref_slice %arg5[%add3A_23] : memref<331776xi32, #tpu.memory_space<hbm>> -> memref<128xi32, #tpu.memory_space<hbm>>
        %dma_start3A_41 = tpu.memref_slice %arg5[%add3A_23] : memref<331776xi32, #tpu.memory_space<hbm>> -> memref<128xi32, #tpu.memory_space<hbm>>
        tpu.enqueue_dma source(%dma_start3A_41 : memref<128xi32, #tpu.memory_space<hbm>>) target(%arg10 : memref<128xi32, #tpu.memory_space<vmem>>) target_semaphore(%run_scoped3A : memref<!tpu.dma_semaphore, #tpu.memory_space<semaphore_mem>>)
        %dma_wait3A_42 = tpu.memref_slice %arg5[%add3A_23] : memref<331776xi32, #tpu.memory_space<hbm>> -> memref<128xi32, #tpu.memory_space<hbm>>
        %dma_wait3A_43 = tpu.memref_slice %arg5[%add3A_23] : memref<331776xi32, #tpu.memory_space<hbm>> -> memref<128xi32, #tpu.memory_space<hbm>>
        tpu.wait_dma2 semaphore(%run_scoped3A : memref<!tpu.dma_semaphore, #tpu.memory_space<semaphore_mem>>) src(%dma_wait3A_43 : memref<128xi32, #tpu.memory_space<hbm>>) dst(%arg10 : memref<128xi32, #tpu.memory_space<vmem>>)
        tpu.yield
      }) : () -> ()
      "tpu.region"() ({
        %run_scoped3A = tpu.sem_alloc : memref<!tpu.dma_semaphore, #tpu.memory_space<semaphore_mem>>
        %dma_start3A_40 = tpu.memref_slice %arg6[%add3A_23] : memref<331776xi32, #tpu.memory_space<hbm>> -> memref<128xi32, #tpu.memory_space<hbm>>
        %dma_start3A_41 = tpu.memref_slice %arg6[%add3A_23] : memref<331776xi32, #tpu.memory_space<hbm>> -> memref<128xi32, #tpu.memory_space<hbm>>
        tpu.enqueue_dma source(%dma_start3A_41 : memref<128xi32, #tpu.memory_space<hbm>>) target(%arg11 : memref<128xi32, #tpu.memory_space<vmem>>) target_semaphore(%run_scoped3A : memref<!tpu.dma_semaphore, #tpu.memory_space<semaphore_mem>>)
        %dma_wait3A_42 = tpu.memref_slice %arg6[%add3A_23] : memref<331776xi32, #tpu.memory_space<hbm>> -> memref<128xi32, #tpu.memory_space<hbm>>
        %dma_wait3A_43 = tpu.memref_slice %arg6[%add3A_23] : memref<331776xi32, #tpu.memory_space<hbm>> -> memref<128xi32, #tpu.memory_space<hbm>>
        tpu.wait_dma2 semaphore(%run_scoped3A : memref<!tpu.dma_semaphore, #tpu.memory_space<semaphore_mem>>) src(%dma_wait3A_43 : memref<128xi32, #tpu.memory_space<hbm>>) dst(%arg11 : memref<128xi32, #tpu.memory_space<vmem>>)
        tpu.yield
      }) : () -> ()
      %dma_start3A = arith.constant 0 : i32
      %dma_start3A_24 = arith.constant 0 : i32
      %dma_start3A_25 = tpu.memref_slice %arg2[%dma_start3A, %dma_start3A_24] : memref<10000x16xf32, #tpu.memory_space<hbm>> -> memref<10000x16xf32, #tpu.memory_space<hbm>>
      tpu.enqueue_indirect_dma source(%dma_start3A_25 : memref<10000x16xf32, #tpu.memory_space<hbm>>) target(%arg12 : memref<128x16xf32, #tpu.memory_space<vmem>>) offsets(%arg10 : memref<128xi32, #tpu.memory_space<vmem>>) semaphore(%arg17 : memref<!tpu.dma_semaphore, #tpu.memory_space<semaphore_mem>>)
      %dma_start3A_26 = arith.constant 0 : i32
      %dma_start3A_27 = arith.constant 0 : i32
      %dma_start3A_28 = tpu.memref_slice %arg3[%dma_start3A_26, %dma_start3A_27] : memref<10000x16xf32, #tpu.memory_space<hbm>> -> memref<10000x16xf32, #tpu.memory_space<hbm>>
      tpu.enqueue_indirect_dma source(%dma_start3A_28 : memref<10000x16xf32, #tpu.memory_space<hbm>>) target(%arg13 : memref<128x16xf32, #tpu.memory_space<vmem>>) offsets(%arg11 : memref<128xi32, #tpu.memory_space<vmem>>) semaphore(%arg18 : memref<!tpu.dma_semaphore, #tpu.memory_space<semaphore_mem>>)
      "tpu.region"() ({
        %run_scoped3A = tpu.sem_alloc : memref<!tpu.dma_semaphore, #tpu.memory_space<semaphore_mem>>
        %dma_start3A_40 = arith.constant 0 : i32
        %dma_start3A_41 = tpu.memref_slice %arg4[%add3A_23, %dma_start3A_40] : memref<331776x16xf32, #tpu.memory_space<hbm>> -> memref<128x16xf32, #tpu.memory_space<hbm>>
        %dma_start3A_42 = arith.constant 0 : i32
        %dma_start3A_43 = tpu.memref_slice %arg4[%add3A_23, %dma_start3A_42] : memref<331776x16xf32, #tpu.memory_space<hbm>> -> memref<128x16xf32, #tpu.memory_space<hbm>>
        tpu.enqueue_dma source(%dma_start3A_43 : memref<128x16xf32, #tpu.memory_space<hbm>>) target(%arg14 : memref<128x16xf32, #tpu.memory_space<vmem>>) target_semaphore(%run_scoped3A : memref<!tpu.dma_semaphore, #tpu.memory_space<semaphore_mem>>)
        %dma_wait3A_44 = arith.constant 0 : i32
        %dma_wait3A_45 = tpu.memref_slice %arg4[%add3A_23, %dma_wait3A_44] : memref<331776x16xf32, #tpu.memory_space<hbm>> -> memref<128x16xf32, #tpu.memory_space<hbm>>
        %dma_wait3A_46 = arith.constant 0 : i32
        %dma_wait3A_47 = tpu.memref_slice %arg4[%add3A_23, %dma_wait3A_46] : memref<331776x16xf32, #tpu.memory_space<hbm>> -> memref<128x16xf32, #tpu.memory_space<hbm>>
        tpu.wait_dma2 semaphore(%run_scoped3A : memref<!tpu.dma_semaphore, #tpu.memory_space<semaphore_mem>>) src(%dma_wait3A_47 : memref<128x16xf32, #tpu.memory_space<hbm>>) dst(%arg14 : memref<128x16xf32, #tpu.memory_space<vmem>>)
        tpu.yield
      }) : () -> ()
      %dma_wait3A = arith.constant 0 : i32
      %dma_wait3A_29 = arith.constant 0 : i32
      %dma_wait3A_30 = tpu.memref_slice %arg2[%dma_wait3A, %dma_wait3A_29] : memref<10000x16xf32, #tpu.memory_space<hbm>> -> memref<10000x16xf32, #tpu.memory_space<hbm>>
      tpu.wait_indirect_dma semaphore(%arg17 : memref<!tpu.dma_semaphore, #tpu.memory_space<semaphore_mem>>) src(%dma_wait3A_30 : memref<10000x16xf32, #tpu.memory_space<hbm>>) dst(%arg12 : memref<128x16xf32, #tpu.memory_space<vmem>>)
      %dma_wait3A_31 = arith.constant 0 : i32
      %dma_wait3A_32 = arith.constant 0 : i32
      %dma_wait3A_33 = tpu.memref_slice %arg3[%dma_wait3A_31, %dma_wait3A_32] : memref<10000x16xf32, #tpu.memory_space<hbm>> -> memref<10000x16xf32, #tpu.memory_space<hbm>>
      tpu.wait_indirect_dma semaphore(%arg18 : memref<!tpu.dma_semaphore, #tpu.memory_space<semaphore_mem>>) src(%dma_wait3A_33 : memref<10000x16xf32, #tpu.memory_space<hbm>>) dst(%arg13 : memref<128x16xf32, #tpu.memory_space<vmem>>)
      %scan3A_34 = arith.constant 0 : i32
      %scan3A_35 = arith.constant 0 : i32
      %scan3A_36 = arith.constant 128 : i32
      %scan3A_37 = arith.addi %scan3A_35, %scan3A_36 : i32
      %scan3A_38 = arith.constant 4 : i32
      scf.for %scan3A_40 = %scan3A_35 to %scan3A_37 step %scan3A_38  : i32 {
        %get3A = arith.index_cast %scan3A_40 : i32 to index
        %get3A_41 = arith.constant 0 : index
        %get3A_42 = tpu.vector_load %arg12[%get3A, %get3A_41] {strides = array<i32>} : memref<128x16xf32, #tpu.memory_space<vmem>>, vector<1x16xf32>,
        %get3A_43 = vector.shape_cast %get3A_42 : vector<1x16xf32> to vector<16xf32>
        %get3A_44 = arith.index_cast %scan3A_40 : i32 to index
        %get3A_45 = arith.constant 0 : index
        %get3A_46 = tpu.vector_load %arg13[%get3A_44, %get3A_45] {strides = array<i32>} : memref<128x16xf32, #tpu.memory_space<vmem>>, vector<1x16xf32>,
        %get3A_47 = vector.shape_cast %get3A_46 : vector<1x16xf32> to vector<16xf32>
        %add3A_48 = arith.addf %get3A_43, %get3A_47 : vector<16xf32>
        %get3A_49 = arith.index_cast %scan3A_40 : i32 to index
        %get3A_50 = arith.constant 0 : index
        %get3A_51 = tpu.vector_load %arg14[%get3A_49, %get3A_50] {strides = array<i32>} : memref<128x16xf32, #tpu.memory_space<vmem>>, vector<1x16xf32>,
        %get3A_52 = vector.shape_cast %get3A_51 : vector<1x16xf32> to vector<16xf32>
        %add3A_53 = arith.addf %add3A_48, %get3A_52 : vector<16xf32>
        %ge3A = arith.constant 0.000000e+00 : f32
        %ge3A_54 = vector.broadcast %ge3A : f32 to vector<16xf32>
        %ge3A_55 = arith.cmpf oge, %add3A_53, %ge3A_54 : vector<16xf32>
        %mul3A_56 = arith.constant 2.000000e-01 : f32
        %mul3A_57 = vector.broadcast %mul3A_56 : f32 to vector<16xf32>
        %mul3A_58 = arith.mulf %mul3A_57, %add3A_53 : vector<16xf32>
        %select_n3A = arith.select %ge3A_55, %add3A_53, %mul3A_58 : vector<16xi1>, vector<16xf32>
        %exp3A = math.exp %select_n3A : vector<16xf32>
        %swap3A = arith.index_cast %scan3A_40 : i32 to index
        %swap3A_59 = arith.constant 0 : index
        %swap3A_60 = tpu.vector_load %arg15[%swap3A, %swap3A_59] {strides = array<i32>} : memref<128x16xf32, #tpu.memory_space<vmem>>, vector<1x16xf32>,
        %swap3A_61 = vector.shape_cast %swap3A_60 : vector<1x16xf32> to vector<16xf32>
        %swap3A_62 = vector.shape_cast %exp3A : vector<16xf32> to vector<1x16xf32>
        tpu.vector_store %arg15[%swap3A, %swap3A_59], %swap3A_62 {strides = array<i32>} : memref<128x16xf32, #tpu.memory_space<vmem>>, vector<1x16xf32>,
        %scan3A_63 = arith.constant 1 : i32
        %scan3A_64 = arith.addi %scan3A_40, %scan3A_63 : i32
        %get3A_65 = arith.index_cast %scan3A_64 : i32 to index
        %get3A_66 = arith.constant 0 : index
        %get3A_67 = tpu.vector_load %arg12[%get3A_65, %get3A_66] {strides = array<i32>} : memref<128x16xf32, #tpu.memory_space<vmem>>, vector<1x16xf32>,
        %get3A_68 = vector.shape_cast %get3A_67 : vector<1x16xf32> to vector<16xf32>
        %get3A_69 = arith.index_cast %scan3A_64 : i32 to index
        %get3A_70 = arith.constant 0 : index
        %get3A_71 = tpu.vector_load %arg13[%get3A_69, %get3A_70] {strides = array<i32>} : memref<128x16xf32, #tpu.memory_space<vmem>>, vector<1x16xf32>,
        %get3A_72 = vector.shape_cast %get3A_71 : vector<1x16xf32> to vector<16xf32>
        %add3A_73 = arith.addf %get3A_68, %get3A_72 : vector<16xf32>
        %get3A_74 = arith.index_cast %scan3A_64 : i32 to index
        %get3A_75 = arith.constant 0 : index
        %get3A_76 = tpu.vector_load %arg14[%get3A_74, %get3A_75] {strides = array<i32>} : memref<128x16xf32, #tpu.memory_space<vmem>>, vector<1x16xf32>,
        %get3A_77 = vector.shape_cast %get3A_76 : vector<1x16xf32> to vector<16xf32>
        %add3A_78 = arith.addf %add3A_73, %get3A_77 : vector<16xf32>
        %ge3A_79 = arith.constant 0.000000e+00 : f32
        %ge3A_80 = vector.broadcast %ge3A_79 : f32 to vector<16xf32>
        %ge3A_81 = arith.cmpf oge, %add3A_78, %ge3A_80 : vector<16xf32>
        %mul3A_82 = arith.constant 2.000000e-01 : f32
        %mul3A_83 = vector.broadcast %mul3A_82 : f32 to vector<16xf32>
        %mul3A_84 = arith.mulf %mul3A_83, %add3A_78 : vector<16xf32>
        %select_n3A_85 = arith.select %ge3A_81, %add3A_78, %mul3A_84 : vector<16xi1>, vector<16xf32>
        %exp3A_86 = math.exp %select_n3A_85 : vector<16xf32>
        %swap3A_87 = arith.index_cast %scan3A_64 : i32 to index
        %swap3A_88 = arith.constant 0 : index
        %swap3A_89 = tpu.vector_load %arg15[%swap3A_87, %swap3A_88] {strides = array<i32>} : memref<128x16xf32, #tpu.memory_space<vmem>>, vector<1x16xf32>,
        %swap3A_90 = vector.shape_cast %swap3A_89 : vector<1x16xf32> to vector<16xf32>
        %swap3A_91 = vector.shape_cast %exp3A_86 : vector<16xf32> to vector<1x16xf32>
        tpu.vector_store %arg15[%swap3A_87, %swap3A_88], %swap3A_91 {strides = array<i32>} : memref<128x16xf32, #tpu.memory_space<vmem>>, vector<1x16xf32>,
        %scan3A_92 = arith.constant 2 : i32
        %scan3A_93 = arith.addi %scan3A_40, %scan3A_92 : i32
        %get3A_94 = arith.index_cast %scan3A_93 : i32 to index
        %get3A_95 = arith.constant 0 : index
        %get3A_96 = tpu.vector_load %arg12[%get3A_94, %get3A_95] {strides = array<i32>} : memref<128x16xf32, #tpu.memory_space<vmem>>, vector<1x16xf32>,
        %get3A_97 = vector.shape_cast %get3A_96 : vector<1x16xf32> to vector<16xf32>
        %get3A_98 = arith.index_cast %scan3A_93 : i32 to index
        %get3A_99 = arith.constant 0 : index
        %get3A_100 = tpu.vector_load %arg13[%get3A_98, %get3A_99] {strides = array<i32>} : memref<128x16xf32, #tpu.memory_space<vmem>>, vector<1x16xf32>,
        %get3A_101 = vector.shape_cast %get3A_100 : vector<1x16xf32> to vector<16xf32>
        %add3A_102 = arith.addf %get3A_97, %get3A_101 : vector<16xf32>
        %get3A_103 = arith.index_cast %scan3A_93 : i32 to index
        %get3A_104 = arith.constant 0 : index
        %get3A_105 = tpu.vector_load %arg14[%get3A_103, %get3A_104] {strides = array<i32>} : memref<128x16xf32, #tpu.memory_space<vmem>>, vector<1x16xf32>,
        %get3A_106 = vector.shape_cast %get3A_105 : vector<1x16xf32> to vector<16xf32>
        %add3A_107 = arith.addf %add3A_102, %get3A_106 : vector<16xf32>
        %ge3A_108 = arith.constant 0.000000e+00 : f32
        %ge3A_109 = vector.broadcast %ge3A_108 : f32 to vector<16xf32>
        %ge3A_110 = arith.cmpf oge, %add3A_107, %ge3A_109 : vector<16xf32>
        %mul3A_111 = arith.constant 2.000000e-01 : f32
        %mul3A_112 = vector.broadcast %mul3A_111 : f32 to vector<16xf32>
        %mul3A_113 = arith.mulf %mul3A_112, %add3A_107 : vector<16xf32>
        %select_n3A_114 = arith.select %ge3A_110, %add3A_107, %mul3A_113 : vector<16xi1>, vector<16xf32>
        %exp3A_115 = math.exp %select_n3A_114 : vector<16xf32>
        %swap3A_116 = arith.index_cast %scan3A_93 : i32 to index
        %swap3A_117 = arith.constant 0 : index
        %swap3A_118 = tpu.vector_load %arg15[%swap3A_116, %swap3A_117] {strides = array<i32>} : memref<128x16xf32, #tpu.memory_space<vmem>>, vector<1x16xf32>,
        %swap3A_119 = vector.shape_cast %swap3A_118 : vector<1x16xf32> to vector<16xf32>
        %swap3A_120 = vector.shape_cast %exp3A_115 : vector<16xf32> to vector<1x16xf32>
        tpu.vector_store %arg15[%swap3A_116, %swap3A_117], %swap3A_120 {strides = array<i32>} : memref<128x16xf32, #tpu.memory_space<vmem>>, vector<1x16xf32>,
        %scan3A_121 = arith.constant 3 : i32
        %scan3A_122 = arith.addi %scan3A_40, %scan3A_121 : i32
        %get3A_123 = arith.index_cast %scan3A_122 : i32 to index
        %get3A_124 = arith.constant 0 : index
        %get3A_125 = tpu.vector_load %arg12[%get3A_123, %get3A_124] {strides = array<i32>} : memref<128x16xf32, #tpu.memory_space<vmem>>, vector<1x16xf32>,
        %get3A_126 = vector.shape_cast %get3A_125 : vector<1x16xf32> to vector<16xf32>
        %get3A_127 = arith.index_cast %scan3A_122 : i32 to index
        %get3A_128 = arith.constant 0 : index
        %get3A_129 = tpu.vector_load %arg13[%get3A_127, %get3A_128] {strides = array<i32>} : memref<128x16xf32, #tpu.memory_space<vmem>>, vector<1x16xf32>,
        %get3A_130 = vector.shape_cast %get3A_129 : vector<1x16xf32> to vector<16xf32>
        %add3A_131 = arith.addf %get3A_126, %get3A_130 : vector<16xf32>
        %get3A_132 = arith.index_cast %scan3A_122 : i32 to index
        %get3A_133 = arith.constant 0 : index
        %get3A_134 = tpu.vector_load %arg14[%get3A_132, %get3A_133] {strides = array<i32>} : memref<128x16xf32, #tpu.memory_space<vmem>>, vector<1x16xf32>,
        %get3A_135 = vector.shape_cast %get3A_134 : vector<1x16xf32> to vector<16xf32>
        %add3A_136 = arith.addf %add3A_131, %get3A_135 : vector<16xf32>
        %ge3A_137 = arith.constant 0.000000e+00 : f32
        %ge3A_138 = vector.broadcast %ge3A_137 : f32 to vector<16xf32>
        %ge3A_139 = arith.cmpf oge, %add3A_136, %ge3A_138 : vector<16xf32>
        %mul3A_140 = arith.constant 2.000000e-01 : f32
        %mul3A_141 = vector.broadcast %mul3A_140 : f32 to vector<16xf32>
        %mul3A_142 = arith.mulf %mul3A_141, %add3A_136 : vector<16xf32>
        %select_n3A_143 = arith.select %ge3A_139, %add3A_136, %mul3A_142 : vector<16xi1>, vector<16xf32>
        %exp3A_144 = math.exp %select_n3A_143 : vector<16xf32>
        %swap3A_145 = arith.index_cast %scan3A_122 : i32 to index
        %swap3A_146 = arith.constant 0 : index
        %swap3A_147 = tpu.vector_load %arg15[%swap3A_145, %swap3A_146] {strides = array<i32>} : memref<128x16xf32, #tpu.memory_space<vmem>>, vector<1x16xf32>,
        %swap3A_148 = vector.shape_cast %swap3A_147 : vector<1x16xf32> to vector<16xf32>
        %swap3A_149 = vector.shape_cast %exp3A_144 : vector<16xf32> to vector<1x16xf32>
        tpu.vector_store %arg15[%swap3A_145, %swap3A_146], %swap3A_149 {strides = array<i32>} : memref<128x16xf32, #tpu.memory_space<vmem>>, vector<1x16xf32>,
      }
      %scan3A_39 = arith.constant 128 : i32
      "tpu.region"() ({
        %run_scoped3A = tpu.sem_alloc : memref<!tpu.dma_semaphore, #tpu.memory_space<semaphore_mem>>
        %dma_start3A_40 = arith.constant 0 : i32
        %dma_start3A_41 = tpu.memref_slice %arg8[%add3A_23, %dma_start3A_40] : memref<331776x16xf32, #tpu.memory_space<hbm>> -> memref<128x16xf32, #tpu.memory_space<hbm>>
        %dma_start3A_42 = arith.constant 0 : i32
        %dma_start3A_43 = tpu.memref_slice %arg8[%add3A_23, %dma_start3A_42] : memref<331776x16xf32, #tpu.memory_space<hbm>> -> memref<128x16xf32, #tpu.memory_space<hbm>>
        tpu.enqueue_dma source(%arg15 : memref<128x16xf32, #tpu.memory_space<vmem>>) target(%dma_start3A_43 : memref<128x16xf32, #tpu.memory_space<hbm>>) target_semaphore(%run_scoped3A : memref<!tpu.dma_semaphore, #tpu.memory_space<semaphore_mem>>)
        %dma_wait3A_44 = arith.constant 0 : i32
        %dma_wait3A_45 = tpu.memref_slice %arg8[%add3A_23, %dma_wait3A_44] : memref<331776x16xf32, #tpu.memory_space<hbm>> -> memref<128x16xf32, #tpu.memory_space<hbm>>
        %dma_wait3A_46 = arith.constant 0 : i32
        %dma_wait3A_47 = tpu.memref_slice %arg8[%add3A_23, %dma_wait3A_46] : memref<331776x16xf32, #tpu.memory_space<hbm>> -> memref<128x16xf32, #tpu.memory_space<hbm>>
        tpu.wait_dma2 semaphore(%run_scoped3A : memref<!tpu.dma_semaphore, #tpu.memory_space<semaphore_mem>>) src(%arg15 : memref<128x16xf32, #tpu.memory_space<vmem>>) dst(%dma_wait3A_47 : memref<128x16xf32, #tpu.memory_space<hbm>>)
        tpu.yield
      }) : () -> ()
      "tpu.region"() ({
        %run_scoped3A = tpu.sem_alloc : memref<!tpu.dma_semaphore, #tpu.memory_space<semaphore_mem>>
        %dma_start3A_40 = arith.constant 0 : i32
        %dma_start3A_41 = arith.constant 0 : i32
        %dma_start3A_42 = tpu.memref_slice %arg16[%dma_start3A_40, %dma_start3A_41] : memref<10240x16xf32, #tpu.memory_space<vmem_shared>> -> memref<10240x16xf32, #tpu.memory_space<vmem_shared>>
        tpu.enqueue_indirect_dma source(%arg15 : memref<128x16xf32, #tpu.memory_space<vmem>>) target(%dma_start3A_42 : memref<10240x16xf32, #tpu.memory_space<vmem_shared>>) offsets(%arg11 : memref<128xi32, #tpu.memory_space<vmem>>) semaphore(%run_scoped3A : memref<!tpu.dma_semaphore, #tpu.memory_space<semaphore_mem>>) {add = true}
        %dma_wait3A_43 = arith.constant 0 : i32
        %dma_wait3A_44 = arith.constant 0 : i32
        %dma_wait3A_45 = tpu.memref_slice %arg16[%dma_wait3A_43, %dma_wait3A_44] : memref<10240x16xf32, #tpu.memory_space<vmem_shared>> -> memref<10240x16xf32, #tpu.memory_space<vmem_shared>>
        tpu.wait_indirect_dma semaphore(%run_scoped3A : memref<!tpu.dma_semaphore, #tpu.memory_space<semaphore_mem>>) src(%arg15 : memref<128x16xf32, #tpu.memory_space<vmem>>) dst(%dma_wait3A_45 : memref<10240x16xf32, #tpu.memory_space<vmem_shared>>)
        tpu.yield
      }) : () -> ()
    }
    %scan3A_9 = arith.constant 81 : i32
    %barrier3A_10 = arith.constant 0 : index
    tpu.barrier barrier_id(%barrier3A_10)
    %mul3A_11 = arith.constant 640 : i32
    %mul3A_12 = arith.muli %arg1, %mul3A_11 : i32
    %mul3A_13 = arith.constant 10240 : i32
    %mul3A_14 = arith.muli %arg0, %mul3A_13 : i32
    %mul3A_15 = arith.constant 640 : i32
    %mul3A_16 = arith.muli %arg1, %mul3A_15 : i32
    %add3A_17 = arith.addi %mul3A_14, %mul3A_16 : i32
    "tpu.region"() ({
      %run_scoped3A = tpu.sem_alloc : memref<!tpu.dma_semaphore, #tpu.memory_space<semaphore_mem>>
      %dma_start3A = arith.constant 0 : i32
      %dma_start3A_18 = tpu.memref_slice %arg9[%add3A_17, %dma_start3A] : memref<20480x16xf32, #tpu.memory_space<hbm>> -> memref<640x16xf32, #tpu.memory_space<hbm>>
      %dma_start3A_19 = arith.constant 0 : i32
      %dma_start3A_20 = tpu.memref_slice %arg16[%mul3A_12, %dma_start3A_19] : memref<10240x16xf32, #tpu.memory_space<vmem_shared>> -> memref<640x16xf32, #tpu.memory_space<vmem_shared>>
      tpu.enqueue_dma source(%dma_start3A_20 : memref<640x16xf32, #tpu.memory_space<vmem_shared>>) target(%dma_start3A_18 : memref<640x16xf32, #tpu.memory_space<hbm>>) target_semaphore(%run_scoped3A : memref<!tpu.dma_semaphore, #tpu.memory_space<semaphore_mem>>)
      %dma_wait3A = arith.constant 0 : i32
      %dma_wait3A_21 = tpu.memref_slice %arg9[%add3A_17, %dma_wait3A] : memref<20480x16xf32, #tpu.memory_space<hbm>> -> memref<640x16xf32, #tpu.memory_space<hbm>>
      %dma_wait3A_22 = arith.constant 0 : i32
      %dma_wait3A_23 = tpu.memref_slice %arg16[%mul3A_12, %dma_wait3A_22] : memref<10240x16xf32, #tpu.memory_space<vmem_shared>> -> memref<640x16xf32, #tpu.memory_space<vmem_shared>>
      tpu.wait_dma2 semaphore(%run_scoped3A : memref<!tpu.dma_semaphore, #tpu.memory_space<semaphore_mem>>) src(%dma_wait3A_23 : memref<640x16xf32, #tpu.memory_space<vmem_shared>>) dst(%dma_wait3A_21 : memref<640x16xf32, #tpu.memory_space<hbm>>)
      tpu.yield
    }) : () -> ()
    return
  }
}

#map = affine_map<(d0, d1) -> (0, 0)>
#map1 = affine_map<(d0, d1) -> (0)>
module attributes {stable_mosaic.version = 14 : i64} {
  func.func @k2(%arg0: i32, %arg1: i32, %arg2: memref<10000x128xf32, #tpu.memory_space<hbm>>, %arg3: memref<331776xi32, #tpu.memory_space<hbm>>, %arg4: memref<331776xi32, #tpu.memory_space<hbm>>, %arg5: memref<331776x16xf32, #tpu.memory_space<hbm>>, %arg6: memref<10240x128xf32, #tpu.memory_space<hbm>>, %arg7: memref<20480x128xf32, #tpu.memory_space<hbm>>, %arg8: memref<128xi32, #tpu.memory_space<vmem>>, %arg9: memref<128xi32, #tpu.memory_space<vmem>>, %arg10: memref<128xi32, #tpu.memory_space<vmem>>, %arg11: memref<128x16xf32, #tpu.memory_space<vmem>>, %arg12: memref<128x128xf32, #tpu.memory_space<vmem>>, %arg13: memref<10240x128xf32, #tpu.memory_space<vmem_shared>>, %arg14: memref<!tpu.dma_semaphore, #tpu.memory_space<semaphore_mem>>) attributes {dimension_semantics = [#tpu.dimension_semantics<core_parallel>, #tpu.dimension_semantics<subcore_parallel>], iteration_bounds = array<i64: 2, 16>, scalar_prefetch = 0 : i64, scratch_operands = 7 : i64, tpu.core_type = #tpu.core_type<sc_vector_subcore>, window_params = [{transform_indices = #map}, {transform_indices = #map1}, {transform_indices = #map1}, {transform_indices = #map}, {transform_indices = #map}, {transform_indices = #map}]} {
    %mul3A = arith.constant 16 : i32
    %mul3A_0 = arith.muli %arg0, %mul3A : i32
    %add3A = arith.addi %mul3A_0, %arg1 : i32
    %scan3A = arith.constant 0 : i32
    %scan3A_1 = arith.constant 0 : i32
    %mul3A_2 = arith.constant 640 : i32
    %mul3A_3 = arith.muli %arg1, %mul3A_2 : i32
    %mul3A_4 = arith.constant 640 : i32
    %mul3A_5 = arith.muli %arg1, %mul3A_4 : i32
    "tpu.region"() ({
      %run_scoped3A = tpu.sem_alloc : memref<!tpu.dma_semaphore, #tpu.memory_space<semaphore_mem>>
      %dma_start3A = arith.constant 0 : i32
      %dma_start3A_25 = tpu.memref_slice %arg13[%mul3A_5, %dma_start3A] : memref<10240x128xf32, #tpu.memory_space<vmem_shared>> -> memref<640x128xf32, #tpu.memory_space<vmem_shared>>
      %dma_start3A_26 = arith.constant 0 : i32
      %dma_start3A_27 = tpu.memref_slice %arg6[%mul3A_3, %dma_start3A_26] : memref<10240x128xf32, #tpu.memory_space<hbm>> -> memref<640x128xf32, #tpu.memory_space<hbm>>
      tpu.enqueue_dma source(%dma_start3A_27 : memref<640x128xf32, #tpu.memory_space<hbm>>) target(%dma_start3A_25 : memref<640x128xf32, #tpu.memory_space<vmem_shared>>) target_semaphore(%run_scoped3A : memref<!tpu.dma_semaphore, #tpu.memory_space<semaphore_mem>>)
      %dma_wait3A = arith.constant 0 : i32
      %dma_wait3A_28 = tpu.memref_slice %arg13[%mul3A_5, %dma_wait3A] : memref<10240x128xf32, #tpu.memory_space<vmem_shared>> -> memref<640x128xf32, #tpu.memory_space<vmem_shared>>
      %dma_wait3A_29 = arith.constant 0 : i32
      %dma_wait3A_30 = tpu.memref_slice %arg6[%mul3A_3, %dma_wait3A_29] : memref<10240x128xf32, #tpu.memory_space<hbm>> -> memref<640x128xf32, #tpu.memory_space<hbm>>
      tpu.wait_dma2 semaphore(%run_scoped3A : memref<!tpu.dma_semaphore, #tpu.memory_space<semaphore_mem>>) src(%dma_wait3A_30 : memref<640x128xf32, #tpu.memory_space<hbm>>) dst(%dma_wait3A_28 : memref<640x128xf32, #tpu.memory_space<vmem_shared>>)
      tpu.yield
    }) : () -> ()
    %barrier3A = arith.constant 0 : index
    tpu.barrier barrier_id(%barrier3A)
    %scan3A_6 = arith.constant 0 : i32
    %scan3A_7 = arith.constant 0 : i32
    %scan3A_8 = arith.constant 81 : i32
    %scan3A_9 = arith.addi %scan3A_7, %scan3A_8 : i32
    %scan3A_10 = arith.constant 1 : i32
    scf.for %scan3A_25 = %scan3A_7 to %scan3A_9 step %scan3A_10  : i32 {
      %mul3A_26 = arith.constant 10368 : i32
      %mul3A_27 = arith.muli %add3A, %mul3A_26 : i32
      %mul3A_28 = arith.constant 128 : i32
      %mul3A_29 = arith.muli %scan3A_25, %mul3A_28 : i32
      %add3A_30 = arith.addi %mul3A_27, %mul3A_29 : i32
      "tpu.region"() ({
        %run_scoped3A = tpu.sem_alloc : memref<!tpu.dma_semaphore, #tpu.memory_space<semaphore_mem>>
        %dma_start3A_47 = tpu.memref_slice %arg3[%add3A_30] : memref<331776xi32, #tpu.memory_space<hbm>> -> memref<128xi32, #tpu.memory_space<hbm>>
        %dma_start3A_48 = tpu.memref_slice %arg3[%add3A_30] : memref<331776xi32, #tpu.memory_space<hbm>> -> memref<128xi32, #tpu.memory_space<hbm>>
        tpu.enqueue_dma source(%dma_start3A_48 : memref<128xi32, #tpu.memory_space<hbm>>) target(%arg8 : memref<128xi32, #tpu.memory_space<vmem>>) target_semaphore(%run_scoped3A : memref<!tpu.dma_semaphore, #tpu.memory_space<semaphore_mem>>)
        %dma_wait3A_49 = tpu.memref_slice %arg3[%add3A_30] : memref<331776xi32, #tpu.memory_space<hbm>> -> memref<128xi32, #tpu.memory_space<hbm>>
        %dma_wait3A_50 = tpu.memref_slice %arg3[%add3A_30] : memref<331776xi32, #tpu.memory_space<hbm>> -> memref<128xi32, #tpu.memory_space<hbm>>
        tpu.wait_dma2 semaphore(%run_scoped3A : memref<!tpu.dma_semaphore, #tpu.memory_space<semaphore_mem>>) src(%dma_wait3A_50 : memref<128xi32, #tpu.memory_space<hbm>>) dst(%arg8 : memref<128xi32, #tpu.memory_space<vmem>>)
        tpu.yield
      }) : () -> ()
      "tpu.region"() ({
        %run_scoped3A = tpu.sem_alloc : memref<!tpu.dma_semaphore, #tpu.memory_space<semaphore_mem>>
        %dma_start3A_47 = tpu.memref_slice %arg4[%add3A_30] : memref<331776xi32, #tpu.memory_space<hbm>> -> memref<128xi32, #tpu.memory_space<hbm>>
        %dma_start3A_48 = tpu.memref_slice %arg4[%add3A_30] : memref<331776xi32, #tpu.memory_space<hbm>> -> memref<128xi32, #tpu.memory_space<hbm>>
        tpu.enqueue_dma source(%dma_start3A_48 : memref<128xi32, #tpu.memory_space<hbm>>) target(%arg9 : memref<128xi32, #tpu.memory_space<vmem>>) target_semaphore(%run_scoped3A : memref<!tpu.dma_semaphore, #tpu.memory_space<semaphore_mem>>)
        %dma_wait3A_49 = tpu.memref_slice %arg4[%add3A_30] : memref<331776xi32, #tpu.memory_space<hbm>> -> memref<128xi32, #tpu.memory_space<hbm>>
        %dma_wait3A_50 = tpu.memref_slice %arg4[%add3A_30] : memref<331776xi32, #tpu.memory_space<hbm>> -> memref<128xi32, #tpu.memory_space<hbm>>
        tpu.wait_dma2 semaphore(%run_scoped3A : memref<!tpu.dma_semaphore, #tpu.memory_space<semaphore_mem>>) src(%dma_wait3A_50 : memref<128xi32, #tpu.memory_space<hbm>>) dst(%arg9 : memref<128xi32, #tpu.memory_space<vmem>>)
        tpu.yield
      }) : () -> ()
      "tpu.region"() ({
        %run_scoped3A = tpu.sem_alloc : memref<!tpu.dma_semaphore, #tpu.memory_space<semaphore_mem>>
        %dma_start3A_47 = arith.constant 0 : i32
        %dma_start3A_48 = tpu.memref_slice %arg5[%add3A_30, %dma_start3A_47] : memref<331776x16xf32, #tpu.memory_space<hbm>> -> memref<128x16xf32, #tpu.memory_space<hbm>>
        %dma_start3A_49 = arith.constant 0 : i32
        %dma_start3A_50 = tpu.memref_slice %arg5[%add3A_30, %dma_start3A_49] : memref<331776x16xf32, #tpu.memory_space<hbm>> -> memref<128x16xf32, #tpu.memory_space<hbm>>
        tpu.enqueue_dma source(%dma_start3A_50 : memref<128x16xf32, #tpu.memory_space<hbm>>) target(%arg11 : memref<128x16xf32, #tpu.memory_space<vmem>>) target_semaphore(%run_scoped3A : memref<!tpu.dma_semaphore, #tpu.memory_space<semaphore_mem>>)
        %dma_wait3A_51 = arith.constant 0 : i32
        %dma_wait3A_52 = tpu.memref_slice %arg5[%add3A_30, %dma_wait3A_51] : memref<331776x16xf32, #tpu.memory_space<hbm>> -> memref<128x16xf32, #tpu.memory_space<hbm>>
        %dma_wait3A_53 = arith.constant 0 : i32
        %dma_wait3A_54 = tpu.memref_slice %arg5[%add3A_30, %dma_wait3A_53] : memref<331776x16xf32, #tpu.memory_space<hbm>> -> memref<128x16xf32, #tpu.memory_space<hbm>>
        tpu.wait_dma2 semaphore(%run_scoped3A : memref<!tpu.dma_semaphore, #tpu.memory_space<semaphore_mem>>) src(%dma_wait3A_54 : memref<128x16xf32, #tpu.memory_space<hbm>>) dst(%arg11 : memref<128x16xf32, #tpu.memory_space<vmem>>)
        tpu.yield
      }) : () -> ()
      %scan3A_31 = arith.constant 0 : i32
      %scan3A_32 = arith.constant 0 : i32
      %scan3A_33 = arith.constant 8 : i32
      %scan3A_34 = arith.addi %scan3A_32, %scan3A_33 : i32
      %scan3A_35 = arith.constant 4 : i32
      scf.for %scan3A_47 = %scan3A_32 to %scan3A_34 step %scan3A_35  : i32 {
        %mul3A_48 = arith.constant 16 : i32
        %mul3A_49 = arith.muli %scan3A_47, %mul3A_48 : i32
        %get3A = arith.index_cast %mul3A_49 : i32 to index
        %get3A_50 = tpu.vector_load %arg8[%get3A] {strides = array<i32>} : memref<128xi32, #tpu.memory_space<vmem>>, vector<16xi32>,
        %get3A_51 = vector.shape_cast %get3A_50 : vector<16xi32> to vector<16xi32>
        %mul3A_52 = arith.constant 1 : i32
        %mul3A_53 = vector.broadcast %mul3A_52 : i32 to vector<16xi32>
        %mul3A_54 = arith.muli %get3A_51, %mul3A_53 : vector<16xi32>
        %add3A_55 = vector.broadcast %scan3A_1 : i32 to vector<16xi32>
        %add3A_56 = arith.addi %mul3A_54, %add3A_55 : vector<16xi32>
        %mul3A_57 = arith.constant 16 : i32
        %mul3A_58 = arith.muli %scan3A_47, %mul3A_57 : i32
        %swap3A = arith.index_cast %mul3A_58 : i32 to index
        %swap3A_59 = tpu.vector_load %arg10[%swap3A] {strides = array<i32>} : memref<128xi32, #tpu.memory_space<vmem>>, vector<16xi32>,
        %swap3A_60 = vector.shape_cast %swap3A_59 : vector<16xi32> to vector<16xi32>
        %swap3A_61 = vector.shape_cast %add3A_56 : vector<16xi32> to vector<16xi32>
        tpu.vector_store %arg10[%swap3A], %swap3A_61 {strides = array<i32>} : memref<128xi32, #tpu.memory_space<vmem>>, vector<16xi32>,
        %scan3A_62 = arith.constant 1 : i32
        %scan3A_63 = arith.addi %scan3A_47, %scan3A_62 : i32
        %mul3A_64 = arith.constant 16 : i32
        %mul3A_65 = arith.muli %scan3A_63, %mul3A_64 : i32
        %get3A_66 = arith.index_cast %mul3A_65 : i32 to index
        %get3A_67 = tpu.vector_load %arg8[%get3A_66] {strides = array<i32>} : memref<128xi32, #tpu.memory_space<vmem>>, vector<16xi32>,
        %get3A_68 = vector.shape_cast %get3A_67 : vector<16xi32> to vector<16xi32>
        %mul3A_69 = arith.constant 1 : i32
        %mul3A_70 = vector.broadcast %mul3A_69 : i32 to vector<16xi32>
        %mul3A_71 = arith.muli %get3A_68, %mul3A_70 : vector<16xi32>
        %add3A_72 = vector.broadcast %scan3A_1 : i32 to vector<16xi32>
        %add3A_73 = arith.addi %mul3A_71, %add3A_72 : vector<16xi32>
        %mul3A_74 = arith.constant 16 : i32
        %mul3A_75 = arith.muli %scan3A_63, %mul3A_74 : i32
        %swap3A_76 = arith.index_cast %mul3A_75 : i32 to index
        %swap3A_77 = tpu.vector_load %arg10[%swap3A_76] {strides = array<i32>} : memref<128xi32, #tpu.memory_space<vmem>>, vector<16xi32>,
        %swap3A_78 = vector.shape_cast %swap3A_77 : vector<16xi32> to vector<16xi32>
        %swap3A_79 = vector.shape_cast %add3A_73 : vector<16xi32> to vector<16xi32>
        tpu.vector_store %arg10[%swap3A_76], %swap3A_79 {strides = array<i32>} : memref<128xi32, #tpu.memory_space<vmem>>, vector<16xi32>,
        %scan3A_80 = arith.constant 2 : i32
        %scan3A_81 = arith.addi %scan3A_47, %scan3A_80 : i32
        %mul3A_82 = arith.constant 16 : i32
        %mul3A_83 = arith.muli %scan3A_81, %mul3A_82 : i32
        %get3A_84 = arith.index_cast %mul3A_83 : i32 to index
        %get3A_85 = tpu.vector_load %arg8[%get3A_84] {strides = array<i32>} : memref<128xi32, #tpu.memory_space<vmem>>, vector<16xi32>,
        %get3A_86 = vector.shape_cast %get3A_85 : vector<16xi32> to vector<16xi32>
        %mul3A_87 = arith.constant 1 : i32
        %mul3A_88 = vector.broadcast %mul3A_87 : i32 to vector<16xi32>
        %mul3A_89 = arith.muli %get3A_86, %mul3A_88 : vector<16xi32>
        %add3A_90 = vector.broadcast %scan3A_1 : i32 to vector<16xi32>
        %add3A_91 = arith.addi %mul3A_89, %add3A_90 : vector<16xi32>
        %mul3A_92 = arith.constant 16 : i32
        %mul3A_93 = arith.muli %scan3A_81, %mul3A_92 : i32
        %swap3A_94 = arith.index_cast %mul3A_93 : i32 to index
        %swap3A_95 = tpu.vector_load %arg10[%swap3A_94] {strides = array<i32>} : memref<128xi32, #tpu.memory_space<vmem>>, vector<16xi32>,
        %swap3A_96 = vector.shape_cast %swap3A_95 : vector<16xi32> to vector<16xi32>
        %swap3A_97 = vector.shape_cast %add3A_91 : vector<16xi32> to vector<16xi32>
        tpu.vector_store %arg10[%swap3A_94], %swap3A_97 {strides = array<i32>} : memref<128xi32, #tpu.memory_space<vmem>>, vector<16xi32>,
        %scan3A_98 = arith.constant 3 : i32
        %scan3A_99 = arith.addi %scan3A_47, %scan3A_98 : i32
        %mul3A_100 = arith.constant 16 : i32
        %mul3A_101 = arith.muli %scan3A_99, %mul3A_100 : i32
        %get3A_102 = arith.index_cast %mul3A_101 : i32 to index
        %get3A_103 = tpu.vector_load %arg8[%get3A_102] {strides = array<i32>} : memref<128xi32, #tpu.memory_space<vmem>>, vector<16xi32>,
        %get3A_104 = vector.shape_cast %get3A_103 : vector<16xi32> to vector<16xi32>
        %mul3A_105 = arith.constant 1 : i32
        %mul3A_106 = vector.broadcast %mul3A_105 : i32 to vector<16xi32>
        %mul3A_107 = arith.muli %get3A_104, %mul3A_106 : vector<16xi32>
        %add3A_108 = vector.broadcast %scan3A_1 : i32 to vector<16xi32>
        %add3A_109 = arith.addi %mul3A_107, %add3A_108 : vector<16xi32>
        %mul3A_110 = arith.constant 16 : i32
        %mul3A_111 = arith.muli %scan3A_99, %mul3A_110 : i32
        %swap3A_112 = arith.index_cast %mul3A_111 : i32 to index
        %swap3A_113 = tpu.vector_load %arg10[%swap3A_112] {strides = array<i32>} : memref<128xi32, #tpu.memory_space<vmem>>, vector<16xi32>,
        %swap3A_114 = vector.shape_cast %swap3A_113 : vector<16xi32> to vector<16xi32>
        %swap3A_115 = vector.shape_cast %add3A_109 : vector<16xi32> to vector<16xi32>
        tpu.vector_store %arg10[%swap3A_112], %swap3A_115 {strides = array<i32>} : memref<128xi32, #tpu.memory_space<vmem>>, vector<16xi32>,
      }
      %scan3A_36 = arith.constant 8 : i32
      %dma_start3A = arith.constant 0 : i32
      %dma_start3A_37 = arith.constant 0 : i32
      %dma_start3A_38 = tpu.memref_slice %arg2[%dma_start3A, %dma_start3A_37] : memref<10000x128xf32, #tpu.memory_space<hbm>> -> memref<10000x128xf32, #tpu.memory_space<hbm>>
      tpu.enqueue_indirect_dma source(%dma_start3A_38 : memref<10000x128xf32, #tpu.memory_space<hbm>>) target(%arg12 : memref<128x128xf32, #tpu.memory_space<vmem>>) offsets(%arg10 : memref<128xi32, #tpu.memory_space<vmem>>) semaphore(%arg14 : memref<!tpu.dma_semaphore, #tpu.memory_space<semaphore_mem>>)
      %dma_wait3A = arith.constant 0 : i32
      %dma_wait3A_39 = arith.constant 0 : i32
      %dma_wait3A_40 = tpu.memref_slice %arg2[%dma_wait3A, %dma_wait3A_39] : memref<10000x128xf32, #tpu.memory_space<hbm>> -> memref<10000x128xf32, #tpu.memory_space<hbm>>
      tpu.wait_indirect_dma semaphore(%arg14 : memref<!tpu.dma_semaphore, #tpu.memory_space<semaphore_mem>>) src(%dma_wait3A_40 : memref<10000x128xf32, #tpu.memory_space<hbm>>) dst(%arg12 : memref<128x128xf32, #tpu.memory_space<vmem>>)
      %broadcast_in_dim3A = vector.broadcast %scan3A_1 : i32 to vector<16x1xi32>
      %scan3A_41 = arith.constant 0 : i32
      %scan3A_42 = arith.constant 0 : i32
      %scan3A_43 = arith.constant 128 : i32
      %scan3A_44 = arith.addi %scan3A_42, %scan3A_43 : i32
      %scan3A_45 = arith.constant 1 : i32
      scf.for %scan3A_47 = %scan3A_42 to %scan3A_44 step %scan3A_45  : i32 {
        %get3A = arith.index_cast %scan3A_47 : i32 to index
        %get3A_48 = arith.constant 0 : index
        %get3A_49 = tpu.vector_load %arg11[%get3A, %get3A_48] {strides = array<i32>} : memref<128x16xf32, #tpu.memory_space<vmem>>, vector<1x16xf32>,
        %get3A_50 = vector.shape_cast %get3A_49 : vector<1x16xf32> to vector<16xf32>
        %gather3A = vector.shape_cast %broadcast_in_dim3A : vector<16x1xi32> to vector<16xi32>
        %gather3A_51 = tpu.dynamic_gather %get3A_50[%gather3A] in [0] : vector<16xf32>, vector<16xi32> -> vector<16xf32>
        %scan3A_52 = arith.constant 0 : i32
        %scan3A_53 = arith.constant 0 : i32
        %mul3A_54 = arith.constant 16 : i32
        %mul3A_55 = arith.muli %scan3A_53, %mul3A_54 : i32
        %get3A_56 = arith.index_cast %scan3A_47 : i32 to index
        %get3A_57 = arith.index_cast %mul3A_55 : i32 to index
        %get3A_58 = tpu.vector_load %arg12[%get3A_56, %get3A_57] {strides = array<i32>} : memref<128x128xf32, #tpu.memory_space<vmem>>, vector<1x16xf32>,
        %get3A_59 = vector.shape_cast %get3A_58 : vector<1x16xf32> to vector<16xf32>
        %mul3A_60 = arith.mulf %get3A_59, %gather3A_51 : vector<16xf32>
        %swap3A = arith.index_cast %scan3A_47 : i32 to index
        %swap3A_61 = arith.index_cast %mul3A_55 : i32 to index
        %swap3A_62 = tpu.vector_load %arg12[%swap3A, %swap3A_61] {strides = array<i32>} : memref<128x128xf32, #tpu.memory_space<vmem>>, vector<1x16xf32>,
        %swap3A_63 = vector.shape_cast %swap3A_62 : vector<1x16xf32> to vector<16xf32>
        %swap3A_64 = vector.shape_cast %mul3A_60 : vector<16xf32> to vector<1x16xf32>
        tpu.vector_store %arg12[%swap3A, %swap3A_61], %swap3A_64 {strides = array<i32>} : memref<128x128xf32, #tpu.memory_space<vmem>>, vector<1x16xf32>,
        %scan3A_65 = arith.constant 1 : i32
        %mul3A_66 = arith.constant 16 : i32
        %mul3A_67 = arith.muli %scan3A_65, %mul3A_66 : i32
        %get3A_68 = arith.index_cast %scan3A_47 : i32 to index
        %get3A_69 = arith.index_cast %mul3A_67 : i32 to index
        %get3A_70 = tpu.vector_load %arg12[%get3A_68, %get3A_69] {strides = array<i32>} : memref<128x128xf32, #tpu.memory_space<vmem>>, vector<1x16xf32>,
        %get3A_71 = vector.shape_cast %get3A_70 : vector<1x16xf32> to vector<16xf32>
        %mul3A_72 = arith.mulf %get3A_71, %gather3A_51 : vector<16xf32>
        %swap3A_73 = arith.index_cast %scan3A_47 : i32 to index
        %swap3A_74 = arith.index_cast %mul3A_67 : i32 to index
        %swap3A_75 = tpu.vector_load %arg12[%swap3A_73, %swap3A_74] {strides = array<i32>} : memref<128x128xf32, #tpu.memory_space<vmem>>, vector<1x16xf32>,
        %swap3A_76 = vector.shape_cast %swap3A_75 : vector<1x16xf32> to vector<16xf32>
        %swap3A_77 = vector.shape_cast %mul3A_72 : vector<16xf32> to vector<1x16xf32>
        tpu.vector_store %arg12[%swap3A_73, %swap3A_74], %swap3A_77 {strides = array<i32>} : memref<128x128xf32, #tpu.memory_space<vmem>>, vector<1x16xf32>,
        %scan3A_78 = arith.constant 2 : i32
        %mul3A_79 = arith.constant 16 : i32
        %mul3A_80 = arith.muli %scan3A_78, %mul3A_79 : i32
        %get3A_81 = arith.index_cast %scan3A_47 : i32 to index
        %get3A_82 = arith.index_cast %mul3A_80 : i32 to index
        %get3A_83 = tpu.vector_load %arg12[%get3A_81, %get3A_82] {strides = array<i32>} : memref<128x128xf32, #tpu.memory_space<vmem>>, vector<1x16xf32>,
        %get3A_84 = vector.shape_cast %get3A_83 : vector<1x16xf32> to vector<16xf32>
        %mul3A_85 = arith.mulf %get3A_84, %gather3A_51 : vector<16xf32>
        %swap3A_86 = arith.index_cast %scan3A_47 : i32 to index
        %swap3A_87 = arith.index_cast %mul3A_80 : i32 to index
        %swap3A_88 = tpu.vector_load %arg12[%swap3A_86, %swap3A_87] {strides = array<i32>} : memref<128x128xf32, #tpu.memory_space<vmem>>, vector<1x16xf32>,
        %swap3A_89 = vector.shape_cast %swap3A_88 : vector<1x16xf32> to vector<16xf32>
        %swap3A_90 = vector.shape_cast %mul3A_85 : vector<16xf32> to vector<1x16xf32>
        tpu.vector_store %arg12[%swap3A_86, %swap3A_87], %swap3A_90 {strides = array<i32>} : memref<128x128xf32, #tpu.memory_space<vmem>>, vector<1x16xf32>,
        %scan3A_91 = arith.constant 3 : i32
        %mul3A_92 = arith.constant 16 : i32
        %mul3A_93 = arith.muli %scan3A_91, %mul3A_92 : i32
        %get3A_94 = arith.index_cast %scan3A_47 : i32 to index
        %get3A_95 = arith.index_cast %mul3A_93 : i32 to index
        %get3A_96 = tpu.vector_load %arg12[%get3A_94, %get3A_95] {strides = array<i32>} : memref<128x128xf32, #tpu.memory_space<vmem>>, vector<1x16xf32>,
        %get3A_97 = vector.shape_cast %get3A_96 : vector<1x16xf32> to vector<16xf32>
        %mul3A_98 = arith.mulf %get3A_97, %gather3A_51 : vector<16xf32>
        %swap3A_99 = arith.index_cast %scan3A_47 : i32 to index
        %swap3A_100 = arith.index_cast %mul3A_93 : i32 to index
        %swap3A_101 = tpu.vector_load %arg12[%swap3A_99, %swap3A_100] {strides = array<i32>} : memref<128x128xf32, #tpu.memory_space<vmem>>, vector<1x16xf32>,
        %swap3A_102 = vector.shape_cast %swap3A_101 : vector<1x16xf32> to vector<16xf32>
        %swap3A_103 = vector.shape_cast %mul3A_98 : vector<16xf32> to vector<1x16xf32>
        tpu.vector_store %arg12[%swap3A_99, %swap3A_100], %swap3A_103 {strides = array<i32>} : memref<128x128xf32, #tpu.memory_space<vmem>>, vector<1x16xf32>,
        %scan3A_104 = arith.constant 4 : i32
        %mul3A_105 = arith.constant 16 : i32
        %mul3A_106 = arith.muli %scan3A_104, %mul3A_105 : i32
        %get3A_107 = arith.index_cast %scan3A_47 : i32 to index
        %get3A_108 = arith.index_cast %mul3A_106 : i32 to index
        %get3A_109 = tpu.vector_load %arg12[%get3A_107, %get3A_108] {strides = array<i32>} : memref<128x128xf32, #tpu.memory_space<vmem>>, vector<1x16xf32>,
        %get3A_110 = vector.shape_cast %get3A_109 : vector<1x16xf32> to vector<16xf32>
        %mul3A_111 = arith.mulf %get3A_110, %gather3A_51 : vector<16xf32>
        %swap3A_112 = arith.index_cast %scan3A_47 : i32 to index
        %swap3A_113 = arith.index_cast %mul3A_106 : i32 to index
        %swap3A_114 = tpu.vector_load %arg12[%swap3A_112, %swap3A_113] {strides = array<i32>} : memref<128x128xf32, #tpu.memory_space<vmem>>, vector<1x16xf32>,
        %swap3A_115 = vector.shape_cast %swap3A_114 : vector<1x16xf32> to vector<16xf32>
        %swap3A_116 = vector.shape_cast %mul3A_111 : vector<16xf32> to vector<1x16xf32>
        tpu.vector_store %arg12[%swap3A_112, %swap3A_113], %swap3A_116 {strides = array<i32>} : memref<128x128xf32, #tpu.memory_space<vmem>>, vector<1x16xf32>,
        %scan3A_117 = arith.constant 5 : i32
        %mul3A_118 = arith.constant 16 : i32
        %mul3A_119 = arith.muli %scan3A_117, %mul3A_118 : i32
        %get3A_120 = arith.index_cast %scan3A_47 : i32 to index
        %get3A_121 = arith.index_cast %mul3A_119 : i32 to index
        %get3A_122 = tpu.vector_load %arg12[%get3A_120, %get3A_121] {strides = array<i32>} : memref<128x128xf32, #tpu.memory_space<vmem>>, vector<1x16xf32>,
        %get3A_123 = vector.shape_cast %get3A_122 : vector<1x16xf32> to vector<16xf32>
        %mul3A_124 = arith.mulf %get3A_123, %gather3A_51 : vector<16xf32>
        %swap3A_125 = arith.index_cast %scan3A_47 : i32 to index
        %swap3A_126 = arith.index_cast %mul3A_119 : i32 to index
        %swap3A_127 = tpu.vector_load %arg12[%swap3A_125, %swap3A_126] {strides = array<i32>} : memref<128x128xf32, #tpu.memory_space<vmem>>, vector<1x16xf32>,
        %swap3A_128 = vector.shape_cast %swap3A_127 : vector<1x16xf32> to vector<16xf32>
        %swap3A_129 = vector.shape_cast %mul3A_124 : vector<16xf32> to vector<1x16xf32>
        tpu.vector_store %arg12[%swap3A_125, %swap3A_126], %swap3A_129 {strides = array<i32>} : memref<128x128xf32, #tpu.memory_space<vmem>>, vector<1x16xf32>,
        %scan3A_130 = arith.constant 6 : i32
        %mul3A_131 = arith.constant 16 : i32
        %mul3A_132 = arith.muli %scan3A_130, %mul3A_131 : i32
        %get3A_133 = arith.index_cast %scan3A_47 : i32 to index
        %get3A_134 = arith.index_cast %mul3A_132 : i32 to index
        %get3A_135 = tpu.vector_load %arg12[%get3A_133, %get3A_134] {strides = array<i32>} : memref<128x128xf32, #tpu.memory_space<vmem>>, vector<1x16xf32>,
        %get3A_136 = vector.shape_cast %get3A_135 : vector<1x16xf32> to vector<16xf32>
        %mul3A_137 = arith.mulf %get3A_136, %gather3A_51 : vector<16xf32>
        %swap3A_138 = arith.index_cast %scan3A_47 : i32 to index
        %swap3A_139 = arith.index_cast %mul3A_132 : i32 to index
        %swap3A_140 = tpu.vector_load %arg12[%swap3A_138, %swap3A_139] {strides = array<i32>} : memref<128x128xf32, #tpu.memory_space<vmem>>, vector<1x16xf32>,
        %swap3A_141 = vector.shape_cast %swap3A_140 : vector<1x16xf32> to vector<16xf32>
        %swap3A_142 = vector.shape_cast %mul3A_137 : vector<16xf32> to vector<1x16xf32>
        tpu.vector_store %arg12[%swap3A_138, %swap3A_139], %swap3A_142 {strides = array<i32>} : memref<128x128xf32, #tpu.memory_space<vmem>>, vector<1x16xf32>,
        %scan3A_143 = arith.constant 7 : i32
        %mul3A_144 = arith.constant 16 : i32
        %mul3A_145 = arith.muli %scan3A_143, %mul3A_144 : i32
        %get3A_146 = arith.index_cast %scan3A_47 : i32 to index
        %get3A_147 = arith.index_cast %mul3A_145 : i32 to index
        %get3A_148 = tpu.vector_load %arg12[%get3A_146, %get3A_147] {strides = array<i32>} : memref<128x128xf32, #tpu.memory_space<vmem>>, vector<1x16xf32>,
        %get3A_149 = vector.shape_cast %get3A_148 : vector<1x16xf32> to vector<16xf32>
        %mul3A_150 = arith.mulf %get3A_149, %gather3A_51 : vector<16xf32>
        %swap3A_151 = arith.index_cast %scan3A_47 : i32 to index
        %swap3A_152 = arith.index_cast %mul3A_145 : i32 to index
        %swap3A_153 = tpu.vector_load %arg12[%swap3A_151, %swap3A_152] {strides = array<i32>} : memref<128x128xf32, #tpu.memory_space<vmem>>, vector<1x16xf32>,
        %swap3A_154 = vector.shape_cast %swap3A_153 : vector<1x16xf32> to vector<16xf32>
        %swap3A_155 = vector.shape_cast %mul3A_150 : vector<16xf32> to vector<1x16xf32>
        tpu.vector_store %arg12[%swap3A_151, %swap3A_152], %swap3A_155 {strides = array<i32>} : memref<128x128xf32, #tpu.memory_space<vmem>>, vector<1x16xf32>,
        %scan3A_156 = arith.constant 8 : i32
      }
      %scan3A_46 = arith.constant 128 : i32
      "tpu.region"() ({
        %run_scoped3A = tpu.sem_alloc : memref<!tpu.dma_semaphore, #tpu.memory_space<semaphore_mem>>
        %dma_start3A_47 = arith.constant 0 : i32
        %dma_start3A_48 = arith.constant 0 : i32
        %dma_start3A_49 = tpu.memref_slice %arg13[%dma_start3A_47, %dma_start3A_48] : memref<10240x128xf32, #tpu.memory_space<vmem_shared>> -> memref<10240x128xf32, #tpu.memory_space<vmem_shared>>
        tpu.enqueue_indirect_dma source(%arg12 : memref<128x128xf32, #tpu.memory_space<vmem>>) target(%dma_start3A_49 : memref<10240x128xf32, #tpu.memory_space<vmem_shared>>) offsets(%arg9 : memref<128xi32, #tpu.memory_space<vmem>>) semaphore(%run_scoped3A : memref<!tpu.dma_semaphore, #tpu.memory_space<semaphore_mem>>) {add = true}
        %dma_wait3A_50 = arith.constant 0 : i32
        %dma_wait3A_51 = arith.constant 0 : i32
        %dma_wait3A_52 = tpu.memref_slice %arg13[%dma_wait3A_50, %dma_wait3A_51] : memref<10240x128xf32, #tpu.memory_space<vmem_shared>> -> memref<10240x128xf32, #tpu.memory_space<vmem_shared>>
        tpu.wait_indirect_dma semaphore(%run_scoped3A : memref<!tpu.dma_semaphore, #tpu.memory_space<semaphore_mem>>) src(%arg12 : memref<128x128xf32, #tpu.memory_space<vmem>>) dst(%dma_wait3A_52 : memref<10240x128xf32, #tpu.memory_space<vmem_shared>>)
        tpu.yield
      }) : () -> ()
    }
    %scan3A_11 = arith.constant 81 : i32
    %barrier3A_12 = arith.constant 0 : index
    tpu.barrier barrier_id(%barrier3A_12)
    %mul3A_13 = arith.constant 640 : i32
    %mul3A_14 = arith.muli %arg1, %mul3A_13 : i32
    %mul3A_15 = arith.constant 1 : i32
    %mul3A_16 = arith.muli %arg0, %mul3A_15 : i32
    %add3A_17 = arith.addi %mul3A_16, %scan3A_1 : i32
    %mul3A_18 = arith.constant 10240 : i32
    %mul3A_19 = arith.muli %add3A_17, %mul3A_18 : i32
    %mul3A_20 = arith.constant 640 : i32
    %mul3A_21 = arith.muli %arg1, %mul3A_20 : i32
    %add3A_22 = arith.addi %mul3A_19, %mul3A_21 : i32
    "tpu.region"() ({
      %run_scoped3A = tpu.sem_alloc : memref<!tpu.dma_semaphore, #tpu.memory_space<semaphore_mem>>
      %dma_start3A = arith.constant 0 : i32
      %dma_start3A_25 = tpu.memref_slice %arg7[%add3A_22, %dma_start3A] : memref<20480x128xf32, #tpu.memory_space<hbm>> -> memref<640x128xf32, #tpu.memory_space<hbm>>
      %dma_start3A_26 = arith.constant 0 : i32
      %dma_start3A_27 = tpu.memref_slice %arg13[%mul3A_14, %dma_start3A_26] : memref<10240x128xf32, #tpu.memory_space<vmem_shared>> -> memref<640x128xf32, #tpu.memory_space<vmem_shared>>
      tpu.enqueue_dma source(%dma_start3A_27 : memref<640x128xf32, #tpu.memory_space<vmem_shared>>) target(%dma_start3A_25 : memref<640x128xf32, #tpu.memory_space<hbm>>) target_semaphore(%run_scoped3A : memref<!tpu.dma_semaphore, #tpu.memory_space<semaphore_mem>>)
      %dma_wait3A = arith.constant 0 : i32
      %dma_wait3A_28 = tpu.memref_slice %arg7[%add3A_22, %dma_wait3A] : memref<20480x128xf32, #tpu.memory_space<hbm>> -> memref<640x128xf32, #tpu.memory_space<hbm>>
      %dma_wait3A_29 = arith.constant 0 : i32
      %dma_wait3A_30 = tpu.memref_slice %arg13[%mul3A_14, %dma_wait3A_29] : memref<10240x128xf32, #tpu.memory_space<vmem_shared>> -> memref<640x128xf32, #tpu.memory_space<vmem_shared>>
      tpu.wait_dma2 semaphore(%run_scoped3A : memref<!tpu.dma_semaphore, #tpu.memory_space<semaphore_mem>>) src(%dma_wait3A_30 : memref<640x128xf32, #tpu.memory_space<vmem_shared>>) dst(%dma_wait3A_28 : memref<640x128xf32, #tpu.memory_space<hbm>>)
      tpu.yield
    }) : () -> ()
    %barrier3A_23 = arith.constant 0 : index
    tpu.barrier barrier_id(%barrier3A_23)
    %scan3A_24 = arith.constant 1 : i32
    return
  }
}

module attributes {stable_mosaic.version = 14 : i64} {
  func.func @body(%arg0: i32, %arg1: memref<2000x128xf32, #tpu.memory_space<vmem>>, %arg2: memref<128x128xf32, #tpu.memory_space<vmem>>, %arg3: memref<1x128xf32, #tpu.memory_space<vmem>>, %arg4: memref<2000x128xf32, #tpu.memory_space<vmem>>) attributes {dimension_semantics = [#tpu.dimension_semantics<arbitrary>], iteration_bounds = array<i64: 5>, scalar_prefetch = 0 : i64, scratch_operands = 0 : i64, tpu.core_type = #tpu.core_type<tc>, window_params = [{transform_indices = @transform_0, window_bounds = array<i64: 2000, 128>}, {pipeline_mode = #tpu.pipeline_mode<synchronous>, transform_indices = @transform_1, window_bounds = array<i64: 128, 128>}, {pipeline_mode = #tpu.pipeline_mode<synchronous>, transform_indices = @transform_2, window_bounds = array<i64: 1, 128>}, {transform_indices = @transform_3, window_bounds = array<i64: 2000, 128>}]} {
    %get3A = arith.constant 0 : index
    %get3A_0 = arith.constant 0 : index
    %get3A_1 = vector.load %arg1[%get3A, %get3A_0] : memref<2000x128xf32, #tpu.memory_space<vmem>>, vector<2000x128xf32>
    %get3A_2 = arith.constant 0 : index
    %get3A_3 = arith.constant 0 : index
    %get3A_4 = vector.load %arg2[%get3A_2, %get3A_3] : memref<128x128xf32, #tpu.memory_space<vmem>>, vector<128x128xf32>
    %dot_general3A = arith.constant dense<0.000000e+00> : vector<2000x128xf32>
    %dot_general3A_5 = tpu.matmul %get3A_1, %get3A_4, %dot_general3A {dimension_numbers = #tpu.dot_dimension_numbers<[1], [0], [0], [1], [0, 0, 1, 1], [], []>, transpose_lhs_hint = false} : vector<2000x128xf32>, vector<128x128xf32>, vector<2000x128xf32> -> vector<2000x128xf32>
    %get3A_6 = arith.constant 0 : index
    %get3A_7 = arith.constant 0 : index
    %get3A_8 = vector.load %arg3[%get3A_6, %get3A_7] : memref<1x128xf32, #tpu.memory_space<vmem>>, vector<1x128xf32>
    %add3A = vector.broadcast %get3A_8 : vector<1x128xf32> to vector<2000x128xf32>
    %add3A_9 = arith.addf %dot_general3A_5, %add3A : vector<2000x128xf32>
    %swap3A = arith.constant 0 : index
    %swap3A_10 = arith.constant 0 : index
    %swap3A_11 = vector.load %arg4[%swap3A, %swap3A_10] : memref<2000x128xf32, #tpu.memory_space<vmem>>, vector<2000x128xf32>
    tpu.vector_store %arg4[%swap3A, %swap3A_10], %add3A_9 {strides = array<i32>} : memref<2000x128xf32, #tpu.memory_space<vmem>>, vector<2000x128xf32>,
    return
  }
  func.func @transform_0(%arg0: i32) -> (i32, i32) {
    %c0_i32 = arith.constant 0 : i32
    %c0_i32_0 = arith.constant 0 : i32
    return %arg0, %c0_i32 : i32, i32
  }
  func.func @transform_1(%arg0: i32) -> (i32, i32) {
    %c0_i32 = arith.constant 0 : i32
    %c0_i32_0 = arith.constant 0 : i32
    %c0_i32_1 = arith.constant 0 : i32
    return %c0_i32, %c0_i32_0 : i32, i32
  }
  func.func @transform_2(%arg0: i32) -> (i32, i32) {
    %c0_i32 = arith.constant 0 : i32
    %c0_i32_0 = arith.constant 0 : i32
    %c0_i32_1 = arith.constant 0 : i32
    return %c0_i32, %c0_i32_0 : i32, i32
  }
  func.func @transform_3(%arg0: i32) -> (i32, i32) {
    %c0_i32 = arith.constant 0 : i32
    %c0_i32_0 = arith.constant 0 : i32
    return %arg0, %c0_i32 : i32, i32
  }
}

module attributes {stable_mosaic.version = 14 : i64} {
  func.func @body(%arg0: i32, %arg1: memref<2000x16xf32, #tpu.memory_space<vmem>>, %arg2: memref<16x1024xf32, #tpu.memory_space<vmem>>, %arg3: memref<8x128xf32, #tpu.memory_space<vmem>>, %arg4: memref<2000x16xf32, #tpu.memory_space<vmem>>, %arg5: memref<1x16xf32, #tpu.memory_space<vmem>>, %arg6: memref<1x16xf32, #tpu.memory_space<vmem>>) attributes {dimension_semantics = [#tpu.dimension_semantics<arbitrary>], iteration_bounds = array<i64: 160>, scalar_prefetch = 0 : i64, scratch_operands = 0 : i64, tpu.core_type = #tpu.core_type<tc>, window_params = [{transform_indices = @transform_0, window_bounds = array<i64: 2000, 16>}, {pipeline_mode = #tpu.pipeline_mode<synchronous>, transform_indices = @transform_1, window_bounds = array<i64: 16, 1024>}, {pipeline_mode = #tpu.pipeline_mode<synchronous>, transform_indices = @transform_2, window_bounds = array<i64: 8, 128>}, {transform_indices = @transform_3, window_bounds = array<i64: 2000, 16>}, {pipeline_mode = #tpu.pipeline_mode<synchronous>, transform_indices = @transform_4, window_bounds = array<i64: 1, 16>}, {pipeline_mode = #tpu.pipeline_mode<synchronous>, transform_indices = @transform_5, window_bounds = array<i64: 1, 16>}]} {
    %get3A = arith.constant 0 : index
    %get3A_0 = arith.constant 0 : index
    %get3A_1 = vector.load %arg2[%get3A, %get3A_0] : memref<16x1024xf32, #tpu.memory_space<vmem>>, vector<16x1024xf32>
    %reshape3A = vector.shape_cast %get3A_1 : vector<16x1024xf32> to vector<16x8x128xf32>
    %get3A_2 = arith.constant 0 : index
    %get3A_3 = arith.constant 0 : index
    %get3A_4 = vector.load %arg3[%get3A_2, %get3A_3] : memref<8x128xf32, #tpu.memory_space<vmem>>, vector<8x128xf32>
    %broadcast_in_dim3A = vector.shape_cast %get3A_4 : vector<8x128xf32> to vector<1x8x128xf32>
    %mul3A = vector.broadcast %broadcast_in_dim3A : vector<1x8x128xf32> to vector<16x8x128xf32>
    %mul3A_5 = arith.mulf %reshape3A, %mul3A : vector<16x8x128xf32>
    %reduce_sum3A = arith.constant dense<0.000000e+00> : vector<16x8xf32>
    %reduce_sum3A_6 = vector.multi_reduction <add>, %mul3A_5, %reduce_sum3A [2] : vector<16x8x128xf32> to vector<16x8xf32>
    %get3A_7 = arith.constant 0 : index
    %get3A_8 = arith.constant 0 : index
    %get3A_9 = vector.load %arg1[%get3A_7, %get3A_8] : memref<2000x16xf32, #tpu.memory_space<vmem>>, vector<2000x16xf32>
    %dot_general3A = arith.constant dense<0.000000e+00> : vector<2000x8xf32>
    %dot_general3A_10 = tpu.matmul %get3A_9, %reduce_sum3A_6, %dot_general3A {dimension_numbers = #tpu.dot_dimension_numbers<[1], [0], [0], [1], [0, 0, 1, 1], [], []>, transpose_lhs_hint = false} : vector<2000x16xf32>, vector<16x8xf32>, vector<2000x8xf32> -> vector<2000x8xf32>
    %broadcast_in_dim3A_11 = arith.constant 0.000000e+00 : f32
    %broadcast_in_dim3A_12 = vector.broadcast %broadcast_in_dim3A_11 : f32 to vector<2000x8xf32>
    %concatenate3A = tpu.concatenate %dot_general3A_10, %broadcast_in_dim3A_12 in 1 : vector<2000x8xf32>, vector<2000x8xf32> -> vector<2000x16xf32>
    %swap3A = arith.constant 0 : index
    %swap3A_13 = arith.constant 0 : index
    %swap3A_14 = vector.load %arg4[%swap3A, %swap3A_13] : memref<2000x16xf32, #tpu.memory_space<vmem>>, vector<2000x16xf32>
    tpu.vector_store %arg4[%swap3A, %swap3A_13], %concatenate3A {strides = array<i32>} : memref<2000x16xf32, #tpu.memory_space<vmem>>, vector<2000x16xf32>,
    %get3A_15 = arith.constant 0 : index
    %get3A_16 = arith.constant 0 : index
    %get3A_17 = vector.load %arg1[%get3A_15, %get3A_16] : memref<2000x16xf32, #tpu.memory_space<vmem>>, vector<2000x16xf32>
    %reduce_sum3A_18 = arith.constant dense<0.000000e+00> : vector<16xf32>
    %reduce_sum3A_19 = vector.multi_reduction <add>, %get3A_17, %reduce_sum3A_18 [0] : vector<2000x16xf32> to vector<16xf32>
    %broadcast_in_dim3A_20 = vector.shape_cast %reduce_sum3A_19 : vector<16xf32> to vector<1x16xf32>
    %eq3A = arith.constant 0 : i32
    %eq3A_21 = arith.cmpi eq, %arg0, %eq3A : i32
    %convert_element_type3A = arith.extui %eq3A_21 : i1 to i32
    %cond3A = arith.constant 0 : i32
    %cond3A_22 = arith.cmpi ne, %convert_element_type3A, %cond3A : i32
    scf.if %cond3A_22 {
      %swap3A_32 = arith.constant 0 : index
      %swap3A_33 = arith.constant 0 : index
      %swap3A_34 = vector.load %arg5[%swap3A_32, %swap3A_33] : memref<1x16xf32, #tpu.memory_space<vmem>>, vector<1x16xf32>
      tpu.vector_store %arg5[%swap3A_32, %swap3A_33], %broadcast_in_dim3A_20 {strides = array<i32>} : memref<1x16xf32, #tpu.memory_space<vmem>>, vector<1x16xf32>,
    } else {
    }
    %gt3A = arith.constant 0 : i32
    %gt3A_23 = arith.cmpi sgt, %arg0, %gt3A : i32
    %convert_element_type3A_24 = arith.extui %gt3A_23 : i1 to i32
    %cond3A_25 = arith.constant 0 : i32
    %cond3A_26 = arith.cmpi ne, %convert_element_type3A_24, %cond3A_25 : i32
    scf.if %cond3A_26 {
      %get3A_32 = arith.constant 0 : index
      %get3A_33 = arith.constant 0 : index
      %get3A_34 = vector.load %arg5[%get3A_32, %get3A_33] : memref<1x16xf32, #tpu.memory_space<vmem>>, vector<1x16xf32>
      %add3A = arith.addf %get3A_34, %broadcast_in_dim3A_20 : vector<1x16xf32>
      %swap3A_35 = arith.constant 0 : index
      %swap3A_36 = arith.constant 0 : index
      %swap3A_37 = vector.load %arg5[%swap3A_35, %swap3A_36] : memref<1x16xf32, #tpu.memory_space<vmem>>, vector<1x16xf32>
      tpu.vector_store %arg5[%swap3A_35, %swap3A_36], %add3A {strides = array<i32>} : memref<1x16xf32, #tpu.memory_space<vmem>>, vector<1x16xf32>,
    } else {
    }
    %eq3A_27 = arith.constant 159 : i32
    %eq3A_28 = arith.cmpi eq, %arg0, %eq3A_27 : i32
    %convert_element_type3A_29 = arith.extui %eq3A_28 : i1 to i32
    %cond3A_30 = arith.constant 0 : i32
    %cond3A_31 = arith.cmpi ne, %convert_element_type3A_29, %cond3A_30 : i32
    scf.if %cond3A_31 {
      %get3A_32 = arith.constant 0 : index
      %get3A_33 = arith.constant 0 : index
      %get3A_34 = vector.load %arg5[%get3A_32, %get3A_33] : memref<1x16xf32, #tpu.memory_space<vmem>>, vector<1x16xf32>
      %div3A = arith.constant 3.200000e+05 : f32
      %div3A_35 = vector.broadcast %div3A : f32 to vector<1x16xf32>
      %div3A_36 = arith.divf %get3A_34, %div3A_35 : vector<1x16xf32>
      %dot_general3A_37 = arith.constant dense<0.000000e+00> : vector<1x8xf32>
      %dot_general3A_38 = tpu.matmul %div3A_36, %reduce_sum3A_6, %dot_general3A_37 {dimension_numbers = #tpu.dot_dimension_numbers<[1], [0], [0], [1], [0, 0, 1, 1], [], []>, transpose_lhs_hint = false} : vector<1x16xf32>, vector<16x8xf32>, vector<1x8xf32> -> vector<1x8xf32>
      %broadcast_in_dim3A_39 = arith.constant 0.000000e+00 : f32
      %broadcast_in_dim3A_40 = vector.broadcast %broadcast_in_dim3A_39 : f32 to vector<1x8xf32>
      %concatenate3A_41 = tpu.concatenate %dot_general3A_38, %broadcast_in_dim3A_40 in 1 : vector<1x8xf32>, vector<1x8xf32> -> vector<1x16xf32>
      %swap3A_42 = arith.constant 0 : index
      %swap3A_43 = arith.constant 0 : index
      %swap3A_44 = vector.load %arg6[%swap3A_42, %swap3A_43] : memref<1x16xf32, #tpu.memory_space<vmem>>, vector<1x16xf32>
      tpu.vector_store %arg6[%swap3A_42, %swap3A_43], %concatenate3A_41 {strides = array<i32>} : memref<1x16xf32, #tpu.memory_space<vmem>>, vector<1x16xf32>,
    } else {
    }
    return
  }
  func.func @transform_0(%arg0: i32) -> (i32, i32) {
    %c0_i32 = arith.constant 0 : i32
    %c0_i32_0 = arith.constant 0 : i32
    return %arg0, %c0_i32 : i32, i32
  }
  func.func @transform_1(%arg0: i32) -> (i32, i32) {
    %c0_i32 = arith.constant 0 : i32
    %c0_i32_0 = arith.constant 0 : i32
    %c0_i32_1 = arith.constant 0 : i32
    return %c0_i32, %c0_i32_0 : i32, i32
  }
  func.func @transform_2(%arg0: i32) -> (i32, i32) {
    %c0_i32 = arith.constant 0 : i32
    %c0_i32_0 = arith.constant 0 : i32
    %c0_i32_1 = arith.constant 0 : i32
    return %c0_i32, %c0_i32_0 : i32, i32
  }
  func.func @transform_3(%arg0: i32) -> (i32, i32) {
    %c0_i32 = arith.constant 0 : i32
    %c0_i32_0 = arith.constant 0 : i32
    return %arg0, %c0_i32 : i32, i32
  }
  func.func @transform_4(%arg0: i32) -> (i32, i32) {
    %c0_i32 = arith.constant 0 : i32
    %c0_i32_0 = arith.constant 0 : i32
    %c0_i32_1 = arith.constant 0 : i32
    return %c0_i32, %c0_i32_0 : i32, i32
  }
  func.func @transform_5(%arg0: i32) -> (i32, i32) {
    %c0_i32 = arith.constant 0 : i32
    %c0_i32_0 = arith.constant 0 : i32
    %c0_i32_1 = arith.constant 0 : i32
    return %c0_i32, %c0_i32_0 : i32, i32
  }
}

module attributes {stable_mosaic.version = 14 : i64} {
  func.func @body(%arg0: i32, %arg1: i32, %arg2: memref<1000x128xf32, #tpu.memory_space<vmem>>, %arg3: memref<128x128xf32, #tpu.memory_space<vmem>>, %arg4: memref<1x1x128xf32, #tpu.memory_space<vmem>>, %arg5: memref<1x1x128xf32, #tpu.memory_space<vmem>>, %arg6: memref<1000x128xf32, #tpu.memory_space<vmem>>, %arg7: memref<1000x16xf32, #tpu.memory_space<vmem>>, %arg8: memref<1000x16xf32, #tpu.memory_space<vmem>>) attributes {dimension_semantics = [#tpu.dimension_semantics<arbitrary>, #tpu.dimension_semantics<arbitrary>], iteration_bounds = array<i64: 10, 8>, scalar_prefetch = 0 : i64, scratch_operands = 0 : i64, tpu.core_type = #tpu.core_type<tc>, window_params = [{transform_indices = @transform_0, window_bounds = array<i64: 1000, 128>}, {transform_indices = @transform_1, window_bounds = array<i64: 128, 128>}, {transform_indices = @transform_2, window_bounds = array<i64: 1, 1, 128>}, {transform_indices = @transform_3, window_bounds = array<i64: 1, 1, 128>}, {transform_indices = @transform_4, window_bounds = array<i64: 1000, 128>}, {transform_indices = @transform_5, window_bounds = array<i64: 1000, 16>}, {transform_indices = @transform_6, window_bounds = array<i64: 1000, 16>}]} {
    %get3A = arith.constant 0 : index
    %get3A_0 = arith.constant 0 : index
    %get3A_1 = vector.load %arg2[%get3A, %get3A_0] : memref<1000x128xf32, #tpu.memory_space<vmem>>, vector<1000x128xf32>
    %get3A_2 = arith.constant 0 : index
    %get3A_3 = arith.constant 0 : index
    %get3A_4 = vector.load %arg3[%get3A_2, %get3A_3] : memref<128x128xf32, #tpu.memory_space<vmem>>, vector<128x128xf32>
    %dot_general3A = arith.constant dense<0.000000e+00> : vector<1000x128xf32>
    %dot_general3A_5 = tpu.matmul %get3A_1, %get3A_4, %dot_general3A {dimension_numbers = #tpu.dot_dimension_numbers<[1], [0], [0], [1], [0, 0, 1, 1], [], []>, transpose_lhs_hint = false} : vector<1000x128xf32>, vector<128x128xf32>, vector<1000x128xf32> -> vector<1000x128xf32>
    %swap3A = arith.constant 0 : index
    %swap3A_6 = arith.constant 0 : index
    %swap3A_7 = vector.load %arg6[%swap3A, %swap3A_6] : memref<1000x128xf32, #tpu.memory_space<vmem>>, vector<1000x128xf32>
    tpu.vector_store %arg6[%swap3A, %swap3A_6], %dot_general3A_5 {strides = array<i32>} : memref<1000x128xf32, #tpu.memory_space<vmem>>, vector<1000x128xf32>,
    %get3A_8 = arith.constant 0 : index
    %get3A_9 = arith.constant 0 : index
    %get3A_10 = arith.constant 0 : index
    %get3A_11 = vector.load %arg4[%get3A_8, %get3A_9, %get3A_10] : memref<1x1x128xf32, #tpu.memory_space<vmem>>, vector<1x1x128xf32>
    %get3A_12 = vector.shape_cast %get3A_11 : vector<1x1x128xf32> to vector<1x128xf32>
    %mul3A = vector.broadcast %get3A_12 : vector<1x128xf32> to vector<1000x128xf32>
    %mul3A_13 = arith.mulf %dot_general3A_5, %mul3A : vector<1000x128xf32>
    %reduce_sum3A = arith.constant dense<0.000000e+00> : vector<1000xf32>
    %reduce_sum3A_14 = vector.multi_reduction <add>, %mul3A_13, %reduce_sum3A [1] : vector<1000x128xf32> to vector<1000xf32>
    %get3A_15 = arith.constant 0 : index
    %get3A_16 = arith.constant 0 : index
    %get3A_17 = arith.constant 0 : index
    %get3A_18 = vector.load %arg5[%get3A_15, %get3A_16, %get3A_17] : memref<1x1x128xf32, #tpu.memory_space<vmem>>, vector<1x1x128xf32>
    %get3A_19 = vector.shape_cast %get3A_18 : vector<1x1x128xf32> to vector<1x128xf32>
    %mul3A_20 = vector.broadcast %get3A_19 : vector<1x128xf32> to vector<1000x128xf32>
    %mul3A_21 = arith.mulf %dot_general3A_5, %mul3A_20 : vector<1000x128xf32>
    %reduce_sum3A_22 = arith.constant dense<0.000000e+00> : vector<1000xf32>
    %reduce_sum3A_23 = vector.multi_reduction <add>, %mul3A_21, %reduce_sum3A_22 [1] : vector<1000x128xf32> to vector<1000xf32>
    %iota3A = tpu.iota {dimensions = array<i32: 1>} : vector<1000x16xi32>
    %eq3A = vector.broadcast %arg1 : i32 to vector<1000x16xi32>
    %eq3A_24 = arith.cmpi eq, %iota3A, %eq3A : vector<1000x16xi32>
    %broadcast_in_dim3A = vector.shape_cast %reduce_sum3A_14 : vector<1000xf32> to vector<1000x1xf32>
    %jit3A = arith.constant 0.000000e+00 : f32
    %broadcast_in_dim3A_25 = vector.shape_cast %broadcast_in_dim3A : vector<1000x1xf32> to vector<1000x1xf32>
    %broadcast_in_dim3A_26 = vector.broadcast %broadcast_in_dim3A_25 : vector<1000x1xf32> to vector<1000x16xf32>
    %broadcast_in_dim3A_27 = vector.broadcast %jit3A : f32 to vector<1000x16xf32>
    %select_n3A = arith.select %eq3A_24, %broadcast_in_dim3A_26, %broadcast_in_dim3A_27 : vector<1000x16xi1>, vector<1000x16xf32>
    %eq3A_28 = vector.broadcast %arg1 : i32 to vector<1000x16xi32>
    %eq3A_29 = arith.cmpi eq, %iota3A, %eq3A_28 : vector<1000x16xi32>
    %broadcast_in_dim3A_30 = vector.shape_cast %reduce_sum3A_23 : vector<1000xf32> to vector<1000x1xf32>
    %jit3A_31 = arith.constant 0.000000e+00 : f32
    %broadcast_in_dim3A_32 = vector.shape_cast %broadcast_in_dim3A_30 : vector<1000x1xf32> to vector<1000x1xf32>
    %broadcast_in_dim3A_33 = vector.broadcast %broadcast_in_dim3A_32 : vector<1000x1xf32> to vector<1000x16xf32>
    %broadcast_in_dim3A_34 = vector.broadcast %jit3A_31 : f32 to vector<1000x16xf32>
    %select_n3A_35 = arith.select %eq3A_29, %broadcast_in_dim3A_33, %broadcast_in_dim3A_34 : vector<1000x16xi1>, vector<1000x16xf32>
    %eq3A_36 = arith.constant 0 : i32
    %eq3A_37 = arith.cmpi eq, %arg1, %eq3A_36 : i32
    %convert_element_type3A = arith.extui %eq3A_37 : i1 to i32
    %cond3A = arith.constant 0 : i32
    %cond3A_38 = arith.cmpi ne, %convert_element_type3A, %cond3A : i32
    scf.if %cond3A_38 {
      %swap3A_43 = arith.constant 0 : index
      %swap3A_44 = arith.constant 0 : index
      %swap3A_45 = vector.load %arg7[%swap3A_43, %swap3A_44] : memref<1000x16xf32, #tpu.memory_space<vmem>>, vector<1000x16xf32>
      tpu.vector_store %arg7[%swap3A_43, %swap3A_44], %select_n3A {strides = array<i32>} : memref<1000x16xf32, #tpu.memory_space<vmem>>, vector<1000x16xf32>,
      %swap3A_46 = arith.constant 0 : index
      %swap3A_47 = arith.constant 0 : index
      %swap3A_48 = vector.load %arg8[%swap3A_46, %swap3A_47] : memref<1000x16xf32, #tpu.memory_space<vmem>>, vector<1000x16xf32>
      tpu.vector_store %arg8[%swap3A_46, %swap3A_47], %select_n3A_35 {strides = array<i32>} : memref<1000x16xf32, #tpu.memory_space<vmem>>, vector<1000x16xf32>,
    } else {
    }
    %gt3A = arith.constant 0 : i32
    %gt3A_39 = arith.cmpi sgt, %arg1, %gt3A : i32
    %convert_element_type3A_40 = arith.extui %gt3A_39 : i1 to i32
    %cond3A_41 = arith.constant 0 : i32
    %cond3A_42 = arith.cmpi ne, %convert_element_type3A_40, %cond3A_41 : i32
    scf.if %cond3A_42 {
      %get3A_43 = arith.constant 0 : index
      %get3A_44 = arith.constant 0 : index
      %get3A_45 = vector.load %arg7[%get3A_43, %get3A_44] : memref<1000x16xf32, #tpu.memory_space<vmem>>, vector<1000x16xf32>
      %add3A = arith.addf %get3A_45, %select_n3A : vector<1000x16xf32>
      %swap3A_46 = arith.constant 0 : index
      %swap3A_47 = arith.constant 0 : index
      %swap3A_48 = vector.load %arg7[%swap3A_46, %swap3A_47] : memref<1000x16xf32, #tpu.memory_space<vmem>>, vector<1000x16xf32>
      tpu.vector_store %arg7[%swap3A_46, %swap3A_47], %add3A {strides = array<i32>} : memref<1000x16xf32, #tpu.memory_space<vmem>>, vector<1000x16xf32>,
      %get3A_49 = arith.constant 0 : index
      %get3A_50 = arith.constant 0 : index
      %get3A_51 = vector.load %arg8[%get3A_49, %get3A_50] : memref<1000x16xf32, #tpu.memory_space<vmem>>, vector<1000x16xf32>
      %add3A_52 = arith.addf %get3A_51, %select_n3A_35 : vector<1000x16xf32>
      %swap3A_53 = arith.constant 0 : index
      %swap3A_54 = arith.constant 0 : index
      %swap3A_55 = vector.load %arg8[%swap3A_53, %swap3A_54] : memref<1000x16xf32, #tpu.memory_space<vmem>>, vector<1000x16xf32>
      tpu.vector_store %arg8[%swap3A_53, %swap3A_54], %add3A_52 {strides = array<i32>} : memref<1000x16xf32, #tpu.memory_space<vmem>>, vector<1000x16xf32>,
    } else {
    }
    return
  }
  func.func @transform_0(%arg0: i32, %arg1: i32) -> (i32, i32) {
    %c0_i32 = arith.constant 0 : i32
    %c0_i32_0 = arith.constant 0 : i32
    return %arg0, %c0_i32 : i32, i32
  }
  func.func @transform_1(%arg0: i32, %arg1: i32) -> (i32, i32) {
    %c0_i32 = arith.constant 0 : i32
    %c0_i32_0 = arith.constant 0 : i32
    return %c0_i32, %arg1 : i32, i32
  }
  func.func @transform_2(%arg0: i32, %arg1: i32) -> (i32, i32, i32) {
    %c0_i32 = arith.constant 0 : i32
    %c0_i32_0 = arith.constant 0 : i32
    %c0_i32_1 = arith.constant 0 : i32
    return %arg1, %c0_i32, %c0_i32_0 : i32, i32, i32
  }
  func.func @transform_3(%arg0: i32, %arg1: i32) -> (i32, i32, i32) {
    %c0_i32 = arith.constant 0 : i32
    %c0_i32_0 = arith.constant 0 : i32
    %c0_i32_1 = arith.constant 0 : i32
    return %arg1, %c0_i32, %c0_i32_0 : i32, i32, i32
  }
  func.func @transform_4(%arg0: i32, %arg1: i32) -> (i32, i32) {
    %c0_i32 = arith.constant 0 : i32
    return %arg0, %arg1 : i32, i32
  }
  func.func @transform_5(%arg0: i32, %arg1: i32) -> (i32, i32) {
    %c0_i32 = arith.constant 0 : i32
    %c0_i32_0 = arith.constant 0 : i32
    return %arg0, %c0_i32 : i32, i32
  }
  func.func @transform_6(%arg0: i32, %arg1: i32) -> (i32, i32) {
    %c0_i32 = arith.constant 0 : i32
    %c0_i32_0 = arith.constant 0 : i32
    return %arg0, %c0_i32 : i32, i32
  }
}

module attributes {stable_mosaic.version = 14 : i64} {
  func.func @body(%arg0: i32, %arg1: i32, %arg2: memref<1280x128xf32, #tpu.memory_space<vmem>>, %arg3: memref<1280x128xf32, #tpu.memory_space<vmem>>, %arg4: memref<1280x16xf32, #tpu.memory_space<vmem>>, %arg5: memref<1280x16xf32, #tpu.memory_space<vmem>>, %arg6: memref<1x128xf32, #tpu.memory_space<vmem>>, %arg7: memref<1280x128xf32, #tpu.memory_space<vmem>>, %arg8: memref<2x128xf32, #tpu.memory_space<vmem>>) attributes {dimension_semantics = [#tpu.dimension_semantics<arbitrary>, #tpu.dimension_semantics<arbitrary>], iteration_bounds = array<i64: 8, 8>, scalar_prefetch = 0 : i64, scratch_operands = 0 : i64, tpu.core_type = #tpu.core_type<tc>, window_params = [{transform_indices = @transform_0, window_bounds = array<i64: 1280, 128>}, {transform_indices = @transform_1, window_bounds = array<i64: 1280, 128>}, {transform_indices = @transform_2, window_bounds = array<i64: 1280, 16>}, {transform_indices = @transform_3, window_bounds = array<i64: 1280, 16>}, {pipeline_mode = #tpu.pipeline_mode<synchronous>, transform_indices = @transform_4, window_bounds = array<i64: 1, 128>}, {transform_indices = @transform_5, window_bounds = array<i64: 1280, 128>}, {pipeline_mode = #tpu.pipeline_mode<synchronous>, transform_indices = @transform_6, window_bounds = array<i64: 2, 128>}]} {
    %get3A = arith.constant 0 : index
    %get3A_0 = arith.constant 0 : index
    %get3A_1 = vector.load %arg2[%get3A, %get3A_0] : memref<1280x128xf32, #tpu.memory_space<vmem>>, vector<1280x128xf32>
    %get3A_2 = arith.constant 0 : index
    %get3A_3 = arith.constant 0 : index
    %get3A_4 = vector.load %arg3[%get3A_2, %get3A_3] : memref<1280x128xf32, #tpu.memory_space<vmem>>, vector<1280x128xf32>
    %add3A = arith.addf %get3A_1, %get3A_4 : vector<1280x128xf32>
    %get3A_5 = arith.constant 0 : index
    %get3A_6 = arith.constant 0 : index
    %get3A_7 = vector.load %arg4[%get3A_5, %get3A_6] : memref<1280x16xf32, #tpu.memory_space<vmem>>, vector<1280x16xf32>
    %get3A_8 = arith.constant 0 : index
    %get3A_9 = arith.constant 0 : index
    %get3A_10 = vector.load %arg5[%get3A_8, %get3A_9] : memref<1280x16xf32, #tpu.memory_space<vmem>>, vector<1280x16xf32>
    %add3A_11 = arith.addf %get3A_7, %get3A_10 : vector<1280x16xf32>
    %iota3A = tpu.iota {dimensions = array<i32: 1>} : vector<1280x16xi32>
    %eq3A = vector.broadcast %arg1 : i32 to vector<1280x16xi32>
    %eq3A_12 = arith.cmpi eq, %iota3A, %eq3A : vector<1280x16xi32>
    %jit3A = arith.constant 0.000000e+00 : f32
    %broadcast_in_dim3A = vector.broadcast %jit3A : f32 to vector<1280x16xf32>
    %select_n3A = arith.select %eq3A_12, %add3A_11, %broadcast_in_dim3A : vector<1280x16xi1>, vector<1280x16xf32>
    %reduce_sum3A = arith.constant dense<0.000000e+00> : vector<1280xf32>
    %reduce_sum3A_13 = vector.multi_reduction <add>, %select_n3A, %reduce_sum3A [1] : vector<1280x16xf32> to vector<1280xf32>
    %add3A_14 = arith.constant 1.000000e-16 : f32
    %add3A_15 = vector.broadcast %add3A_14 : f32 to vector<1280xf32>
    %add3A_16 = arith.addf %reduce_sum3A_13, %add3A_15 : vector<1280xf32>
    %div3A = arith.constant 1.250000e-01 : f32
    %div3A_17 = vector.broadcast %div3A : f32 to vector<1280xf32>
    %div3A_18 = arith.divf %div3A_17, %add3A_16 : vector<1280xf32>
    %broadcast_in_dim3A_19 = vector.shape_cast %div3A_18 : vector<1280xf32> to vector<1280x1xf32>
    %mul3A = vector.broadcast %broadcast_in_dim3A_19 : vector<1280x1xf32> to vector<1280x128xf32>
    %mul3A_20 = arith.mulf %add3A, %mul3A : vector<1280x128xf32>
    %eq3A_21 = arith.constant 0 : i32
    %eq3A_22 = arith.cmpi eq, %arg1, %eq3A_21 : i32
    %convert_element_type3A = arith.extui %eq3A_22 : i1 to i32
    %cond3A = arith.constant 0 : i32
    %cond3A_23 = arith.cmpi ne, %convert_element_type3A, %cond3A : i32
    scf.if %cond3A_23 {
      %swap3A = arith.constant 0 : index
      %swap3A_33 = arith.constant 0 : index
      %swap3A_34 = vector.load %arg7[%swap3A, %swap3A_33] : memref<1280x128xf32, #tpu.memory_space<vmem>>, vector<1280x128xf32>
      tpu.vector_store %arg7[%swap3A, %swap3A_33], %mul3A_20 {strides = array<i32>} : memref<1280x128xf32, #tpu.memory_space<vmem>>, vector<1280x128xf32>,
    } else {
    }
    %gt3A = arith.constant 0 : i32
    %gt3A_24 = arith.cmpi sgt, %arg1, %gt3A : i32
    %convert_element_type3A_25 = arith.extui %gt3A_24 : i1 to i32
    %cond3A_26 = arith.constant 0 : i32
    %cond3A_27 = arith.cmpi ne, %convert_element_type3A_25, %cond3A_26 : i32
    scf.if %cond3A_27 {
      %get3A_33 = arith.constant 0 : index
      %get3A_34 = arith.constant 0 : index
      %get3A_35 = vector.load %arg7[%get3A_33, %get3A_34] : memref<1280x128xf32, #tpu.memory_space<vmem>>, vector<1280x128xf32>
      %add3A_36 = arith.addf %get3A_35, %mul3A_20 : vector<1280x128xf32>
      %swap3A = arith.constant 0 : index
      %swap3A_37 = arith.constant 0 : index
      %swap3A_38 = vector.load %arg7[%swap3A, %swap3A_37] : memref<1280x128xf32, #tpu.memory_space<vmem>>, vector<1280x128xf32>
      tpu.vector_store %arg7[%swap3A, %swap3A_37], %add3A_36 {strides = array<i32>} : memref<1280x128xf32, #tpu.memory_space<vmem>>, vector<1280x128xf32>,
    } else {
    }
    %eq3A_28 = arith.constant 7 : i32
    %eq3A_29 = arith.cmpi eq, %arg1, %eq3A_28 : i32
    %convert_element_type3A_30 = arith.extui %eq3A_29 : i1 to i32
    %cond3A_31 = arith.constant 0 : i32
    %cond3A_32 = arith.cmpi ne, %convert_element_type3A_30, %cond3A_31 : i32
    scf.if %cond3A_32 {
      %get3A_33 = arith.constant 0 : index
      %get3A_34 = arith.constant 0 : index
      %get3A_35 = vector.load %arg7[%get3A_33, %get3A_34] : memref<1280x128xf32, #tpu.memory_space<vmem>>, vector<1280x128xf32>
      %get3A_36 = arith.constant 0 : index
      %get3A_37 = arith.constant 0 : index
      %get3A_38 = vector.load %arg6[%get3A_36, %get3A_37] : memref<1x128xf32, #tpu.memory_space<vmem>>, vector<1x128xf32>
      %add3A_39 = vector.broadcast %get3A_38 : vector<1x128xf32> to vector<1280x128xf32>
      %add3A_40 = arith.addf %get3A_35, %add3A_39 : vector<1280x128xf32>
      %swap3A = arith.constant 0 : index
      %swap3A_41 = arith.constant 0 : index
      %swap3A_42 = vector.load %arg7[%swap3A, %swap3A_41] : memref<1280x128xf32, #tpu.memory_space<vmem>>, vector<1280x128xf32>
      tpu.vector_store %arg7[%swap3A, %swap3A_41], %add3A_40 {strides = array<i32>} : memref<1280x128xf32, #tpu.memory_space<vmem>>, vector<1280x128xf32>,
      %iota3A_43 = tpu.iota {dimensions = array<i32: 0>} : vector<1280x128xi32>
      %mul3A_44 = arith.constant 1280 : i32
      %mul3A_45 = arith.muli %arg0, %mul3A_44 : i32
      %add3A_46 = vector.broadcast %mul3A_45 : i32 to vector<1280x128xi32>
      %add3A_47 = arith.addi %iota3A_43, %add3A_46 : vector<1280x128xi32>
      %lt3A = arith.constant 10000 : i32
      %lt3A_48 = vector.broadcast %lt3A : i32 to vector<1280x128xi32>
      %lt3A_49 = arith.cmpi slt, %add3A_47, %lt3A_48 : vector<1280x128xi32>
      %jit3A_50 = arith.constant 0.000000e+00 : f32
      %broadcast_in_dim3A_51 = vector.broadcast %jit3A_50 : f32 to vector<1280x128xf32>
      %select_n3A_52 = arith.select %lt3A_49, %add3A_40, %broadcast_in_dim3A_51 : vector<1280x128xi1>, vector<1280x128xf32>
      %reduce_sum3A_53 = arith.constant dense<0.000000e+00> : vector<128xf32>
      %reduce_sum3A_54 = vector.multi_reduction <add>, %select_n3A_52, %reduce_sum3A_53 [0] : vector<1280x128xf32> to vector<128xf32>
      %broadcast_in_dim3A_55 = vector.shape_cast %reduce_sum3A_54 : vector<128xf32> to vector<1x128xf32>
      %mul3A_56 = arith.mulf %select_n3A_52, %select_n3A_52 : vector<1280x128xf32>
      %reduce_sum3A_57 = arith.constant dense<0.000000e+00> : vector<128xf32>
      %reduce_sum3A_58 = vector.multi_reduction <add>, %mul3A_56, %reduce_sum3A_57 [0] : vector<1280x128xf32> to vector<128xf32>
      %broadcast_in_dim3A_59 = vector.shape_cast %reduce_sum3A_58 : vector<128xf32> to vector<1x128xf32>
      %concatenate3A = tpu.concatenate %broadcast_in_dim3A_55, %broadcast_in_dim3A_59 in 0 : vector<1x128xf32>, vector<1x128xf32> -> vector<2x128xf32>
      %eq3A_60 = arith.constant 0 : i32
      %eq3A_61 = arith.cmpi eq, %arg0, %eq3A_60 : i32
      %convert_element_type3A_62 = arith.extui %eq3A_61 : i1 to i32
      %cond3A_63 = arith.constant 0 : i32
      %cond3A_64 = arith.cmpi ne, %convert_element_type3A_62, %cond3A_63 : i32
      scf.if %cond3A_64 {
        %swap3A_70 = arith.constant 0 : index
        %swap3A_71 = arith.constant 0 : index
        %swap3A_72 = vector.load %arg8[%swap3A_70, %swap3A_71] : memref<2x128xf32, #tpu.memory_space<vmem>>, vector<2x128xf32>
        tpu.vector_store %arg8[%swap3A_70, %swap3A_71], %concatenate3A {strides = array<i32>} : memref<2x128xf32, #tpu.memory_space<vmem>>, vector<2x128xf32>,
      } else {
      }
      %gt3A_65 = arith.constant 0 : i32
      %gt3A_66 = arith.cmpi sgt, %arg0, %gt3A_65 : i32
      %convert_element_type3A_67 = arith.extui %gt3A_66 : i1 to i32
      %cond3A_68 = arith.constant 0 : i32
      %cond3A_69 = arith.cmpi ne, %convert_element_type3A_67, %cond3A_68 : i32
      scf.if %cond3A_69 {
        %get3A_70 = arith.constant 0 : index
        %get3A_71 = arith.constant 0 : index
        %get3A_72 = vector.load %arg8[%get3A_70, %get3A_71] : memref<2x128xf32, #tpu.memory_space<vmem>>, vector<2x128xf32>
        %add3A_73 = arith.addf %get3A_72, %concatenate3A : vector<2x128xf32>
        %swap3A_74 = arith.constant 0 : index
        %swap3A_75 = arith.constant 0 : index
        %swap3A_76 = vector.load %arg8[%swap3A_74, %swap3A_75] : memref<2x128xf32, #tpu.memory_space<vmem>>, vector<2x128xf32>
        tpu.vector_store %arg8[%swap3A_74, %swap3A_75], %add3A_73 {strides = array<i32>} : memref<2x128xf32, #tpu.memory_space<vmem>>, vector<2x128xf32>,
      } else {
      }
    } else {
    }
    return
  }
  func.func @transform_0(%arg0: i32, %arg1: i32) -> (i32, i32) {
    %mul3A = arith.constant 8 : i32
    %mul3A_0 = arith.muli %arg1, %mul3A : i32
    %add3A = arith.addi %mul3A_0, %arg0 : i32
    %c0_i32 = arith.constant 0 : i32
    %c0_i32_1 = arith.constant 0 : i32
    return %add3A, %c0_i32 : i32, i32
  }
  func.func @transform_1(%arg0: i32, %arg1: i32) -> (i32, i32) {
    %add3A = arith.constant 8 : i32
    %add3A_0 = arith.addi %add3A, %arg1 : i32
    %mul3A = arith.constant 8 : i32
    %mul3A_1 = arith.muli %add3A_0, %mul3A : i32
    %add3A_2 = arith.addi %mul3A_1, %arg0 : i32
    %c0_i32 = arith.constant 0 : i32
    %c0_i32_3 = arith.constant 0 : i32
    return %add3A_2, %c0_i32 : i32, i32
  }
  func.func @transform_2(%arg0: i32, %arg1: i32) -> (i32, i32) {
    %c0_i32 = arith.constant 0 : i32
    %c0_i32_0 = arith.constant 0 : i32
    return %arg0, %c0_i32 : i32, i32
  }
  func.func @transform_3(%arg0: i32, %arg1: i32) -> (i32, i32) {
    %add3A = arith.constant 8 : i32
    %add3A_0 = arith.addi %add3A, %arg0 : i32
    %c0_i32 = arith.constant 0 : i32
    %c0_i32_1 = arith.constant 0 : i32
    return %add3A_0, %c0_i32 : i32, i32
  }
  func.func @transform_4(%arg0: i32, %arg1: i32) -> (i32, i32) {
    %c0_i32 = arith.constant 0 : i32
    %c0_i32_0 = arith.constant 0 : i32
    %c0_i32_1 = arith.constant 0 : i32
    return %c0_i32, %c0_i32_0 : i32, i32
  }
  func.func @transform_5(%arg0: i32, %arg1: i32) -> (i32, i32) {
    %c0_i32 = arith.constant 0 : i32
    %c0_i32_0 = arith.constant 0 : i32
    return %arg0, %c0_i32 : i32, i32
  }
  func.func @transform_6(%arg0: i32, %arg1: i32) -> (i32, i32) {
    %c0_i32 = arith.constant 0 : i32
    %c0_i32_0 = arith.constant 0 : i32
    %c0_i32_1 = arith.constant 0 : i32
    return %c0_i32, %c0_i32_0 : i32, i32
  }
}

module attributes {stable_mosaic.version = 14 : i64} {
  func.func @body(%arg0: i32, %arg1: memref<1000x128xf32, #tpu.memory_space<vmem>>, %arg2: memref<2x128xf32, #tpu.memory_space<vmem>>, %arg3: memref<1x128xf32, #tpu.memory_space<vmem>>, %arg4: memref<1x128xf32, #tpu.memory_space<vmem>>, %arg5: memref<1000x128xf32, #tpu.memory_space<vmem>>, %arg6: memref<1000x128xf32, #tpu.memory_space<vmem>>) attributes {dimension_semantics = [#tpu.dimension_semantics<arbitrary>], iteration_bounds = array<i64: 10>, scalar_prefetch = 0 : i64, scratch_operands = 0 : i64, tpu.core_type = #tpu.core_type<tc>, window_params = [{transform_indices = @transform_0, window_bounds = array<i64: 1000, 128>}, {pipeline_mode = #tpu.pipeline_mode<synchronous>, transform_indices = @transform_1, window_bounds = array<i64: 2, 128>}, {pipeline_mode = #tpu.pipeline_mode<synchronous>, transform_indices = @transform_2, window_bounds = array<i64: 1, 128>}, {pipeline_mode = #tpu.pipeline_mode<synchronous>, transform_indices = @transform_3, window_bounds = array<i64: 1, 128>}, {transform_indices = @transform_4, window_bounds = array<i64: 1000, 128>}, {transform_indices = @transform_5, window_bounds = array<i64: 1000, 128>}]} {
    %get3A = arith.constant 0 : index
    %get3A_0 = arith.constant 0 : index
    %get3A_1 = vector.load %arg2[%get3A, %get3A_0] : memref<2x128xf32, #tpu.memory_space<vmem>>, vector<1x128xf32>
    %get3A_2 = vector.shape_cast %get3A_1 : vector<1x128xf32> to vector<128xf32>
    %div3A = arith.constant 1.000000e+04 : f32
    %div3A_3 = vector.broadcast %div3A : f32 to vector<128xf32>
    %div3A_4 = arith.divf %get3A_2, %div3A_3 : vector<128xf32>
    %get3A_5 = arith.constant 1 : index
    %get3A_6 = arith.constant 0 : index
    %get3A_7 = vector.load %arg2[%get3A_5, %get3A_6] : memref<2x128xf32, #tpu.memory_space<vmem>>, vector<1x128xf32>
    %get3A_8 = vector.shape_cast %get3A_7 : vector<1x128xf32> to vector<128xf32>
    %div3A_9 = arith.constant 1.000000e+04 : f32
    %div3A_10 = vector.broadcast %div3A_9 : f32 to vector<128xf32>
    %div3A_11 = arith.divf %get3A_8, %div3A_10 : vector<128xf32>
    %mul3A = arith.mulf %div3A_4, %div3A_4 : vector<128xf32>
    %sub3A = arith.subf %div3A_11, %mul3A : vector<128xf32>
    %add3A = arith.constant 9.99999974E-6 : f32
    %add3A_12 = vector.broadcast %add3A : f32 to vector<128xf32>
    %add3A_13 = arith.addf %sub3A, %add3A_12 : vector<128xf32>
    %rsqrt3A = math.rsqrt %add3A_13 : vector<128xf32>
    %get3A_14 = arith.constant 0 : index
    %get3A_15 = arith.constant 0 : index
    %get3A_16 = vector.load %arg1[%get3A_14, %get3A_15] : memref<1000x128xf32, #tpu.memory_space<vmem>>, vector<1000x128xf32>
    %broadcast_in_dim3A = vector.shape_cast %div3A_4 : vector<128xf32> to vector<1x128xf32>
    %sub3A_17 = vector.broadcast %broadcast_in_dim3A : vector<1x128xf32> to vector<1000x128xf32>
    %sub3A_18 = arith.subf %get3A_16, %sub3A_17 : vector<1000x128xf32>
    %broadcast_in_dim3A_19 = vector.shape_cast %rsqrt3A : vector<128xf32> to vector<1x128xf32>
    %mul3A_20 = vector.broadcast %broadcast_in_dim3A_19 : vector<1x128xf32> to vector<1000x128xf32>
    %mul3A_21 = arith.mulf %sub3A_18, %mul3A_20 : vector<1000x128xf32>
    %get3A_22 = arith.constant 0 : index
    %get3A_23 = arith.constant 0 : index
    %get3A_24 = vector.load %arg3[%get3A_22, %get3A_23] : memref<1x128xf32, #tpu.memory_space<vmem>>, vector<1x128xf32>
    %mul3A_25 = vector.broadcast %get3A_24 : vector<1x128xf32> to vector<1000x128xf32>
    %mul3A_26 = arith.mulf %mul3A_21, %mul3A_25 : vector<1000x128xf32>
    %get3A_27 = arith.constant 0 : index
    %get3A_28 = arith.constant 0 : index
    %get3A_29 = vector.load %arg4[%get3A_27, %get3A_28] : memref<1x128xf32, #tpu.memory_space<vmem>>, vector<1x128xf32>
    %add3A_30 = vector.broadcast %get3A_29 : vector<1x128xf32> to vector<1000x128xf32>
    %add3A_31 = arith.addf %mul3A_26, %add3A_30 : vector<1000x128xf32>
    %gt3A = arith.constant 0.000000e+00 : f32
    %gt3A_32 = vector.broadcast %gt3A : f32 to vector<1000x128xf32>
    %gt3A_33 = arith.cmpf ogt, %add3A_31, %gt3A_32 : vector<1000x128xf32>
    %exp3A = math.exp %add3A_31 : vector<1000x128xf32>
    %sub3A_34 = arith.constant 1.000000e+00 : f32
    %sub3A_35 = vector.broadcast %sub3A_34 : f32 to vector<1000x128xf32>
    %sub3A_36 = arith.subf %exp3A, %sub3A_35 : vector<1000x128xf32>
    %select_n3A = arith.select %gt3A_33, %add3A_31, %sub3A_36 : vector<1000x128xi1>, vector<1000x128xf32>
    %get3A_37 = arith.constant 0 : index
    %get3A_38 = arith.constant 0 : index
    %get3A_39 = vector.load %arg5[%get3A_37, %get3A_38] : memref<1000x128xf32, #tpu.memory_space<vmem>>, vector<1000x128xf32>
    %add3A_40 = arith.addf %select_n3A, %get3A_39 : vector<1000x128xf32>
    %swap3A = arith.constant 0 : index
    %swap3A_41 = arith.constant 0 : index
    %swap3A_42 = vector.load %arg6[%swap3A, %swap3A_41] : memref<1000x128xf32, #tpu.memory_space<vmem>>, vector<1000x128xf32>
    tpu.vector_store %arg6[%swap3A, %swap3A_41], %add3A_40 {strides = array<i32>} : memref<1000x128xf32, #tpu.memory_space<vmem>>, vector<1000x128xf32>,
    return
  }
  func.func @transform_0(%arg0: i32) -> (i32, i32) {
    %c0_i32 = arith.constant 0 : i32
    %c0_i32_0 = arith.constant 0 : i32
    return %arg0, %c0_i32 : i32, i32
  }
  func.func @transform_1(%arg0: i32) -> (i32, i32) {
    %c0_i32 = arith.constant 0 : i32
    %c0_i32_0 = arith.constant 0 : i32
    %c0_i32_1 = arith.constant 0 : i32
    return %c0_i32, %c0_i32_0 : i32, i32
  }
  func.func @transform_2(%arg0: i32) -> (i32, i32) {
    %c0_i32 = arith.constant 0 : i32
    %c0_i32_0 = arith.constant 0 : i32
    %c0_i32_1 = arith.constant 0 : i32
    return %c0_i32, %c0_i32_0 : i32, i32
  }
  func.func @transform_3(%arg0: i32) -> (i32, i32) {
    %c0_i32 = arith.constant 0 : i32
    %c0_i32_0 = arith.constant 0 : i32
    %c0_i32_1 = arith.constant 0 : i32
    return %c0_i32, %c0_i32_0 : i32, i32
  }
  func.func @transform_4(%arg0: i32) -> (i32, i32) {
    %c0_i32 = arith.constant 0 : i32
    %c0_i32_0 = arith.constant 0 : i32
    return %arg0, %c0_i32 : i32, i32
  }
  func.func @transform_5(%arg0: i32) -> (i32, i32) {
    %c0_i32 = arith.constant 0 : i32
    %c0_i32_0 = arith.constant 0 : i32
    return %arg0, %c0_i32 : i32, i32
  }
}

module attributes {stable_mosaic.version = 14 : i64} {
  func.func @body(%arg0: i32, %arg1: memref<2000x16xf32, #tpu.memory_space<vmem>>, %arg2: memref<16x128xf32, #tpu.memory_space<vmem>>, %arg3: memref<1x128xf32, #tpu.memory_space<vmem>>, %arg4: memref<2000x16xf32, #tpu.memory_space<vmem>>, %arg5: memref<1x16xf32, #tpu.memory_space<vmem>>, %arg6: memref<1x16xf32, #tpu.memory_space<vmem>>) attributes {dimension_semantics = [#tpu.dimension_semantics<arbitrary>], iteration_bounds = array<i64: 160>, scalar_prefetch = 0 : i64, scratch_operands = 0 : i64, tpu.core_type = #tpu.core_type<tc>, window_params = [{transform_indices = @transform_0, window_bounds = array<i64: 2000, 16>}, {pipeline_mode = #tpu.pipeline_mode<synchronous>, transform_indices = @transform_1, window_bounds = array<i64: 16, 128>}, {pipeline_mode = #tpu.pipeline_mode<synchronous>, transform_indices = @transform_2, window_bounds = array<i64: 1, 128>}, {transform_indices = @transform_3, window_bounds = array<i64: 2000, 16>}, {pipeline_mode = #tpu.pipeline_mode<synchronous>, transform_indices = @transform_4, window_bounds = array<i64: 1, 16>}, {pipeline_mode = #tpu.pipeline_mode<synchronous>, transform_indices = @transform_5, window_bounds = array<i64: 1, 16>}]} {
    %get3A = arith.constant 0 : index
    %get3A_0 = arith.constant 0 : index
    %get3A_1 = vector.load %arg2[%get3A, %get3A_0] : memref<16x128xf32, #tpu.memory_space<vmem>>, vector<16x128xf32>
    %reshape3A = vector.shape_cast %get3A_1 : vector<16x128xf32> to vector<16x1x128xf32>
    %get3A_2 = arith.constant 0 : index
    %get3A_3 = arith.constant 0 : index
    %get3A_4 = vector.load %arg3[%get3A_2, %get3A_3] : memref<1x128xf32, #tpu.memory_space<vmem>>, vector<1x128xf32>
    %broadcast_in_dim3A = vector.shape_cast %get3A_4 : vector<1x128xf32> to vector<1x1x128xf32>
    %mul3A = vector.broadcast %broadcast_in_dim3A : vector<1x1x128xf32> to vector<16x1x128xf32>
    %mul3A_5 = arith.mulf %reshape3A, %mul3A : vector<16x1x128xf32>
    %reduce_sum3A = arith.constant dense<0.000000e+00> : vector<16x1xf32>
    %reduce_sum3A_6 = vector.multi_reduction <add>, %mul3A_5, %reduce_sum3A [2] : vector<16x1x128xf32> to vector<16x1xf32>
    %get3A_7 = arith.constant 0 : index
    %get3A_8 = arith.constant 0 : index
    %get3A_9 = vector.load %arg1[%get3A_7, %get3A_8] : memref<2000x16xf32, #tpu.memory_space<vmem>>, vector<2000x16xf32>
    %dot_general3A = arith.constant dense<0.000000e+00> : vector<2000x1xf32>
    %dot_general3A_10 = tpu.matmul %get3A_9, %reduce_sum3A_6, %dot_general3A {dimension_numbers = #tpu.dot_dimension_numbers<[1], [0], [0], [1], [0, 0, 1, 1], [], []>, transpose_lhs_hint = false} : vector<2000x16xf32>, vector<16x1xf32>, vector<2000x1xf32> -> vector<2000x1xf32>
    %broadcast_in_dim3A_11 = arith.constant 0.000000e+00 : f32
    %broadcast_in_dim3A_12 = vector.broadcast %broadcast_in_dim3A_11 : f32 to vector<2000x15xf32>
    %concatenate3A = tpu.concatenate %dot_general3A_10, %broadcast_in_dim3A_12 in 1 : vector<2000x1xf32>, vector<2000x15xf32> -> vector<2000x16xf32>
    %swap3A = arith.constant 0 : index
    %swap3A_13 = arith.constant 0 : index
    %swap3A_14 = vector.load %arg4[%swap3A, %swap3A_13] : memref<2000x16xf32, #tpu.memory_space<vmem>>, vector<2000x16xf32>
    tpu.vector_store %arg4[%swap3A, %swap3A_13], %concatenate3A {strides = array<i32>} : memref<2000x16xf32, #tpu.memory_space<vmem>>, vector<2000x16xf32>,
    %get3A_15 = arith.constant 0 : index
    %get3A_16 = arith.constant 0 : index
    %get3A_17 = vector.load %arg1[%get3A_15, %get3A_16] : memref<2000x16xf32, #tpu.memory_space<vmem>>, vector<2000x16xf32>
    %reduce_sum3A_18 = arith.constant dense<0.000000e+00> : vector<16xf32>
    %reduce_sum3A_19 = vector.multi_reduction <add>, %get3A_17, %reduce_sum3A_18 [0] : vector<2000x16xf32> to vector<16xf32>
    %broadcast_in_dim3A_20 = vector.shape_cast %reduce_sum3A_19 : vector<16xf32> to vector<1x16xf32>
    %eq3A = arith.constant 0 : i32
    %eq3A_21 = arith.cmpi eq, %arg0, %eq3A : i32
    %convert_element_type3A = arith.extui %eq3A_21 : i1 to i32
    %cond3A = arith.constant 0 : i32
    %cond3A_22 = arith.cmpi ne, %convert_element_type3A, %cond3A : i32
    scf.if %cond3A_22 {
      %swap3A_32 = arith.constant 0 : index
      %swap3A_33 = arith.constant 0 : index
      %swap3A_34 = vector.load %arg5[%swap3A_32, %swap3A_33] : memref<1x16xf32, #tpu.memory_space<vmem>>, vector<1x16xf32>
      tpu.vector_store %arg5[%swap3A_32, %swap3A_33], %broadcast_in_dim3A_20 {strides = array<i32>} : memref<1x16xf32, #tpu.memory_space<vmem>>, vector<1x16xf32>,
    } else {
    }
    %gt3A = arith.constant 0 : i32
    %gt3A_23 = arith.cmpi sgt, %arg0, %gt3A : i32
    %convert_element_type3A_24 = arith.extui %gt3A_23 : i1 to i32
    %cond3A_25 = arith.constant 0 : i32
    %cond3A_26 = arith.cmpi ne, %convert_element_type3A_24, %cond3A_25 : i32
    scf.if %cond3A_26 {
      %get3A_32 = arith.constant 0 : index
      %get3A_33 = arith.constant 0 : index
      %get3A_34 = vector.load %arg5[%get3A_32, %get3A_33] : memref<1x16xf32, #tpu.memory_space<vmem>>, vector<1x16xf32>
      %add3A = arith.addf %get3A_34, %broadcast_in_dim3A_20 : vector<1x16xf32>
      %swap3A_35 = arith.constant 0 : index
      %swap3A_36 = arith.constant 0 : index
      %swap3A_37 = vector.load %arg5[%swap3A_35, %swap3A_36] : memref<1x16xf32, #tpu.memory_space<vmem>>, vector<1x16xf32>
      tpu.vector_store %arg5[%swap3A_35, %swap3A_36], %add3A {strides = array<i32>} : memref<1x16xf32, #tpu.memory_space<vmem>>, vector<1x16xf32>,
    } else {
    }
    %eq3A_27 = arith.constant 159 : i32
    %eq3A_28 = arith.cmpi eq, %arg0, %eq3A_27 : i32
    %convert_element_type3A_29 = arith.extui %eq3A_28 : i1 to i32
    %cond3A_30 = arith.constant 0 : i32
    %cond3A_31 = arith.cmpi ne, %convert_element_type3A_29, %cond3A_30 : i32
    scf.if %cond3A_31 {
      %get3A_32 = arith.constant 0 : index
      %get3A_33 = arith.constant 0 : index
      %get3A_34 = vector.load %arg5[%get3A_32, %get3A_33] : memref<1x16xf32, #tpu.memory_space<vmem>>, vector<1x16xf32>
      %div3A = arith.constant 3.200000e+05 : f32
      %div3A_35 = vector.broadcast %div3A : f32 to vector<1x16xf32>
      %div3A_36 = arith.divf %get3A_34, %div3A_35 : vector<1x16xf32>
      %dot_general3A_37 = arith.constant dense<0.000000e+00> : vector<1x1xf32>
      %dot_general3A_38 = tpu.matmul %div3A_36, %reduce_sum3A_6, %dot_general3A_37 {dimension_numbers = #tpu.dot_dimension_numbers<[1], [0], [0], [1], [0, 0, 1, 1], [], []>, transpose_lhs_hint = false} : vector<1x16xf32>, vector<16x1xf32>, vector<1x1xf32> -> vector<1x1xf32>
      %broadcast_in_dim3A_39 = arith.constant 0.000000e+00 : f32
      %broadcast_in_dim3A_40 = vector.broadcast %broadcast_in_dim3A_39 : f32 to vector<1x15xf32>
      %concatenate3A_41 = tpu.concatenate %dot_general3A_38, %broadcast_in_dim3A_40 in 1 : vector<1x1xf32>, vector<1x15xf32> -> vector<1x16xf32>
      %swap3A_42 = arith.constant 0 : index
      %swap3A_43 = arith.constant 0 : index
      %swap3A_44 = vector.load %arg6[%swap3A_42, %swap3A_43] : memref<1x16xf32, #tpu.memory_space<vmem>>, vector<1x16xf32>
      tpu.vector_store %arg6[%swap3A_42, %swap3A_43], %concatenate3A_41 {strides = array<i32>} : memref<1x16xf32, #tpu.memory_space<vmem>>, vector<1x16xf32>,
    } else {
    }
    return
  }
  func.func @transform_0(%arg0: i32) -> (i32, i32) {
    %c0_i32 = arith.constant 0 : i32
    %c0_i32_0 = arith.constant 0 : i32
    return %arg0, %c0_i32 : i32, i32
  }
  func.func @transform_1(%arg0: i32) -> (i32, i32) {
    %c0_i32 = arith.constant 0 : i32
    %c0_i32_0 = arith.constant 0 : i32
    %c0_i32_1 = arith.constant 0 : i32
    return %c0_i32, %c0_i32_0 : i32, i32
  }
  func.func @transform_2(%arg0: i32) -> (i32, i32) {
    %c0_i32 = arith.constant 0 : i32
    %c0_i32_0 = arith.constant 0 : i32
    %c0_i32_1 = arith.constant 0 : i32
    return %c0_i32, %c0_i32_0 : i32, i32
  }
  func.func @transform_3(%arg0: i32) -> (i32, i32) {
    %c0_i32 = arith.constant 0 : i32
    %c0_i32_0 = arith.constant 0 : i32
    return %arg0, %c0_i32 : i32, i32
  }
  func.func @transform_4(%arg0: i32) -> (i32, i32) {
    %c0_i32 = arith.constant 0 : i32
    %c0_i32_0 = arith.constant 0 : i32
    %c0_i32_1 = arith.constant 0 : i32
    return %c0_i32, %c0_i32_0 : i32, i32
  }
  func.func @transform_5(%arg0: i32) -> (i32, i32) {
    %c0_i32 = arith.constant 0 : i32
    %c0_i32_0 = arith.constant 0 : i32
    %c0_i32_1 = arith.constant 0 : i32
    return %c0_i32, %c0_i32_0 : i32, i32
  }
}

module attributes {stable_mosaic.version = 14 : i64} {
  func.func @body(%arg0: i32, %arg1: i32, %arg2: memref<1000x128xf32, #tpu.memory_space<vmem>>, %arg3: memref<128x128xf32, #tpu.memory_space<vmem>>, %arg4: memref<1x1x128xf32, #tpu.memory_space<vmem>>, %arg5: memref<1x1x128xf32, #tpu.memory_space<vmem>>, %arg6: memref<1000x128xf32, #tpu.memory_space<vmem>>, %arg7: memref<1000x16xf32, #tpu.memory_space<vmem>>, %arg8: memref<1000x16xf32, #tpu.memory_space<vmem>>) attributes {dimension_semantics = [#tpu.dimension_semantics<arbitrary>, #tpu.dimension_semantics<arbitrary>], iteration_bounds = array<i64: 10, 1>, scalar_prefetch = 0 : i64, scratch_operands = 0 : i64, tpu.core_type = #tpu.core_type<tc>, window_params = [{transform_indices = @transform_0, window_bounds = array<i64: 1000, 128>}, {transform_indices = @transform_1, window_bounds = array<i64: 128, 128>}, {transform_indices = @transform_2, window_bounds = array<i64: 1, 1, 128>}, {transform_indices = @transform_3, window_bounds = array<i64: 1, 1, 128>}, {transform_indices = @transform_4, window_bounds = array<i64: 1000, 128>}, {transform_indices = @transform_5, window_bounds = array<i64: 1000, 16>}, {transform_indices = @transform_6, window_bounds = array<i64: 1000, 16>}]} {
    %get3A = arith.constant 0 : index
    %get3A_0 = arith.constant 0 : index
    %get3A_1 = vector.load %arg2[%get3A, %get3A_0] : memref<1000x128xf32, #tpu.memory_space<vmem>>, vector<1000x128xf32>
    %get3A_2 = arith.constant 0 : index
    %get3A_3 = arith.constant 0 : index
    %get3A_4 = vector.load %arg3[%get3A_2, %get3A_3] : memref<128x128xf32, #tpu.memory_space<vmem>>, vector<128x128xf32>
    %dot_general3A = arith.constant dense<0.000000e+00> : vector<1000x128xf32>
    %dot_general3A_5 = tpu.matmul %get3A_1, %get3A_4, %dot_general3A {dimension_numbers = #tpu.dot_dimension_numbers<[1], [0], [0], [1], [0, 0, 1, 1], [], []>, transpose_lhs_hint = false} : vector<1000x128xf32>, vector<128x128xf32>, vector<1000x128xf32> -> vector<1000x128xf32>
    %swap3A = arith.constant 0 : index
    %swap3A_6 = arith.constant 0 : index
    %swap3A_7 = vector.load %arg6[%swap3A, %swap3A_6] : memref<1000x128xf32, #tpu.memory_space<vmem>>, vector<1000x128xf32>
    tpu.vector_store %arg6[%swap3A, %swap3A_6], %dot_general3A_5 {strides = array<i32>} : memref<1000x128xf32, #tpu.memory_space<vmem>>, vector<1000x128xf32>,
    %get3A_8 = arith.constant 0 : index
    %get3A_9 = arith.constant 0 : index
    %get3A_10 = arith.constant 0 : index
    %get3A_11 = vector.load %arg4[%get3A_8, %get3A_9, %get3A_10] : memref<1x1x128xf32, #tpu.memory_space<vmem>>, vector<1x1x128xf32>
    %get3A_12 = vector.shape_cast %get3A_11 : vector<1x1x128xf32> to vector<1x128xf32>
    %mul3A = vector.broadcast %get3A_12 : vector<1x128xf32> to vector<1000x128xf32>
    %mul3A_13 = arith.mulf %dot_general3A_5, %mul3A : vector<1000x128xf32>
    %reduce_sum3A = arith.constant dense<0.000000e+00> : vector<1000xf32>
    %reduce_sum3A_14 = vector.multi_reduction <add>, %mul3A_13, %reduce_sum3A [1] : vector<1000x128xf32> to vector<1000xf32>
    %get3A_15 = arith.constant 0 : index
    %get3A_16 = arith.constant 0 : index
    %get3A_17 = arith.constant 0 : index
    %get3A_18 = vector.load %arg5[%get3A_15, %get3A_16, %get3A_17] : memref<1x1x128xf32, #tpu.memory_space<vmem>>, vector<1x1x128xf32>
    %get3A_19 = vector.shape_cast %get3A_18 : vector<1x1x128xf32> to vector<1x128xf32>
    %mul3A_20 = vector.broadcast %get3A_19 : vector<1x128xf32> to vector<1000x128xf32>
    %mul3A_21 = arith.mulf %dot_general3A_5, %mul3A_20 : vector<1000x128xf32>
    %reduce_sum3A_22 = arith.constant dense<0.000000e+00> : vector<1000xf32>
    %reduce_sum3A_23 = vector.multi_reduction <add>, %mul3A_21, %reduce_sum3A_22 [1] : vector<1000x128xf32> to vector<1000xf32>
    %iota3A = tpu.iota {dimensions = array<i32: 1>} : vector<1000x16xi32>
    %eq3A = vector.broadcast %arg1 : i32 to vector<1000x16xi32>
    %eq3A_24 = arith.cmpi eq, %iota3A, %eq3A : vector<1000x16xi32>
    %broadcast_in_dim3A = vector.shape_cast %reduce_sum3A_14 : vector<1000xf32> to vector<1000x1xf32>
    %jit3A = arith.constant 0.000000e+00 : f32
    %broadcast_in_dim3A_25 = vector.shape_cast %broadcast_in_dim3A : vector<1000x1xf32> to vector<1000x1xf32>
    %broadcast_in_dim3A_26 = vector.broadcast %broadcast_in_dim3A_25 : vector<1000x1xf32> to vector<1000x16xf32>
    %broadcast_in_dim3A_27 = vector.broadcast %jit3A : f32 to vector<1000x16xf32>
    %select_n3A = arith.select %eq3A_24, %broadcast_in_dim3A_26, %broadcast_in_dim3A_27 : vector<1000x16xi1>, vector<1000x16xf32>
    %eq3A_28 = vector.broadcast %arg1 : i32 to vector<1000x16xi32>
    %eq3A_29 = arith.cmpi eq, %iota3A, %eq3A_28 : vector<1000x16xi32>
    %broadcast_in_dim3A_30 = vector.shape_cast %reduce_sum3A_23 : vector<1000xf32> to vector<1000x1xf32>
    %jit3A_31 = arith.constant 0.000000e+00 : f32
    %broadcast_in_dim3A_32 = vector.shape_cast %broadcast_in_dim3A_30 : vector<1000x1xf32> to vector<1000x1xf32>
    %broadcast_in_dim3A_33 = vector.broadcast %broadcast_in_dim3A_32 : vector<1000x1xf32> to vector<1000x16xf32>
    %broadcast_in_dim3A_34 = vector.broadcast %jit3A_31 : f32 to vector<1000x16xf32>
    %select_n3A_35 = arith.select %eq3A_29, %broadcast_in_dim3A_33, %broadcast_in_dim3A_34 : vector<1000x16xi1>, vector<1000x16xf32>
    %eq3A_36 = arith.constant 0 : i32
    %eq3A_37 = arith.cmpi eq, %arg1, %eq3A_36 : i32
    %convert_element_type3A = arith.extui %eq3A_37 : i1 to i32
    %cond3A = arith.constant 0 : i32
    %cond3A_38 = arith.cmpi ne, %convert_element_type3A, %cond3A : i32
    scf.if %cond3A_38 {
      %swap3A_43 = arith.constant 0 : index
      %swap3A_44 = arith.constant 0 : index
      %swap3A_45 = vector.load %arg7[%swap3A_43, %swap3A_44] : memref<1000x16xf32, #tpu.memory_space<vmem>>, vector<1000x16xf32>
      tpu.vector_store %arg7[%swap3A_43, %swap3A_44], %select_n3A {strides = array<i32>} : memref<1000x16xf32, #tpu.memory_space<vmem>>, vector<1000x16xf32>,
      %swap3A_46 = arith.constant 0 : index
      %swap3A_47 = arith.constant 0 : index
      %swap3A_48 = vector.load %arg8[%swap3A_46, %swap3A_47] : memref<1000x16xf32, #tpu.memory_space<vmem>>, vector<1000x16xf32>
      tpu.vector_store %arg8[%swap3A_46, %swap3A_47], %select_n3A_35 {strides = array<i32>} : memref<1000x16xf32, #tpu.memory_space<vmem>>, vector<1000x16xf32>,
    } else {
    }
    %gt3A = arith.constant 0 : i32
    %gt3A_39 = arith.cmpi sgt, %arg1, %gt3A : i32
    %convert_element_type3A_40 = arith.extui %gt3A_39 : i1 to i32
    %cond3A_41 = arith.constant 0 : i32
    %cond3A_42 = arith.cmpi ne, %convert_element_type3A_40, %cond3A_41 : i32
    scf.if %cond3A_42 {
      %get3A_43 = arith.constant 0 : index
      %get3A_44 = arith.constant 0 : index
      %get3A_45 = vector.load %arg7[%get3A_43, %get3A_44] : memref<1000x16xf32, #tpu.memory_space<vmem>>, vector<1000x16xf32>
      %add3A = arith.addf %get3A_45, %select_n3A : vector<1000x16xf32>
      %swap3A_46 = arith.constant 0 : index
      %swap3A_47 = arith.constant 0 : index
      %swap3A_48 = vector.load %arg7[%swap3A_46, %swap3A_47] : memref<1000x16xf32, #tpu.memory_space<vmem>>, vector<1000x16xf32>
      tpu.vector_store %arg7[%swap3A_46, %swap3A_47], %add3A {strides = array<i32>} : memref<1000x16xf32, #tpu.memory_space<vmem>>, vector<1000x16xf32>,
      %get3A_49 = arith.constant 0 : index
      %get3A_50 = arith.constant 0 : index
      %get3A_51 = vector.load %arg8[%get3A_49, %get3A_50] : memref<1000x16xf32, #tpu.memory_space<vmem>>, vector<1000x16xf32>
      %add3A_52 = arith.addf %get3A_51, %select_n3A_35 : vector<1000x16xf32>
      %swap3A_53 = arith.constant 0 : index
      %swap3A_54 = arith.constant 0 : index
      %swap3A_55 = vector.load %arg8[%swap3A_53, %swap3A_54] : memref<1000x16xf32, #tpu.memory_space<vmem>>, vector<1000x16xf32>
      tpu.vector_store %arg8[%swap3A_53, %swap3A_54], %add3A_52 {strides = array<i32>} : memref<1000x16xf32, #tpu.memory_space<vmem>>, vector<1000x16xf32>,
    } else {
    }
    return
  }
  func.func @transform_0(%arg0: i32, %arg1: i32) -> (i32, i32) {
    %c0_i32 = arith.constant 0 : i32
    %c0_i32_0 = arith.constant 0 : i32
    return %arg0, %c0_i32 : i32, i32
  }
  func.func @transform_1(%arg0: i32, %arg1: i32) -> (i32, i32) {
    %c0_i32 = arith.constant 0 : i32
    %c0_i32_0 = arith.constant 0 : i32
    return %c0_i32, %arg1 : i32, i32
  }
  func.func @transform_2(%arg0: i32, %arg1: i32) -> (i32, i32, i32) {
    %c0_i32 = arith.constant 0 : i32
    %c0_i32_0 = arith.constant 0 : i32
    %c0_i32_1 = arith.constant 0 : i32
    return %arg1, %c0_i32, %c0_i32_0 : i32, i32, i32
  }
  func.func @transform_3(%arg0: i32, %arg1: i32) -> (i32, i32, i32) {
    %c0_i32 = arith.constant 0 : i32
    %c0_i32_0 = arith.constant 0 : i32
    %c0_i32_1 = arith.constant 0 : i32
    return %arg1, %c0_i32, %c0_i32_0 : i32, i32, i32
  }
  func.func @transform_4(%arg0: i32, %arg1: i32) -> (i32, i32) {
    %c0_i32 = arith.constant 0 : i32
    return %arg0, %arg1 : i32, i32
  }
  func.func @transform_5(%arg0: i32, %arg1: i32) -> (i32, i32) {
    %c0_i32 = arith.constant 0 : i32
    %c0_i32_0 = arith.constant 0 : i32
    return %arg0, %c0_i32 : i32, i32
  }
  func.func @transform_6(%arg0: i32, %arg1: i32) -> (i32, i32) {
    %c0_i32 = arith.constant 0 : i32
    %c0_i32_0 = arith.constant 0 : i32
    return %arg0, %c0_i32 : i32, i32
  }
}

module attributes {stable_mosaic.version = 14 : i64} {
  func.func @body(%arg0: i32, %arg1: i32, %arg2: memref<1280x128xf32, #tpu.memory_space<vmem>>, %arg3: memref<1280x128xf32, #tpu.memory_space<vmem>>, %arg4: memref<1280x16xf32, #tpu.memory_space<vmem>>, %arg5: memref<1280x16xf32, #tpu.memory_space<vmem>>, %arg6: memref<1x128xf32, #tpu.memory_space<vmem>>, %arg7: memref<1280x128xf32, #tpu.memory_space<vmem>>, %arg8: memref<2x128xf32, #tpu.memory_space<vmem>>) attributes {dimension_semantics = [#tpu.dimension_semantics<arbitrary>, #tpu.dimension_semantics<arbitrary>], iteration_bounds = array<i64: 8, 1>, scalar_prefetch = 0 : i64, scratch_operands = 0 : i64, tpu.core_type = #tpu.core_type<tc>, window_params = [{transform_indices = @transform_0, window_bounds = array<i64: 1280, 128>}, {transform_indices = @transform_1, window_bounds = array<i64: 1280, 128>}, {transform_indices = @transform_2, window_bounds = array<i64: 1280, 16>}, {transform_indices = @transform_3, window_bounds = array<i64: 1280, 16>}, {pipeline_mode = #tpu.pipeline_mode<synchronous>, transform_indices = @transform_4, window_bounds = array<i64: 1, 128>}, {transform_indices = @transform_5, window_bounds = array<i64: 1280, 128>}, {pipeline_mode = #tpu.pipeline_mode<synchronous>, transform_indices = @transform_6, window_bounds = array<i64: 2, 128>}]} {
    %get3A = arith.constant 0 : index
    %get3A_0 = arith.constant 0 : index
    %get3A_1 = vector.load %arg2[%get3A, %get3A_0] : memref<1280x128xf32, #tpu.memory_space<vmem>>, vector<1280x128xf32>
    %get3A_2 = arith.constant 0 : index
    %get3A_3 = arith.constant 0 : index
    %get3A_4 = vector.load %arg3[%get3A_2, %get3A_3] : memref<1280x128xf32, #tpu.memory_space<vmem>>, vector<1280x128xf32>
    %add3A = arith.addf %get3A_1, %get3A_4 : vector<1280x128xf32>
    %get3A_5 = arith.constant 0 : index
    %get3A_6 = arith.constant 0 : index
    %get3A_7 = vector.load %arg4[%get3A_5, %get3A_6] : memref<1280x16xf32, #tpu.memory_space<vmem>>, vector<1280x16xf32>
    %get3A_8 = arith.constant 0 : index
    %get3A_9 = arith.constant 0 : index
    %get3A_10 = vector.load %arg5[%get3A_8, %get3A_9] : memref<1280x16xf32, #tpu.memory_space<vmem>>, vector<1280x16xf32>
    %add3A_11 = arith.addf %get3A_7, %get3A_10 : vector<1280x16xf32>
    %iota3A = tpu.iota {dimensions = array<i32: 1>} : vector<1280x16xi32>
    %eq3A = vector.broadcast %arg1 : i32 to vector<1280x16xi32>
    %eq3A_12 = arith.cmpi eq, %iota3A, %eq3A : vector<1280x16xi32>
    %jit3A = arith.constant 0.000000e+00 : f32
    %broadcast_in_dim3A = vector.broadcast %jit3A : f32 to vector<1280x16xf32>
    %select_n3A = arith.select %eq3A_12, %add3A_11, %broadcast_in_dim3A : vector<1280x16xi1>, vector<1280x16xf32>
    %reduce_sum3A = arith.constant dense<0.000000e+00> : vector<1280xf32>
    %reduce_sum3A_13 = vector.multi_reduction <add>, %select_n3A, %reduce_sum3A [1] : vector<1280x16xf32> to vector<1280xf32>
    %add3A_14 = arith.constant 1.000000e-16 : f32
    %add3A_15 = vector.broadcast %add3A_14 : f32 to vector<1280xf32>
    %add3A_16 = arith.addf %reduce_sum3A_13, %add3A_15 : vector<1280xf32>
    %div3A = arith.constant 1.000000e+00 : f32
    %div3A_17 = vector.broadcast %div3A : f32 to vector<1280xf32>
    %div3A_18 = arith.divf %div3A_17, %add3A_16 : vector<1280xf32>
    %broadcast_in_dim3A_19 = vector.shape_cast %div3A_18 : vector<1280xf32> to vector<1280x1xf32>
    %mul3A = vector.broadcast %broadcast_in_dim3A_19 : vector<1280x1xf32> to vector<1280x128xf32>
    %mul3A_20 = arith.mulf %add3A, %mul3A : vector<1280x128xf32>
    %eq3A_21 = arith.constant 0 : i32
    %eq3A_22 = arith.cmpi eq, %arg1, %eq3A_21 : i32
    %convert_element_type3A = arith.extui %eq3A_22 : i1 to i32
    %cond3A = arith.constant 0 : i32
    %cond3A_23 = arith.cmpi ne, %convert_element_type3A, %cond3A : i32
    scf.if %cond3A_23 {
      %swap3A = arith.constant 0 : index
      %swap3A_33 = arith.constant 0 : index
      %swap3A_34 = vector.load %arg7[%swap3A, %swap3A_33] : memref<1280x128xf32, #tpu.memory_space<vmem>>, vector<1280x128xf32>
      tpu.vector_store %arg7[%swap3A, %swap3A_33], %mul3A_20 {strides = array<i32>} : memref<1280x128xf32, #tpu.memory_space<vmem>>, vector<1280x128xf32>,
    } else {
    }
    %gt3A = arith.constant 0 : i32
    %gt3A_24 = arith.cmpi sgt, %arg1, %gt3A : i32
    %convert_element_type3A_25 = arith.extui %gt3A_24 : i1 to i32
    %cond3A_26 = arith.constant 0 : i32
    %cond3A_27 = arith.cmpi ne, %convert_element_type3A_25, %cond3A_26 : i32
    scf.if %cond3A_27 {
      %get3A_33 = arith.constant 0 : index
      %get3A_34 = arith.constant 0 : index
      %get3A_35 = vector.load %arg7[%get3A_33, %get3A_34] : memref<1280x128xf32, #tpu.memory_space<vmem>>, vector<1280x128xf32>
      %add3A_36 = arith.addf %get3A_35, %mul3A_20 : vector<1280x128xf32>
      %swap3A = arith.constant 0 : index
      %swap3A_37 = arith.constant 0 : index
      %swap3A_38 = vector.load %arg7[%swap3A, %swap3A_37] : memref<1280x128xf32, #tpu.memory_space<vmem>>, vector<1280x128xf32>
      tpu.vector_store %arg7[%swap3A, %swap3A_37], %add3A_36 {strides = array<i32>} : memref<1280x128xf32, #tpu.memory_space<vmem>>, vector<1280x128xf32>,
    } else {
    }
    %eq3A_28 = arith.constant 0 : i32
    %eq3A_29 = arith.cmpi eq, %arg1, %eq3A_28 : i32
    %convert_element_type3A_30 = arith.extui %eq3A_29 : i1 to i32
    %cond3A_31 = arith.constant 0 : i32
    %cond3A_32 = arith.cmpi ne, %convert_element_type3A_30, %cond3A_31 : i32
    scf.if %cond3A_32 {
      %get3A_33 = arith.constant 0 : index
      %get3A_34 = arith.constant 0 : index
      %get3A_35 = vector.load %arg7[%get3A_33, %get3A_34] : memref<1280x128xf32, #tpu.memory_space<vmem>>, vector<1280x128xf32>
      %get3A_36 = arith.constant 0 : index
      %get3A_37 = arith.constant 0 : index
      %get3A_38 = vector.load %arg6[%get3A_36, %get3A_37] : memref<1x128xf32, #tpu.memory_space<vmem>>, vector<1x128xf32>
      %add3A_39 = vector.broadcast %get3A_38 : vector<1x128xf32> to vector<1280x128xf32>
      %add3A_40 = arith.addf %get3A_35, %add3A_39 : vector<1280x128xf32>
      %swap3A = arith.constant 0 : index
      %swap3A_41 = arith.constant 0 : index
      %swap3A_42 = vector.load %arg7[%swap3A, %swap3A_41] : memref<1280x128xf32, #tpu.memory_space<vmem>>, vector<1280x128xf32>
      tpu.vector_store %arg7[%swap3A, %swap3A_41], %add3A_40 {strides = array<i32>} : memref<1280x128xf32, #tpu.memory_space<vmem>>, vector<1280x128xf32>,
      %iota3A_43 = tpu.iota {dimensions = array<i32: 0>} : vector<1280x128xi32>
      %mul3A_44 = arith.constant 1280 : i32
      %mul3A_45 = arith.muli %arg0, %mul3A_44 : i32
      %add3A_46 = vector.broadcast %mul3A_45 : i32 to vector<1280x128xi32>
      %add3A_47 = arith.addi %iota3A_43, %add3A_46 : vector<1280x128xi32>
      %lt3A = arith.constant 10000 : i32
      %lt3A_48 = vector.broadcast %lt3A : i32 to vector<1280x128xi32>
      %lt3A_49 = arith.cmpi slt, %add3A_47, %lt3A_48 : vector<1280x128xi32>
      %jit3A_50 = arith.constant 0.000000e+00 : f32
      %broadcast_in_dim3A_51 = vector.broadcast %jit3A_50 : f32 to vector<1280x128xf32>
      %select_n3A_52 = arith.select %lt3A_49, %add3A_40, %broadcast_in_dim3A_51 : vector<1280x128xi1>, vector<1280x128xf32>
      %reduce_sum3A_53 = arith.constant dense<0.000000e+00> : vector<128xf32>
      %reduce_sum3A_54 = vector.multi_reduction <add>, %select_n3A_52, %reduce_sum3A_53 [0] : vector<1280x128xf32> to vector<128xf32>
      %broadcast_in_dim3A_55 = vector.shape_cast %reduce_sum3A_54 : vector<128xf32> to vector<1x128xf32>
      %mul3A_56 = arith.mulf %select_n3A_52, %select_n3A_52 : vector<1280x128xf32>
      %reduce_sum3A_57 = arith.constant dense<0.000000e+00> : vector<128xf32>
      %reduce_sum3A_58 = vector.multi_reduction <add>, %mul3A_56, %reduce_sum3A_57 [0] : vector<1280x128xf32> to vector<128xf32>
      %broadcast_in_dim3A_59 = vector.shape_cast %reduce_sum3A_58 : vector<128xf32> to vector<1x128xf32>
      %concatenate3A = tpu.concatenate %broadcast_in_dim3A_55, %broadcast_in_dim3A_59 in 0 : vector<1x128xf32>, vector<1x128xf32> -> vector<2x128xf32>
      %eq3A_60 = arith.constant 0 : i32
      %eq3A_61 = arith.cmpi eq, %arg0, %eq3A_60 : i32
      %convert_element_type3A_62 = arith.extui %eq3A_61 : i1 to i32
      %cond3A_63 = arith.constant 0 : i32
      %cond3A_64 = arith.cmpi ne, %convert_element_type3A_62, %cond3A_63 : i32
      scf.if %cond3A_64 {
        %swap3A_70 = arith.constant 0 : index
        %swap3A_71 = arith.constant 0 : index
        %swap3A_72 = vector.load %arg8[%swap3A_70, %swap3A_71] : memref<2x128xf32, #tpu.memory_space<vmem>>, vector<2x128xf32>
        tpu.vector_store %arg8[%swap3A_70, %swap3A_71], %concatenate3A {strides = array<i32>} : memref<2x128xf32, #tpu.memory_space<vmem>>, vector<2x128xf32>,
      } else {
      }
      %gt3A_65 = arith.constant 0 : i32
      %gt3A_66 = arith.cmpi sgt, %arg0, %gt3A_65 : i32
      %convert_element_type3A_67 = arith.extui %gt3A_66 : i1 to i32
      %cond3A_68 = arith.constant 0 : i32
      %cond3A_69 = arith.cmpi ne, %convert_element_type3A_67, %cond3A_68 : i32
      scf.if %cond3A_69 {
        %get3A_70 = arith.constant 0 : index
        %get3A_71 = arith.constant 0 : index
        %get3A_72 = vector.load %arg8[%get3A_70, %get3A_71] : memref<2x128xf32, #tpu.memory_space<vmem>>, vector<2x128xf32>
        %add3A_73 = arith.addf %get3A_72, %concatenate3A : vector<2x128xf32>
        %swap3A_74 = arith.constant 0 : index
        %swap3A_75 = arith.constant 0 : index
        %swap3A_76 = vector.load %arg8[%swap3A_74, %swap3A_75] : memref<2x128xf32, #tpu.memory_space<vmem>>, vector<2x128xf32>
        tpu.vector_store %arg8[%swap3A_74, %swap3A_75], %add3A_73 {strides = array<i32>} : memref<2x128xf32, #tpu.memory_space<vmem>>, vector<2x128xf32>,
      } else {
      }
    } else {
    }
    return
  }
  func.func @transform_0(%arg0: i32, %arg1: i32) -> (i32, i32) {
    %mul3A = arith.constant 8 : i32
    %mul3A_0 = arith.muli %arg1, %mul3A : i32
    %add3A = arith.addi %mul3A_0, %arg0 : i32
    %c0_i32 = arith.constant 0 : i32
    %c0_i32_1 = arith.constant 0 : i32
    return %add3A, %c0_i32 : i32, i32
  }
  func.func @transform_1(%arg0: i32, %arg1: i32) -> (i32, i32) {
    %add3A = arith.constant 1 : i32
    %add3A_0 = arith.addi %add3A, %arg1 : i32
    %mul3A = arith.constant 8 : i32
    %mul3A_1 = arith.muli %add3A_0, %mul3A : i32
    %add3A_2 = arith.addi %mul3A_1, %arg0 : i32
    %c0_i32 = arith.constant 0 : i32
    %c0_i32_3 = arith.constant 0 : i32
    return %add3A_2, %c0_i32 : i32, i32
  }
  func.func @transform_2(%arg0: i32, %arg1: i32) -> (i32, i32) {
    %c0_i32 = arith.constant 0 : i32
    %c0_i32_0 = arith.constant 0 : i32
    return %arg0, %c0_i32 : i32, i32
  }
  func.func @transform_3(%arg0: i32, %arg1: i32) -> (i32, i32) {
    %add3A = arith.constant 8 : i32
    %add3A_0 = arith.addi %add3A, %arg0 : i32
    %c0_i32 = arith.constant 0 : i32
    %c0_i32_1 = arith.constant 0 : i32
    return %add3A_0, %c0_i32 : i32, i32
  }
  func.func @transform_4(%arg0: i32, %arg1: i32) -> (i32, i32) {
    %c0_i32 = arith.constant 0 : i32
    %c0_i32_0 = arith.constant 0 : i32
    %c0_i32_1 = arith.constant 0 : i32
    return %c0_i32, %c0_i32_0 : i32, i32
  }
  func.func @transform_5(%arg0: i32, %arg1: i32) -> (i32, i32) {
    %c0_i32 = arith.constant 0 : i32
    %c0_i32_0 = arith.constant 0 : i32
    return %arg0, %c0_i32 : i32, i32
  }
  func.func @transform_6(%arg0: i32, %arg1: i32) -> (i32, i32) {
    %c0_i32 = arith.constant 0 : i32
    %c0_i32_0 = arith.constant 0 : i32
    %c0_i32_1 = arith.constant 0 : i32
    return %c0_i32, %c0_i32_0 : i32, i32
  }
}

module attributes {stable_mosaic.version = 14 : i64} {
  func.func @body(%arg0: i32, %arg1: memref<1000x128xf32, #tpu.memory_space<vmem>>, %arg2: memref<2x128xf32, #tpu.memory_space<vmem>>, %arg3: memref<1x128xf32, #tpu.memory_space<vmem>>, %arg4: memref<1x128xf32, #tpu.memory_space<vmem>>, %arg5: memref<1000x128xf32, #tpu.memory_space<vmem>>, %arg6: memref<1000x128xf32, #tpu.memory_space<vmem>>) attributes {dimension_semantics = [#tpu.dimension_semantics<arbitrary>], iteration_bounds = array<i64: 10>, scalar_prefetch = 0 : i64, scratch_operands = 0 : i64, tpu.core_type = #tpu.core_type<tc>, window_params = [{transform_indices = @transform_0, window_bounds = array<i64: 1000, 128>}, {pipeline_mode = #tpu.pipeline_mode<synchronous>, transform_indices = @transform_1, window_bounds = array<i64: 2, 128>}, {pipeline_mode = #tpu.pipeline_mode<synchronous>, transform_indices = @transform_2, window_bounds = array<i64: 1, 128>}, {pipeline_mode = #tpu.pipeline_mode<synchronous>, transform_indices = @transform_3, window_bounds = array<i64: 1, 128>}, {transform_indices = @transform_4, window_bounds = array<i64: 1000, 128>}, {transform_indices = @transform_5, window_bounds = array<i64: 1000, 128>}]} {
    %get3A = arith.constant 0 : index
    %get3A_0 = arith.constant 0 : index
    %get3A_1 = vector.load %arg2[%get3A, %get3A_0] : memref<2x128xf32, #tpu.memory_space<vmem>>, vector<1x128xf32>
    %get3A_2 = vector.shape_cast %get3A_1 : vector<1x128xf32> to vector<128xf32>
    %div3A = arith.constant 1.000000e+04 : f32
    %div3A_3 = vector.broadcast %div3A : f32 to vector<128xf32>
    %div3A_4 = arith.divf %get3A_2, %div3A_3 : vector<128xf32>
    %get3A_5 = arith.constant 1 : index
    %get3A_6 = arith.constant 0 : index
    %get3A_7 = vector.load %arg2[%get3A_5, %get3A_6] : memref<2x128xf32, #tpu.memory_space<vmem>>, vector<1x128xf32>
    %get3A_8 = vector.shape_cast %get3A_7 : vector<1x128xf32> to vector<128xf32>
    %div3A_9 = arith.constant 1.000000e+04 : f32
    %div3A_10 = vector.broadcast %div3A_9 : f32 to vector<128xf32>
    %div3A_11 = arith.divf %get3A_8, %div3A_10 : vector<128xf32>
    %mul3A = arith.mulf %div3A_4, %div3A_4 : vector<128xf32>
    %sub3A = arith.subf %div3A_11, %mul3A : vector<128xf32>
    %add3A = arith.constant 9.99999974E-6 : f32
    %add3A_12 = vector.broadcast %add3A : f32 to vector<128xf32>
    %add3A_13 = arith.addf %sub3A, %add3A_12 : vector<128xf32>
    %rsqrt3A = math.rsqrt %add3A_13 : vector<128xf32>
    %get3A_14 = arith.constant 0 : index
    %get3A_15 = arith.constant 0 : index
    %get3A_16 = vector.load %arg1[%get3A_14, %get3A_15] : memref<1000x128xf32, #tpu.memory_space<vmem>>, vector<1000x128xf32>
    %broadcast_in_dim3A = vector.shape_cast %div3A_4 : vector<128xf32> to vector<1x128xf32>
    %sub3A_17 = vector.broadcast %broadcast_in_dim3A : vector<1x128xf32> to vector<1000x128xf32>
    %sub3A_18 = arith.subf %get3A_16, %sub3A_17 : vector<1000x128xf32>
    %broadcast_in_dim3A_19 = vector.shape_cast %rsqrt3A : vector<128xf32> to vector<1x128xf32>
    %mul3A_20 = vector.broadcast %broadcast_in_dim3A_19 : vector<1x128xf32> to vector<1000x128xf32>
    %mul3A_21 = arith.mulf %sub3A_18, %mul3A_20 : vector<1000x128xf32>
    %get3A_22 = arith.constant 0 : index
    %get3A_23 = arith.constant 0 : index
    %get3A_24 = vector.load %arg3[%get3A_22, %get3A_23] : memref<1x128xf32, #tpu.memory_space<vmem>>, vector<1x128xf32>
    %mul3A_25 = vector.broadcast %get3A_24 : vector<1x128xf32> to vector<1000x128xf32>
    %mul3A_26 = arith.mulf %mul3A_21, %mul3A_25 : vector<1000x128xf32>
    %get3A_27 = arith.constant 0 : index
    %get3A_28 = arith.constant 0 : index
    %get3A_29 = vector.load %arg4[%get3A_27, %get3A_28] : memref<1x128xf32, #tpu.memory_space<vmem>>, vector<1x128xf32>
    %add3A_30 = vector.broadcast %get3A_29 : vector<1x128xf32> to vector<1000x128xf32>
    %add3A_31 = arith.addf %mul3A_26, %add3A_30 : vector<1000x128xf32>
    %gt3A = arith.constant 0.000000e+00 : f32
    %gt3A_32 = vector.broadcast %gt3A : f32 to vector<1000x128xf32>
    %gt3A_33 = arith.cmpf ogt, %add3A_31, %gt3A_32 : vector<1000x128xf32>
    %exp3A = math.exp %add3A_31 : vector<1000x128xf32>
    %sub3A_34 = arith.constant 1.000000e+00 : f32
    %sub3A_35 = vector.broadcast %sub3A_34 : f32 to vector<1000x128xf32>
    %sub3A_36 = arith.subf %exp3A, %sub3A_35 : vector<1000x128xf32>
    %select_n3A = arith.select %gt3A_33, %add3A_31, %sub3A_36 : vector<1000x128xi1>, vector<1000x128xf32>
    %get3A_37 = arith.constant 0 : index
    %get3A_38 = arith.constant 0 : index
    %get3A_39 = vector.load %arg5[%get3A_37, %get3A_38] : memref<1000x128xf32, #tpu.memory_space<vmem>>, vector<1000x128xf32>
    %add3A_40 = arith.addf %select_n3A, %get3A_39 : vector<1000x128xf32>
    %swap3A = arith.constant 0 : index
    %swap3A_41 = arith.constant 0 : index
    %swap3A_42 = vector.load %arg6[%swap3A, %swap3A_41] : memref<1000x128xf32, #tpu.memory_space<vmem>>, vector<1000x128xf32>
    tpu.vector_store %arg6[%swap3A, %swap3A_41], %add3A_40 {strides = array<i32>} : memref<1000x128xf32, #tpu.memory_space<vmem>>, vector<1000x128xf32>,
    return
  }
  func.func @transform_0(%arg0: i32) -> (i32, i32) {
    %c0_i32 = arith.constant 0 : i32
    %c0_i32_0 = arith.constant 0 : i32
    return %arg0, %c0_i32 : i32, i32
  }
  func.func @transform_1(%arg0: i32) -> (i32, i32) {
    %c0_i32 = arith.constant 0 : i32
    %c0_i32_0 = arith.constant 0 : i32
    %c0_i32_1 = arith.constant 0 : i32
    return %c0_i32, %c0_i32_0 : i32, i32
  }
  func.func @transform_2(%arg0: i32) -> (i32, i32) {
    %c0_i32 = arith.constant 0 : i32
    %c0_i32_0 = arith.constant 0 : i32
    %c0_i32_1 = arith.constant 0 : i32
    return %c0_i32, %c0_i32_0 : i32, i32
  }
  func.func @transform_3(%arg0: i32) -> (i32, i32) {
    %c0_i32 = arith.constant 0 : i32
    %c0_i32_0 = arith.constant 0 : i32
    %c0_i32_1 = arith.constant 0 : i32
    return %c0_i32, %c0_i32_0 : i32, i32
  }
  func.func @transform_4(%arg0: i32) -> (i32, i32) {
    %c0_i32 = arith.constant 0 : i32
    %c0_i32_0 = arith.constant 0 : i32
    return %arg0, %c0_i32 : i32, i32
  }
  func.func @transform_5(%arg0: i32) -> (i32, i32) {
    %c0_i32 = arith.constant 0 : i32
    %c0_i32_0 = arith.constant 0 : i32
    return %arg0, %c0_i32 : i32, i32
  }
}

</mosaic_0001>

<sc_bundles>
// kernel: kernel.21.cloned.1.call-start
scs
__scs_entry_jumppad:
0x0: {  	(pc) =	sbr.rel $0x88, $3  }
0x1: {  	(tag) =	ssettag $0x0;
	lr =	simm.s32 $0x1  }
0x2: {  	[smem:$0x3F84] =	sst lr;
	_ =	strace $0xD0000000  }
0x3: {  	_ = 	snop  }
0x4: {  	_ = 	snop  }
0x5: {  	_ = 	snop  }
0x6: {  	_ = 	snop  }
0x7: {  	_ = 	snop  }
__scs_overlays_trampoline_lowered:
0x8: {  	[smem:$0x3F93] =	sst s0  }
0x9: {  	[smem:$0x3F94] =	sst s1  }
0xa: {  	[smem:$0x3F95] =	sst s2  }
0xb: {  	[smem:$0x3F96] =	sst s3  }
0xc: {  	[smem:$0x3F97] =	sst s4  }
0xd: {  	[smem:$0x3F98] =	sst s5  }
0xe: {  	[smem:$0x3F99] =	sst s6  }
0xf: {  	[smem:$0x3F9A] =	sst s7  }
0x10: {  	[smem:$0x3F9B] =	sst s8  }
0x11: {  	[smem:$0x3F9C] =	sst s9;
	s0 =	simm.s32 @!p0 $0x0  }
0x12: {  	s1 =	sld [smem:$0x3F82];
	s0 =	simm.s32 @p0 $0x1  }
0x13: {  	[smem:$0x3F9D] =	sst s0;
	s0 =	simm.s32 @!p1 $0x0  }
0x14: {  	s2 =	sld [smem:$0x3F81];
	s0 =	simm.s32 @p1 $0x1  }
0x15: {  	[smem:$0x3F9E] =	sst s0;
	s0 =	simm.s32 @!p2 $0x0  }
0x16: {  	s3 =	sld [smem:$0x3FDB];
	s0 =	simm.s32 @p2 $0x1  }
0x17: {  	s4 =	simm.s32 $0x1BF5;
	[smem:$0x3FA0] =	sst s0  }
0x18: {  	s0 =	sld [smem:$0x3F83];
	_ =	swait.ge [sflag:s4], $0x0  }
0x19: {  	s7 =	sld [smem:$0x3F84]  }
0x1a: {  	s8 =	sadd.s32 $0xFFFFE003, lr  }
0x1b: {  	s9 =	sadd.s32 $0xFFFFFEF7, lr;
	s5 =	simm.s32 $0xFFFFFFFF;
	p2 =	slt.u32 s8, $0xFFFFF086  }
0x1c: {  	p1 =	slt.u32 s9, $0xF7A;
	s5 =	simm.s32 @!p2 $0x0  }
0x1d: {  	s5 =	simm.s32 @p1 $0x1;
	p0 =	seq.s32 s7, s2  }
0x1e: {  	s7 =	smul.u32 @!p0 $0xF7A, s2;
	p2 =	seq.s32 @!p0 s5, $0x0  }
0x1f: {  	s9 =	smul.u32 $0xF7A, s1;
	s8 =	simm.s32 @!p0 $0x1BF5;
	p2 =	por !p2, p0  }
0x20: {  	[sflag:s8] =	ssyncset.s32 @!p0 $0xFFFFF086;
	s6 =	sadd.s32 @!p0 s3, s7;
	s7 =	simm.s32 @!p0 $0x108  }
0x21: {  	s3 =	sadd.s32 s3, s9;
	s6 =	sadd.s32 @!p0 $0x88, s6;
	s7 =	simm.s32 @p2 $0x1082  }
0x22: {  	[simem:s7], [sflag:s8] =	dma.local @!p0 [hbm:s6], $0xF7A  }
0x23: {  	s9 =	sor.u32 $0xD0000000, s2;
	s6 =	simm.s32 $0x108;
	_ =	swait.ge @!p0 [sflag:s8], $0x0  }
0x24: {  	s3 =	sadd.s32 $0x88, s3;
	s6 =	simm.s32 @!p1 $0x1082;
	[sflag:s4] =	ssyncset.s32 $0xFFFFF086  }
0x25: {  	[simem:s6], [sflag:s4] =	dma.local [hbm:s3], $0xF7A  }
0x26: {  	[smem:$0x3F84] =	sst s1;
	(tag) =	ssettag s2;
	_ =	strace s9  }
0x27: {  	s1 =	sld [smem:$0x3F94]  }
0x28: {  	s2 =	sld [smem:$0x3F95]  }
0x29: {  	s4 =	sld [smem:$0x3F97]  }
0x2a: {  	p0 =	seq.s32 s5, $0x0;
	s5 =	sld [smem:$0x3F98]  }
0x2b: {  	s6 =	sld [smem:$0x3F99]  }
0x2c: {  	s7 =	sld [smem:$0x3F9A]  }
0x2d: {  	s3 =	simm.s32 $0x108;
	s8 =	sld [smem:$0x3F9B]  }
0x2e: {  	s3 =	simm.s32 @!p0 $0x1082;
	s9 =	sld [smem:$0x3F9C]  }
0x2f: {  	lr =	sadd.s32 s0, s3;
	s0 =	sld [smem:$0x3F93]  }
0x30: {  	s3 =	sld [smem:$0x3F96]  }
0x31: {  	[smem:$0x3F9F] =	sst s10  }
0x32: {  	s10 =	sld [smem:$0x3F9D];
	_ =	sdelay $0x3  }
0x33: {  	p0 =	seq.s32 s10, $0x1;
	s10 =	sld [smem:$0x3F9F];
	_ =	sdelay $0x3  }
0x34: {  	[smem:$0x3F9F] =	sst s10  }
0x35: {  	s10 =	sld [smem:$0x3F9E];
	_ =	sdelay $0x3  }
0x36: {  	p1 =	seq.s32 s10, $0x1;
	s10 =	sld [smem:$0x3F9F];
	_ =	sdelay $0x3  }
0x37: {  	[smem:$0x3F9F] =	sst s10  }
0x38: {  	s10 =	sld [smem:$0x3FA0]  }
0x39: {  	_ = 	snop;
	(pc) =	sbr.ind lr, $3  }
0x3a: {  	_ = 	snop  }
0x3b: {  	_ = 	snop  }
0x3c: {  	p2 =	seq.s32 s10, $0x1;
	s10 =	sld [smem:$0x3F9F]  }
0x3d: {  	_ =	shalt  }
0x3e: {  	_ =	shalt  }
0x3f: {  	_ =	shalt  }
0x40: {  	_ =	shalt  }
0x41: {  	_ =	shalt  }
0x42: {  	_ =	shalt  }
0x43: {  	_ =	shalt  }
0x44: {  	_ =	shalt  }
0x45: {  	_ =	shalt  }
0x46: {  	_ =	shalt  }
0x47: {  	_ =	shalt  }
0x48: {  	_ =	shalt  }
0x49: {  	_ =	shalt  }
0x4a: {  	_ =	shalt  }
0x4b: {  	_ =	shalt  }
0x4c: {  	_ =	shalt  }
0x4d: {  	_ =	shalt  }
0x4e: {  	_ =	shalt  }
0x4f: {  	_ =	shalt  }
0x50: {  	_ =	shalt  }
0x51: {  	_ =	shalt  }
0x52: {  	_ =	shalt  }
0x53: {  	_ =	shalt  }
0x54: {  	_ =	shalt  }
0x55: {  	_ =	shalt  }
0x56: {  	_ =	shalt  }
0x57: {  	_ =	shalt  }
0x58: {  	_ =	shalt  }
0x59: {  	_ =	shalt  }
0x5a: {  	_ =	shalt  }
0x5b: {  	_ =	shalt  }
0x5c: {  	_ =	shalt  }
0x5d: {  	_ =	shalt  }
0x5e: {  	_ =	shalt  }
0x5f: {  	_ =	shalt  }
0x60: {  	_ =	shalt  }
0x61: {  	_ =	shalt  }
0x62: {  	_ =	shalt  }
0x63: {  	_ =	shalt  }
0x64: {  	_ =	shalt  }
0x65: {  	_ =	shalt  }
0x66: {  	_ =	shalt  }
0x67: {  	_ =	shalt  }
0x68: {  	_ =	shalt  }
0x69: {  	_ =	shalt  }
0x6a: {  	_ =	shalt  }
0x6b: {  	_ =	shalt  }
0x6c: {  	_ =	shalt  }
0x6d: {  	_ =	shalt  }
0x6e: {  	_ =	shalt  }
0x6f: {  	_ =	shalt  }
0x70: {  	_ =	shalt  }
0x71: {  	_ =	shalt  }
0x72: {  	_ =	shalt  }
0x73: {  	_ =	shalt  }
0x74: {  	_ =	shalt  }
0x75: {  	_ =	shalt  }
0x76: {  	_ =	shalt  }
0x77: {  	_ =	shalt  }
0x78: {  	_ =	shalt  }
0x79: {  	_ =	shalt  }
0x7a: {  	_ =	shalt  }
0x7b: {  	_ =	shalt  }
0x7c: {  	_ =	shalt  }
0x7d: {  	_ =	shalt  }
0x7e: {  	_ =	shalt  }
0x7f: {  	_ =	shalt  }
0x80: {  	_ =	shalt  }
0x81: {  	_ =	shalt  }
0x82: {  	_ =	shalt  }
0x83: {  	_ =	shalt  }
0x84: {  	_ =	shalt  }
0x85: {  	_ =	shalt  }
0x86: {  	_ =	shalt  }
0x87: {  	_ =	shalt  }
.Lfunc_end0:
.L_simem_size_0:
called_computation.2_lowered:
.L_overlay_start_0:
0x88: {  	s2 =	sld [smem:$0x3FD9]  }
0x89: {  	s3 =	sld [smem:$0x3FFE];
	_ =	sdelay $0x1  }
0x8a: {  	s1 =	srdreg.scid  }
0x8b: {  	s0 =	sand.u32 $0x1, s1  }
0x8c: {  	s17 =	sshll.u32 s0, $0xA;
	s2 =	sadd.s32 s3, s2  }
0x8d: {  	s2 =	sadd.s32 s2, s17  }
0x8e: {  	[smem:$0x3FAB] =	sst s2  }
0x8f: {  	_ = 	snop  }
0x90: {  	s18 =	sld [smem:$0x3FD0];
	(tm) =	ssettm $0x1  }
0x91: {  	s19 =	sld [smem:$0x3FFB];
	_ =	sdelay $0x3  }
0x92: {  	_ =	strace s19  }
0x93: {  	s2 =	sld [smem:$0x3FFC];
	_ =	sdelay $0x3  }
0x94: {  	_ =	strace s2  }
0x95: {  	s2 =	sld [smem:$0x3FFD];
	_ =	sdelay $0x3  }
0x96: {  	_ =	strace s2  }
0x97: {  	_ =	strace $0x8FFFFFFF  }
0x98: {  	s20 =	sld [smem:$0x3FDB];
	_ =	sdelay $0x1  }
0x99: {  	s4 =	simm.s32 $_scs_section_size  }
0x9a: {  	s5 =	simm.s32 $_size__tile_overlayer_lowered;
	s6 =	simm.s32 $_tile_overlayer_lowered  }
0x9b: {  	s7 =	simm.s32 $0x1BFF;
	s21 =	sshll.u32 s6, $0x1;
	s4 =	sadd.s32 s4, s20  }
0x9c: {  	s22 =	simm.s32 $0x0;
	s5 =	sshll.u32 s5, $0x1;
	s6 =	sadd.s32 s21, s4  }
0x9d: {  	[timem:s22], [sflag:s7] =	dma.local [hbm:s6], s5  }
0x9e: {  	_ =	swait.ge [sflag:s7], s5  }
0x9f: {  	s5 =	ssub.s32 $0x0, s5;
	[sflag:s7] =	ssyncset.done $0x0  }
0xa0: {  	[sflag:s7] =	ssyncadd.s32 s5;
	_ =	sdelay $0x1  }
0xa1: {  	s23 =	simm.s32 $0x1B8B  }
0xa2: {  	_ =	swait.ge [sflag:s23], $0x1  }
0xa3: {  	[sflag:s23] =	ssyncset.done $0x0  }
0xa4: {  	[sflag:s23] =	ssyncadd.s32 $0xFFFFFFFF  }
0xa5: {  	s5 =	sld [smem:$0x0]  }
0xa6: {  	s6 =	sand.u32 $0xFFFFFFFE, s1  }
0xa7: {  	p0 =	sne.s32 s1, s6  }
0xa8: {  	s6 =	sshll.u32 @p0 s6, $0xE  }
0xa9: {  	s6 =	sadd.s32 @p0 $0x11B8D, s6;
	s7 =	sshll.u32 @p0 s5, $0x11  }
0xaa: {  	s6 =	sor.u32 @p0 s7, s6  }
0xab: {  	[sflag:s6] =	ssyncadd.remote.s32 @p0 $0x1;
	_ =	sdelay $0x1  }
0xac: {  	s6 =	simm.s32 @p0 $0x1B8D  }
0xad: {  	_ =	swait.eq @p0 [sflag:s6], $0x1  }
0xae: {  	[sflag:s6] =	ssyncadd.s32 @p0 $0xFFFFFFFF  }
0xaf: {  	s7 =	sshll.u32 @!p0 s1, $0xE  }
0xb0: {  	s7 =	sor.u32 @!p0 $0x4000, s7;
	s6 =	simm.s32 @!p0 $0x1B8D  }
0xb1: {  	s5 =	sshll.u32 @!p0 s5, $0x11;
	s7 =	sadd.s32 @!p0 $0x11B8D, s7;
	_ =	swait.eq @!p0 [sflag:s6], $0x1  }
0xb2: {  	s5 =	sor.u32 @!p0 s5, s7;
	[sflag:s6] =	ssyncadd.s32 @!p0 $0xFFFFFFFF  }
0xb3: {  	s25 =	simm.s32 $0x1B8E;
	s24 =	sld [smem:$0x3FFE];
	[sflag:s5] =	ssyncadd.remote.s32 @!p0 $0x1  }
0xb4: {  	s26 =	simm.s32 $execute0_lowered;
	[smem:$0x3FD2] =	sst s25  }
0xb5: {  	s6 =	sshll.u32 s26, $0x1;
	_ =	strace $0x80000049;
	[dreg:$0x1] =	wrdreg $0xFFFFFFFF  }
0xb6: {  	s28 =	simm.s32 $_size_execute0_lowered;
	s4 =	sadd.s32 s4, s6;
	[dreg:$0x0] =	wrdreg $0x0  }
0xb7: {  	s6 =	sshll.u32 s28, $0x1;
	[dreg:$0x2] =	wrdreg s4  }
0xb8: {  	[dreg:$0x3] =	wrdreg s6  }
0xb9: {  	[dreg:$0x4] =	wrdreg $0xC0  }
0xba: {  	_ =	task [dreg:s22], $0x5FFFF  }
0xbb: {  	[dreg:$0x1] =	wrdreg $0xFFFFFFFF  }
0xbc: {  	[dreg:$0x0] =	wrdreg $0x60  }
0xbd: {  	[dreg:$0x2] =	wrdreg s24  }
0xbe: {  	[dreg:$0x3] =	wrdreg s18  }
0xbf: {  	[dreg:$0x4] =	wrdreg $0x21000  }
0xc0: {  	[dreg:$0x5] =	wrdreg $0xA  }
0xc1: {  	_ =	task.clear_ibuf [dreg:s22], $0x6FFFF;
	_ =	strace $0x90000049  }
0xc2: {  	s29 =	simm.s32 $0xA;
	_ =	strace $0x8000004B  }
0xc3: {  	_ =	swait.ge [sflag:s29], $0x1  }
0xc4: {  	[sflag:s29] =	ssyncadd.s32 $0xFFFFFFFF  }
0xc5: {  	_ =	strace $0x9000004B  }
0xc6: {  	_ =	sfence  }
0xc7: {  	s30 =	sld [smem:$0x0];
	_ =	sdelay $0x2  }
0xc8: {  	s31 =	sshll.u32 s1, $0xD;
	s1 =	sshrl.u32 s1, $0x2  }
0xc9: {  	s4 =	sand.u32 $0x4000, s31;
	s1 =	sadd.s32 s1, s30  }
0xca: {  	s0 =	sor.u32 s4, s0;
	s1 =	sshll.u32 s1, $0x11  }
0xcb: {  	s0 =	sor.u32 s1, s0  }
0xcc: {  	s0 =	sadd.s32 $0x8F2B, s0  }
0xcd: {  	[sflag:s0] =	ssyncadd.remote.s32 $0x1  }
0xce: {  	_ =	sfence.sel $0xFFFF  }
0xcf: {  	[dreg:$0x0] =	wrdreg $0xFFFFFFFF;
	(pc) =	sbr.abs _section_cstart, $3  }
0xd0: {  	[dreg:$0x1] =	wrdreg $0xFFFFFFFF  }
0xd1: {  	_ =	task.clear_ibuf [dreg:s22], $0x2FFFF;
	_ =	strace $0x9FFFFFFF  }
0xd2: {  	(tm) =	ssettm $0x7FFFFFFF  }
0xd3: {  	_ =	shalt  }
tec
execute0_lowered:
.L_overlay_start_1:
0x0: {  	(tag) =	ssettag $0x1  }
0x1: {  	s0 =	rddreg [dreg:$0x0]  }
0x2: {  	s2 =	rddreg [dreg:$0x1]  }
0x3: {  	s1 =	rddreg [dreg:$0x2];
	s3 =	simm.s32 $0x0  }
0x4: {  	s17 =	stileid.u32;
	s9 =	srdreg.scid;
	s18 =	simm.s32 $0x100  }
0x5: {  	s19 =	simm.s32 $0x900;
	s20 =	simm.s32 $0x1100;
	s21 =	simm.s32 $0x1  }
0x6: {  	s22 =	simm.s32 $0x2;
	s23 =	simm.s32 $0x1900;
	[smem:$0x7FF] =	sst s3  }
0x7: {  	s24 =	simm.s32 $0x0;
	s4 =	sadd.s32 $0x7AD200, s0;
	s5 =	sadd.s32 $0x16B800, s0  }
0x8: {  	s10 =	smul.u32 $0x2800, s17;
	s6 =	sadd.s32 $0xCDB400, s0;
	s7 =	sadd.s32 $0x7B7000, s0  }
0x9: {  	s8 =	sadd.s32 $0x7C1200, s0;
	s12 =	sand.u32 $0x1, s9;
	s9 =	sadd.s32 $0x7CB400, s0  }
0xa: {  	s15 =	smul.u32 $0x500, s17;
	s30 =	sshll.u32 s17, $0x6;
	_ =	strace $0x8000004A  }
0xb: {  	s26 =	ssub.s32 $0x2, s12;
	s14 =	sshll.u32 s12, $0x4;
	s29 =	smul.u32 $0x5000, s12  }
0xc: {  	s11 =	sshrl.u32 s10, $0x3;
	s13 =	sshrl.u32 s26, $0x1;
	s28 =	sor.u32 s17, s14  }
0xd: {  	s16 =	sadd.s32 s10, s1;
	s17 =	simm.s32 $0x80;
	s11 =	sadd.s32 s11, s0  }
0xe: {  	s0 =	ssub.s32 s26, s13;
	s12 =	smul.u32 $0x2880, s28;
	s31 =	sadd.s32 s15, s29  }
0xf: {  	s15 =	sshrl.u32 s16, $0x3;
	s16 =	simm.s32 $0x3;
	s10 =	sadd.s32 $0x170800, s11  }
0x10: {  	s11 =	sor.u32 $0x1C03, s30;
	s13 =	sadd.s32 s2, s31;
	s14 =	smax.u32 s0, $0x1  }
.LBB2_1:
0x11: {  	[spmem:s15], [sflag:s11] =	dma.local [hbm:s10], $0x500  }
0x12: {  	_ =	swait.ge [sflag:s16], $0x500  }
0x13: {  	[sflag:s16] =	ssyncset.done $0x0  }
0x14: {  	[sflag:s16] =	ssyncadd.s32 $0xFFFFFB00  }
0x15: {  	s25 =	simm.s32 $0x0;
	[bflag:$0x0] =	sbarrier.arrive $0xFFFF  }
.LBB2_2:
0x16: {  	s0 =	sshll.u32 s25, $0x7  }
0x17: {  	s0 =	sadd.s32 s12, s0  }
0x18: {  	s2 =	sshrl.u32 s0, $0x3  }
0x19: {  	s26 =	sadd.s32 s7, s2  }
0x1a: {  	[tilespmem:s3], [sflag:$0x3] =	stream.linear.gather [hbm4b:s26+s3], $0x80, $0x38;
	[tilespmem:$0x4900] =	vst v63  }
0x1b: {  	_ =	swait.ge [sflag:s16], $0x80  }
0x1c: {  	[sflag:s16] =	ssyncset.done $0x0  }
0x1d: {  	s2 =	sadd.s32 s8, s2;
	[sflag:s16] =	ssyncadd.s32 $0xFFFFFF80  }
0x1e: {  	[tilespmem:s17], [sflag:$0x3] =	stream.linear.gather [hbm4b:s2+s3], $0x80, $0x38;
	[tilespmem:$0x4900] =	vst v63  }
0x1f: {  	_ =	swait.ge [sflag:s16], $0x80  }
0x20: {  	[sflag:s16] =	ssyncset.done $0x0  }
0x21: {  	[sflag:s16] =	ssyncadd.s32 $0xFFFFFF80  }
0x22: {  	[tilespmem:s18], [sflag:$0x1] =	stream.indirect.gather [hbm4b:s4+s17], $0x10, s3, s17, $0xb8;
	[tilespmem:$0x4900] =	vst v63  }
0x23: {  	s26 =	sshll.u32 s0, $0x1  }
0x24: {  	[tilespmem:s19], [sflag:$0x2] =	stream.indirect.gather [hbm4b:s5+s17], $0x10, s17, s17, $0xb8;
	[tilespmem:$0x4900] =	vst v63  }
0x25: {  	s0 =	sadd.s32 s6, s26  }
0x26: {  	[tilespmem:s20], [sflag:$0x3] =	stream.linear.gather [hbm4b:s0+s3], $0x800, $0x38;
	[tilespmem:$0x4900] =	vst v63  }
0x27: {  	_ =	swait.ge [sflag:s16], $0x800  }
0x28: {  	[sflag:s16] =	ssyncset.done $0x0  }
0x29: {  	[sflag:s16] =	ssyncadd.s32 $0xFFFFF800  }
0x2a: {  	_ =	swait.ge [sflag:s21], $0x800  }
0x2b: {  	[sflag:s21] =	ssyncset.done $0x0  }
0x2c: {  	[sflag:s21] =	ssyncadd.s32 $0xFFFFF800  }
0x2d: {  	_ =	swait.ge [sflag:s22], $0x800  }
0x2e: {  	[sflag:s22] =	ssyncset.done $0x0  }
0x2f: {  	s0 =	simm.s32 $0x920;
	[sflag:s22] =	ssyncadd.s32 $0xFFFFF800  }
0x30: {  	s2 =	simm.s32 $0x120;
	v0 =	vld [tilespmem:s0+$0xFFFFFFE0]  }
0x31: {  	v1 =	vld [tilespmem:s2+$0xFFFFFFE0]  }
0x32: {  	s28 =	simm.s32 $0x1120  }
0x33: {  	v2 =	vld [tilespmem:s28+$0xFFFFFFE0];
	_ =	sdelay $0x2  }
0x34: {  	v0 =	vadd.f32 v0, v1;
	_ =	sdelay $0x1  }
0x35: {  	v0 =	vadd.f32 v2, v0;
	_ =	sdelay $0x1  }
0x36: {  	v54 =	vmul.f32 $2.000000030e-01, v0  }
0x37: {  	vm0 =	vge.f32 v0, $0.0e+00  }
0x38: {  	v0 =	vsel vm0, v0, v54  }
0x39: {  	v0 =	vmul.f32 $1.442695020e+00, v0;
	_ =	sdelay $0x1  }
0x3a: {  	(erf) = vpow2.f32 v0;
	_ =	sdelay $0x8  }
0x3b: {  	s29 =	simm.s32 $0x1920;
	v0 =	vpop (erf)  }
0x3c: {  	[tilespmem:s29+$0xFFFFFFE0] =	vst v0  }
0x3d: {  	v0 =	vld [tilespmem:s2+$0xFFFFFFF0]  }
0x3e: {  	v55 =	vld [tilespmem:s0+$0xFFFFFFF0];
	_ =	sdelay $0x1  }
0x3f: {  	v56 =	vld [tilespmem:s28+$0xFFFFFFF0];
	_ =	sdelay $0x2  }
0x40: {  	v0 =	vadd.f32 v55, v0;
	_ =	sdelay $0x1  }
0x41: {  	v0 =	vadd.f32 v56, v0;
	_ =	sdelay $0x1  }
0x42: {  	v57 =	vmul.f32 $2.000000030e-01, v0  }
0x43: {  	vm13 =	vge.f32 v0, $0.0e+00  }
0x44: {  	v0 =	vsel vm13, v0, v57  }
0x45: {  	v0 =	vmul.f32 $1.442695020e+00, v0;
	_ =	sdelay $0x1  }
0x46: {  	(erf) = vpow2.f32 v0;
	_ =	sdelay $0x8  }
0x47: {  	v0 =	vpop (erf)  }
0x48: {  	[tilespmem:s29+$0xFFFFFFF0] =	vst v0  }
0x49: {  	v0 =	vld [tilespmem:s2+$0x0]  }
0x4a: {  	v58 =	vld [tilespmem:s0+$0x0];
	_ =	sdelay $0x1  }
0x4b: {  	v59 =	vld [tilespmem:s28+$0x0];
	_ =	sdelay $0x2  }
0x4c: {  	v0 =	vadd.f32 v58, v0;
	_ =	sdelay $0x1  }
0x4d: {  	v0 =	vadd.f32 v59, v0;
	_ =	sdelay $0x1  }
0x4e: {  	v60 =	vmul.f32 $2.000000030e-01, v0  }
0x4f: {  	vm14 =	vge.f32 v0, $0.0e+00  }
0x50: {  	v0 =	vsel vm14, v0, v60  }
0x51: {  	v0 =	vmul.f32 $1.442695020e+00, v0;
	_ =	sdelay $0x1  }
0x52: {  	(erf) = vpow2.f32 v0;
	_ =	sdelay $0x8  }
0x53: {  	v0 =	vpop (erf)  }
0x54: {  	[tilespmem:s29+$0x0] =	vst v0  }
0x55: {  	v0 =	vld [tilespmem:s2+$0x10]  }
0x56: {  	v61 =	vld [tilespmem:s0+$0x10];
	_ =	sdelay $0x1  }
0x57: {  	v62 =	vld [tilespmem:s28+$0x10];
	_ =	sdelay $0x2  }
0x58: {  	v0 =	vadd.f32 v61, v0;
	_ =	sdelay $0x1  }
0x59: {  	v0 =	vadd.f32 v62, v0;
	_ =	sdelay $0x1  }
0x5a: {  	v63 =	vmul.f32 $2.000000030e-01, v0  }
0x5b: {  	vm15 =	vge.f32 v0, $0.0e+00  }
0x5c: {  	v0 =	vsel vm15, v0, v63  }
0x5d: {  	v0 =	vmul.f32 $1.442695020e+00, v0;
	_ =	sdelay $0x1  }
0x5e: {  	(erf) = vpow2.f32 v0;
	_ =	sdelay $0x3  }
0x5f: {  	s30 =	simm.s32 $0x0  }
0x60: {  	s31 =	simm.s32 $0x960;
	s2 =	simm.s32 $0x160;
	s0 =	simm.s32 $0x1920  }
.LBB2_3:
0x61: {  	s30 =	sadd.s32 $0x4, s30;
	s29 =	sadd.s32 $0x40, s29;
	s28 =	sadd.s32 $0x40, s28  }
0x62: {  	p0 =	slt.u32 s30, $0x7C;
	_ =	sdelay $0x1  }
0x63: {  	v0 =	vpop (erf)  }
0x64: {  	[tilespmem:s0+$0x10] =	vst v0;
	s0 =	smov.u32 s29  }
0x65: {  	v0 =	vld [tilespmem:s31+$0xFFFFFFE0]  }
0x66: {  	v1 =	vld [tilespmem:s2+$0xFFFFFFE0];
	_ =	sdelay $0x1  }
0x67: {  	v2 =	vld [tilespmem:s28+$0xFFFFFFE0];
	_ =	sdelay $0x2  }
0x68: {  	v0 =	vadd.f32 v0, v1;
	_ =	sdelay $0x1  }
0x69: {  	v0 =	vadd.f32 v2, v0;
	_ =	sdelay $0x1  }
0x6a: {  	v1 =	vmul.f32 $2.000000030e-01, v0  }
0x6b: {  	vm0 =	vge.f32 v0, $0.0e+00  }
0x6c: {  	v0 =	vsel vm0, v0, v1  }
0x6d: {  	v0 =	vmul.f32 $1.442695020e+00, v0;
	_ =	sdelay $0x1  }
0x6e: {  	(erf) = vpow2.f32 v0;
	_ =	sdelay $0x8  }
0x6f: {  	v0 =	vpop (erf)  }
0x70: {  	[tilespmem:s29+$0xFFFFFFE0] =	vst v0  }
0x71: {  	v0 =	vld [tilespmem:s2+$0xFFFFFFF0]  }
0x72: {  	v1 =	vld [tilespmem:s31+$0xFFFFFFF0];
	_ =	sdelay $0x1  }
0x73: {  	v2 =	vld [tilespmem:s28+$0xFFFFFFF0];
	_ =	sdelay $0x2  }
0x74: {  	v0 =	vadd.f32 v1, v0;
	_ =	sdelay $0x1  }
0x75: {  	v0 =	vadd.f32 v2, v0;
	_ =	sdelay $0x1  }
0x76: {  	v1 =	vmul.f32 $2.000000030e-01, v0  }
0x77: {  	vm0 =	vge.f32 v0, $0.0e+00  }
0x78: {  	v0 =	vsel vm0, v0, v1  }
0x79: {  	v0 =	vmul.f32 $1.442695020e+00, v0;
	_ =	sdelay $0x1  }
0x7a: {  	(erf) = vpow2.f32 v0;
	_ =	sdelay $0x8  }
0x7b: {  	v0 =	vpop (erf)  }
0x7c: {  	[tilespmem:s29+$0xFFFFFFF0] =	vst v0  }
0x7d: {  	v0 =	vld [tilespmem:s2+$0x0]  }
0x7e: {  	v1 =	vld [tilespmem:s31+$0x0];
	_ =	sdelay $0x1  }
0x7f: {  	v2 =	vld [tilespmem:s28+$0x0];
	_ =	sdelay $0x2  }
0x80: {  	v0 =	vadd.f32 v1, v0;
	_ =	sdelay $0x1  }
0x81: {  	v0 =	vadd.f32 v2, v0;
	_ =	sdelay $0x1  }
0x82: {  	v1 =	vmul.f32 $2.000000030e-01, v0  }
0x83: {  	vm0 =	vge.f32 v0, $0.0e+00  }
0x84: {  	v0 =	vsel vm0, v0, v1  }
0x85: {  	v0 =	vmul.f32 $1.442695020e+00, v0;
	_ =	sdelay $0x1  }
0x86: {  	(erf) = vpow2.f32 v0;
	_ =	sdelay $0x8  }
0x87: {  	v0 =	vpop (erf)  }
0x88: {  	[tilespmem:s29+$0x0] =	vst v0  }
0x89: {  	v0 =	vld [tilespmem:s2+$0x10]  }
0x8a: {  	v1 =	vld [tilespmem:s31+$0x10]  }
0x8b: {  	v2 =	vld [tilespmem:s28+$0x10];
	_ =	sdelay $0x3  }
0x8c: {  	v0 =	vadd.f32 v1, v0;
	_ =	sdelay $0x1  }
0x8d: {  	v0 =	vadd.f32 v2, v0;
	_ =	sdelay $0x1  }
0x8e: {  	vm0 =	vge.f32 v0, $0.0e+00;
	v1 =	vmul.f32 $2.000000030e-01, v0;
	_ =	sdelay $0x1  }
0x8f: {  	v0 =	vsel vm0, v0, v1  }
0x90: {  	v0 =	vmul.f32 $1.442695020e+00, v0;
	_ =	sdelay $0x1  }
0x91: {  	(erf) = vpow2.f32 v0  }
.Ltmp0:
0x92: {  	(pc) =	sbr.rel @p0 .LBB2_3-.Ltmp0, $2  }
0x93: {  	_ =	sdelay $0x2  }
0x94: {  	s2 =	sadd.s32 $0x40, s2;
	s31 =	sadd.s32 $0x40, s31  }
0x95: {  	_ =	sdelay $0x2  }
0x96: {  	v0 =	vpop (erf)  }
0x97: {  	s31 =	sadd.s32 s9, s26;
	[tilespmem:s0+$0x10] =	vst v0  }
0x98: {  	[hbm4b:s31+s3] =	stream.linear.scatter [tilespmem:s23], [sflag:$0x3], $0x800, $0x38;
	[tilespmem:$0x4900] =	vst v63  }
0x99: {  	s25 =	sadd.s32 $0x1, s25;
	_ =	swait.ge [sflag:s16], $0x800  }
0x9a: {  	p0 =	sne.s32 s25, $0x51;
	[sflag:s16] =	ssyncset.done $0x0  }
.Ltmp1:
0x9b: {  	[sflag:s16] =	ssyncadd.s32 $0xFFFFF800;
	(pc) =	sbr.rel @p0 .LBB2_2-.Ltmp1, $4  }
0x9c: {  	[spmem:s1] =	stream.indirect.scatter.add.f32 [tilespmem:s23], [sflag:$0x3], $0x10, s17, s17, $0xb8;
	[tilespmem:$0x4900] =	vst v63  }
0x9d: {  	_ =	swait.ge [sflag:s16], $0x800  }
0x9e: {  	[sflag:s16] =	ssyncset.done $0x0  }
0x9f: {  	[sflag:s16] =	ssyncadd.s32 $0xFFFFF800  }
0xa0: {  	s24 =	sadd.s32 $0x1, s24  }
0xa1: {  	p0 =	sne.s32 s24, s14  }
.Ltmp2:
0xa2: {  	[bflag:$0x0] =	sbarrier.arrive $0xFFFF;
	(pc) =	sbr.rel @p0 .LBB2_1-.Ltmp2, $4  }
0xa3: {  	[hbm:s13], [sflag:s11] =	dma.local [spmem:s15], $0x500  }
0xa4: {  	_ =	swait.ge [sflag:s16], $0x500  }
0xa5: {  	[sflag:s16] =	ssyncset.done $0x0  }
0xa6: {  	[sflag:s16] =	ssyncadd.s32 $0xFFFFFB00  }
0xa7: {  	_ =	sfence.sel $0x180000  }
0xa8: {  	[bflag:$0x0] =	sbarrier.arrive $0xFFFF  }
0xa9: {  	_ =	strace $0x9000004A  }
0xaa: {  	s0 =	stileid.u32;
	[bflag:$0x2] =	sbarrier.arrive $0xFFFF  }
0xab: {  	p0 =	sne.s32 s0, $0x0;
	s0 =	rddreg [dreg:$0x3]  }
0xac: {  	s0 =	sadd.s32 @!p0 $0x100000, s0  }
0xad: {  	[sflag:s0] =	ssyncadd.tile.s32 @!p0 $0x1;
	_ =	shalt  }
.Lfunc_end2:
_tile_overlayer_lowered:
.L_overlay_start_2:
0xae: {  	(tag) =	ssettag $0x2  }
0xaf: {  	s0 =	rddreg [dreg:$0x0];
	s2 =	stileid.u32  }
0xb0: {  	s1 =	rddreg [dreg:$0x1];
	p0 =	sne.s32 s2, $0x0  }
0xb1: {  	s3 =	rddreg [dreg:$0x2];
	[bflag:$0x3] =	sbarrier.arrive $0xFFFF;
	s2 =	simm.s32 @!p0 $0x1C03  }
0xb2: {  	[timem:s3], [sflag:s2] =	dma.local @!p0 [hbm:s0], s1  }
0xb3: {  	s0 =	simm.s32 @!p0 $0x3  }
0xb4: {  	_ =	swait.ge @!p0 [sflag:s0], s1  }
0xb5: {  	s1 =	ssub.s32 @!p0 $0x0, s1;
	[sflag:s0] =	ssyncset.done @!p0 $0x0  }
0xb6: {  	[sflag:s0] =	ssyncadd.s32 @!p0 s1  }
0xb7: {  	[bflag:$0x3] =	sbarrier.arrive $0xFFFF  }
0xb8: {  	_ =	shalt  }

// kernel: kernel.24.cloned.1.call-start
scs
__scs_entry_jumppad:
0x0: {  	(pc) =	sbr.rel $0x88, $3  }
0x1: {  	(tag) =	ssettag $0x0;
	lr =	simm.s32 $0x1  }
0x2: {  	[smem:$0x3F84] =	sst lr;
	_ =	strace $0xD0000000  }
0x3: {  	_ = 	snop  }
0x4: {  	_ = 	snop  }
0x5: {  	_ = 	snop  }
0x6: {  	_ = 	snop  }
0x7: {  	_ = 	snop  }
__scs_overlays_trampoline_lowered:
0x8: {  	[smem:$0x3F93] =	sst s0  }
0x9: {  	[smem:$0x3F94] =	sst s1  }
0xa: {  	[smem:$0x3F95] =	sst s2  }
0xb: {  	[smem:$0x3F96] =	sst s3  }
0xc: {  	[smem:$0x3F97] =	sst s4  }
0xd: {  	[smem:$0x3F98] =	sst s5  }
0xe: {  	[smem:$0x3F99] =	sst s6  }
0xf: {  	[smem:$0x3F9A] =	sst s7  }
0x10: {  	[smem:$0x3F9B] =	sst s8  }
0x11: {  	[smem:$0x3F9C] =	sst s9;
	s0 =	simm.s32 @!p0 $0x0  }
0x12: {  	s1 =	sld [smem:$0x3F82];
	s0 =	simm.s32 @p0 $0x1  }
0x13: {  	[smem:$0x3F9D] =	sst s0;
	s0 =	simm.s32 @!p1 $0x0  }
0x14: {  	s2 =	sld [smem:$0x3F81];
	s0 =	simm.s32 @p1 $0x1  }
0x15: {  	[smem:$0x3F9E] =	sst s0;
	s0 =	simm.s32 @!p2 $0x0  }
0x16: {  	s3 =	sld [smem:$0x3FDB];
	s0 =	simm.s32 @p2 $0x1  }
0x17: {  	s4 =	simm.s32 $0x1BF5;
	[smem:$0x3FA0] =	sst s0  }
0x18: {  	s0 =	sld [smem:$0x3F83];
	_ =	swait.ge [sflag:s4], $0x0  }
0x19: {  	s7 =	sld [smem:$0x3F84]  }
0x1a: {  	s8 =	sadd.s32 $0xFFFFE003, lr  }
0x1b: {  	s9 =	sadd.s32 $0xFFFFFEF7, lr;
	s5 =	simm.s32 $0xFFFFFFFF;
	p2 =	slt.u32 s8, $0xFFFFF086  }
0x1c: {  	p1 =	slt.u32 s9, $0xF7A;
	s5 =	simm.s32 @!p2 $0x0  }
0x1d: {  	s5 =	simm.s32 @p1 $0x1;
	p0 =	seq.s32 s7, s2  }
0x1e: {  	s7 =	smul.u32 @!p0 $0xF7A, s2;
	p2 =	seq.s32 @!p0 s5, $0x0  }
0x1f: {  	s9 =	smul.u32 $0xF7A, s1;
	s8 =	simm.s32 @!p0 $0x1BF5;
	p2 =	por !p2, p0  }
0x20: {  	[sflag:s8] =	ssyncset.s32 @!p0 $0xFFFFF086;
	s6 =	sadd.s32 @!p0 s3, s7;
	s7 =	simm.s32 @!p0 $0x108  }
0x21: {  	s3 =	sadd.s32 s3, s9;
	s6 =	sadd.s32 @!p0 $0x88, s6;
	s7 =	simm.s32 @p2 $0x1082  }
0x22: {  	[simem:s7], [sflag:s8] =	dma.local @!p0 [hbm:s6], $0xF7A  }
0x23: {  	s9 =	sor.u32 $0xD0000000, s2;
	s6 =	simm.s32 $0x108;
	_ =	swait.ge @!p0 [sflag:s8], $0x0  }
0x24: {  	s3 =	sadd.s32 $0x88, s3;
	s6 =	simm.s32 @!p1 $0x1082;
	[sflag:s4] =	ssyncset.s32 $0xFFFFF086  }
0x25: {  	[simem:s6], [sflag:s4] =	dma.local [hbm:s3], $0xF7A  }
0x26: {  	[smem:$0x3F84] =	sst s1;
	(tag) =	ssettag s2;
	_ =	strace s9  }
0x27: {  	s1 =	sld [smem:$0x3F94]  }
0x28: {  	s2 =	sld [smem:$0x3F95]  }
0x29: {  	s4 =	sld [smem:$0x3F97]  }
0x2a: {  	p0 =	seq.s32 s5, $0x0;
	s5 =	sld [smem:$0x3F98]  }
0x2b: {  	s6 =	sld [smem:$0x3F99]  }
0x2c: {  	s7 =	sld [smem:$0x3F9A]  }
0x2d: {  	s3 =	simm.s32 $0x108;
	s8 =	sld [smem:$0x3F9B]  }
0x2e: {  	s3 =	simm.s32 @!p0 $0x1082;
	s9 =	sld [smem:$0x3F9C]  }
0x2f: {  	lr =	sadd.s32 s0, s3;
	s0 =	sld [smem:$0x3F93]  }
0x30: {  	s3 =	sld [smem:$0x3F96]  }
0x31: {  	[smem:$0x3F9F] =	sst s10  }
0x32: {  	s10 =	sld [smem:$0x3F9D];
	_ =	sdelay $0x3  }
0x33: {  	p0 =	seq.s32 s10, $0x1;
	s10 =	sld [smem:$0x3F9F];
	_ =	sdelay $0x3  }
0x34: {  	[smem:$0x3F9F] =	sst s10  }
0x35: {  	s10 =	sld [smem:$0x3F9E];
	_ =	sdelay $0x3  }
0x36: {  	p1 =	seq.s32 s10, $0x1;
	s10 =	sld [smem:$0x3F9F];
	_ =	sdelay $0x3  }
0x37: {  	[smem:$0x3F9F] =	sst s10  }
0x38: {  	s10 =	sld [smem:$0x3FA0]  }
0x39: {  	_ = 	snop;
	(pc) =	sbr.ind lr, $3  }
0x3a: {  	_ = 	snop  }
0x3b: {  	_ = 	snop  }
0x3c: {  	p2 =	seq.s32 s10, $0x1;
	s10 =	sld [smem:$0x3F9F]  }
0x3d: {  	_ =	shalt  }
0x3e: {  	_ =	shalt  }
0x3f: {  	_ =	shalt  }
0x40: {  	_ =	shalt  }
0x41: {  	_ =	shalt  }
0x42: {  	_ =	shalt  }
0x43: {  	_ =	shalt  }
0x44: {  	_ =	shalt  }
0x45: {  	_ =	shalt  }
0x46: {  	_ =	shalt  }
0x47: {  	_ =	shalt  }
0x48: {  	_ =	shalt  }
0x49: {  	_ =	shalt  }
0x4a: {  	_ =	shalt  }
0x4b: {  	_ =	shalt  }
0x4c: {  	_ =	shalt  }
0x4d: {  	_ =	shalt  }
0x4e: {  	_ =	shalt  }
0x4f: {  	_ =	shalt  }
0x50: {  	_ =	shalt  }
0x51: {  	_ =	shalt  }
0x52: {  	_ =	shalt  }
0x53: {  	_ =	shalt  }
0x54: {  	_ =	shalt  }
0x55: {  	_ =	shalt  }
0x56: {  	_ =	shalt  }
0x57: {  	_ =	shalt  }
0x58: {  	_ =	shalt  }
0x59: {  	_ =	shalt  }
0x5a: {  	_ =	shalt  }
0x5b: {  	_ =	shalt  }
0x5c: {  	_ =	shalt  }
0x5d: {  	_ =	shalt  }
0x5e: {  	_ =	shalt  }
0x5f: {  	_ =	shalt  }
0x60: {  	_ =	shalt  }
0x61: {  	_ =	shalt  }
0x62: {  	_ =	shalt  }
0x63: {  	_ =	shalt  }
0x64: {  	_ =	shalt  }
0x65: {  	_ =	shalt  }
0x66: {  	_ =	shalt  }
0x67: {  	_ =	shalt  }
0x68: {  	_ =	shalt  }
0x69: {  	_ =	shalt  }
0x6a: {  	_ =	shalt  }
0x6b: {  	_ =	shalt  }
0x6c: {  	_ =	shalt  }
0x6d: {  	_ =	shalt  }
0x6e: {  	_ =	shalt  }
0x6f: {  	_ =	shalt  }
0x70: {  	_ =	shalt  }
0x71: {  	_ =	shalt  }
0x72: {  	_ =	shalt  }
0x73: {  	_ =	shalt  }
0x74: {  	_ =	shalt  }
0x75: {  	_ =	shalt  }
0x76: {  	_ =	shalt  }
0x77: {  	_ =	shalt  }
0x78: {  	_ =	shalt  }
0x79: {  	_ =	shalt  }
0x7a: {  	_ =	shalt  }
0x7b: {  	_ =	shalt  }
0x7c: {  	_ =	shalt  }
0x7d: {  	_ =	shalt  }
0x7e: {  	_ =	shalt  }
0x7f: {  	_ =	shalt  }
0x80: {  	_ =	shalt  }
0x81: {  	_ =	shalt  }
0x82: {  	_ =	shalt  }
0x83: {  	_ =	shalt  }
0x84: {  	_ =	shalt  }
0x85: {  	_ =	shalt  }
0x86: {  	_ =	shalt  }
0x87: {  	_ =	shalt  }
.Lfunc_end0:
.L_simem_size_0:
called_computation.3_lowered:
.L_overlay_start_0:
0x88: {  	s2 =	sld [smem:$0x3FD9]  }
0x89: {  	s3 =	sld [smem:$0x3FFE];
	_ =	sdelay $0x1  }
0x8a: {  	s1 =	srdreg.scid  }
0x8b: {  	s0 =	sand.u32 $0x1, s1  }
0x8c: {  	s16 =	sshll.u32 s0, $0xA;
	s2 =	sadd.s32 s3, s2  }
0x8d: {  	s2 =	sadd.s32 s2, s16  }
0x8e: {  	[smem:$0x3FAB] =	sst s2  }
0x8f: {  	_ = 	snop  }
0x90: {  	(tm) =	ssettm $0x1  }
0x91: {  	s17 =	sld [smem:$0x3FFB];
	_ =	sdelay $0x3  }
0x92: {  	_ =	strace s17  }
0x93: {  	s2 =	sld [smem:$0x3FFC];
	_ =	sdelay $0x3  }
0x94: {  	_ =	strace s2  }
0x95: {  	s2 =	sld [smem:$0x3FFD];
	_ =	sdelay $0x3  }
0x96: {  	_ =	strace s2  }
0x97: {  	_ =	strace $0x8FFFFFFF  }
0x98: {  	s18 =	sld [smem:$0x3FDB];
	_ =	sdelay $0x1  }
0x99: {  	s19 =	simm.s32 $_scs_section_size  }
0x9a: {  	s4 =	simm.s32 $_size__tile_overlayer_lowered;
	s5 =	simm.s32 $_tile_overlayer_lowered  }
0x9b: {  	s22 =	simm.s32 $0x1BFF;
	s21 =	sshll.u32 s5, $0x1;
	s2 =	sadd.s32 s19, s18  }
0x9c: {  	s6 =	simm.s32 $0x0;
	s20 =	sshll.u32 s4, $0x1;
	s4 =	sadd.s32 s21, s2  }
0x9d: {  	[timem:s6], [sflag:s22] =	dma.local [hbm:s4], s20  }
0x9e: {  	_ =	swait.ge [sflag:s22], s20  }
0x9f: {  	s3 =	ssub.s32 $0x0, s20;
	[sflag:s22] =	ssyncset.done $0x0  }
0xa0: {  	[sflag:s22] =	ssyncadd.s32 s3;
	_ =	sdelay $0x1  }
0xa1: {  	s23 =	simm.s32 $0x1B8B  }
0xa2: {  	_ =	swait.ge [sflag:s23], $0x1  }
0xa3: {  	[sflag:s23] =	ssyncset.done $0x0  }
0xa4: {  	s25 =	simm.s32 $0x1B8E;
	s24 =	sld [smem:$0x3FFE];
	[sflag:s23] =	ssyncadd.s32 $0xFFFFFFFF  }
0xa5: {  	s26 =	simm.s32 $execute0_lowered;
	[smem:$0x3FD2] =	sst s25  }
0xa6: {  	s4 =	sshll.u32 s26, $0x1;
	_ =	strace $0x8000004C;
	[dreg:$0x1] =	wrdreg $0xFFFFFFFF  }
0xa7: {  	s28 =	simm.s32 $_size_execute0_lowered;
	s2 =	sadd.s32 s2, s4;
	[dreg:$0x0] =	wrdreg $0x0  }
0xa8: {  	s4 =	sshll.u32 s28, $0x1;
	[dreg:$0x2] =	wrdreg s2  }
0xa9: {  	[dreg:$0x3] =	wrdreg s4  }
0xaa: {  	[dreg:$0x4] =	wrdreg $0xC0  }
0xab: {  	_ =	task [dreg:s6], $0x5FFFF  }
0xac: {  	[dreg:$0x1] =	wrdreg $0xFFFFFFFF  }
0xad: {  	[dreg:$0x0] =	wrdreg $0x60  }
0xae: {  	[dreg:$0x2] =	wrdreg s24  }
0xaf: {  	[dreg:$0x3] =	wrdreg $0x49800  }
0xb0: {  	[dreg:$0x4] =	wrdreg $0x9  }
0xb1: {  	_ =	task.clear_ibuf [dreg:s6], $0x5FFFF;
	_ =	strace $0x9000004C  }
0xb2: {  	s29 =	simm.s32 $0x9;
	_ =	strace $0x8000004E  }
0xb3: {  	_ =	swait.ge [sflag:s29], $0x1  }
0xb4: {  	[sflag:s29] =	ssyncadd.s32 $0xFFFFFFFF  }
0xb5: {  	_ =	strace $0x9000004E  }
0xb6: {  	_ =	sfence  }
0xb7: {  	s30 =	sld [smem:$0x0];
	_ =	sdelay $0x2  }
0xb8: {  	s31 =	sshll.u32 s1, $0xD;
	s1 =	sshrl.u32 s1, $0x2  }
0xb9: {  	s3 =	sand.u32 $0x4000, s31;
	s1 =	sadd.s32 s1, s30  }
0xba: {  	s0 =	sor.u32 s3, s0;
	s1 =	sshll.u32 s1, $0x11  }
0xbb: {  	s0 =	sor.u32 s1, s0  }
0xbc: {  	s0 =	sadd.s32 $0x8F2B, s0  }
0xbd: {  	[sflag:s0] =	ssyncadd.remote.s32 $0x1  }
0xbe: {  	_ =	sfence.sel $0xFFFF  }
0xbf: {  	[dreg:$0x0] =	wrdreg $0xFFFFFFFF;
	(pc) =	sbr.abs _section_cstart, $3  }
0xc0: {  	[dreg:$0x1] =	wrdreg $0xFFFFFFFF  }
0xc1: {  	_ =	task.clear_ibuf [dreg:s6], $0x2FFFF;
	_ =	strace $0x9FFFFFFF  }
0xc2: {  	(tm) =	ssettm $0x7FFFFFFF  }
0xc3: {  	_ =	shalt  }
tec
execute0_lowered:
.L_overlay_start_1:
0x0: {  	(tag) =	ssettag $0x1  }
0x1: {  	s8 =	rddreg [dreg:$0x0]  }
0x2: {  	s1 =	rddreg [dreg:$0x1]  }
0x3: {  	s0 =	rddreg [dreg:$0x2];
	s3 =	simm.s32 $0x0  }
0x4: {  	s2 =	stileid.u32;
	s7 =	srdreg.scid;
	s17 =	simm.s32 $0x80  }
0x5: {  	s18 =	simm.s32 $0x180;
	s19 =	simm.s32 $0x100;
	s20 =	simm.s32 $0x980  }
0x6: {  	s21 =	simm.s32 $0x1;
	[smem:$0x7FF] =	sst s3;
	s4 =	sadd.s32 $0x192A00, s8  }
0x7: {  	s10 =	smul.u32 $0x14000, s2;
	s5 =	sadd.s32 $0x7B7000, s8;
	s6 =	sadd.s32 $0x7C1200, s8  }
0x8: {  	s13 =	sand.u32 $0x1, s7;
	s7 =	sadd.s32 $0x7CB400, s8;
	s31 =	sshll.u32 s2, $0x6  }
0x9: {  	_ =	strace $0x8000004D;
	s11 =	ssub.s32 $0x2, s13;
	s14 =	sshll.u32 s13, $0x4  }
0xa: {  	s13 =	sshll.u32 s13, $0x3;
	s9 =	sshrl.u32 s10, $0x3;
	s30 =	sshrl.u32 s11, $0x1  }
0xb: {  	s14 =	sor.u32 s2, s14;
	s16 =	sadd.s32 s10, s1;
	s12 =	sadd.s32 s9, s8  }
0xc: {  	s8 =	sadd.s32 $0x86D400, s8;
	s15 =	ssub.s32 s11, s30;
	s9 =	smul.u32 $0x280, s2  }
0xd: {  	s11 =	sor.u32 $0x1C02, s31;
	s10 =	sadd.s32 $0x33000, s12;
	s12 =	smul.u32 $0x2880, s14  }
0xe: {  	s14 =	smax.u32 s15, $0x1;
	s15 =	sshrl.u32 s16, $0x3;
	s16 =	simm.s32 $0x2  }
.LBB2_1:
0xf: {  	s22 =	simm.s32 $0x0  }
.LBB2_2:
0x10: {  	[spmem:s15], [sflag:s11] =	dma.local [hbm:s10], $0x2800  }
0x11: {  	_ =	swait.ge [sflag:s16], $0x2800  }
0x12: {  	v0 =	vmov s22;
	[sflag:s16] =	ssyncset.done $0x0  }
0x13: {  	v1 =	vand.u32 $0xF, v0;
	[sflag:s16] =	ssyncadd.s32 $0xFFFFD800  }
0x14: {  	s23 =	simm.s32 $0x0;
	s24 =	simm.s32 $0x0;
	v1 =	vbroadcast v1, $0x0;
	[bflag:$0x0] =	sbarrier.arrive $0xFFFF  }
.LBB2_3:
0x15: {  	s25 =	sshll.u32 s24, $0x7  }
0x16: {  	s25 =	sadd.s32 s12, s25  }
0x17: {  	s26 =	sshrl.u32 s25, $0x3  }
0x18: {  	s28 =	sadd.s32 s5, s26  }
0x19: {  	[tilespmem:s23], [sflag:$0x2] =	stream.linear.gather [hbm4b:s28+s23], $0x80, $0x38;
	[tilespmem:$0x18980] =	vst v63  }
0x1a: {  	_ =	swait.ge [sflag:s16], $0x80  }
0x1b: {  	[sflag:s16] =	ssyncset.done $0x0  }
0x1c: {  	s26 =	sadd.s32 s6, s26;
	[sflag:s16] =	ssyncadd.s32 $0xFFFFFF80  }
0x1d: {  	[tilespmem:s17], [sflag:$0x2] =	stream.linear.gather [hbm4b:s26+s23], $0x80, $0x38;
	[tilespmem:$0x18980] =	vst v63  }
0x1e: {  	_ =	swait.ge [sflag:s16], $0x80  }
0x1f: {  	s25 =	sshll.u32 s25, $0x1;
	[sflag:s16] =	ssyncset.done $0x0  }
0x20: {  	s25 =	sadd.s32 s7, s25;
	[sflag:s16] =	ssyncadd.s32 $0xFFFFFF80  }
0x21: {  	[tilespmem:s18], [sflag:$0x2] =	stream.linear.gather [hbm4b:s25+s23], $0x800, $0x38;
	[tilespmem:$0x18980] =	vst v63  }
0x22: {  	_ =	swait.ge [sflag:s16], $0x800  }
0x23: {  	[sflag:s16] =	ssyncset.done $0x0  }
0x24: {  	[sflag:s16] =	ssyncadd.s32 $0xFFFFF800  }
0x25: {  	v2 =	vld [tilespmem:$0x0]  }
0x26: {  	v3 =	vld [tilespmem:$0x10]  }
0x27: {  	v4 =	vld [tilespmem:$0x20]  }
0x28: {  	v5 =	vld [tilespmem:$0x30]  }
0x29: {  	v6 =	vld [tilespmem:$0x40]  }
0x2a: {  	v7 =	vld [tilespmem:$0x50];
	v2 =	vshll.u32 v2, $0x3  }
0x2b: {  	v8 =	vld [tilespmem:$0x60];
	v3 =	vshll.u32 v3, $0x3;
	v2 =	vadd.s32 v0, v2  }
0x2c: {  	[tilespmem:$0x100] =	vst v2;
	v2 =	vadd.s32 v0, v3;
	v3 =	vshll.u32 v4, $0x3;
	v4 =	vld [tilespmem:$0x70]  }
0x2d: {  	[tilespmem:$0x110] =	vst v2;
	v2 =	vadd.s32 v0, v3;
	v3 =	vshll.u32 v5, $0x3  }
0x2e: {  	[tilespmem:$0x120] =	vst v2;
	v2 =	vadd.s32 v0, v3;
	v3 =	vshll.u32 v6, $0x3  }
0x2f: {  	[tilespmem:$0x130] =	vst v2;
	v2 =	vadd.s32 v0, v3;
	v3 =	vshll.u32 v7, $0x3  }
0x30: {  	[tilespmem:$0x140] =	vst v2;
	v2 =	vadd.s32 v0, v3;
	v3 =	vshll.u32 v8, $0x3  }
0x31: {  	[tilespmem:$0x150] =	vst v2;
	v2 =	vadd.s32 v0, v3;
	v3 =	vshll.u32 v4, $0x3  }
0x32: {  	[tilespmem:$0x160] =	vst v2;
	v2 =	vadd.s32 v0, v3  }
0x33: {  	[tilespmem:$0x170] =	vst v2  }
0x34: {  	[tilespmem:s20], [sflag:$0x1] =	stream.indirect.gather [hbm4b:s4+s17], $0x80, s19, s17, $0xb8;
	[tilespmem:$0x18980] =	vst v63  }
0x35: {  	_ =	swait.ge [sflag:s21], $0x4000  }
0x36: {  	[sflag:s21] =	ssyncset.done $0x0  }
0x37: {  	s25 =	simm.s32 $0x9C0;
	[sflag:s21] =	ssyncadd.s32 $0xFFFFC000  }
0x38: {  	s31 =	simm.s32 $0x0;
	v6 =	vld [tilespmem:s25+$0x30]  }
0x39: {  	v3 =	vld [tilespmem:s31+$0x180]  }
0x3a: {  	v9 =	vld [tilespmem:s25+$0x10]  }
0x3b: {  	v7 =	vld [tilespmem:s25+$0xFFFFFFC0]  }
0x3c: {  	v11 =	vld [tilespmem:s25+$0xFFFFFFE0]  }
0x3d: {  	v2 =	vld [tilespmem:s25+$0xFFFFFFF0]  }
0x3e: {  	v4 =	vld [tilespmem:s25+$0x20];
	v3 =	vperm.xlane v3, v1  }
0x3f: {  	v5 =	vld [tilespmem:s25+$0xFFFFFFD0]  }
0x40: {  	v10 =	vmul.f32 v6, v3;
	v6 =	vld [tilespmem:s25+$0x0]  }
0x41: {  	v8 =	vmul.f32 v7, v3  }
0x42: {  	s28 =	simm.s32 $0x9C0;
	s26 =	simm.s32 $0x40;
	v7 =	vmul.f32 v11, v3;
	v9 =	vmul.f32 v9, v3  }
.LBB2_4:
0x43: {  	p0 =	sne.s32 s26, $0x1FC0  }
0x44: {  	v5 =	vmul.f32 v5, v3;
	v4 =	vmul.f32 v4, v3;
	[tilespmem:s25+$0x30] =	vst v10;
	s28 =	sadd.s32 $0x80, s28;
	s29 =	smov.u32 s26;
	s26 =	sadd.s32 $0x40, s26  }
0x45: {  	v2 =	vmul.f32 v2, v3;
	[tilespmem:s25+$0xFFFFFFC0] =	vst v8;
	v3 =	vmul.f32 v6, v3  }
0x46: {  	[tilespmem:s25+$0x10] =	vst v9  }
0x47: {  	[tilespmem:s25+$0xFFFFFFE0] =	vst v7  }
0x48: {  	[tilespmem:s25+$0xFFFFFFF0] =	vst v2  }
0x49: {  	v2 =	vld [tilespmem:s28+$0xFFFFFFF0];
	[tilespmem:s25+$0x0] =	vst v3  }
0x4a: {  	v7 =	vld [tilespmem:s28+$0x30];
	[tilespmem:s25+$0x20] =	vst v4  }
0x4b: {  	s29 =	sshra.s32 s29, $0x2;
	v9 =	vld [tilespmem:s28+$0x10];
	[tilespmem:s25+$0xFFFFFFD0] =	vst v5;
	s25 =	smov.u32 s28  }
0x4c: {  	v3 =	vld [tilespmem:s29+$0x180]  }
0x4d: {  	v8 =	vld [tilespmem:s28+$0xFFFFFFC0]  }
0x4e: {  	v11 =	vld [tilespmem:s28+$0xFFFFFFE0]  }
0x4f: {  	v4 =	vld [tilespmem:s28+$0x20]  }
.Ltmp0:
0x50: {  	v5 =	vld [tilespmem:s28+$0xFFFFFFD0];
	(pc) =	sbr.rel @p0 .LBB2_4-.Ltmp0, $3  }
0x51: {  	v3 =	vperm.xlane v3, v1;
	v6 =	vld [tilespmem:s28+$0x0];
	_ =	sdelay $0x1  }
0x52: {  	v8 =	vmul.f32 v8, v3;
	v10 =	vmul.f32 v7, v3  }
0x53: {  	v7 =	vmul.f32 v11, v3;
	v9 =	vmul.f32 v9, v3  }
0x54: {  	[tilespmem:s25+$0x30] =	vst v10  }
0x55: {  	[tilespmem:s25+$0xFFFFFFC0] =	vst v8  }
0x56: {  	v2 =	vmul.f32 v2, v3;
	[tilespmem:s25+$0x10] =	vst v9  }
0x57: {  	v4 =	vmul.f32 v4, v3;
	[tilespmem:s25+$0xFFFFFFE0] =	vst v7  }
0x58: {  	v6 =	vmul.f32 v6, v3;
	[tilespmem:s25+$0xFFFFFFF0] =	vst v2  }
0x59: {  	s24 =	sadd.s32 $0x1, s24;
	v2 =	vmul.f32 v5, v3;
	[tilespmem:s25+$0x20] =	vst v4  }
0x5a: {  	p0 =	sne.s32 s24, $0x51;
	[tilespmem:s25+$0x0] =	vst v6  }
.Ltmp1:
0x5b: {  	[tilespmem:s25+$0xFFFFFFD0] =	vst v2;
	(pc) =	sbr.rel @p0 .LBB2_3-.Ltmp1, $4  }
0x5c: {  	[spmem:s1] =	stream.indirect.scatter.add.f32 [tilespmem:s20], [sflag:$0x2], $0x80, s17, s17, $0xb8;
	[tilespmem:$0x18980] =	vst v63  }
0x5d: {  	_ =	swait.ge [sflag:s16], $0x4000  }
0x5e: {  	[sflag:s16] =	ssyncset.done $0x0  }
0x5f: {  	[sflag:s16] =	ssyncadd.s32 $0xFFFFC000  }
0x60: {  	s23 =	sadd.s32 s13, s22  }
0x61: {  	s23 =	smul.u32 $0x2800, s23;
	_ =	sdelay $0x1  }
0x62: {  	s23 =	sadd.s32 s9, s23  }
0x63: {  	s22 =	sadd.s32 $0x1, s22;
	s23 =	sshll.u32 s23, $0x4  }
0x64: {  	[bflag:$0x0] =	sbarrier.arrive $0xFFFF;
	p0 =	sne.s32 s22, $0x8;
	s23 =	sadd.s32 s8, s23  }
0x65: {  	[hbm:s23], [sflag:s11] =	dma.local [spmem:s15], $0x2800  }
.Ltmp2:
0x66: {  	_ =	swait.ge [sflag:s16], $0x2800;
	(pc) =	sbr.rel @p0 .LBB2_2-.Ltmp2, $3  }
0x67: {  	[sflag:s16] =	ssyncset.done $0x0  }
0x68: {  	[sflag:s16] =	ssyncadd.s32 $0xFFFFD800  }
0x69: {  	[bflag:$0x0] =	sbarrier.arrive $0xFFFF;
	_ =	sdelay $0x1  }
0x6a: {  	s3 =	sadd.s32 $0x1, s3  }
0x6b: {  	p0 =	sne.s32 s3, s14  }
.Ltmp3:
0x6c: {  	_ = 	snop;
	(pc) =	sbr.rel @p0 .LBB2_1-.Ltmp3, $1  }
0x6d: {  	_ =	sdelay $0x3  }
0x6e: {  	_ =	sfence.sel $0x180000  }
0x6f: {  	[bflag:$0x0] =	sbarrier.arrive $0xFFFF  }
0x70: {  	p0 =	sne.s32 s2, $0x0;
	_ =	strace $0x9000004D  }
0x71: {  	s0 =	sadd.s32 @!p0 $0x100000, s0;
	[bflag:$0x2] =	sbarrier.arrive $0xFFFF  }
0x72: {  	[sflag:s0] =	ssyncadd.tile.s32 @!p0 $0x1;
	_ =	shalt  }
.Lfunc_end2:
_tile_overlayer_lowered:
.L_overlay_start_2:
0x73: {  	(tag) =	ssettag $0x2  }
0x74: {  	s0 =	rddreg [dreg:$0x0];
	s2 =	stileid.u32  }
0x75: {  	s1 =	rddreg [dreg:$0x1];
	p0 =	sne.s32 s2, $0x0  }
0x76: {  	s3 =	rddreg [dreg:$0x2];
	[bflag:$0x3] =	sbarrier.arrive $0xFFFF;
	s2 =	simm.s32 @!p0 $0x1C02  }
0x77: {  	[timem:s3], [sflag:s2] =	dma.local @!p0 [hbm:s0], s1  }
0x78: {  	s0 =	simm.s32 @!p0 $0x2  }
0x79: {  	_ =	swait.ge @!p0 [sflag:s0], s1  }
0x7a: {  	s1 =	ssub.s32 @!p0 $0x0, s1;
	[sflag:s0] =	ssyncset.done @!p0 $0x0  }
0x7b: {  	[sflag:s0] =	ssyncadd.s32 @!p0 s1  }
0x7c: {  	[bflag:$0x3] =	sbarrier.arrive $0xFFFF  }
0x7d: {  	_ =	shalt  }

// kernel: kernel.27.cloned.1.call-start
scs
__scs_entry_jumppad:
0x0: {  	(pc) =	sbr.rel $0x88, $3  }
0x1: {  	(tag) =	ssettag $0x0;
	lr =	simm.s32 $0x1  }
0x2: {  	[smem:$0x3F84] =	sst lr;
	_ =	strace $0xD0000000  }
0x3: {  	_ = 	snop  }
0x4: {  	_ = 	snop  }
0x5: {  	_ = 	snop  }
0x6: {  	_ = 	snop  }
0x7: {  	_ = 	snop  }
__scs_overlays_trampoline_lowered:
0x8: {  	[smem:$0x3F93] =	sst s0  }
0x9: {  	[smem:$0x3F94] =	sst s1  }
0xa: {  	[smem:$0x3F95] =	sst s2  }
0xb: {  	[smem:$0x3F96] =	sst s3  }
0xc: {  	[smem:$0x3F97] =	sst s4  }
0xd: {  	[smem:$0x3F98] =	sst s5  }
0xe: {  	[smem:$0x3F99] =	sst s6  }
0xf: {  	[smem:$0x3F9A] =	sst s7  }
0x10: {  	[smem:$0x3F9B] =	sst s8  }
0x11: {  	[smem:$0x3F9C] =	sst s9;
	s0 =	simm.s32 @!p0 $0x0  }
0x12: {  	s1 =	sld [smem:$0x3F82];
	s0 =	simm.s32 @p0 $0x1  }
0x13: {  	[smem:$0x3F9D] =	sst s0;
	s0 =	simm.s32 @!p1 $0x0  }
0x14: {  	s2 =	sld [smem:$0x3F81];
	s0 =	simm.s32 @p1 $0x1  }
0x15: {  	[smem:$0x3F9E] =	sst s0;
	s0 =	simm.s32 @!p2 $0x0  }
0x16: {  	s3 =	sld [smem:$0x3FDB];
	s0 =	simm.s32 @p2 $0x1  }
0x17: {  	s4 =	simm.s32 $0x1BF5;
	[smem:$0x3FA0] =	sst s0  }
0x18: {  	s0 =	sld [smem:$0x3F83];
	_ =	swait.ge [sflag:s4], $0x0  }
0x19: {  	s7 =	sld [smem:$0x3F84]  }
0x1a: {  	s8 =	sadd.s32 $0xFFFFE003, lr  }
0x1b: {  	s9 =	sadd.s32 $0xFFFFFEF7, lr;
	s5 =	simm.s32 $0xFFFFFFFF;
	p2 =	slt.u32 s8, $0xFFFFF086  }
0x1c: {  	p1 =	slt.u32 s9, $0xF7A;
	s5 =	simm.s32 @!p2 $0x0  }
0x1d: {  	s5 =	simm.s32 @p1 $0x1;
	p0 =	seq.s32 s7, s2  }
0x1e: {  	s7 =	smul.u32 @!p0 $0xF7A, s2;
	p2 =	seq.s32 @!p0 s5, $0x0  }
0x1f: {  	s9 =	smul.u32 $0xF7A, s1;
	s8 =	simm.s32 @!p0 $0x1BF5;
	p2 =	por !p2, p0  }
0x20: {  	[sflag:s8] =	ssyncset.s32 @!p0 $0xFFFFF086;
	s6 =	sadd.s32 @!p0 s3, s7;
	s7 =	simm.s32 @!p0 $0x108  }
0x21: {  	s3 =	sadd.s32 s3, s9;
	s6 =	sadd.s32 @!p0 $0x88, s6;
	s7 =	simm.s32 @p2 $0x1082  }
0x22: {  	[simem:s7], [sflag:s8] =	dma.local @!p0 [hbm:s6], $0xF7A  }
0x23: {  	s9 =	sor.u32 $0xD0000000, s2;
	s6 =	simm.s32 $0x108;
	_ =	swait.ge @!p0 [sflag:s8], $0x0  }
0x24: {  	s3 =	sadd.s32 $0x88, s3;
	s6 =	simm.s32 @!p1 $0x1082;
	[sflag:s4] =	ssyncset.s32 $0xFFFFF086  }
0x25: {  	[simem:s6], [sflag:s4] =	dma.local [hbm:s3], $0xF7A  }
0x26: {  	[smem:$0x3F84] =	sst s1;
	(tag) =	ssettag s2;
	_ =	strace s9  }
0x27: {  	s1 =	sld [smem:$0x3F94]  }
0x28: {  	s2 =	sld [smem:$0x3F95]  }
0x29: {  	s4 =	sld [smem:$0x3F97]  }
0x2a: {  	p0 =	seq.s32 s5, $0x0;
	s5 =	sld [smem:$0x3F98]  }
0x2b: {  	s6 =	sld [smem:$0x3F99]  }
0x2c: {  	s7 =	sld [smem:$0x3F9A]  }
0x2d: {  	s3 =	simm.s32 $0x108;
	s8 =	sld [smem:$0x3F9B]  }
0x2e: {  	s3 =	simm.s32 @!p0 $0x1082;
	s9 =	sld [smem:$0x3F9C]  }
0x2f: {  	lr =	sadd.s32 s0, s3;
	s0 =	sld [smem:$0x3F93]  }
0x30: {  	s3 =	sld [smem:$0x3F96]  }
0x31: {  	[smem:$0x3F9F] =	sst s10  }
0x32: {  	s10 =	sld [smem:$0x3F9D];
	_ =	sdelay $0x3  }
0x33: {  	p0 =	seq.s32 s10, $0x1;
	s10 =	sld [smem:$0x3F9F];
	_ =	sdelay $0x3  }
0x34: {  	[smem:$0x3F9F] =	sst s10  }
0x35: {  	s10 =	sld [smem:$0x3F9E];
	_ =	sdelay $0x3  }
0x36: {  	p1 =	seq.s32 s10, $0x1;
	s10 =	sld [smem:$0x3F9F];
	_ =	sdelay $0x3  }
0x37: {  	[smem:$0x3F9F] =	sst s10  }
0x38: {  	s10 =	sld [smem:$0x3FA0]  }
0x39: {  	_ = 	snop;
	(pc) =	sbr.ind lr, $3  }
0x3a: {  	_ = 	snop  }
0x3b: {  	_ = 	snop  }
0x3c: {  	p2 =	seq.s32 s10, $0x1;
	s10 =	sld [smem:$0x3F9F]  }
0x3d: {  	_ =	shalt  }
0x3e: {  	_ =	shalt  }
0x3f: {  	_ =	shalt  }
0x40: {  	_ =	shalt  }
0x41: {  	_ =	shalt  }
0x42: {  	_ =	shalt  }
0x43: {  	_ =	shalt  }
0x44: {  	_ =	shalt  }
0x45: {  	_ =	shalt  }
0x46: {  	_ =	shalt  }
0x47: {  	_ =	shalt  }
0x48: {  	_ =	shalt  }
0x49: {  	_ =	shalt  }
0x4a: {  	_ =	shalt  }
0x4b: {  	_ =	shalt  }
0x4c: {  	_ =	shalt  }
0x4d: {  	_ =	shalt  }
0x4e: {  	_ =	shalt  }
0x4f: {  	_ =	shalt  }
0x50: {  	_ =	shalt  }
0x51: {  	_ =	shalt  }
0x52: {  	_ =	shalt  }
0x53: {  	_ =	shalt  }
0x54: {  	_ =	shalt  }
0x55: {  	_ =	shalt  }
0x56: {  	_ =	shalt  }
0x57: {  	_ =	shalt  }
0x58: {  	_ =	shalt  }
0x59: {  	_ =	shalt  }
0x5a: {  	_ =	shalt  }
0x5b: {  	_ =	shalt  }
0x5c: {  	_ =	shalt  }
0x5d: {  	_ =	shalt  }
0x5e: {  	_ =	shalt  }
0x5f: {  	_ =	shalt  }
0x60: {  	_ =	shalt  }
0x61: {  	_ =	shalt  }
0x62: {  	_ =	shalt  }
0x63: {  	_ =	shalt  }
0x64: {  	_ =	shalt  }
0x65: {  	_ =	shalt  }
0x66: {  	_ =	shalt  }
0x67: {  	_ =	shalt  }
0x68: {  	_ =	shalt  }
0x69: {  	_ =	shalt  }
0x6a: {  	_ =	shalt  }
0x6b: {  	_ =	shalt  }
0x6c: {  	_ =	shalt  }
0x6d: {  	_ =	shalt  }
0x6e: {  	_ =	shalt  }
0x6f: {  	_ =	shalt  }
0x70: {  	_ =	shalt  }
0x71: {  	_ =	shalt  }
0x72: {  	_ =	shalt  }
0x73: {  	_ =	shalt  }
0x74: {  	_ =	shalt  }
0x75: {  	_ =	shalt  }
0x76: {  	_ =	shalt  }
0x77: {  	_ =	shalt  }
0x78: {  	_ =	shalt  }
0x79: {  	_ =	shalt  }
0x7a: {  	_ =	shalt  }
0x7b: {  	_ =	shalt  }
0x7c: {  	_ =	shalt  }
0x7d: {  	_ =	shalt  }
0x7e: {  	_ =	shalt  }
0x7f: {  	_ =	shalt  }
0x80: {  	_ =	shalt  }
0x81: {  	_ =	shalt  }
0x82: {  	_ =	shalt  }
0x83: {  	_ =	shalt  }
0x84: {  	_ =	shalt  }
0x85: {  	_ =	shalt  }
0x86: {  	_ =	shalt  }
0x87: {  	_ =	shalt  }
.Lfunc_end0:
.L_simem_size_0:
called_computation.4_lowered:
.L_overlay_start_0:
0x88: {  	s2 =	sld [smem:$0x3FD9]  }
0x89: {  	s3 =	sld [smem:$0x3FFE];
	_ =	sdelay $0x1  }
0x8a: {  	s1 =	srdreg.scid  }
0x8b: {  	s0 =	sand.u32 $0x1, s1  }
0x8c: {  	s17 =	sshll.u32 s0, $0xA;
	s2 =	sadd.s32 s3, s2  }
0x8d: {  	s2 =	sadd.s32 s2, s17  }
0x8e: {  	[smem:$0x3FAB] =	sst s2  }
0x8f: {  	_ = 	snop  }
0x90: {  	s18 =	sld [smem:$0x3FD0];
	(tm) =	ssettm $0x1  }
0x91: {  	s19 =	sld [smem:$0x3FFB];
	_ =	sdelay $0x3  }
0x92: {  	_ =	strace s19  }
0x93: {  	s2 =	sld [smem:$0x3FFC];
	_ =	sdelay $0x3  }
0x94: {  	_ =	strace s2  }
0x95: {  	s2 =	sld [smem:$0x3FFD];
	_ =	sdelay $0x3  }
0x96: {  	_ =	strace s2  }
0x97: {  	_ =	strace $0x8FFFFFFF  }
0x98: {  	s20 =	sld [smem:$0x3FDB];
	_ =	sdelay $0x1  }
0x99: {  	s4 =	simm.s32 $_scs_section_size  }
0x9a: {  	s5 =	simm.s32 $_size__tile_overlayer_lowered;
	s6 =	simm.s32 $_tile_overlayer_lowered  }
0x9b: {  	s7 =	simm.s32 $0x1BFF;
	s21 =	sshll.u32 s6, $0x1;
	s4 =	sadd.s32 s4, s20  }
0x9c: {  	s22 =	simm.s32 $0x0;
	s5 =	sshll.u32 s5, $0x1;
	s6 =	sadd.s32 s21, s4  }
0x9d: {  	[timem:s22], [sflag:s7] =	dma.local [hbm:s6], s5  }
0x9e: {  	_ =	swait.ge [sflag:s7], s5  }
0x9f: {  	s5 =	ssub.s32 $0x0, s5;
	[sflag:s7] =	ssyncset.done $0x0  }
0xa0: {  	[sflag:s7] =	ssyncadd.s32 s5;
	_ =	sdelay $0x1  }
0xa1: {  	s23 =	simm.s32 $0x1B8B  }
0xa2: {  	_ =	swait.ge [sflag:s23], $0x1  }
0xa3: {  	[sflag:s23] =	ssyncset.done $0x0  }
0xa4: {  	[sflag:s23] =	ssyncadd.s32 $0xFFFFFFFF  }
0xa5: {  	s5 =	sld [smem:$0x0]  }
0xa6: {  	s6 =	sand.u32 $0xFFFFFFFE, s1  }
0xa7: {  	p0 =	sne.s32 s1, s6  }
0xa8: {  	s6 =	sshll.u32 @p0 s6, $0xE  }
0xa9: {  	s6 =	sadd.s32 @p0 $0x11B8D, s6;
	s7 =	sshll.u32 @p0 s5, $0x11  }
0xaa: {  	s6 =	sor.u32 @p0 s7, s6  }
0xab: {  	[sflag:s6] =	ssyncadd.remote.s32 @p0 $0x1;
	_ =	sdelay $0x1  }
0xac: {  	s6 =	simm.s32 @p0 $0x1B8D  }
0xad: {  	_ =	swait.eq @p0 [sflag:s6], $0x1  }
0xae: {  	[sflag:s6] =	ssyncadd.s32 @p0 $0xFFFFFFFF  }
0xaf: {  	s7 =	sshll.u32 @!p0 s1, $0xE  }
0xb0: {  	s7 =	sor.u32 @!p0 $0x4000, s7;
	s6 =	simm.s32 @!p0 $0x1B8D  }
0xb1: {  	s5 =	sshll.u32 @!p0 s5, $0x11;
	s7 =	sadd.s32 @!p0 $0x11B8D, s7;
	_ =	swait.eq @!p0 [sflag:s6], $0x1  }
0xb2: {  	s5 =	sor.u32 @!p0 s5, s7;
	[sflag:s6] =	ssyncadd.s32 @!p0 $0xFFFFFFFF  }
0xb3: {  	s25 =	simm.s32 $0x1B8E;
	s24 =	sld [smem:$0x3FFE];
	[sflag:s5] =	ssyncadd.remote.s32 @!p0 $0x1  }
0xb4: {  	s26 =	simm.s32 $execute0_lowered;
	[smem:$0x3FD2] =	sst s25  }
0xb5: {  	s6 =	sshll.u32 s26, $0x1;
	_ =	strace $0x80000052;
	[dreg:$0x1] =	wrdreg $0xFFFFFFFF  }
0xb6: {  	s28 =	simm.s32 $_size_execute0_lowered;
	s4 =	sadd.s32 s4, s6;
	[dreg:$0x0] =	wrdreg $0x0  }
0xb7: {  	s6 =	sshll.u32 s28, $0x1;
	[dreg:$0x2] =	wrdreg s4  }
0xb8: {  	[dreg:$0x3] =	wrdreg s6  }
0xb9: {  	[dreg:$0x4] =	wrdreg $0xC0  }
0xba: {  	_ =	task [dreg:s22], $0x5FFFF  }
0xbb: {  	[dreg:$0x1] =	wrdreg $0xFFFFFFFF  }
0xbc: {  	[dreg:$0x0] =	wrdreg $0x60  }
0xbd: {  	[dreg:$0x2] =	wrdreg s24  }
0xbe: {  	[dreg:$0x3] =	wrdreg s18  }
0xbf: {  	[dreg:$0x4] =	wrdreg $0x21000  }
0xc0: {  	[dreg:$0x5] =	wrdreg $0xA  }
0xc1: {  	_ =	task.clear_ibuf [dreg:s22], $0x6FFFF;
	_ =	strace $0x90000052  }
0xc2: {  	s29 =	simm.s32 $0xA;
	_ =	strace $0x80000054  }
0xc3: {  	_ =	swait.ge [sflag:s29], $0x1  }
0xc4: {  	[sflag:s29] =	ssyncadd.s32 $0xFFFFFFFF  }
0xc5: {  	_ =	strace $0x90000054  }
0xc6: {  	_ =	sfence  }
0xc7: {  	s30 =	sld [smem:$0x0];
	_ =	sdelay $0x2  }
0xc8: {  	s31 =	sshll.u32 s1, $0xD;
	s1 =	sshrl.u32 s1, $0x2  }
0xc9: {  	s4 =	sand.u32 $0x4000, s31;
	s1 =	sadd.s32 s1, s30  }
0xca: {  	s0 =	sor.u32 s4, s0;
	s1 =	sshll.u32 s1, $0x11  }
0xcb: {  	s0 =	sor.u32 s1, s0  }
0xcc: {  	s0 =	sadd.s32 $0x8F2B, s0  }
0xcd: {  	[sflag:s0] =	ssyncadd.remote.s32 $0x1  }
0xce: {  	_ =	sfence.sel $0xFFFF  }
0xcf: {  	[dreg:$0x0] =	wrdreg $0xFFFFFFFF;
	(pc) =	sbr.abs _section_cstart, $3  }
0xd0: {  	[dreg:$0x1] =	wrdreg $0xFFFFFFFF  }
0xd1: {  	_ =	task.clear_ibuf [dreg:s22], $0x2FFFF;
	_ =	strace $0x9FFFFFFF  }
0xd2: {  	(tm) =	ssettm $0x7FFFFFFF  }
0xd3: {  	_ =	shalt  }
tec
execute0_lowered:
.L_overlay_start_1:
0x0: {  	(tag) =	ssettag $0x1  }
0x1: {  	s0 =	rddreg [dreg:$0x0]  }
0x2: {  	s2 =	rddreg [dreg:$0x1]  }
0x3: {  	s1 =	rddreg [dreg:$0x2];
	s3 =	simm.s32 $0x0  }
0x4: {  	s17 =	stileid.u32;
	s9 =	srdreg.scid;
	s18 =	simm.s32 $0x100  }
0x5: {  	s19 =	simm.s32 $0x900;
	s20 =	simm.s32 $0x1100;
	s21 =	simm.s32 $0x1  }
0x6: {  	s22 =	simm.s32 $0x2;
	s23 =	simm.s32 $0x1900;
	s24 =	simm.s32 $0x0  }
0x7: {  	[smem:$0x7FF] =	sst s3;
	s4 =	sadd.s32 $0x7AD200, s0;
	s5 =	sadd.s32 $0x2AE000, s0  }
0x8: {  	s10 =	smul.u32 $0x2800, s17;
	s6 =	sadd.s32 $0xE13C00, s0;
	s7 =	sadd.s32 $0x7B7000, s0  }
0x9: {  	s8 =	sadd.s32 $0x7C1200, s0;
	s12 =	sand.u32 $0x1, s9;
	s9 =	sadd.s32 $0x5B000, s0  }
0xa: {  	s15 =	smul.u32 $0x500, s17;
	s30 =	sshll.u32 s17, $0x6;
	_ =	strace $0x80000053  }
0xb: {  	s26 =	ssub.s32 $0x2, s12;
	s14 =	sshll.u32 s12, $0x4;
	s29 =	smul.u32 $0x5000, s12  }
0xc: {  	s11 =	sshrl.u32 s10, $0x3;
	s13 =	sshrl.u32 s26, $0x1;
	s28 =	sor.u32 s17, s14  }
0xd: {  	s16 =	sadd.s32 s10, s1;
	s17 =	simm.s32 $0x80;
	s11 =	sadd.s32 s11, s0  }
0xe: {  	s0 =	ssub.s32 s26, s13;
	s12 =	smul.u32 $0x2880, s28;
	s31 =	sadd.s32 s15, s29  }
0xf: {  	s15 =	sshrl.u32 s16, $0x3;
	s16 =	simm.s32 $0x3;
	s10 =	sadd.s32 $0x170800, s11  }
0x10: {  	s11 =	sor.u32 $0x1C03, s30;
	s13 =	sadd.s32 s2, s31;
	s14 =	smax.u32 s0, $0x1  }
.LBB2_1:
0x11: {  	[spmem:s15], [sflag:s11] =	dma.local [hbm:s10], $0x500  }
0x12: {  	_ =	swait.ge [sflag:s16], $0x500  }
0x13: {  	[sflag:s16] =	ssyncset.done $0x0  }
0x14: {  	[sflag:s16] =	ssyncadd.s32 $0xFFFFFB00  }
0x15: {  	s25 =	simm.s32 $0x0;
	[bflag:$0x0] =	sbarrier.arrive $0xFFFF  }
.LBB2_2:
0x16: {  	s0 =	sshll.u32 s25, $0x7  }
0x17: {  	s0 =	sadd.s32 s12, s0  }
0x18: {  	s2 =	sshrl.u32 s0, $0x3  }
0x19: {  	s26 =	sadd.s32 s7, s2  }
0x1a: {  	[tilespmem:s3], [sflag:$0x3] =	stream.linear.gather [hbm4b:s26+s3], $0x80, $0x38;
	[tilespmem:$0x4900] =	vst v63  }
0x1b: {  	_ =	swait.ge [sflag:s16], $0x80  }
0x1c: {  	[sflag:s16] =	ssyncset.done $0x0  }
0x1d: {  	s2 =	sadd.s32 s8, s2;
	[sflag:s16] =	ssyncadd.s32 $0xFFFFFF80  }
0x1e: {  	[tilespmem:s17], [sflag:$0x3] =	stream.linear.gather [hbm4b:s2+s3], $0x80, $0x38;
	[tilespmem:$0x4900] =	vst v63  }
0x1f: {  	_ =	swait.ge [sflag:s16], $0x80  }
0x20: {  	[sflag:s16] =	ssyncset.done $0x0  }
0x21: {  	[sflag:s16] =	ssyncadd.s32 $0xFFFFFF80  }
0x22: {  	[tilespmem:s18], [sflag:$0x1] =	stream.indirect.gather [hbm4b:s4+s17], $0x10, s3, s17, $0xb8;
	[tilespmem:$0x4900] =	vst v63  }
0x23: {  	s26 =	sshll.u32 s0, $0x1  }
0x24: {  	[tilespmem:s19], [sflag:$0x2] =	stream.indirect.gather [hbm4b:s5+s17], $0x10, s17, s17, $0xb8;
	[tilespmem:$0x4900] =	vst v63  }
0x25: {  	s0 =	sadd.s32 s6, s26  }
0x26: {  	[tilespmem:s20], [sflag:$0x3] =	stream.linear.gather [hbm4b:s0+s3], $0x800, $0x38;
	[tilespmem:$0x4900] =	vst v63  }
0x27: {  	_ =	swait.ge [sflag:s16], $0x800  }
0x28: {  	[sflag:s16] =	ssyncset.done $0x0  }
0x29: {  	[sflag:s16] =	ssyncadd.s32 $0xFFFFF800  }
0x2a: {  	_ =	swait.ge [sflag:s21], $0x800  }
0x2b: {  	[sflag:s21] =	ssyncset.done $0x0  }
0x2c: {  	[sflag:s21] =	ssyncadd.s32 $0xFFFFF800  }
0x2d: {  	_ =	swait.ge [sflag:s22], $0x800  }
0x2e: {  	[sflag:s22] =	ssyncset.done $0x0  }
0x2f: {  	s0 =	simm.s32 $0x920;
	[sflag:s22] =	ssyncadd.s32 $0xFFFFF800  }
0x30: {  	s2 =	simm.s32 $0x120;
	v0 =	vld [tilespmem:s0+$0xFFFFFFE0]  }
0x31: {  	v1 =	vld [tilespmem:s2+$0xFFFFFFE0]  }
0x32: {  	s28 =	simm.s32 $0x1120  }
0x33: {  	v2 =	vld [tilespmem:s28+$0xFFFFFFE0];
	_ =	sdelay $0x2  }
0x34: {  	v0 =	vadd.f32 v0, v1;
	_ =	sdelay $0x1  }
0x35: {  	v0 =	vadd.f32 v2, v0;
	_ =	sdelay $0x1  }
0x36: {  	v54 =	vmul.f32 $2.000000030e-01, v0  }
0x37: {  	vm0 =	vge.f32 v0, $0.0e+00  }
0x38: {  	v0 =	vsel vm0, v0, v54  }
0x39: {  	v0 =	vmul.f32 $1.442695020e+00, v0;
	_ =	sdelay $0x1  }
0x3a: {  	(erf) = vpow2.f32 v0;
	_ =	sdelay $0x8  }
0x3b: {  	s29 =	simm.s32 $0x1920;
	v0 =	vpop (erf)  }
0x3c: {  	[tilespmem:s29+$0xFFFFFFE0] =	vst v0  }
0x3d: {  	v0 =	vld [tilespmem:s2+$0xFFFFFFF0]  }
0x3e: {  	v55 =	vld [tilespmem:s0+$0xFFFFFFF0];
	_ =	sdelay $0x1  }
0x3f: {  	v56 =	vld [tilespmem:s28+$0xFFFFFFF0];
	_ =	sdelay $0x2  }
0x40: {  	v0 =	vadd.f32 v55, v0;
	_ =	sdelay $0x1  }
0x41: {  	v0 =	vadd.f32 v56, v0;
	_ =	sdelay $0x1  }
0x42: {  	v57 =	vmul.f32 $2.000000030e-01, v0  }
0x43: {  	vm13 =	vge.f32 v0, $0.0e+00  }
0x44: {  	v0 =	vsel vm13, v0, v57  }
0x45: {  	v0 =	vmul.f32 $1.442695020e+00, v0;
	_ =	sdelay $0x1  }
0x46: {  	(erf) = vpow2.f32 v0;
	_ =	sdelay $0x8  }
0x47: {  	v0 =	vpop (erf)  }
0x48: {  	[tilespmem:s29+$0xFFFFFFF0] =	vst v0  }
0x49: {  	v0 =	vld [tilespmem:s2+$0x0]  }
0x4a: {  	v58 =	vld [tilespmem:s0+$0x0];
	_ =	sdelay $0x1  }
0x4b: {  	v59 =	vld [tilespmem:s28+$0x0];
	_ =	sdelay $0x2  }
0x4c: {  	v0 =	vadd.f32 v58, v0;
	_ =	sdelay $0x1  }
0x4d: {  	v0 =	vadd.f32 v59, v0;
	_ =	sdelay $0x1  }
0x4e: {  	v60 =	vmul.f32 $2.000000030e-01, v0  }
0x4f: {  	vm14 =	vge.f32 v0, $0.0e+00  }
0x50: {  	v0 =	vsel vm14, v0, v60  }
0x51: {  	v0 =	vmul.f32 $1.442695020e+00, v0;
	_ =	sdelay $0x1  }
0x52: {  	(erf) = vpow2.f32 v0;
	_ =	sdelay $0x8  }
0x53: {  	v0 =	vpop (erf)  }
0x54: {  	[tilespmem:s29+$0x0] =	vst v0  }
0x55: {  	v0 =	vld [tilespmem:s2+$0x10]  }
0x56: {  	v61 =	vld [tilespmem:s0+$0x10];
	_ =	sdelay $0x1  }
0x57: {  	v62 =	vld [tilespmem:s28+$0x10];
	_ =	sdelay $0x2  }
0x58: {  	v0 =	vadd.f32 v61, v0;
	_ =	sdelay $0x1  }
0x59: {  	v0 =	vadd.f32 v62, v0;
	_ =	sdelay $0x1  }
0x5a: {  	v63 =	vmul.f32 $2.000000030e-01, v0  }
0x5b: {  	vm15 =	vge.f32 v0, $0.0e+00  }
0x5c: {  	v0 =	vsel vm15, v0, v63  }
0x5d: {  	v0 =	vmul.f32 $1.442695020e+00, v0;
	_ =	sdelay $0x1  }
0x5e: {  	(erf) = vpow2.f32 v0;
	_ =	sdelay $0x3  }
0x5f: {  	s30 =	simm.s32 $0x0  }
0x60: {  	s31 =	simm.s32 $0x960;
	s2 =	simm.s32 $0x160;
	s0 =	simm.s32 $0x1920  }
.LBB2_3:
0x61: {  	s30 =	sadd.s32 $0x4, s30;
	s29 =	sadd.s32 $0x40, s29;
	s28 =	sadd.s32 $0x40, s28  }
0x62: {  	p0 =	slt.u32 s30, $0x7C;
	_ =	sdelay $0x1  }
0x63: {  	v0 =	vpop (erf)  }
0x64: {  	[tilespmem:s0+$0x10] =	vst v0;
	s0 =	smov.u32 s29  }
0x65: {  	v0 =	vld [tilespmem:s31+$0xFFFFFFE0]  }
0x66: {  	v1 =	vld [tilespmem:s2+$0xFFFFFFE0];
	_ =	sdelay $0x1  }
0x67: {  	v2 =	vld [tilespmem:s28+$0xFFFFFFE0];
	_ =	sdelay $0x2  }
0x68: {  	v0 =	vadd.f32 v0, v1;
	_ =	sdelay $0x1  }
0x69: {  	v0 =	vadd.f32 v2, v0;
	_ =	sdelay $0x1  }
0x6a: {  	v1 =	vmul.f32 $2.000000030e-01, v0  }
0x6b: {  	vm0 =	vge.f32 v0, $0.0e+00  }
0x6c: {  	v0 =	vsel vm0, v0, v1  }
0x6d: {  	v0 =	vmul.f32 $1.442695020e+00, v0;
	_ =	sdelay $0x1  }
0x6e: {  	(erf) = vpow2.f32 v0;
	_ =	sdelay $0x8  }
0x6f: {  	v0 =	vpop (erf)  }
0x70: {  	[tilespmem:s29+$0xFFFFFFE0] =	vst v0  }
0x71: {  	v0 =	vld [tilespmem:s2+$0xFFFFFFF0]  }
0x72: {  	v1 =	vld [tilespmem:s31+$0xFFFFFFF0];
	_ =	sdelay $0x1  }
0x73: {  	v2 =	vld [tilespmem:s28+$0xFFFFFFF0];
	_ =	sdelay $0x2  }
0x74: {  	v0 =	vadd.f32 v1, v0;
	_ =	sdelay $0x1  }
0x75: {  	v0 =	vadd.f32 v2, v0;
	_ =	sdelay $0x1  }
0x76: {  	v1 =	vmul.f32 $2.000000030e-01, v0  }
0x77: {  	vm0 =	vge.f32 v0, $0.0e+00  }
0x78: {  	v0 =	vsel vm0, v0, v1  }
0x79: {  	v0 =	vmul.f32 $1.442695020e+00, v0;
	_ =	sdelay $0x1  }
0x7a: {  	(erf) = vpow2.f32 v0;
	_ =	sdelay $0x8  }
0x7b: {  	v0 =	vpop (erf)  }
0x7c: {  	[tilespmem:s29+$0xFFFFFFF0] =	vst v0  }
0x7d: {  	v0 =	vld [tilespmem:s2+$0x0]  }
0x7e: {  	v1 =	vld [tilespmem:s31+$0x0];
	_ =	sdelay $0x1  }
0x7f: {  	v2 =	vld [tilespmem:s28+$0x0];
	_ =	sdelay $0x2  }
0x80: {  	v0 =	vadd.f32 v1, v0;
	_ =	sdelay $0x1  }
0x81: {  	v0 =	vadd.f32 v2, v0;
	_ =	sdelay $0x1  }
0x82: {  	v1 =	vmul.f32 $2.000000030e-01, v0  }
0x83: {  	vm0 =	vge.f32 v0, $0.0e+00  }
0x84: {  	v0 =	vsel vm0, v0, v1  }
0x85: {  	v0 =	vmul.f32 $1.442695020e+00, v0;
	_ =	sdelay $0x1  }
0x86: {  	(erf) = vpow2.f32 v0;
	_ =	sdelay $0x8  }
0x87: {  	v0 =	vpop (erf)  }
0x88: {  	[tilespmem:s29+$0x0] =	vst v0  }
0x89: {  	v0 =	vld [tilespmem:s2+$0x10]  }
0x8a: {  	v1 =	vld [tilespmem:s31+$0x10]  }
0x8b: {  	v2 =	vld [tilespmem:s28+$0x10];
	_ =	sdelay $0x3  }
0x8c: {  	v0 =	vadd.f32 v1, v0;
	_ =	sdelay $0x1  }
0x8d: {  	v0 =	vadd.f32 v2, v0;
	_ =	sdelay $0x1  }
0x8e: {  	vm0 =	vge.f32 v0, $0.0e+00;
	v1 =	vmul.f32 $2.000000030e-01, v0;
	_ =	sdelay $0x1  }
0x8f: {  	v0 =	vsel vm0, v0, v1  }
0x90: {  	v0 =	vmul.f32 $1.442695020e+00, v0;
	_ =	sdelay $0x1  }
0x91: {  	(erf) = vpow2.f32 v0  }
.Ltmp0:
0x92: {  	(pc) =	sbr.rel @p0 .LBB2_3-.Ltmp0, $2  }
0x93: {  	_ =	sdelay $0x2  }
0x94: {  	s2 =	sadd.s32 $0x40, s2;
	s31 =	sadd.s32 $0x40, s31  }
0x95: {  	_ =	sdelay $0x2  }
0x96: {  	v0 =	vpop (erf)  }
0x97: {  	s31 =	sadd.s32 s9, s26;
	[tilespmem:s0+$0x10] =	vst v0  }
0x98: {  	[hbm4b:s31+s3] =	stream.linear.scatter [tilespmem:s23], [sflag:$0x3], $0x800, $0x38;
	[tilespmem:$0x4900] =	vst v63  }
0x99: {  	s25 =	sadd.s32 $0x1, s25;
	_ =	swait.ge [sflag:s16], $0x800  }
0x9a: {  	p0 =	sne.s32 s25, $0x51;
	[sflag:s16] =	ssyncset.done $0x0  }
.Ltmp1:
0x9b: {  	[sflag:s16] =	ssyncadd.s32 $0xFFFFF800;
	(pc) =	sbr.rel @p0 .LBB2_2-.Ltmp1, $4  }
0x9c: {  	[spmem:s1] =	stream.indirect.scatter.add.f32 [tilespmem:s23], [sflag:$0x3], $0x10, s17, s17, $0xb8;
	[tilespmem:$0x4900] =	vst v63  }
0x9d: {  	_ =	swait.ge [sflag:s16], $0x800  }
0x9e: {  	[sflag:s16] =	ssyncset.done $0x0  }
0x9f: {  	[sflag:s16] =	ssyncadd.s32 $0xFFFFF800  }
0xa0: {  	s24 =	sadd.s32 $0x1, s24  }
0xa1: {  	p0 =	sne.s32 s24, s14  }
.Ltmp2:
0xa2: {  	[bflag:$0x0] =	sbarrier.arrive $0xFFFF;
	(pc) =	sbr.rel @p0 .LBB2_1-.Ltmp2, $4  }
0xa3: {  	[hbm:s13], [sflag:s11] =	dma.local [spmem:s15], $0x500  }
0xa4: {  	_ =	swait.ge [sflag:s16], $0x500  }
0xa5: {  	[sflag:s16] =	ssyncset.done $0x0  }
0xa6: {  	[sflag:s16] =	ssyncadd.s32 $0xFFFFFB00  }
0xa7: {  	_ =	sfence.sel $0x180000  }
0xa8: {  	[bflag:$0x0] =	sbarrier.arrive $0xFFFF  }
0xa9: {  	_ =	strace $0x90000053  }
0xaa: {  	s0 =	stileid.u32;
	[bflag:$0x2] =	sbarrier.arrive $0xFFFF  }
0xab: {  	p0 =	sne.s32 s0, $0x0;
	s0 =	rddreg [dreg:$0x3]  }
0xac: {  	s0 =	sadd.s32 @!p0 $0x100000, s0  }
0xad: {  	[sflag:s0] =	ssyncadd.tile.s32 @!p0 $0x1;
	_ =	shalt  }
.Lfunc_end2:
_tile_overlayer_lowered:
.L_overlay_start_2:
0xae: {  	(tag) =	ssettag $0x2  }
0xaf: {  	s0 =	rddreg [dreg:$0x0];
	s2 =	stileid.u32  }
0xb0: {  	s1 =	rddreg [dreg:$0x1];
	p0 =	sne.s32 s2, $0x0  }
0xb1: {  	s3 =	rddreg [dreg:$0x2];
	[bflag:$0x3] =	sbarrier.arrive $0xFFFF;
	s2 =	simm.s32 @!p0 $0x1C03  }
0xb2: {  	[timem:s3], [sflag:s2] =	dma.local @!p0 [hbm:s0], s1  }
0xb3: {  	s0 =	simm.s32 @!p0 $0x3  }
0xb4: {  	_ =	swait.ge @!p0 [sflag:s0], s1  }
0xb5: {  	s1 =	ssub.s32 @!p0 $0x0, s1;
	[sflag:s0] =	ssyncset.done @!p0 $0x0  }
0xb6: {  	[sflag:s0] =	ssyncadd.s32 @!p0 s1  }
0xb7: {  	[bflag:$0x3] =	sbarrier.arrive $0xFFFF  }
0xb8: {  	_ =	shalt  }

// kernel: kernel.30.cloned.1.call-start
scs
__scs_entry_jumppad:
0x0: {  	(pc) =	sbr.rel $0x88, $3  }
0x1: {  	(tag) =	ssettag $0x0;
	lr =	simm.s32 $0x1  }
0x2: {  	[smem:$0x3F84] =	sst lr;
	_ =	strace $0xD0000000  }
0x3: {  	_ = 	snop  }
0x4: {  	_ = 	snop  }
0x5: {  	_ = 	snop  }
0x6: {  	_ = 	snop  }
0x7: {  	_ = 	snop  }
__scs_overlays_trampoline_lowered:
0x8: {  	[smem:$0x3F93] =	sst s0  }
0x9: {  	[smem:$0x3F94] =	sst s1  }
0xa: {  	[smem:$0x3F95] =	sst s2  }
0xb: {  	[smem:$0x3F96] =	sst s3  }
0xc: {  	[smem:$0x3F97] =	sst s4  }
0xd: {  	[smem:$0x3F98] =	sst s5  }
0xe: {  	[smem:$0x3F99] =	sst s6  }
0xf: {  	[smem:$0x3F9A] =	sst s7  }
0x10: {  	[smem:$0x3F9B] =	sst s8  }
0x11: {  	[smem:$0x3F9C] =	sst s9;
	s0 =	simm.s32 @!p0 $0x0  }
0x12: {  	s1 =	sld [smem:$0x3F82];
	s0 =	simm.s32 @p0 $0x1  }
0x13: {  	[smem:$0x3F9D] =	sst s0;
	s0 =	simm.s32 @!p1 $0x0  }
0x14: {  	s2 =	sld [smem:$0x3F81];
	s0 =	simm.s32 @p1 $0x1  }
0x15: {  	[smem:$0x3F9E] =	sst s0;
	s0 =	simm.s32 @!p2 $0x0  }
0x16: {  	s3 =	sld [smem:$0x3FDB];
	s0 =	simm.s32 @p2 $0x1  }
0x17: {  	s4 =	simm.s32 $0x1BF5;
	[smem:$0x3FA0] =	sst s0  }
0x18: {  	s0 =	sld [smem:$0x3F83];
	_ =	swait.ge [sflag:s4], $0x0  }
0x19: {  	s7 =	sld [smem:$0x3F84]  }
0x1a: {  	s8 =	sadd.s32 $0xFFFFE003, lr  }
0x1b: {  	s9 =	sadd.s32 $0xFFFFFEF7, lr;
	s5 =	simm.s32 $0xFFFFFFFF;
	p2 =	slt.u32 s8, $0xFFFFF086  }
0x1c: {  	p1 =	slt.u32 s9, $0xF7A;
	s5 =	simm.s32 @!p2 $0x0  }
0x1d: {  	s5 =	simm.s32 @p1 $0x1;
	p0 =	seq.s32 s7, s2  }
0x1e: {  	s7 =	smul.u32 @!p0 $0xF7A, s2;
	p2 =	seq.s32 @!p0 s5, $0x0  }
0x1f: {  	s9 =	smul.u32 $0xF7A, s1;
	s8 =	simm.s32 @!p0 $0x1BF5;
	p2 =	por !p2, p0  }
0x20: {  	[sflag:s8] =	ssyncset.s32 @!p0 $0xFFFFF086;
	s6 =	sadd.s32 @!p0 s3, s7;
	s7 =	simm.s32 @!p0 $0x108  }
0x21: {  	s3 =	sadd.s32 s3, s9;
	s6 =	sadd.s32 @!p0 $0x88, s6;
	s7 =	simm.s32 @p2 $0x1082  }
0x22: {  	[simem:s7], [sflag:s8] =	dma.local @!p0 [hbm:s6], $0xF7A  }
0x23: {  	s9 =	sor.u32 $0xD0000000, s2;
	s6 =	simm.s32 $0x108;
	_ =	swait.ge @!p0 [sflag:s8], $0x0  }
0x24: {  	s3 =	sadd.s32 $0x88, s3;
	s6 =	simm.s32 @!p1 $0x1082;
	[sflag:s4] =	ssyncset.s32 $0xFFFFF086  }
0x25: {  	[simem:s6], [sflag:s4] =	dma.local [hbm:s3], $0xF7A  }
0x26: {  	[smem:$0x3F84] =	sst s1;
	(tag) =	ssettag s2;
	_ =	strace s9  }
0x27: {  	s1 =	sld [smem:$0x3F94]  }
0x28: {  	s2 =	sld [smem:$0x3F95]  }
0x29: {  	s4 =	sld [smem:$0x3F97]  }
0x2a: {  	p0 =	seq.s32 s5, $0x0;
	s5 =	sld [smem:$0x3F98]  }
0x2b: {  	s6 =	sld [smem:$0x3F99]  }
0x2c: {  	s7 =	sld [smem:$0x3F9A]  }
0x2d: {  	s3 =	simm.s32 $0x108;
	s8 =	sld [smem:$0x3F9B]  }
0x2e: {  	s3 =	simm.s32 @!p0 $0x1082;
	s9 =	sld [smem:$0x3F9C]  }
0x2f: {  	lr =	sadd.s32 s0, s3;
	s0 =	sld [smem:$0x3F93]  }
0x30: {  	s3 =	sld [smem:$0x3F96]  }
0x31: {  	[smem:$0x3F9F] =	sst s10  }
0x32: {  	s10 =	sld [smem:$0x3F9D];
	_ =	sdelay $0x3  }
0x33: {  	p0 =	seq.s32 s10, $0x1;
	s10 =	sld [smem:$0x3F9F];
	_ =	sdelay $0x3  }
0x34: {  	[smem:$0x3F9F] =	sst s10  }
0x35: {  	s10 =	sld [smem:$0x3F9E];
	_ =	sdelay $0x3  }
0x36: {  	p1 =	seq.s32 s10, $0x1;
	s10 =	sld [smem:$0x3F9F];
	_ =	sdelay $0x3  }
0x37: {  	[smem:$0x3F9F] =	sst s10  }
0x38: {  	s10 =	sld [smem:$0x3FA0]  }
0x39: {  	_ = 	snop;
	(pc) =	sbr.ind lr, $3  }
0x3a: {  	_ = 	snop  }
0x3b: {  	_ = 	snop  }
0x3c: {  	p2 =	seq.s32 s10, $0x1;
	s10 =	sld [smem:$0x3F9F]  }
0x3d: {  	_ =	shalt  }
0x3e: {  	_ =	shalt  }
0x3f: {  	_ =	shalt  }
0x40: {  	_ =	shalt  }
0x41: {  	_ =	shalt  }
0x42: {  	_ =	shalt  }
0x43: {  	_ =	shalt  }
0x44: {  	_ =	shalt  }
0x45: {  	_ =	shalt  }
0x46: {  	_ =	shalt  }
0x47: {  	_ =	shalt  }
0x48: {  	_ =	shalt  }
0x49: {  	_ =	shalt  }
0x4a: {  	_ =	shalt  }
0x4b: {  	_ =	shalt  }
0x4c: {  	_ =	shalt  }
0x4d: {  	_ =	shalt  }
0x4e: {  	_ =	shalt  }
0x4f: {  	_ =	shalt  }
0x50: {  	_ =	shalt  }
0x51: {  	_ =	shalt  }
0x52: {  	_ =	shalt  }
0x53: {  	_ =	shalt  }
0x54: {  	_ =	shalt  }
0x55: {  	_ =	shalt  }
0x56: {  	_ =	shalt  }
0x57: {  	_ =	shalt  }
0x58: {  	_ =	shalt  }
0x59: {  	_ =	shalt  }
0x5a: {  	_ =	shalt  }
0x5b: {  	_ =	shalt  }
0x5c: {  	_ =	shalt  }
0x5d: {  	_ =	shalt  }
0x5e: {  	_ =	shalt  }
0x5f: {  	_ =	shalt  }
0x60: {  	_ =	shalt  }
0x61: {  	_ =	shalt  }
0x62: {  	_ =	shalt  }
0x63: {  	_ =	shalt  }
0x64: {  	_ =	shalt  }
0x65: {  	_ =	shalt  }
0x66: {  	_ =	shalt  }
0x67: {  	_ =	shalt  }
0x68: {  	_ =	shalt  }
0x69: {  	_ =	shalt  }
0x6a: {  	_ =	shalt  }
0x6b: {  	_ =	shalt  }
0x6c: {  	_ =	shalt  }
0x6d: {  	_ =	shalt  }
0x6e: {  	_ =	shalt  }
0x6f: {  	_ =	shalt  }
0x70: {  	_ =	shalt  }
0x71: {  	_ =	shalt  }
0x72: {  	_ =	shalt  }
0x73: {  	_ =	shalt  }
0x74: {  	_ =	shalt  }
0x75: {  	_ =	shalt  }
0x76: {  	_ =	shalt  }
0x77: {  	_ =	shalt  }
0x78: {  	_ =	shalt  }
0x79: {  	_ =	shalt  }
0x7a: {  	_ =	shalt  }
0x7b: {  	_ =	shalt  }
0x7c: {  	_ =	shalt  }
0x7d: {  	_ =	shalt  }
0x7e: {  	_ =	shalt  }
0x7f: {  	_ =	shalt  }
0x80: {  	_ =	shalt  }
0x81: {  	_ =	shalt  }
0x82: {  	_ =	shalt  }
0x83: {  	_ =	shalt  }
0x84: {  	_ =	shalt  }
0x85: {  	_ =	shalt  }
0x86: {  	_ =	shalt  }
0x87: {  	_ =	shalt  }
.Lfunc_end0:
.L_simem_size_0:
called_computation.5_lowered:
.L_overlay_start_0:
0x88: {  	s2 =	sld [smem:$0x3FD9]  }
0x89: {  	s3 =	sld [smem:$0x3FFE];
	_ =	sdelay $0x1  }
0x8a: {  	s1 =	srdreg.scid  }
0x8b: {  	s0 =	sand.u32 $0x1, s1  }
0x8c: {  	s16 =	sshll.u32 s0, $0xA;
	s2 =	sadd.s32 s3, s2  }
0x8d: {  	s2 =	sadd.s32 s2, s16  }
0x8e: {  	[smem:$0x3FAB] =	sst s2  }
0x8f: {  	_ = 	snop  }
0x90: {  	(tm) =	ssettm $0x1  }
0x91: {  	s17 =	sld [smem:$0x3FFB];
	_ =	sdelay $0x3  }
0x92: {  	_ =	strace s17  }
0x93: {  	s2 =	sld [smem:$0x3FFC];
	_ =	sdelay $0x3  }
0x94: {  	_ =	strace s2  }
0x95: {  	s2 =	sld [smem:$0x3FFD];
	_ =	sdelay $0x3  }
0x96: {  	_ =	strace s2  }
0x97: {  	_ =	strace $0x8FFFFFFF  }
0x98: {  	s18 =	sld [smem:$0x3FDB];
	_ =	sdelay $0x1  }
0x99: {  	s19 =	simm.s32 $_scs_section_size  }
0x9a: {  	s4 =	simm.s32 $_size__tile_overlayer_lowered;
	s5 =	simm.s32 $_tile_overlayer_lowered  }
0x9b: {  	s22 =	simm.s32 $0x1BFF;
	s21 =	sshll.u32 s5, $0x1;
	s2 =	sadd.s32 s19, s18  }
0x9c: {  	s6 =	simm.s32 $0x0;
	s20 =	sshll.u32 s4, $0x1;
	s4 =	sadd.s32 s21, s2  }
0x9d: {  	[timem:s6], [sflag:s22] =	dma.local [hbm:s4], s20  }
0x9e: {  	_ =	swait.ge [sflag:s22], s20  }
0x9f: {  	s3 =	ssub.s32 $0x0, s20;
	[sflag:s22] =	ssyncset.done $0x0  }
0xa0: {  	[sflag:s22] =	ssyncadd.s32 s3;
	_ =	sdelay $0x1  }
0xa1: {  	s23 =	simm.s32 $0x1B8B  }
0xa2: {  	_ =	swait.ge [sflag:s23], $0x1  }
0xa3: {  	[sflag:s23] =	ssyncset.done $0x0  }
0xa4: {  	s25 =	simm.s32 $0x1B8E;
	s24 =	sld [smem:$0x3FFE];
	[sflag:s23] =	ssyncadd.s32 $0xFFFFFFFF  }
0xa5: {  	s26 =	simm.s32 $execute0_lowered;
	[smem:$0x3FD2] =	sst s25  }
0xa6: {  	s4 =	sshll.u32 s26, $0x1;
	_ =	strace $0x80000055;
	[dreg:$0x1] =	wrdreg $0xFFFFFFFF  }
0xa7: {  	s28 =	simm.s32 $_size_execute0_lowered;
	s2 =	sadd.s32 s2, s4;
	[dreg:$0x0] =	wrdreg $0x0  }
0xa8: {  	s4 =	sshll.u32 s28, $0x1;
	[dreg:$0x2] =	wrdreg s2  }
0xa9: {  	[dreg:$0x3] =	wrdreg s4  }
0xaa: {  	[dreg:$0x4] =	wrdreg $0xC0  }
0xab: {  	_ =	task [dreg:s6], $0x5FFFF  }
0xac: {  	[dreg:$0x1] =	wrdreg $0xFFFFFFFF  }
0xad: {  	[dreg:$0x0] =	wrdreg $0x60  }
0xae: {  	[dreg:$0x2] =	wrdreg s24  }
0xaf: {  	[dreg:$0x3] =	wrdreg $0x49800  }
0xb0: {  	[dreg:$0x4] =	wrdreg $0x9  }
0xb1: {  	_ =	task.clear_ibuf [dreg:s6], $0x5FFFF;
	_ =	strace $0x90000055  }
0xb2: {  	s29 =	simm.s32 $0x9;
	_ =	strace $0x80000057  }
0xb3: {  	_ =	swait.ge [sflag:s29], $0x1  }
0xb4: {  	[sflag:s29] =	ssyncadd.s32 $0xFFFFFFFF  }
0xb5: {  	_ =	strace $0x90000057  }
0xb6: {  	_ =	sfence  }
0xb7: {  	s30 =	sld [smem:$0x0];
	_ =	sdelay $0x2  }
0xb8: {  	s31 =	sshll.u32 s1, $0xD;
	s1 =	sshrl.u32 s1, $0x2  }
0xb9: {  	s3 =	sand.u32 $0x4000, s31;
	s1 =	sadd.s32 s1, s30  }
0xba: {  	s0 =	sor.u32 s3, s0;
	s1 =	sshll.u32 s1, $0x11  }
0xbb: {  	s0 =	sor.u32 s1, s0  }
0xbc: {  	s0 =	sadd.s32 $0x8F2B, s0  }
0xbd: {  	[sflag:s0] =	ssyncadd.remote.s32 $0x1  }
0xbe: {  	_ =	sfence.sel $0xFFFF  }
0xbf: {  	[dreg:$0x0] =	wrdreg $0xFFFFFFFF;
	(pc) =	sbr.abs _section_cstart, $3  }
0xc0: {  	[dreg:$0x1] =	wrdreg $0xFFFFFFFF  }
0xc1: {  	_ =	task.clear_ibuf [dreg:s6], $0x2FFFF;
	_ =	strace $0x9FFFFFFF  }
0xc2: {  	(tm) =	ssettm $0x7FFFFFFF  }
0xc3: {  	_ =	shalt  }
tec
execute0_lowered:
.L_overlay_start_1:
0x0: {  	(tag) =	ssettag $0x1  }
0x1: {  	s8 =	rddreg [dreg:$0x0]  }
0x2: {  	s1 =	rddreg [dreg:$0x1]  }
0x3: {  	s0 =	rddreg [dreg:$0x2];
	s3 =	simm.s32 $0x0  }
0x4: {  	s2 =	stileid.u32;
	s7 =	srdreg.scid;
	s17 =	simm.s32 $0x80  }
0x5: {  	s18 =	simm.s32 $0x180;
	s19 =	simm.s32 $0x100;
	s20 =	simm.s32 $0x980  }
0x6: {  	s21 =	simm.s32 $0x1;
	[smem:$0x7FF] =	sst s3;
	s4 =	sadd.s32 $0x7CB400, s8  }
0x7: {  	s10 =	smul.u32 $0x14000, s2;
	s5 =	sadd.s32 $0x7B7000, s8;
	s6 =	sadd.s32 $0x7C1200, s8  }
0x8: {  	s13 =	sand.u32 $0x1, s7;
	s7 =	sadd.s32 $0x5B000, s8;
	s31 =	sshll.u32 s2, $0x6  }
0x9: {  	_ =	strace $0x80000056;
	s11 =	ssub.s32 $0x2, s13;
	s14 =	sshll.u32 s13, $0x4  }
0xa: {  	s13 =	sshll.u32 s13, $0x3;
	s9 =	sshrl.u32 s10, $0x3;
	s30 =	sshrl.u32 s11, $0x1  }
0xb: {  	s14 =	sor.u32 s2, s14;
	s16 =	sadd.s32 s10, s1;
	s12 =	sadd.s32 s9, s8  }
0xc: {  	s8 =	sadd.s32 $0x903C00, s8;
	s15 =	ssub.s32 s11, s30;
	s9 =	smul.u32 $0x280, s2  }
0xd: {  	s11 =	sor.u32 $0x1C02, s31;
	s10 =	sadd.s32 $0x33000, s12;
	s12 =	smul.u32 $0x2880, s14  }
0xe: {  	s14 =	smax.u32 s15, $0x1;
	s15 =	sshrl.u32 s16, $0x3;
	s16 =	simm.s32 $0x2  }
.LBB2_1:
0xf: {  	s22 =	simm.s32 $0x0  }
.LBB2_2:
0x10: {  	[spmem:s15], [sflag:s11] =	dma.local [hbm:s10], $0x2800  }
0x11: {  	_ =	swait.ge [sflag:s16], $0x2800  }
0x12: {  	v0 =	vmov s22;
	[sflag:s16] =	ssyncset.done $0x0  }
0x13: {  	v1 =	vand.u32 $0xF, v0;
	[sflag:s16] =	ssyncadd.s32 $0xFFFFD800  }
0x14: {  	s23 =	simm.s32 $0x0;
	s24 =	simm.s32 $0x0;
	v1 =	vbroadcast v1, $0x0;
	[bflag:$0x0] =	sbarrier.arrive $0xFFFF  }
.LBB2_3:
0x15: {  	s25 =	sshll.u32 s24, $0x7  }
0x16: {  	s25 =	sadd.s32 s12, s25  }
0x17: {  	s26 =	sshrl.u32 s25, $0x3  }
0x18: {  	s28 =	sadd.s32 s5, s26  }
0x19: {  	[tilespmem:s23], [sflag:$0x2] =	stream.linear.gather [hbm4b:s28+s23], $0x80, $0x38;
	[tilespmem:$0x18980] =	vst v63  }
0x1a: {  	_ =	swait.ge [sflag:s16], $0x80  }
0x1b: {  	[sflag:s16] =	ssyncset.done $0x0  }
0x1c: {  	s26 =	sadd.s32 s6, s26;
	[sflag:s16] =	ssyncadd.s32 $0xFFFFFF80  }
0x1d: {  	[tilespmem:s17], [sflag:$0x2] =	stream.linear.gather [hbm4b:s26+s23], $0x80, $0x38;
	[tilespmem:$0x18980] =	vst v63  }
0x1e: {  	_ =	swait.ge [sflag:s16], $0x80  }
0x1f: {  	s25 =	sshll.u32 s25, $0x1;
	[sflag:s16] =	ssyncset.done $0x0  }
0x20: {  	s25 =	sadd.s32 s7, s25;
	[sflag:s16] =	ssyncadd.s32 $0xFFFFFF80  }
0x21: {  	[tilespmem:s18], [sflag:$0x2] =	stream.linear.gather [hbm4b:s25+s23], $0x800, $0x38;
	[tilespmem:$0x18980] =	vst v63  }
0x22: {  	_ =	swait.ge [sflag:s16], $0x800  }
0x23: {  	[sflag:s16] =	ssyncset.done $0x0  }
0x24: {  	[sflag:s16] =	ssyncadd.s32 $0xFFFFF800  }
0x25: {  	v2 =	vld [tilespmem:$0x0]  }
0x26: {  	v3 =	vld [tilespmem:$0x10]  }
0x27: {  	v4 =	vld [tilespmem:$0x20]  }
0x28: {  	v5 =	vld [tilespmem:$0x30]  }
0x29: {  	v6 =	vld [tilespmem:$0x40]  }
0x2a: {  	v7 =	vld [tilespmem:$0x50];
	v2 =	vshll.u32 v2, $0x3  }
0x2b: {  	v8 =	vld [tilespmem:$0x60];
	v3 =	vshll.u32 v3, $0x3;
	v2 =	vadd.s32 v0, v2  }
0x2c: {  	[tilespmem:$0x100] =	vst v2;
	v2 =	vadd.s32 v0, v3;
	v3 =	vshll.u32 v4, $0x3;
	v4 =	vld [tilespmem:$0x70]  }
0x2d: {  	[tilespmem:$0x110] =	vst v2;
	v2 =	vadd.s32 v0, v3;
	v3 =	vshll.u32 v5, $0x3  }
0x2e: {  	[tilespmem:$0x120] =	vst v2;
	v2 =	vadd.s32 v0, v3;
	v3 =	vshll.u32 v6, $0x3  }
0x2f: {  	[tilespmem:$0x130] =	vst v2;
	v2 =	vadd.s32 v0, v3;
	v3 =	vshll.u32 v7, $0x3  }
0x30: {  	[tilespmem:$0x140] =	vst v2;
	v2 =	vadd.s32 v0, v3;
	v3 =	vshll.u32 v8, $0x3  }
0x31: {  	[tilespmem:$0x150] =	vst v2;
	v2 =	vadd.s32 v0, v3;
	v3 =	vshll.u32 v4, $0x3  }
0x32: {  	[tilespmem:$0x160] =	vst v2;
	v2 =	vadd.s32 v0, v3  }
0x33: {  	[tilespmem:$0x170] =	vst v2  }
0x34: {  	[tilespmem:s20], [sflag:$0x1] =	stream.indirect.gather [hbm4b:s4+s17], $0x80, s19, s17, $0xb8;
	[tilespmem:$0x18980] =	vst v63  }
0x35: {  	_ =	swait.ge [sflag:s21], $0x4000  }
0x36: {  	[sflag:s21] =	ssyncset.done $0x0  }
0x37: {  	s25 =	simm.s32 $0x9C0;
	[sflag:s21] =	ssyncadd.s32 $0xFFFFC000  }
0x38: {  	s31 =	simm.s32 $0x0;
	v6 =	vld [tilespmem:s25+$0x30]  }
0x39: {  	v3 =	vld [tilespmem:s31+$0x180]  }
0x3a: {  	v9 =	vld [tilespmem:s25+$0x10]  }
0x3b: {  	v7 =	vld [tilespmem:s25+$0xFFFFFFC0]  }
0x3c: {  	v11 =	vld [tilespmem:s25+$0xFFFFFFE0]  }
0x3d: {  	v2 =	vld [tilespmem:s25+$0xFFFFFFF0]  }
0x3e: {  	v4 =	vld [tilespmem:s25+$0x20];
	v3 =	vperm.xlane v3, v1  }
0x3f: {  	v5 =	vld [tilespmem:s25+$0xFFFFFFD0]  }
0x40: {  	v10 =	vmul.f32 v6, v3;
	v6 =	vld [tilespmem:s25+$0x0]  }
0x41: {  	v8 =	vmul.f32 v7, v3  }
0x42: {  	s28 =	simm.s32 $0x9C0;
	s26 =	simm.s32 $0x40;
	v7 =	vmul.f32 v11, v3;
	v9 =	vmul.f32 v9, v3  }
.LBB2_4:
0x43: {  	p0 =	sne.s32 s26, $0x1FC0  }
0x44: {  	v5 =	vmul.f32 v5, v3;
	v4 =	vmul.f32 v4, v3;
	[tilespmem:s25+$0x30] =	vst v10;
	s28 =	sadd.s32 $0x80, s28;
	s29 =	smov.u32 s26;
	s26 =	sadd.s32 $0x40, s26  }
0x45: {  	v2 =	vmul.f32 v2, v3;
	[tilespmem:s25+$0xFFFFFFC0] =	vst v8;
	v3 =	vmul.f32 v6, v3  }
0x46: {  	[tilespmem:s25+$0x10] =	vst v9  }
0x47: {  	[tilespmem:s25+$0xFFFFFFE0] =	vst v7  }
0x48: {  	[tilespmem:s25+$0xFFFFFFF0] =	vst v2  }
0x49: {  	v2 =	vld [tilespmem:s28+$0xFFFFFFF0];
	[tilespmem:s25+$0x0] =	vst v3  }
0x4a: {  	v7 =	vld [tilespmem:s28+$0x30];
	[tilespmem:s25+$0x20] =	vst v4  }
0x4b: {  	s29 =	sshra.s32 s29, $0x2;
	v9 =	vld [tilespmem:s28+$0x10];
	[tilespmem:s25+$0xFFFFFFD0] =	vst v5;
	s25 =	smov.u32 s28  }
0x4c: {  	v3 =	vld [tilespmem:s29+$0x180]  }
0x4d: {  	v8 =	vld [tilespmem:s28+$0xFFFFFFC0]  }
0x4e: {  	v11 =	vld [tilespmem:s28+$0xFFFFFFE0]  }
0x4f: {  	v4 =	vld [tilespmem:s28+$0x20]  }
.Ltmp0:
0x50: {  	v5 =	vld [tilespmem:s28+$0xFFFFFFD0];
	(pc) =	sbr.rel @p0 .LBB2_4-.Ltmp0, $3  }
0x51: {  	v3 =	vperm.xlane v3, v1;
	v6 =	vld [tilespmem:s28+$0x0];
	_ =	sdelay $0x1  }
0x52: {  	v8 =	vmul.f32 v8, v3;
	v10 =	vmul.f32 v7, v3  }
0x53: {  	v7 =	vmul.f32 v11, v3;
	v9 =	vmul.f32 v9, v3  }
0x54: {  	[tilespmem:s25+$0x30] =	vst v10  }
0x55: {  	[tilespmem:s25+$0xFFFFFFC0] =	vst v8  }
0x56: {  	v2 =	vmul.f32 v2, v3;
	[tilespmem:s25+$0x10] =	vst v9  }
0x57: {  	v4 =	vmul.f32 v4, v3;
	[tilespmem:s25+$0xFFFFFFE0] =	vst v7  }
0x58: {  	v6 =	vmul.f32 v6, v3;
	[tilespmem:s25+$0xFFFFFFF0] =	vst v2  }
0x59: {  	s24 =	sadd.s32 $0x1, s24;
	v2 =	vmul.f32 v5, v3;
	[tilespmem:s25+$0x20] =	vst v4  }
0x5a: {  	p0 =	sne.s32 s24, $0x51;
	[tilespmem:s25+$0x0] =	vst v6  }
.Ltmp1:
0x5b: {  	[tilespmem:s25+$0xFFFFFFD0] =	vst v2;
	(pc) =	sbr.rel @p0 .LBB2_3-.Ltmp1, $4  }
0x5c: {  	[spmem:s1] =	stream.indirect.scatter.add.f32 [tilespmem:s20], [sflag:$0x2], $0x80, s17, s17, $0xb8;
	[tilespmem:$0x18980] =	vst v63  }
0x5d: {  	_ =	swait.ge [sflag:s16], $0x4000  }
0x5e: {  	[sflag:s16] =	ssyncset.done $0x0  }
0x5f: {  	[sflag:s16] =	ssyncadd.s32 $0xFFFFC000  }
0x60: {  	s23 =	sadd.s32 s13, s22  }
0x61: {  	s23 =	smul.u32 $0x2800, s23;
	_ =	sdelay $0x1  }
0x62: {  	s23 =	sadd.s32 s9, s23  }
0x63: {  	s22 =	sadd.s32 $0x1, s22;
	s23 =	sshll.u32 s23, $0x4  }
0x64: {  	[bflag:$0x0] =	sbarrier.arrive $0xFFFF;
	p0 =	sne.s32 s22, $0x8;
	s23 =	sadd.s32 s8, s23  }
0x65: {  	[hbm:s23], [sflag:s11] =	dma.local [spmem:s15], $0x2800  }
.Ltmp2:
0x66: {  	_ =	swait.ge [sflag:s16], $0x2800;
	(pc) =	sbr.rel @p0 .LBB2_2-.Ltmp2, $3  }
0x67: {  	[sflag:s16] =	ssyncset.done $0x0  }
0x68: {  	[sflag:s16] =	ssyncadd.s32 $0xFFFFD800  }
0x69: {  	[bflag:$0x0] =	sbarrier.arrive $0xFFFF;
	_ =	sdelay $0x1  }
0x6a: {  	s3 =	sadd.s32 $0x1, s3  }
0x6b: {  	p0 =	sne.s32 s3, s14  }
.Ltmp3:
0x6c: {  	_ = 	snop;
	(pc) =	sbr.rel @p0 .LBB2_1-.Ltmp3, $1  }
0x6d: {  	_ =	sdelay $0x3  }
0x6e: {  	_ =	sfence.sel $0x180000  }
0x6f: {  	[bflag:$0x0] =	sbarrier.arrive $0xFFFF  }
0x70: {  	p0 =	sne.s32 s2, $0x0;
	_ =	strace $0x90000056  }
0x71: {  	s0 =	sadd.s32 @!p0 $0x100000, s0;
	[bflag:$0x2] =	sbarrier.arrive $0xFFFF  }
0x72: {  	[sflag:s0] =	ssyncadd.tile.s32 @!p0 $0x1;
	_ =	shalt  }
.Lfunc_end2:
_tile_overlayer_lowered:
.L_overlay_start_2:
0x73: {  	(tag) =	ssettag $0x2  }
0x74: {  	s0 =	rddreg [dreg:$0x0];
	s2 =	stileid.u32  }
0x75: {  	s1 =	rddreg [dreg:$0x1];
	p0 =	sne.s32 s2, $0x0  }
0x76: {  	s3 =	rddreg [dreg:$0x2];
	[bflag:$0x3] =	sbarrier.arrive $0xFFFF;
	s2 =	simm.s32 @!p0 $0x1C02  }
0x77: {  	[timem:s3], [sflag:s2] =	dma.local @!p0 [hbm:s0], s1  }
0x78: {  	s0 =	simm.s32 @!p0 $0x2  }
0x79: {  	_ =	swait.ge @!p0 [sflag:s0], s1  }
0x7a: {  	s1 =	ssub.s32 @!p0 $0x0, s1;
	[sflag:s0] =	ssyncset.done @!p0 $0x0  }
0x7b: {  	[sflag:s0] =	ssyncadd.s32 @!p0 s1  }
0x7c: {  	[bflag:$0x3] =	sbarrier.arrive $0xFFFF  }
0x7d: {  	_ =	shalt  }

// kernel: kernel.33.cloned.1.call-start
scs
__scs_entry_jumppad:
0x0: {  	(pc) =	sbr.rel $0x88, $3  }
0x1: {  	(tag) =	ssettag $0x0;
	lr =	simm.s32 $0x1  }
0x2: {  	[smem:$0x3F84] =	sst lr;
	_ =	strace $0xD0000000  }
0x3: {  	_ = 	snop  }
0x4: {  	_ = 	snop  }
0x5: {  	_ = 	snop  }
0x6: {  	_ = 	snop  }
0x7: {  	_ = 	snop  }
__scs_overlays_trampoline_lowered:
0x8: {  	[smem:$0x3F93] =	sst s0  }
0x9: {  	[smem:$0x3F94] =	sst s1  }
0xa: {  	[smem:$0x3F95] =	sst s2  }
0xb: {  	[smem:$0x3F96] =	sst s3  }
0xc: {  	[smem:$0x3F97] =	sst s4  }
0xd: {  	[smem:$0x3F98] =	sst s5  }
0xe: {  	[smem:$0x3F99] =	sst s6  }
0xf: {  	[smem:$0x3F9A] =	sst s7  }
0x10: {  	[smem:$0x3F9B] =	sst s8  }
0x11: {  	[smem:$0x3F9C] =	sst s9;
	s0 =	simm.s32 @!p0 $0x0  }
0x12: {  	s1 =	sld [smem:$0x3F82];
	s0 =	simm.s32 @p0 $0x1  }
0x13: {  	[smem:$0x3F9D] =	sst s0;
	s0 =	simm.s32 @!p1 $0x0  }
0x14: {  	s2 =	sld [smem:$0x3F81];
	s0 =	simm.s32 @p1 $0x1  }
0x15: {  	[smem:$0x3F9E] =	sst s0;
	s0 =	simm.s32 @!p2 $0x0  }
0x16: {  	s3 =	sld [smem:$0x3FDB];
	s0 =	simm.s32 @p2 $0x1  }
0x17: {  	s4 =	simm.s32 $0x1BF5;
	[smem:$0x3FA0] =	sst s0  }
0x18: {  	s0 =	sld [smem:$0x3F83];
	_ =	swait.ge [sflag:s4], $0x0  }
0x19: {  	s7 =	sld [smem:$0x3F84]  }
0x1a: {  	s8 =	sadd.s32 $0xFFFFE003, lr  }
0x1b: {  	s9 =	sadd.s32 $0xFFFFFEF7, lr;
	s5 =	simm.s32 $0xFFFFFFFF;
	p2 =	slt.u32 s8, $0xFFFFF086  }
0x1c: {  	p1 =	slt.u32 s9, $0xF7A;
	s5 =	simm.s32 @!p2 $0x0  }
0x1d: {  	s5 =	simm.s32 @p1 $0x1;
	p0 =	seq.s32 s7, s2  }
0x1e: {  	s7 =	smul.u32 @!p0 $0xF7A, s2;
	p2 =	seq.s32 @!p0 s5, $0x0  }
0x1f: {  	s9 =	smul.u32 $0xF7A, s1;
	s8 =	simm.s32 @!p0 $0x1BF5;
	p2 =	por !p2, p0  }
0x20: {  	[sflag:s8] =	ssyncset.s32 @!p0 $0xFFFFF086;
	s6 =	sadd.s32 @!p0 s3, s7;
	s7 =	simm.s32 @!p0 $0x108  }
0x21: {  	s3 =	sadd.s32 s3, s9;
	s6 =	sadd.s32 @!p0 $0x88, s6;
	s7 =	simm.s32 @p2 $0x1082  }
0x22: {  	[simem:s7], [sflag:s8] =	dma.local @!p0 [hbm:s6], $0xF7A  }
0x23: {  	s9 =	sor.u32 $0xD0000000, s2;
	s6 =	simm.s32 $0x108;
	_ =	swait.ge @!p0 [sflag:s8], $0x0  }
0x24: {  	s3 =	sadd.s32 $0x88, s3;
	s6 =	simm.s32 @!p1 $0x1082;
	[sflag:s4] =	ssyncset.s32 $0xFFFFF086  }
0x25: {  	[simem:s6], [sflag:s4] =	dma.local [hbm:s3], $0xF7A  }
0x26: {  	[smem:$0x3F84] =	sst s1;
	(tag) =	ssettag s2;
	_ =	strace s9  }
0x27: {  	s1 =	sld [smem:$0x3F94]  }
0x28: {  	s2 =	sld [smem:$0x3F95]  }
0x29: {  	s4 =	sld [smem:$0x3F97]  }
0x2a: {  	p0 =	seq.s32 s5, $0x0;
	s5 =	sld [smem:$0x3F98]  }
0x2b: {  	s6 =	sld [smem:$0x3F99]  }
0x2c: {  	s7 =	sld [smem:$0x3F9A]  }
0x2d: {  	s3 =	simm.s32 $0x108;
	s8 =	sld [smem:$0x3F9B]  }
0x2e: {  	s3 =	simm.s32 @!p0 $0x1082;
	s9 =	sld [smem:$0x3F9C]  }
0x2f: {  	lr =	sadd.s32 s0, s3;
	s0 =	sld [smem:$0x3F93]  }
0x30: {  	s3 =	sld [smem:$0x3F96]  }
0x31: {  	[smem:$0x3F9F] =	sst s10  }
0x32: {  	s10 =	sld [smem:$0x3F9D];
	_ =	sdelay $0x3  }
0x33: {  	p0 =	seq.s32 s10, $0x1;
	s10 =	sld [smem:$0x3F9F];
	_ =	sdelay $0x3  }
0x34: {  	[smem:$0x3F9F] =	sst s10  }
0x35: {  	s10 =	sld [smem:$0x3F9E];
	_ =	sdelay $0x3  }
0x36: {  	p1 =	seq.s32 s10, $0x1;
	s10 =	sld [smem:$0x3F9F];
	_ =	sdelay $0x3  }
0x37: {  	[smem:$0x3F9F] =	sst s10  }
0x38: {  	s10 =	sld [smem:$0x3FA0]  }
0x39: {  	_ = 	snop;
	(pc) =	sbr.ind lr, $3  }
0x3a: {  	_ = 	snop  }
0x3b: {  	_ = 	snop  }
0x3c: {  	p2 =	seq.s32 s10, $0x1;
	s10 =	sld [smem:$0x3F9F]  }
0x3d: {  	_ =	shalt  }
0x3e: {  	_ =	shalt  }
0x3f: {  	_ =	shalt  }
0x40: {  	_ =	shalt  }
0x41: {  	_ =	shalt  }
0x42: {  	_ =	shalt  }
0x43: {  	_ =	shalt  }
0x44: {  	_ =	shalt  }
0x45: {  	_ =	shalt  }
0x46: {  	_ =	shalt  }
0x47: {  	_ =	shalt  }
0x48: {  	_ =	shalt  }
0x49: {  	_ =	shalt  }
0x4a: {  	_ =	shalt  }
0x4b: {  	_ =	shalt  }
0x4c: {  	_ =	shalt  }
0x4d: {  	_ =	shalt  }
0x4e: {  	_ =	shalt  }
0x4f: {  	_ =	shalt  }
0x50: {  	_ =	shalt  }
0x51: {  	_ =	shalt  }
0x52: {  	_ =	shalt  }
0x53: {  	_ =	shalt  }
0x54: {  	_ =	shalt  }
0x55: {  	_ =	shalt  }
0x56: {  	_ =	shalt  }
0x57: {  	_ =	shalt  }
0x58: {  	_ =	shalt  }
0x59: {  	_ =	shalt  }
0x5a: {  	_ =	shalt  }
0x5b: {  	_ =	shalt  }
0x5c: {  	_ =	shalt  }
0x5d: {  	_ =	shalt  }
0x5e: {  	_ =	shalt  }
0x5f: {  	_ =	shalt  }
0x60: {  	_ =	shalt  }
0x61: {  	_ =	shalt  }
0x62: {  	_ =	shalt  }
0x63: {  	_ =	shalt  }
0x64: {  	_ =	shalt  }
0x65: {  	_ =	shalt  }
0x66: {  	_ =	shalt  }
0x67: {  	_ =	shalt  }
0x68: {  	_ =	shalt  }
0x69: {  	_ =	shalt  }
0x6a: {  	_ =	shalt  }
0x6b: {  	_ =	shalt  }
0x6c: {  	_ =	shalt  }
0x6d: {  	_ =	shalt  }
0x6e: {  	_ =	shalt  }
0x6f: {  	_ =	shalt  }
0x70: {  	_ =	shalt  }
0x71: {  	_ =	shalt  }
0x72: {  	_ =	shalt  }
0x73: {  	_ =	shalt  }
0x74: {  	_ =	shalt  }
0x75: {  	_ =	shalt  }
0x76: {  	_ =	shalt  }
0x77: {  	_ =	shalt  }
0x78: {  	_ =	shalt  }
0x79: {  	_ =	shalt  }
0x7a: {  	_ =	shalt  }
0x7b: {  	_ =	shalt  }
0x7c: {  	_ =	shalt  }
0x7d: {  	_ =	shalt  }
0x7e: {  	_ =	shalt  }
0x7f: {  	_ =	shalt  }
0x80: {  	_ =	shalt  }
0x81: {  	_ =	shalt  }
0x82: {  	_ =	shalt  }
0x83: {  	_ =	shalt  }
0x84: {  	_ =	shalt  }
0x85: {  	_ =	shalt  }
0x86: {  	_ =	shalt  }
0x87: {  	_ =	shalt  }
.Lfunc_end0:
.L_simem_size_0:
called_computation.6_lowered:
.L_overlay_start_0:
0x88: {  	s2 =	sld [smem:$0x3FD9]  }
0x89: {  	s3 =	sld [smem:$0x3FFE];
	_ =	sdelay $0x1  }
0x8a: {  	s1 =	srdreg.scid  }
0x8b: {  	s0 =	sand.u32 $0x1, s1  }
0x8c: {  	s16 =	sshll.u32 s0, $0xA;
	s2 =	sadd.s32 s3, s2  }
0x8d: {  	s2 =	sadd.s32 s2, s16  }
0x8e: {  	[smem:$0x3FAB] =	sst s2  }
0x8f: {  	_ = 	snop  }
0x90: {  	(tm) =	ssettm $0x1  }
0x91: {  	s17 =	sld [smem:$0x3FFB];
	_ =	sdelay $0x3  }
0x92: {  	_ =	strace s17  }
0x93: {  	s2 =	sld [smem:$0x3FFC];
	_ =	sdelay $0x3  }
0x94: {  	_ =	strace s2  }
0x95: {  	s2 =	sld [smem:$0x3FFD];
	_ =	sdelay $0x3  }
0x96: {  	_ =	strace s2  }
0x97: {  	_ =	strace $0x8FFFFFFF  }
0x98: {  	s18 =	sld [smem:$0x3FDB];
	_ =	sdelay $0x1  }
0x99: {  	s19 =	simm.s32 $_scs_section_size  }
0x9a: {  	s4 =	simm.s32 $_size__tile_overlayer_lowered;
	s5 =	simm.s32 $_tile_overlayer_lowered  }
0x9b: {  	s22 =	simm.s32 $0x1BFF;
	s21 =	sshll.u32 s5, $0x1;
	s2 =	sadd.s32 s19, s18  }
0x9c: {  	s6 =	simm.s32 $0x0;
	s20 =	sshll.u32 s4, $0x1;
	s4 =	sadd.s32 s21, s2  }
0x9d: {  	[timem:s6], [sflag:s22] =	dma.local [hbm:s4], s20  }
0x9e: {  	_ =	swait.ge [sflag:s22], s20  }
0x9f: {  	s3 =	ssub.s32 $0x0, s20;
	[sflag:s22] =	ssyncset.done $0x0  }
0xa0: {  	[sflag:s22] =	ssyncadd.s32 s3;
	_ =	sdelay $0x1  }
0xa1: {  	s23 =	simm.s32 $0x1B8B  }
0xa2: {  	_ =	swait.ge [sflag:s23], $0x1  }
0xa3: {  	[sflag:s23] =	ssyncset.done $0x0  }
0xa4: {  	s25 =	simm.s32 $0x1B8E;
	s24 =	sld [smem:$0x3FFE];
	[sflag:s23] =	ssyncadd.s32 $0xFFFFFFFF  }
0xa5: {  	s26 =	simm.s32 $execute0_lowered;
	[smem:$0x3FD2] =	sst s25  }
0xa6: {  	s4 =	sshll.u32 s26, $0x1;
	_ =	strace $0x80000058;
	[dreg:$0x1] =	wrdreg $0xFFFFFFFF  }
0xa7: {  	s28 =	simm.s32 $_size_execute0_lowered;
	s2 =	sadd.s32 s2, s4;
	[dreg:$0x0] =	wrdreg $0x0  }
0xa8: {  	s4 =	sshll.u32 s28, $0x1;
	[dreg:$0x2] =	wrdreg s2  }
0xa9: {  	[dreg:$0x3] =	wrdreg s4  }
0xaa: {  	[dreg:$0x4] =	wrdreg $0xC0  }
0xab: {  	_ =	task [dreg:s6], $0x5FFFF  }
0xac: {  	[dreg:$0x1] =	wrdreg $0xFFFFFFFF  }
0xad: {  	[dreg:$0x0] =	wrdreg $0x60  }
0xae: {  	[dreg:$0x2] =	wrdreg s24  }
0xaf: {  	[dreg:$0x3] =	wrdreg $0x21000  }
0xb0: {  	[dreg:$0x4] =	wrdreg $0x9  }
0xb1: {  	_ =	task.clear_ibuf [dreg:s6], $0x5FFFF;
	_ =	strace $0x90000058  }
0xb2: {  	s29 =	simm.s32 $0x9;
	_ =	strace $0x8000005A  }
0xb3: {  	_ =	swait.ge [sflag:s29], $0x1  }
0xb4: {  	[sflag:s29] =	ssyncadd.s32 $0xFFFFFFFF  }
0xb5: {  	_ =	strace $0x9000005A  }
0xb6: {  	_ =	sfence  }
0xb7: {  	s30 =	sld [smem:$0x0];
	_ =	sdelay $0x2  }
0xb8: {  	s31 =	sshll.u32 s1, $0xD;
	s1 =	sshrl.u32 s1, $0x2  }
0xb9: {  	s3 =	sand.u32 $0x4000, s31;
	s1 =	sadd.s32 s1, s30  }
0xba: {  	s0 =	sor.u32 s3, s0;
	s1 =	sshll.u32 s1, $0x11  }
0xbb: {  	s0 =	sor.u32 s1, s0  }
0xbc: {  	s0 =	sadd.s32 $0x8F2B, s0  }
0xbd: {  	[sflag:s0] =	ssyncadd.remote.s32 $0x1  }
0xbe: {  	_ =	sfence.sel $0xFFFF  }
0xbf: {  	[dreg:$0x0] =	wrdreg $0xFFFFFFFF;
	(pc) =	sbr.abs _section_cstart, $3  }
0xc0: {  	[dreg:$0x1] =	wrdreg $0xFFFFFFFF  }
0xc1: {  	_ =	task.clear_ibuf [dreg:s6], $0x2FFFF;
	_ =	strace $0x9FFFFFFF  }
0xc2: {  	(tm) =	ssettm $0x7FFFFFFF  }
0xc3: {  	_ =	shalt  }
tec
execute0_lowered:
.L_overlay_start_1:
0x0: {  	(tag) =	ssettag $0x1  }
0x1: {  	s0 =	rddreg [dreg:$0x0]  }
0x2: {  	s1 =	rddreg [dreg:$0x1];
	s3 =	simm.s32 $0x0;
	s15 =	stileid.u32  }
0x3: {  	s7 =	srdreg.scid;
	s16 =	simm.s32 $0x3;
	s17 =	simm.s32 $0x80  }
0x4: {  	s18 =	simm.s32 $0x100;
	s19 =	simm.s32 $0x900;
	s20 =	simm.s32 $0x1100  }
0x5: {  	s21 =	simm.s32 $0x1;
	s22 =	simm.s32 $0x2;
	s23 =	simm.s32 $0x1900  }
0x6: {  	s24 =	simm.s32 $0x0;
	[smem:$0x7FF] =	sst s3;
	s4 =	sadd.s32 $0xBE00, s0  }
0x7: {  	s5 =	sadd.s32 $0x10E00, s0;
	s2 =	smul.u32 $0x2800, s15;
	s6 =	sadd.s32 $0x685800, s0  }
0x8: {  	s10 =	sand.u32 $0x1, s7;
	s11 =	smul.u32 $0x500, s15;
	s7 =	sadd.s32 $0x7B7000, s0  }
0x9: {  	s8 =	sadd.s32 $0x7C1200, s0;
	s31 =	sshll.u32 s15, $0x6;
	_ =	strace $0x80000059  }
0xa: {  	s12 =	smul.u32 $0x5000, s10;
	s14 =	ssub.s32 $0x2, s10;
	s10 =	sshll.u32 s10, $0x4  }
0xb: {  	s9 =	sshrl.u32 s2, $0x3;
	s29 =	sshrl.u32 s14, $0x1;
	s30 =	sor.u32 s15, s10  }
0xc: {  	s2 =	sadd.s32 s2, s1;
	s13 =	sadd.s32 s9, s0;
	s9 =	sadd.s32 $0x5B000, s0  }
0xd: {  	s11 =	sadd.s32 s11, s12;
	s14 =	ssub.s32 s14, s29;
	s12 =	smul.u32 $0x2880, s30  }
0xe: {  	s15 =	sshrl.u32 s2, $0x3;
	s0 =	sadd.s32 s11, s0;
	s10 =	sadd.s32 $0x170800, s13  }
0xf: {  	s11 =	sor.u32 $0x1C03, s31;
	s14 =	smax.u32 s14, $0x1;
	s13 =	sadd.s32 $0x15E00, s0  }
.LBB2_1:
0x10: {  	[spmem:s15], [sflag:s11] =	dma.local [hbm:s10], $0x500  }
0x11: {  	_ =	swait.ge [sflag:s16], $0x500  }
0x12: {  	[sflag:s16] =	ssyncset.done $0x0  }
0x13: {  	[sflag:s16] =	ssyncadd.s32 $0xFFFFFB00  }
0x14: {  	s25 =	simm.s32 $0x0;
	[bflag:$0x0] =	sbarrier.arrive $0xFFFF  }
.LBB2_2:
0x15: {  	s0 =	sshll.u32 s25, $0x7  }
0x16: {  	s0 =	sadd.s32 s12, s0  }
0x17: {  	s2 =	sshrl.u32 s0, $0x3  }
0x18: {  	s26 =	sadd.s32 s7, s2  }
0x19: {  	[tilespmem:s3], [sflag:$0x3] =	stream.linear.gather [hbm4b:s26+s3], $0x80, $0x38;
	[tilespmem:$0x4900] =	vst v63  }
0x1a: {  	_ =	swait.ge [sflag:s16], $0x80  }
0x1b: {  	[sflag:s16] =	ssyncset.done $0x0  }
0x1c: {  	s2 =	sadd.s32 s8, s2;
	[sflag:s16] =	ssyncadd.s32 $0xFFFFFF80  }
0x1d: {  	[tilespmem:s17], [sflag:$0x3] =	stream.linear.gather [hbm4b:s2+s3], $0x80, $0x38;
	[tilespmem:$0x4900] =	vst v63  }
0x1e: {  	_ =	swait.ge [sflag:s16], $0x80  }
0x1f: {  	[sflag:s16] =	ssyncset.done $0x0  }
0x20: {  	[sflag:s16] =	ssyncadd.s32 $0xFFFFFF80  }
0x21: {  	[tilespmem:s18], [sflag:$0x1] =	stream.indirect.gather [hbm4b:s4+s17], $0x10, s3, s17, $0xb8;
	[tilespmem:$0x4900] =	vst v63  }
0x22: {  	s26 =	sshll.u32 s0, $0x1  }
0x23: {  	[tilespmem:s19], [sflag:$0x2] =	stream.indirect.gather [hbm4b:s5+s17], $0x10, s17, s17, $0xb8;
	[tilespmem:$0x4900] =	vst v63  }
0x24: {  	s0 =	sadd.s32 s6, s26  }
0x25: {  	[tilespmem:s20], [sflag:$0x3] =	stream.linear.gather [hbm4b:s0+s3], $0x800, $0x38;
	[tilespmem:$0x4900] =	vst v63  }
0x26: {  	_ =	swait.ge [sflag:s16], $0x800  }
0x27: {  	[sflag:s16] =	ssyncset.done $0x0  }
0x28: {  	[sflag:s16] =	ssyncadd.s32 $0xFFFFF800  }
0x29: {  	_ =	swait.ge [sflag:s21], $0x800  }
0x2a: {  	[sflag:s21] =	ssyncset.done $0x0  }
0x2b: {  	[sflag:s21] =	ssyncadd.s32 $0xFFFFF800  }
0x2c: {  	_ =	swait.ge [sflag:s22], $0x800  }
0x2d: {  	[sflag:s22] =	ssyncset.done $0x0  }
0x2e: {  	s0 =	simm.s32 $0x920;
	[sflag:s22] =	ssyncadd.s32 $0xFFFFF800  }
0x2f: {  	s2 =	simm.s32 $0x120;
	v0 =	vld [tilespmem:s0+$0xFFFFFFE0]  }
0x30: {  	v1 =	vld [tilespmem:s2+$0xFFFFFFE0]  }
0x31: {  	s28 =	simm.s32 $0x1120  }
0x32: {  	v2 =	vld [tilespmem:s28+$0xFFFFFFE0];
	_ =	sdelay $0x2  }
0x33: {  	v0 =	vadd.f32 v0, v1;
	_ =	sdelay $0x1  }
0x34: {  	v0 =	vadd.f32 v2, v0;
	_ =	sdelay $0x1  }
0x35: {  	v54 =	vmul.f32 $2.000000030e-01, v0  }
0x36: {  	vm0 =	vge.f32 v0, $0.0e+00  }
0x37: {  	v0 =	vsel vm0, v0, v54  }
0x38: {  	v0 =	vmul.f32 $1.442695020e+00, v0;
	_ =	sdelay $0x1  }
0x39: {  	(erf) = vpow2.f32 v0;
	_ =	sdelay $0x8  }
0x3a: {  	s29 =	simm.s32 $0x1920;
	v0 =	vpop (erf)  }
0x3b: {  	[tilespmem:s29+$0xFFFFFFE0] =	vst v0  }
0x3c: {  	v0 =	vld [tilespmem:s2+$0xFFFFFFF0]  }
0x3d: {  	v55 =	vld [tilespmem:s0+$0xFFFFFFF0];
	_ =	sdelay $0x1  }
0x3e: {  	v56 =	vld [tilespmem:s28+$0xFFFFFFF0];
	_ =	sdelay $0x2  }
0x3f: {  	v0 =	vadd.f32 v55, v0;
	_ =	sdelay $0x1  }
0x40: {  	v0 =	vadd.f32 v56, v0;
	_ =	sdelay $0x1  }
0x41: {  	v57 =	vmul.f32 $2.000000030e-01, v0  }
0x42: {  	vm13 =	vge.f32 v0, $0.0e+00  }
0x43: {  	v0 =	vsel vm13, v0, v57  }
0x44: {  	v0 =	vmul.f32 $1.442695020e+00, v0;
	_ =	sdelay $0x1  }
0x45: {  	(erf) = vpow2.f32 v0;
	_ =	sdelay $0x8  }
0x46: {  	v0 =	vpop (erf)  }
0x47: {  	[tilespmem:s29+$0xFFFFFFF0] =	vst v0  }
0x48: {  	v0 =	vld [tilespmem:s2+$0x0]  }
0x49: {  	v58 =	vld [tilespmem:s0+$0x0];
	_ =	sdelay $0x1  }
0x4a: {  	v59 =	vld [tilespmem:s28+$0x0];
	_ =	sdelay $0x2  }
0x4b: {  	v0 =	vadd.f32 v58, v0;
	_ =	sdelay $0x1  }
0x4c: {  	v0 =	vadd.f32 v59, v0;
	_ =	sdelay $0x1  }
0x4d: {  	v60 =	vmul.f32 $2.000000030e-01, v0  }
0x4e: {  	vm14 =	vge.f32 v0, $0.0e+00  }
0x4f: {  	v0 =	vsel vm14, v0, v60  }
0x50: {  	v0 =	vmul.f32 $1.442695020e+00, v0;
	_ =	sdelay $0x1  }
0x51: {  	(erf) = vpow2.f32 v0;
	_ =	sdelay $0x8  }
0x52: {  	v0 =	vpop (erf)  }
0x53: {  	[tilespmem:s29+$0x0] =	vst v0  }
0x54: {  	v0 =	vld [tilespmem:s2+$0x10]  }
0x55: {  	v61 =	vld [tilespmem:s0+$0x10];
	_ =	sdelay $0x1  }
0x56: {  	v62 =	vld [tilespmem:s28+$0x10];
	_ =	sdelay $0x2  }
0x57: {  	v0 =	vadd.f32 v61, v0;
	_ =	sdelay $0x1  }
0x58: {  	v0 =	vadd.f32 v62, v0;
	_ =	sdelay $0x1  }
0x59: {  	v63 =	vmul.f32 $2.000000030e-01, v0  }
0x5a: {  	vm15 =	vge.f32 v0, $0.0e+00  }
0x5b: {  	v0 =	vsel vm15, v0, v63  }
0x5c: {  	v0 =	vmul.f32 $1.442695020e+00, v0;
	_ =	sdelay $0x1  }
0x5d: {  	(erf) = vpow2.f32 v0;
	_ =	sdelay $0x3  }
0x5e: {  	s30 =	simm.s32 $0x0  }
0x5f: {  	s31 =	simm.s32 $0x960;
	s2 =	simm.s32 $0x160;
	s0 =	simm.s32 $0x1920  }
.LBB2_3:
0x60: {  	s30 =	sadd.s32 $0x4, s30;
	s29 =	sadd.s32 $0x40, s29;
	s28 =	sadd.s32 $0x40, s28  }
0x61: {  	p0 =	slt.u32 s30, $0x7C;
	_ =	sdelay $0x1  }
0x62: {  	v0 =	vpop (erf)  }
0x63: {  	[tilespmem:s0+$0x10] =	vst v0;
	s0 =	smov.u32 s29  }
0x64: {  	v0 =	vld [tilespmem:s31+$0xFFFFFFE0]  }
0x65: {  	v1 =	vld [tilespmem:s2+$0xFFFFFFE0];
	_ =	sdelay $0x1  }
0x66: {  	v2 =	vld [tilespmem:s28+$0xFFFFFFE0];
	_ =	sdelay $0x2  }
0x67: {  	v0 =	vadd.f32 v0, v1;
	_ =	sdelay $0x1  }
0x68: {  	v0 =	vadd.f32 v2, v0;
	_ =	sdelay $0x1  }
0x69: {  	v1 =	vmul.f32 $2.000000030e-01, v0  }
0x6a: {  	vm0 =	vge.f32 v0, $0.0e+00  }
0x6b: {  	v0 =	vsel vm0, v0, v1  }
0x6c: {  	v0 =	vmul.f32 $1.442695020e+00, v0;
	_ =	sdelay $0x1  }
0x6d: {  	(erf) = vpow2.f32 v0;
	_ =	sdelay $0x8  }
0x6e: {  	v0 =	vpop (erf)  }
0x6f: {  	[tilespmem:s29+$0xFFFFFFE0] =	vst v0  }
0x70: {  	v0 =	vld [tilespmem:s2+$0xFFFFFFF0]  }
0x71: {  	v1 =	vld [tilespmem:s31+$0xFFFFFFF0];
	_ =	sdelay $0x1  }
0x72: {  	v2 =	vld [tilespmem:s28+$0xFFFFFFF0];
	_ =	sdelay $0x2  }
0x73: {  	v0 =	vadd.f32 v1, v0;
	_ =	sdelay $0x1  }
0x74: {  	v0 =	vadd.f32 v2, v0;
	_ =	sdelay $0x1  }
0x75: {  	v1 =	vmul.f32 $2.000000030e-01, v0  }
0x76: {  	vm0 =	vge.f32 v0, $0.0e+00  }
0x77: {  	v0 =	vsel vm0, v0, v1  }
0x78: {  	v0 =	vmul.f32 $1.442695020e+00, v0;
	_ =	sdelay $0x1  }
0x79: {  	(erf) = vpow2.f32 v0;
	_ =	sdelay $0x8  }
0x7a: {  	v0 =	vpop (erf)  }
0x7b: {  	[tilespmem:s29+$0xFFFFFFF0] =	vst v0  }
0x7c: {  	v0 =	vld [tilespmem:s2+$0x0]  }
0x7d: {  	v1 =	vld [tilespmem:s31+$0x0];
	_ =	sdelay $0x1  }
0x7e: {  	v2 =	vld [tilespmem:s28+$0x0];
	_ =	sdelay $0x2  }
0x7f: {  	v0 =	vadd.f32 v1, v0;
	_ =	sdelay $0x1  }
0x80: {  	v0 =	vadd.f32 v2, v0;
	_ =	sdelay $0x1  }
0x81: {  	v1 =	vmul.f32 $2.000000030e-01, v0  }
0x82: {  	vm0 =	vge.f32 v0, $0.0e+00  }
0x83: {  	v0 =	vsel vm0, v0, v1  }
0x84: {  	v0 =	vmul.f32 $1.442695020e+00, v0;
	_ =	sdelay $0x1  }
0x85: {  	(erf) = vpow2.f32 v0;
	_ =	sdelay $0x8  }
0x86: {  	v0 =	vpop (erf)  }
0x87: {  	[tilespmem:s29+$0x0] =	vst v0  }
0x88: {  	v0 =	vld [tilespmem:s2+$0x10]  }
0x89: {  	v1 =	vld [tilespmem:s31+$0x10]  }
0x8a: {  	v2 =	vld [tilespmem:s28+$0x10];
	_ =	sdelay $0x3  }
0x8b: {  	v0 =	vadd.f32 v1, v0;
	_ =	sdelay $0x1  }
0x8c: {  	v0 =	vadd.f32 v2, v0;
	_ =	sdelay $0x1  }
0x8d: {  	vm0 =	vge.f32 v0, $0.0e+00;
	v1 =	vmul.f32 $2.000000030e-01, v0;
	_ =	sdelay $0x1  }
0x8e: {  	v0 =	vsel vm0, v0, v1  }
0x8f: {  	v0 =	vmul.f32 $1.442695020e+00, v0;
	_ =	sdelay $0x1  }
0x90: {  	(erf) = vpow2.f32 v0  }
.Ltmp0:
0x91: {  	(pc) =	sbr.rel @p0 .LBB2_3-.Ltmp0, $2  }
0x92: {  	_ =	sdelay $0x2  }
0x93: {  	s2 =	sadd.s32 $0x40, s2;
	s31 =	sadd.s32 $0x40, s31  }
0x94: {  	_ =	sdelay $0x2  }
0x95: {  	v0 =	vpop (erf)  }
0x96: {  	s31 =	sadd.s32 s9, s26;
	[tilespmem:s0+$0x10] =	vst v0  }
0x97: {  	[hbm4b:s31+s3] =	stream.linear.scatter [tilespmem:s23], [sflag:$0x3], $0x800, $0x38;
	[tilespmem:$0x4900] =	vst v63  }
0x98: {  	s25 =	sadd.s32 $0x1, s25;
	_ =	swait.ge [sflag:s16], $0x800  }
0x99: {  	p0 =	sne.s32 s25, $0x51;
	[sflag:s16] =	ssyncset.done $0x0  }
.Ltmp1:
0x9a: {  	[sflag:s16] =	ssyncadd.s32 $0xFFFFF800;
	(pc) =	sbr.rel @p0 .LBB2_2-.Ltmp1, $4  }
0x9b: {  	[spmem:s1] =	stream.indirect.scatter.add.f32 [tilespmem:s23], [sflag:$0x3], $0x10, s17, s17, $0xb8;
	[tilespmem:$0x4900] =	vst v63  }
0x9c: {  	_ =	swait.ge [sflag:s16], $0x800  }
0x9d: {  	[sflag:s16] =	ssyncset.done $0x0  }
0x9e: {  	[sflag:s16] =	ssyncadd.s32 $0xFFFFF800  }
0x9f: {  	s24 =	sadd.s32 $0x1, s24  }
0xa0: {  	p0 =	sne.s32 s24, s14  }
.Ltmp2:
0xa1: {  	[bflag:$0x0] =	sbarrier.arrive $0xFFFF;
	(pc) =	sbr.rel @p0 .LBB2_1-.Ltmp2, $4  }
0xa2: {  	[hbm:s13], [sflag:s11] =	dma.local [spmem:s15], $0x500  }
0xa3: {  	_ =	swait.ge [sflag:s16], $0x500  }
0xa4: {  	[sflag:s16] =	ssyncset.done $0x0  }
0xa5: {  	[sflag:s16] =	ssyncadd.s32 $0xFFFFFB00  }
0xa6: {  	_ =	sfence.sel $0x180000  }
0xa7: {  	[bflag:$0x0] =	sbarrier.arrive $0xFFFF  }
0xa8: {  	_ =	strace $0x90000059  }
0xa9: {  	s0 =	stileid.u32;
	[bflag:$0x2] =	sbarrier.arrive $0xFFFF  }
0xaa: {  	p0 =	sne.s32 s0, $0x0;
	s0 =	rddreg [dreg:$0x2]  }
0xab: {  	s0 =	sadd.s32 @!p0 $0x100000, s0  }
0xac: {  	[sflag:s0] =	ssyncadd.tile.s32 @!p0 $0x1;
	_ =	shalt  }
.Lfunc_end2:
_tile_overlayer_lowered:
.L_overlay_start_2:
0xad: {  	(tag) =	ssettag $0x2  }
0xae: {  	s0 =	rddreg [dreg:$0x0];
	s2 =	stileid.u32  }
0xaf: {  	s1 =	rddreg [dreg:$0x1];
	p0 =	sne.s32 s2, $0x0  }
0xb0: {  	s3 =	rddreg [dreg:$0x2];
	[bflag:$0x3] =	sbarrier.arrive $0xFFFF;
	s2 =	simm.s32 @!p0 $0x1C03  }
0xb1: {  	[timem:s3], [sflag:s2] =	dma.local @!p0 [hbm:s0], s1  }
0xb2: {  	s0 =	simm.s32 @!p0 $0x3  }
0xb3: {  	_ =	swait.ge @!p0 [sflag:s0], s1  }
0xb4: {  	s1 =	ssub.s32 @!p0 $0x0, s1;
	[sflag:s0] =	ssyncset.done @!p0 $0x0  }
0xb5: {  	[sflag:s0] =	ssyncadd.s32 @!p0 s1  }
0xb6: {  	[bflag:$0x3] =	sbarrier.arrive $0xFFFF  }
0xb7: {  	_ =	shalt  }

// kernel: kernel.36.cloned.1.call-start
scs
__scs_entry_jumppad:
0x0: {  	(pc) =	sbr.rel $0x88, $3  }
0x1: {  	(tag) =	ssettag $0x0;
	lr =	simm.s32 $0x1  }
0x2: {  	[smem:$0x3F84] =	sst lr;
	_ =	strace $0xD0000000  }
0x3: {  	_ = 	snop  }
0x4: {  	_ = 	snop  }
0x5: {  	_ = 	snop  }
0x6: {  	_ = 	snop  }
0x7: {  	_ = 	snop  }
__scs_overlays_trampoline_lowered:
0x8: {  	[smem:$0x3F93] =	sst s0  }
0x9: {  	[smem:$0x3F94] =	sst s1  }
0xa: {  	[smem:$0x3F95] =	sst s2  }
0xb: {  	[smem:$0x3F96] =	sst s3  }
0xc: {  	[smem:$0x3F97] =	sst s4  }
0xd: {  	[smem:$0x3F98] =	sst s5  }
0xe: {  	[smem:$0x3F99] =	sst s6  }
0xf: {  	[smem:$0x3F9A] =	sst s7  }
0x10: {  	[smem:$0x3F9B] =	sst s8  }
0x11: {  	[smem:$0x3F9C] =	sst s9;
	s0 =	simm.s32 @!p0 $0x0  }
0x12: {  	s1 =	sld [smem:$0x3F82];
	s0 =	simm.s32 @p0 $0x1  }
0x13: {  	[smem:$0x3F9D] =	sst s0;
	s0 =	simm.s32 @!p1 $0x0  }
0x14: {  	s2 =	sld [smem:$0x3F81];
	s0 =	simm.s32 @p1 $0x1  }
0x15: {  	[smem:$0x3F9E] =	sst s0;
	s0 =	simm.s32 @!p2 $0x0  }
0x16: {  	s3 =	sld [smem:$0x3FDB];
	s0 =	simm.s32 @p2 $0x1  }
0x17: {  	s4 =	simm.s32 $0x1BF5;
	[smem:$0x3FA0] =	sst s0  }
0x18: {  	s0 =	sld [smem:$0x3F83];
	_ =	swait.ge [sflag:s4], $0x0  }
0x19: {  	s7 =	sld [smem:$0x3F84]  }
0x1a: {  	s8 =	sadd.s32 $0xFFFFE003, lr  }
0x1b: {  	s9 =	sadd.s32 $0xFFFFFEF7, lr;
	s5 =	simm.s32 $0xFFFFFFFF;
	p2 =	slt.u32 s8, $0xFFFFF086  }
0x1c: {  	p1 =	slt.u32 s9, $0xF7A;
	s5 =	simm.s32 @!p2 $0x0  }
0x1d: {  	s5 =	simm.s32 @p1 $0x1;
	p0 =	seq.s32 s7, s2  }
0x1e: {  	s7 =	smul.u32 @!p0 $0xF7A, s2;
	p2 =	seq.s32 @!p0 s5, $0x0  }
0x1f: {  	s9 =	smul.u32 $0xF7A, s1;
	s8 =	simm.s32 @!p0 $0x1BF5;
	p2 =	por !p2, p0  }
0x20: {  	[sflag:s8] =	ssyncset.s32 @!p0 $0xFFFFF086;
	s6 =	sadd.s32 @!p0 s3, s7;
	s7 =	simm.s32 @!p0 $0x108  }
0x21: {  	s3 =	sadd.s32 s3, s9;
	s6 =	sadd.s32 @!p0 $0x88, s6;
	s7 =	simm.s32 @p2 $0x1082  }
0x22: {  	[simem:s7], [sflag:s8] =	dma.local @!p0 [hbm:s6], $0xF7A  }
0x23: {  	s9 =	sor.u32 $0xD0000000, s2;
	s6 =	simm.s32 $0x108;
	_ =	swait.ge @!p0 [sflag:s8], $0x0  }
0x24: {  	s3 =	sadd.s32 $0x88, s3;
	s6 =	simm.s32 @!p1 $0x1082;
	[sflag:s4] =	ssyncset.s32 $0xFFFFF086  }
0x25: {  	[simem:s6], [sflag:s4] =	dma.local [hbm:s3], $0xF7A  }
0x26: {  	[smem:$0x3F84] =	sst s1;
	(tag) =	ssettag s2;
	_ =	strace s9  }
0x27: {  	s1 =	sld [smem:$0x3F94]  }
0x28: {  	s2 =	sld [smem:$0x3F95]  }
0x29: {  	s4 =	sld [smem:$0x3F97]  }
0x2a: {  	p0 =	seq.s32 s5, $0x0;
	s5 =	sld [smem:$0x3F98]  }
0x2b: {  	s6 =	sld [smem:$0x3F99]  }
0x2c: {  	s7 =	sld [smem:$0x3F9A]  }
0x2d: {  	s3 =	simm.s32 $0x108;
	s8 =	sld [smem:$0x3F9B]  }
0x2e: {  	s3 =	simm.s32 @!p0 $0x1082;
	s9 =	sld [smem:$0x3F9C]  }
0x2f: {  	lr =	sadd.s32 s0, s3;
	s0 =	sld [smem:$0x3F93]  }
0x30: {  	s3 =	sld [smem:$0x3F96]  }
0x31: {  	[smem:$0x3F9F] =	sst s10  }
0x32: {  	s10 =	sld [smem:$0x3F9D];
	_ =	sdelay $0x3  }
0x33: {  	p0 =	seq.s32 s10, $0x1;
	s10 =	sld [smem:$0x3F9F];
	_ =	sdelay $0x3  }
0x34: {  	[smem:$0x3F9F] =	sst s10  }
0x35: {  	s10 =	sld [smem:$0x3F9E];
	_ =	sdelay $0x3  }
0x36: {  	p1 =	seq.s32 s10, $0x1;
	s10 =	sld [smem:$0x3F9F];
	_ =	sdelay $0x3  }
0x37: {  	[smem:$0x3F9F] =	sst s10  }
0x38: {  	s10 =	sld [smem:$0x3FA0]  }
0x39: {  	_ = 	snop;
	(pc) =	sbr.ind lr, $3  }
0x3a: {  	_ = 	snop  }
0x3b: {  	_ = 	snop  }
0x3c: {  	p2 =	seq.s32 s10, $0x1;
	s10 =	sld [smem:$0x3F9F]  }
0x3d: {  	_ =	shalt  }
0x3e: {  	_ =	shalt  }
0x3f: {  	_ =	shalt  }
0x40: {  	_ =	shalt  }
0x41: {  	_ =	shalt  }
0x42: {  	_ =	shalt  }
0x43: {  	_ =	shalt  }
0x44: {  	_ =	shalt  }
0x45: {  	_ =	shalt  }
0x46: {  	_ =	shalt  }
0x47: {  	_ =	shalt  }
0x48: {  	_ =	shalt  }
0x49: {  	_ =	shalt  }
0x4a: {  	_ =	shalt  }
0x4b: {  	_ =	shalt  }
0x4c: {  	_ =	shalt  }
0x4d: {  	_ =	shalt  }
0x4e: {  	_ =	shalt  }
0x4f: {  	_ =	shalt  }
0x50: {  	_ =	shalt  }
0x51: {  	_ =	shalt  }
0x52: {  	_ =	shalt  }
0x53: {  	_ =	shalt  }
0x54: {  	_ =	shalt  }
0x55: {  	_ =	shalt  }
0x56: {  	_ =	shalt  }
0x57: {  	_ =	shalt  }
0x58: {  	_ =	shalt  }
0x59: {  	_ =	shalt  }
0x5a: {  	_ =	shalt  }
0x5b: {  	_ =	shalt  }
0x5c: {  	_ =	shalt  }
0x5d: {  	_ =	shalt  }
0x5e: {  	_ =	shalt  }
0x5f: {  	_ =	shalt  }
0x60: {  	_ =	shalt  }
0x61: {  	_ =	shalt  }
0x62: {  	_ =	shalt  }
0x63: {  	_ =	shalt  }
0x64: {  	_ =	shalt  }
0x65: {  	_ =	shalt  }
0x66: {  	_ =	shalt  }
0x67: {  	_ =	shalt  }
0x68: {  	_ =	shalt  }
0x69: {  	_ =	shalt  }
0x6a: {  	_ =	shalt  }
0x6b: {  	_ =	shalt  }
0x6c: {  	_ =	shalt  }
0x6d: {  	_ =	shalt  }
0x6e: {  	_ =	shalt  }
0x6f: {  	_ =	shalt  }
0x70: {  	_ =	shalt  }
0x71: {  	_ =	shalt  }
0x72: {  	_ =	shalt  }
0x73: {  	_ =	shalt  }
0x74: {  	_ =	shalt  }
0x75: {  	_ =	shalt  }
0x76: {  	_ =	shalt  }
0x77: {  	_ =	shalt  }
0x78: {  	_ =	shalt  }
0x79: {  	_ =	shalt  }
0x7a: {  	_ =	shalt  }
0x7b: {  	_ =	shalt  }
0x7c: {  	_ =	shalt  }
0x7d: {  	_ =	shalt  }
0x7e: {  	_ =	shalt  }
0x7f: {  	_ =	shalt  }
0x80: {  	_ =	shalt  }
0x81: {  	_ =	shalt  }
0x82: {  	_ =	shalt  }
0x83: {  	_ =	shalt  }
0x84: {  	_ =	shalt  }
0x85: {  	_ =	shalt  }
0x86: {  	_ =	shalt  }
0x87: {  	_ =	shalt  }
.Lfunc_end0:
.L_simem_size_0:
called_computation.7_lowered:
.L_overlay_start_0:
0x88: {  	s2 =	sld [smem:$0x3FD9]  }
0x89: {  	s3 =	sld [smem:$0x3FFE];
	_ =	sdelay $0x1  }
0x8a: {  	s1 =	srdreg.scid  }
0x8b: {  	s0 =	sand.u32 $0x1, s1  }
0x8c: {  	s17 =	sshll.u32 s0, $0xA;
	s2 =	sadd.s32 s3, s2  }
0x8d: {  	s2 =	sadd.s32 s2, s17  }
0x8e: {  	[smem:$0x3FAB] =	sst s2  }
0x8f: {  	_ = 	snop  }
0x90: {  	s2 =	sld [smem:$0x3FD0];
	(tm) =	ssettm $0x1  }
0x91: {  	s18 =	sld [smem:$0x3FFB];
	_ =	sdelay $0x3  }
0x92: {  	_ =	strace s18  }
0x93: {  	s3 =	sld [smem:$0x3FFC];
	_ =	sdelay $0x3  }
0x94: {  	_ =	strace s3  }
0x95: {  	s3 =	sld [smem:$0x3FFD];
	_ =	sdelay $0x3  }
0x96: {  	_ =	strace s3  }
0x97: {  	_ =	strace $0x8FFFFFFF  }
0x98: {  	s19 =	sld [smem:$0x3FDB];
	_ =	sdelay $0x1  }
0x99: {  	s4 =	simm.s32 $_scs_section_size  }
0x9a: {  	s5 =	simm.s32 $_size__tile_overlayer_lowered;
	s6 =	simm.s32 $_tile_overlayer_lowered  }
0x9b: {  	s22 =	simm.s32 $0x1BFF;
	s21 =	sshll.u32 s6, $0x1;
	s3 =	sadd.s32 s4, s19  }
0x9c: {  	s7 =	simm.s32 $0x0;
	s20 =	sshll.u32 s5, $0x1;
	s5 =	sadd.s32 s21, s3  }
0x9d: {  	[timem:s7], [sflag:s22] =	dma.local [hbm:s5], s20  }
0x9e: {  	_ =	swait.ge [sflag:s22], s20  }
0x9f: {  	s4 =	ssub.s32 $0x0, s20;
	[sflag:s22] =	ssyncset.done $0x0  }
0xa0: {  	[sflag:s22] =	ssyncadd.s32 s4;
	_ =	sdelay $0x1  }
0xa1: {  	s23 =	simm.s32 $0x1B8B  }
0xa2: {  	_ =	swait.ge [sflag:s23], $0x1  }
0xa3: {  	[sflag:s23] =	ssyncset.done $0x0  }
0xa4: {  	s25 =	simm.s32 $0x1B8E;
	s24 =	sld [smem:$0x3FFE];
	[sflag:s23] =	ssyncadd.s32 $0xFFFFFFFF  }
0xa5: {  	s26 =	simm.s32 $execute0_lowered;
	[smem:$0x3FD2] =	sst s25  }
0xa6: {  	s5 =	sshll.u32 s26, $0x1;
	_ =	strace $0x8000005B;
	[dreg:$0x1] =	wrdreg $0xFFFFFFFF  }
0xa7: {  	s28 =	simm.s32 $_size_execute0_lowered;
	s3 =	sadd.s32 s3, s5;
	[dreg:$0x0] =	wrdreg $0x0  }
0xa8: {  	s5 =	sshll.u32 s28, $0x1;
	[dreg:$0x2] =	wrdreg s3  }
0xa9: {  	[dreg:$0x3] =	wrdreg s5  }
0xaa: {  	[dreg:$0x4] =	wrdreg $0xC0  }
0xab: {  	_ =	task [dreg:s7], $0x5FFFF  }
0xac: {  	[dreg:$0x1] =	wrdreg $0xFFFFFFFF  }
0xad: {  	[dreg:$0x0] =	wrdreg $0x60  }
0xae: {  	[dreg:$0x2] =	wrdreg s2  }
0xaf: {  	[dreg:$0x3] =	wrdreg s24  }
0xb0: {  	[dreg:$0x4] =	wrdreg $0x49800  }
0xb1: {  	[dreg:$0x5] =	wrdreg $0x9  }
0xb2: {  	_ =	task.clear_ibuf [dreg:s7], $0x6FFFF;
	_ =	strace $0x9000005B  }
0xb3: {  	s29 =	simm.s32 $0x9;
	_ =	strace $0x8000005D  }
0xb4: {  	_ =	swait.ge [sflag:s29], $0x1  }
0xb5: {  	[sflag:s29] =	ssyncadd.s32 $0xFFFFFFFF  }
0xb6: {  	_ =	strace $0x9000005D  }
0xb7: {  	_ =	sfence  }
0xb8: {  	s30 =	sld [smem:$0x0];
	_ =	sdelay $0x2  }
0xb9: {  	s31 =	sshll.u32 s1, $0xD;
	s1 =	sshrl.u32 s1, $0x2  }
0xba: {  	s3 =	sand.u32 $0x4000, s31;
	s1 =	sadd.s32 s1, s30  }
0xbb: {  	s0 =	sor.u32 s3, s0;
	s1 =	sshll.u32 s1, $0x11  }
0xbc: {  	s0 =	sor.u32 s1, s0  }
0xbd: {  	s0 =	sadd.s32 $0x8F2B, s0  }
0xbe: {  	[sflag:s0] =	ssyncadd.remote.s32 $0x1  }
0xbf: {  	_ =	sfence.sel $0xFFFF  }
0xc0: {  	[dreg:$0x0] =	wrdreg $0xFFFFFFFF;
	(pc) =	sbr.abs _section_cstart, $3  }
0xc1: {  	[dreg:$0x1] =	wrdreg $0xFFFFFFFF  }
0xc2: {  	_ =	task.clear_ibuf [dreg:s7], $0x2FFFF;
	_ =	strace $0x9FFFFFFF  }
0xc3: {  	(tm) =	ssettm $0x7FFFFFFF  }
tec
execute0_lowered:
.L_overlay_start_1:
0x0: {  	(tag) =	ssettag $0x1  }
0x1: {  	s1 =	rddreg [dreg:$0x0]  }
0x2: {  	s8 =	rddreg [dreg:$0x1]  }
0x3: {  	s3 =	rddreg [dreg:$0x2]  }
0x4: {  	s0 =	rddreg [dreg:$0x3];
	s4 =	simm.s32 $0x0;
	s2 =	stileid.u32  }
0x5: {  	s5 =	srdreg.scid;
	s15 =	simm.s32 $0x80;
	s16 =	simm.s32 $0x180  }
0x6: {  	s17 =	simm.s32 $0x100;
	s18 =	simm.s32 $0x980;
	s19 =	simm.s32 $0x1  }
0x7: {  	[smem:$0x7FF] =	sst s4;
	s9 =	smul.u32 $0x14000, s2;
	s10 =	sand.u32 $0x1, s5  }
0x8: {  	s11 =	smul.u32 $0x2800, s2;
	s5 =	sadd.s32 $0x7B7000, s8;
	s6 =	sadd.s32 $0x7C1200, s8  }
0x9: {  	s7 =	sadd.s32 $0x5B000, s8;
	s31 =	sshll.u32 s2, $0x6;
	_ =	strace $0x8000005C  }
0xa: {  	s12 =	smul.u32 $0x28000, s10;
	s14 =	ssub.s32 $0x2, s10;
	s29 =	sshll.u32 s10, $0x4  }
0xb: {  	s13 =	sshrl.u32 s9, $0x3;
	s28 =	sshrl.u32 s14, $0x1;
	s10 =	sor.u32 s2, s29  }
0xc: {  	s30 =	sadd.s32 s9, s3;
	s9 =	sor.u32 $0x1C02, s31;
	s13 =	sadd.s32 s13, s8  }
0xd: {  	s11 =	sadd.s32 s11, s12;
	s12 =	ssub.s32 s14, s28;
	s10 =	smul.u32 $0x2880, s10  }
0xe: {  	s14 =	simm.s32 $0x2;
	s11 =	sadd.s32 s11, s8;
	s8 =	sadd.s32 $0x33000, s13  }
0xf: {  	v0 =	vimm.s32 $0x0;
	s12 =	smax.u32 s12, $0x1;
	s13 =	sshrl.u32 s30, $0x3;
	s11 =	sadd.s32 $0xFD000, s11  }
.LBB2_1:
0x10: {  	[spmem:s13], [sflag:s9] =	dma.local [hbm:s8], $0x2800  }
0x11: {  	_ =	swait.ge [sflag:s14], $0x2800  }
0x12: {  	[sflag:s14] =	ssyncset.done $0x0  }
0x13: {  	[sflag:s14] =	ssyncadd.s32 $0xFFFFD800  }
0x14: {  	s20 =	simm.s32 $0x0;
	[bflag:$0x0] =	sbarrier.arrive $0xFFFF  }
.LBB2_2:
0x15: {  	s21 =	sshll.u32 s20, $0x7  }
0x16: {  	s21 =	sadd.s32 s10, s21  }
0x17: {  	s22 =	sshrl.u32 s21, $0x3  }
0x18: {  	s24 =	simm.s32 $0x0;
	s23 =	sadd.s32 s5, s22  }
0x19: {  	[tilespmem:s24], [sflag:$0x2] =	stream.linear.gather [hbm4b:s23+s24], $0x80, $0x38;
	[tilespmem:$0x18980] =	vst v63  }
0x1a: {  	_ =	swait.ge [sflag:s14], $0x80  }
0x1b: {  	[sflag:s14] =	ssyncset.done $0x0  }
0x1c: {  	s22 =	sadd.s32 s6, s22;
	[sflag:s14] =	ssyncadd.s32 $0xFFFFFF80  }
0x1d: {  	[tilespmem:s15], [sflag:$0x2] =	stream.linear.gather [hbm4b:s22+s24], $0x80, $0x38;
	[tilespmem:$0x18980] =	vst v63  }
0x1e: {  	_ =	swait.ge [sflag:s14], $0x80  }
0x1f: {  	s21 =	sshll.u32 s21, $0x1;
	[sflag:s14] =	ssyncset.done $0x0  }
0x20: {  	s21 =	sadd.s32 s7, s21;
	[sflag:s14] =	ssyncadd.s32 $0xFFFFFF80  }
0x21: {  	[tilespmem:s16], [sflag:$0x2] =	stream.linear.gather [hbm4b:s21+s24], $0x800, $0x38;
	[tilespmem:$0x18980] =	vst v63  }
0x22: {  	_ =	swait.ge [sflag:s14], $0x800  }
0x23: {  	[sflag:s14] =	ssyncset.done $0x0  }
0x24: {  	[sflag:s14] =	ssyncadd.s32 $0xFFFFF800  }
0x25: {  	v1 =	vld [tilespmem:$0x0]  }
0x26: {  	v2 =	vld [tilespmem:$0x10]  }
0x27: {  	v3 =	vld [tilespmem:$0x20]  }
0x28: {  	v4 =	vld [tilespmem:$0x30]  }
0x29: {  	v5 =	vld [tilespmem:$0x40]  }
0x2a: {  	[tilespmem:$0x100] =	vst v1;
	v1 =	vld [tilespmem:$0x50]  }
0x2b: {  	[tilespmem:$0x110] =	vst v2;
	v2 =	vld [tilespmem:$0x60]  }
0x2c: {  	[tilespmem:$0x120] =	vst v3;
	v3 =	vld [tilespmem:$0x70]  }
0x2d: {  	[tilespmem:$0x130] =	vst v4  }
0x2e: {  	[tilespmem:$0x140] =	vst v5  }
0x2f: {  	[tilespmem:$0x150] =	vst v1  }
0x30: {  	[tilespmem:$0x160] =	vst v2  }
0x31: {  	[tilespmem:$0x170] =	vst v3  }
0x32: {  	[tilespmem:s18], [sflag:$0x1] =	stream.indirect.gather [hbm4b:s1+s15], $0x80, s17, s15, $0xb8;
	[tilespmem:$0x18980] =	vst v63  }
0x33: {  	_ =	swait.ge [sflag:s19], $0x4000  }
0x34: {  	[sflag:s19] =	ssyncset.done $0x0  }
0x35: {  	s21 =	simm.s32 $0x9C0;
	[sflag:s19] =	ssyncadd.s32 $0xFFFFC000  }
0x36: {  	s31 =	simm.s32 $0x0;
	v5 =	vld [tilespmem:s21+$0x30]  }
0x37: {  	v2 =	vld [tilespmem:s31+$0x180]  }
0x38: {  	v8 =	vld [tilespmem:s21+$0x10]  }
0x39: {  	v6 =	vld [tilespmem:s21+$0xFFFFFFC0]  }
0x3a: {  	v10 =	vld [tilespmem:s21+$0xFFFFFFE0]  }
0x3b: {  	v1 =	vld [tilespmem:s21+$0xFFFFFFF0]  }
0x3c: {  	v3 =	vld [tilespmem:s21+$0x20];
	v2 =	vperm.xlane v2, v0  }
0x3d: {  	v4 =	vld [tilespmem:s21+$0xFFFFFFD0]  }
0x3e: {  	v9 =	vmul.f32 v5, v2;
	v5 =	vld [tilespmem:s21+$0x0]  }
0x3f: {  	v7 =	vmul.f32 v6, v2  }
0x40: {  	s23 =	simm.s32 $0x9C0;
	s22 =	simm.s32 $0x40;
	v6 =	vmul.f32 v10, v2;
	v8 =	vmul.f32 v8, v2  }
.LBB2_3:
0x41: {  	p0 =	sne.s32 s22, $0x1FC0  }
0x42: {  	v4 =	vmul.f32 v4, v2;
	v3 =	vmul.f32 v3, v2;
	[tilespmem:s21+$0x30] =	vst v9;
	s23 =	sadd.s32 $0x80, s23;
	s24 =	smov.u32 s22;
	s22 =	sadd.s32 $0x40, s22  }
0x43: {  	v1 =	vmul.f32 v1, v2;
	[tilespmem:s21+$0xFFFFFFC0] =	vst v7;
	v2 =	vmul.f32 v5, v2  }
0x44: {  	[tilespmem:s21+$0x10] =	vst v8  }
0x45: {  	[tilespmem:s21+$0xFFFFFFE0] =	vst v6  }
0x46: {  	[tilespmem:s21+$0xFFFFFFF0] =	vst v1  }
0x47: {  	v1 =	vld [tilespmem:s23+$0xFFFFFFF0];
	[tilespmem:s21+$0x0] =	vst v2  }
0x48: {  	v6 =	vld [tilespmem:s23+$0x30];
	[tilespmem:s21+$0x20] =	vst v3  }
0x49: {  	s24 =	sshra.s32 s24, $0x2;
	v8 =	vld [tilespmem:s23+$0x10];
	[tilespmem:s21+$0xFFFFFFD0] =	vst v4;
	s21 =	smov.u32 s23  }
0x4a: {  	v2 =	vld [tilespmem:s24+$0x180]  }
0x4b: {  	v7 =	vld [tilespmem:s23+$0xFFFFFFC0]  }
0x4c: {  	v10 =	vld [tilespmem:s23+$0xFFFFFFE0]  }
0x4d: {  	v3 =	vld [tilespmem:s23+$0x20]  }
.Ltmp0:
0x4e: {  	v4 =	vld [tilespmem:s23+$0xFFFFFFD0];
	(pc) =	sbr.rel @p0 .LBB2_3-.Ltmp0, $3  }
0x4f: {  	v2 =	vperm.xlane v2, v0;
	v5 =	vld [tilespmem:s23+$0x0];
	_ =	sdelay $0x1  }
0x50: {  	v7 =	vmul.f32 v7, v2;
	v9 =	vmul.f32 v6, v2  }
0x51: {  	v6 =	vmul.f32 v10, v2;
	v8 =	vmul.f32 v8, v2  }
0x52: {  	[tilespmem:s21+$0x30] =	vst v9  }
0x53: {  	[tilespmem:s21+$0xFFFFFFC0] =	vst v7  }
0x54: {  	v1 =	vmul.f32 v1, v2;
	[tilespmem:s21+$0x10] =	vst v8  }
0x55: {  	v3 =	vmul.f32 v3, v2;
	[tilespmem:s21+$0xFFFFFFE0] =	vst v6  }
0x56: {  	v5 =	vmul.f32 v5, v2;
	[tilespmem:s21+$0xFFFFFFF0] =	vst v1  }
0x57: {  	s20 =	sadd.s32 $0x1, s20;
	v1 =	vmul.f32 v4, v2;
	[tilespmem:s21+$0x20] =	vst v3  }
0x58: {  	p0 =	sne.s32 s20, $0x51;
	[tilespmem:s21+$0x0] =	vst v5  }
.Ltmp1:
0x59: {  	[tilespmem:s21+$0xFFFFFFD0] =	vst v1;
	(pc) =	sbr.rel @p0 .LBB2_2-.Ltmp1, $4  }
0x5a: {  	[spmem:s3] =	stream.indirect.scatter.add.f32 [tilespmem:s18], [sflag:$0x2], $0x80, s15, s15, $0xb8;
	[tilespmem:$0x18980] =	vst v63  }
0x5b: {  	_ =	swait.ge [sflag:s14], $0x4000  }
0x5c: {  	[sflag:s14] =	ssyncset.done $0x0  }
0x5d: {  	[sflag:s14] =	ssyncadd.s32 $0xFFFFC000  }
0x5e: {  	[bflag:$0x0] =	sbarrier.arrive $0xFFFF;
	s4 =	sadd.s32 $0x1, s4  }
0x5f: {  	[hbm:s11], [sflag:s9] =	dma.local [spmem:s13], $0x2800  }
0x60: {  	p0 =	sne.s32 s4, s12  }
.Ltmp2:
0x61: {  	_ =	swait.ge [sflag:s14], $0x2800;
	(pc) =	sbr.rel @p0 .LBB2_1-.Ltmp2, $3  }
0x62: {  	[sflag:s14] =	ssyncset.done $0x0  }
0x63: {  	[sflag:s14] =	ssyncadd.s32 $0xFFFFD800  }
0x64: {  	[bflag:$0x0] =	sbarrier.arrive $0xFFFF;
	_ =	sdelay $0x1  }
0x65: {  	_ =	sfence.sel $0x180000  }
0x66: {  	[bflag:$0x0] =	sbarrier.arrive $0xFFFF  }
0x67: {  	p0 =	sne.s32 s2, $0x0;
	_ =	strace $0x9000005C  }
0x68: {  	s0 =	sadd.s32 @!p0 $0x100000, s0;
	[bflag:$0x2] =	sbarrier.arrive $0xFFFF  }
0x69: {  	[sflag:s0] =	ssyncadd.tile.s32 @!p0 $0x1;
	_ =	shalt  }
.Lfunc_end2:
_tile_overlayer_lowered:
.L_overlay_start_2:
0x6a: {  	(tag) =	ssettag $0x2  }
0x6b: {  	s0 =	rddreg [dreg:$0x0];
	s2 =	stileid.u32  }
0x6c: {  	s1 =	rddreg [dreg:$0x1];
	p0 =	sne.s32 s2, $0x0  }
0x6d: {  	s3 =	rddreg [dreg:$0x2];
	[bflag:$0x3] =	sbarrier.arrive $0xFFFF;
	s2 =	simm.s32 @!p0 $0x1C02  }
0x6e: {  	[timem:s3], [sflag:s2] =	dma.local @!p0 [hbm:s0], s1  }
0x6f: {  	s0 =	simm.s32 @!p0 $0x2  }
0x70: {  	_ =	swait.ge @!p0 [sflag:s0], s1  }
0x71: {  	s1 =	ssub.s32 @!p0 $0x0, s1;
	[sflag:s0] =	ssyncset.done @!p0 $0x0  }
0x72: {  	[sflag:s0] =	ssyncadd.s32 @!p0 s1  }
0x73: {  	[bflag:$0x3] =	sbarrier.arrive $0xFFFF  }
0x74: {  	_ =	shalt  }

// kernel: sparse-core-data-format-call.1.cloned.1.call-start
scs
called_computation.1_lowered:
.L_overlay_start_0:
0x0: {  	s1 =	sld [smem:$0x3FD9]  }
0x1: {  	s2 =	sld [smem:$0x3FFE];
	_ =	sdelay $0x1  }
0x2: {  	s3 =	srdreg.scid  }
0x3: {  	s0 =	sand.u32 $0x1, s3  }
0x4: {  	s17 =	sshll.u32 s0, $0xA;
	s1 =	sadd.s32 s2, s1  }
0x5: {  	s1 =	sadd.s32 s1, s17  }
0x6: {  	[smem:$0x3FAB] =	sst s1  }
0x7: {  	_ = 	snop  }
0x8: {  	(tm) =	ssettm $0x1  }
0x9: {  	s18 =	sld [smem:$0x3FFB];
	_ =	sdelay $0x3  }
0xa: {  	_ =	strace s18  }
0xb: {  	s1 =	sld [smem:$0x3FFC];
	_ =	sdelay $0x3  }
0xc: {  	_ =	strace s1  }
0xd: {  	s1 =	sld [smem:$0x3FFD];
	_ =	sdelay $0x3  }
0xe: {  	_ =	strace s1  }
0xf: {  	_ =	strace $0x8FFFFFFF  }
0x10: {  	s19 =	sld [smem:$0x3FDB];
	_ =	sdelay $0x1  }
0x11: {  	s20 =	simm.s32 $_scs_section_size  }
0x12: {  	s4 =	simm.s32 $_size__tile_overlayer_lowered;
	s5 =	simm.s32 $_tile_overlayer_lowered  }
0x13: {  	s23 =	simm.s32 $0x1BFF;
	s22 =	sshll.u32 s5, $0x1;
	s1 =	sadd.s32 s20, s19  }
0x14: {  	s6 =	simm.s32 $0x0;
	s21 =	sshll.u32 s4, $0x1;
	s4 =	sadd.s32 s22, s1  }
0x15: {  	[timem:s6], [sflag:s23] =	dma.local [hbm:s4], s21  }
0x16: {  	_ =	swait.ge [sflag:s23], s21  }
0x17: {  	s2 =	ssub.s32 $0x0, s21;
	[sflag:s23] =	ssyncset.done $0x0  }
0x18: {  	[sflag:s23] =	ssyncadd.s32 s2;
	_ =	sdelay $0x1  }
0x19: {  	s24 =	simm.s32 $0x1B8B  }
0x1a: {  	_ =	swait.ge [sflag:s24], $0x1  }
0x1b: {  	[sflag:s24] =	ssyncset.done $0x0  }
0x1c: {  	s26 =	simm.s32 $0x1B8E;
	s25 =	sld [smem:$0x3FFE];
	[sflag:s24] =	ssyncadd.s32 $0xFFFFFFFF  }
0x1d: {  	s27 =	simm.s32 $execute0_lowered;
	[smem:$0x3FD2] =	sst s26  }
0x1e: {  	s4 =	sshll.u32 s27, $0x1;
	_ =	strace $0x80000046;
	[dreg:$0x1] =	wrdreg $0xFFFFFFFF  }
0x1f: {  	s28 =	simm.s32 $_size_execute0_lowered;
	s1 =	sadd.s32 s1, s4;
	[dreg:$0x0] =	wrdreg $0x0  }
0x20: {  	s4 =	sshll.u32 s28, $0x1;
	[dreg:$0x2] =	wrdreg s1  }
0x21: {  	[dreg:$0x3] =	wrdreg s4  }
0x22: {  	[dreg:$0x4] =	wrdreg $0xC0  }
0x23: {  	_ =	task [dreg:s6], $0x5FFFF  }
0x24: {  	[dreg:$0x1] =	wrdreg $0xFFFFFFFF  }
0x25: {  	[dreg:$0x0] =	wrdreg $0x60  }
0x26: {  	[dreg:$0x2] =	wrdreg s25  }
0x27: {  	[dreg:$0x3] =	wrdreg $0x9  }
0x28: {  	_ =	task.clear_ibuf [dreg:s6], $0x4FFFF;
	_ =	strace $0x90000046  }
0x29: {  	s29 =	simm.s32 $0x9;
	_ =	strace $0x80000048  }
0x2a: {  	_ =	swait.ge [sflag:s29], $0x1  }
0x2b: {  	[sflag:s29] =	ssyncadd.s32 $0xFFFFFFFF  }
0x2c: {  	_ =	strace $0x90000048  }
0x2d: {  	_ =	sfence  }
0x2e: {  	s30 =	sld [smem:$0x0];
	_ =	sdelay $0x2  }
0x2f: {  	s31 =	sshll.u32 s3, $0xD;
	s3 =	sshrl.u32 s3, $0x2  }
0x30: {  	s2 =	sand.u32 $0x4000, s31;
	s1 =	sadd.s32 s3, s30  }
0x31: {  	s0 =	sor.u32 s2, s0;
	s1 =	sshll.u32 s1, $0x11  }
0x32: {  	s0 =	sor.u32 s1, s0  }
0x33: {  	s0 =	sadd.s32 $0x8F2B, s0  }
0x34: {  	[sflag:s0] =	ssyncadd.remote.s32 $0x1  }
0x35: {  	_ =	sfence.sel $0xFFFF  }
0x36: {  	[dreg:$0x0] =	wrdreg $0xFFFFFFFF;
	(pc) =	sbr.abs _section_cstart, $3  }
0x37: {  	[dreg:$0x1] =	wrdreg $0xFFFFFFFF  }
0x38: {  	_ =	task.clear_ibuf [dreg:s6], $0x2FFFF;
	_ =	strace $0x9FFFFFFF  }
0x39: {  	(tm) =	ssettm $0x7FFFFFFF  }
tec
execute0_lowered:
.L_overlay_start_1:
0x0: {  	(tag) =	ssettag $0x1  }
0x1: {  	s0 =	srdreg.scid  }
0x2: {  	s1 =	sshll.u32 s0, $0x4  }
0x3: {  	s4 =	rddreg [dreg:$0x0];
	s0 =	stileid.u32;
	s1 =	sand.u32 $0x10, s1  }
0x4: {  	s7 =	simm.s32 $0x1;
	s8 =	simm.s32 $0x2;
	s1 =	sor.u32 s0, s1  }
0x5: {  	s9 =	simm.s32 $0x0;
	s12 =	simm.s32 $0x0;
	s2 =	sshll.u32 s1, $0x1  }
0x6: {  	s11 =	simm.s32 $0x0;
	s3 =	sadd.s32 $0x33000, s4;
	s6 =	ssub.s32 $0x4E2, s2  }
.Ltmp0:
0x7: {  	s4 =	sadd.s32 $0x192A00, s4;
	s5 =	sand.u32 $0x3E, s6;
	(pc) =	sbr.rel .LBB1_1-.Ltmp0, $4  }
0x8: {  	s1 =	rddreg [dreg:$0x1];
	_ =	strace $0x80000047;
	p0 =	sne.s32 s5, $0x0  }
0x9: {  	s6 =	sshrl.u32 s6, $0x6;
	s5 =	simm.s32 $0x1;
	s7 =	simm.s32 @!p0 $0x0  }
0xa: {  	s10 =	smov.u32 s2;
	[sflag:s5] =	ssyncpa.u1 $0x0;
	s6 =	sadd.s32 s7, s6  }
0xb: {  	[sflag:s8] =	ssyncpa.u1 $0x0;
	s8 =	simm.s32 $0x0;
	s7 =	sadd.s32 $0x1, s6  }
.LBB1_9:
0xc: {  	s14 =	sadd.s32 $0x40, s10  }
0xd: {  	p1 =	sgt.s32 s14, $0x4E1  }
0xe: {  	s14 =	smov.u32 @p1 s2;
	p1 =	sne.s32 s11, s7  }
.Ltmp1:
0xf: {  	p0 =	slt.u32 s11, $0x2;
	(pc) =	sbr.rel @!p1 .LBB1_10-.Ltmp1, $4  }
0x10: {  	s13 =	simm.s32 @!p0 $0x2  }
0x11: {  	s15 =	sadd.s32 $0x1, s11;
	_ =	swait.ge @!p0 [sflag:s13], $0x4000  }
0x12: {  	s12 =	smov.u32 s10;
	s9 =	sadd.s32 $0x4000, s9;
	[sflag:s13] =	ssyncset.done @!p0 $0x0  }
0x13: {  	s11 =	smov.u32 s15;
	s10 =	smov.u32 s14;
	[sflag:s13] =	ssyncadd.s32 @!p0 $0xFFFFC000  }
.LBB1_1:
0x14: {  	p0 =	sge.u32 s11, s6  }
0x15: {  	s13 =	sxor.u32 @!p0 $0xFFFFFFFF, s11  }
0x16: {  	s31 =	sadd.s32 $0xFFFFFFFF, s11;
	s14 =	sshll.u32 @!p0 s10, $0xA;
	s13 =	sshll.u32 @!p0 s13, $0xE  }
0x17: {  	s15 =	simm.s32 @!p0 $0x0;
	s14 =	sadd.s32 @!p0 s3, s14;
	s13 =	sand.u32 @!p0 $0x4000, s13  }
0x18: {  	[tilespmem:s13], [sflag:$0x1] =	stream.linear.gather @!p0 [hbm4b:s14+s15], $0x4000, $0x38;
	[tilespmem:$0x10000] =	vst v63  }
0x19: {  	p0 =	sge.u32 s31, s6  }
.Ltmp2:
0x1a: {  	_ = 	snop;
	(pc) =	sbr.rel @p0 .LBB1_9-.Ltmp2, $1  }
0x1b: {  	_ =	sdelay $0x3  }
0x1c: {  	s13 =	sshll.u32 s9, $0x2  }
0x1d: {  	_ =	swait.ge [sflag:s5], $0x4000;
	s14 =	sshll.u32 s11, $0xE;
	s16 =	simm.s32 $0x0  }
0x1e: {  	p1 =	por $0x1, $0x1;
	s13 =	sand.u32 $0x10000, s13;
	[sflag:s5] =	ssyncset.done $0x0  }
0x1f: {  	s14 =	sand.u32 $0x4000, s14;
	s15 =	sshrl.u32 s13, $0x2;
	[sflag:s5] =	ssyncadd.s32 $0xFFFFC000  }
0x20: {  	s13 =	sor.u32 $0x8000, s14;
	s14 =	sadd.s32 $0x8040, s15;
	s15 =	sadd.s32 $0x40, s15  }
.LBB1_3:
0x21: {  	s16 =	sshll.u32 s16, $0x2  }
0x22: {  	p0 =	por p1, p1;
	s17 =	sshra.s32 s16, $0x2  }
0x23: {  	s18 =	simm.s32 $0x0;
	s16 =	sadd.s32 s17, s14;
	s17 =	sadd.s32 s17, s15  }
.LBB1_4:
0x24: {  	v0 =	vmov s17;
	_ =	sdelay $0x3  }
0x25: {  	s20 =	simm.s32 $0x0  }
0x26: {  	v6 =	vld.idx.msk [tilespmem:v0+s20+$0x30 ss:$0x1], $0xffff  }
0x27: {  	v7 =	vld.idx.msk [tilespmem:v0+s20+$0xFFFFFFC0 ss:$0x1], $0xffff  }
0x28: {  	v5 =	vld.idx.msk [tilespmem:v0+s20+$0xFFFFFFD0 ss:$0x1], $0xffff  }
0x29: {  	v4 =	vld.idx.msk [tilespmem:v0+s20+$0xFFFFFFE0 ss:$0x1], $0xffff  }
0x2a: {  	v3 =	vld.idx.msk [tilespmem:v0+s20+$0xFFFFFFF0 ss:$0x1], $0xffff  }
0x2b: {  	v1 =	vld.idx.msk [tilespmem:v0+s20+$0x0 ss:$0x1], $0xffff  }
0x2c: {  	v2 =	vld.idx.msk [tilespmem:v0+s20+$0x10 ss:$0x1], $0xffff;
	[tilespmem:s16+$0x30] =	vst v6  }
0x2d: {  	s19 =	simm.s32 $0x80;
	s21 =	simm.s32 $0x400;
	[tilespmem:s16+$0xFFFFFFC0] =	vst v7;
	v6 =	vld.idx.msk [tilespmem:v0+s20+$0x20 ss:$0x1], $0xffff;
	s20 =	smov.u32 s16  }
.LBB1_5:
0x2e: {  	p1 =	sne.s32 s21, $0xE00;
	v7 =	vld.idx.msk [tilespmem:v0+s19+$0x30 ss:$0x1], $0xffff;
	[tilespmem:s20+$0xFFFFFFD0] =	vst v5  }
0x2f: {  	v8 =	vld.idx.msk [tilespmem:v0+s19+$0xFFFFFFC0 ss:$0x1], $0xffff;
	[tilespmem:s20+$0xFFFFFFE0] =	vst v4  }
0x30: {  	v5 =	vld.idx.msk [tilespmem:v0+s19+$0xFFFFFFD0 ss:$0x1], $0xffff;
	[tilespmem:s20+$0xFFFFFFF0] =	vst v3  }
.Ltmp3:
0x31: {  	v4 =	vld.idx.msk [tilespmem:v0+s19+$0xFFFFFFE0 ss:$0x1], $0xffff;
	[tilespmem:s20+$0x0] =	vst v1;
	(pc) =	sbr.rel @p1 .LBB1_5-.Ltmp3, $4  }
0x32: {  	v3 =	vld.idx.msk [tilespmem:v0+s19+$0xFFFFFFF0 ss:$0x1], $0xffff;
	[tilespmem:s20+$0x10] =	vst v2  }
0x33: {  	v1 =	vld.idx.msk [tilespmem:v0+s19+$0x0 ss:$0x1], $0xffff;
	[tilespmem:s20+$0x20] =	vst v6;
	s20 =	sadd.s32 $0x400, s20  }
0x34: {  	v2 =	vld.idx.msk [tilespmem:v0+s19+$0x10 ss:$0x1], $0xffff;
	[tilespmem:s20+$0x30] =	vst v7  }
0x35: {  	[tilespmem:s20+$0xFFFFFFC0] =	vst v8;
	v6 =	vld.idx.msk [tilespmem:v0+s19+$0x20 ss:$0x1], $0xffff;
	s19 =	sshra.s32 s21, $0x2;
	s21 =	sadd.s32 $0x200, s21  }
0x36: {  	_ =	sdelay $0x2  }
0x37: {  	[tilespmem:s20+$0xFFFFFFD0] =	vst v5  }
0x38: {  	v56 =	vld.idx.msk [tilespmem:v0+s19+$0x30 ss:$0x1], $0xffff;
	[tilespmem:s20+$0xFFFFFFE0] =	vst v4  }
0x39: {  	v57 =	vld.idx.msk [tilespmem:v0+s19+$0xFFFFFFC0 ss:$0x1], $0xffff;
	[tilespmem:s20+$0xFFFFFFF0] =	vst v3  }
0x3a: {  	v58 =	vld.idx.msk [tilespmem:v0+s19+$0xFFFFFFD0 ss:$0x1], $0xffff;
	[tilespmem:s20+$0x0] =	vst v1  }
0x3b: {  	v59 =	vld.idx.msk [tilespmem:v0+s19+$0xFFFFFFE0 ss:$0x1], $0xffff;
	[tilespmem:s20+$0x10] =	vst v2  }
0x3c: {  	v60 =	vld.idx.msk [tilespmem:v0+s19+$0xFFFFFFF0 ss:$0x1], $0xffff;
	s31 =	sadd.s32 $0x400, s20;
	[tilespmem:s20+$0x20] =	vst v6  }
0x3d: {  	v61 =	vld.idx.msk [tilespmem:v0+s19+$0x0 ss:$0x1], $0xffff;
	[tilespmem:s31+$0x30] =	vst v56  }
0x3e: {  	v62 =	vld.idx.msk [tilespmem:v0+s19+$0x10 ss:$0x1], $0xffff;
	s18 =	sadd.s32 $0x1, s18;
	[tilespmem:s31+$0xFFFFFFC0] =	vst v57  }
0x3f: {  	v63 =	vld.idx.msk [tilespmem:v0+s19+$0x20 ss:$0x1], $0xffff;
	p1 =	sne.s32 s18, $0x8;
	[tilespmem:s31+$0xFFFFFFD0] =	vst v58  }
.Ltmp4:
0x40: {  	[tilespmem:s31+$0xFFFFFFE0] =	vst v59;
	(pc) =	sbr.rel @p1 .LBB1_4-.Ltmp4, $4  }
0x41: {  	[tilespmem:s31+$0xFFFFFFF0] =	vst v60  }
0x42: {  	[tilespmem:s31+$0x0] =	vst v61  }
0x43: {  	[tilespmem:s31+$0x10] =	vst v62  }
0x44: {  	s16 =	sadd.s32 $0x80, s16;
	s17 =	sadd.s32 $0x400, s17;
	[tilespmem:s31+$0x20] =	vst v63  }
.Ltmp5:
0x45: {  	(pc) =	sbr.rel @p0 .LBB1_3-.Ltmp5, $2  }
0x46: {  	_ =	sdelay $0x2  }
0x47: {  	s16 =	simm.s32 $0x2000;
	p1 =	por $0x0, $0x0  }
.Ltmp6:
0x48: {  	(pc) =	sbr.rel .LBB1_9-.Ltmp6, $4  }
0x49: {  	_ = 	snop  }
0x4a: {  	s12 =	sshll.u32 s12, $0xA  }
0x4b: {  	s12 =	sadd.s32 s4, s12  }
0x4c: {  	[hbm4b:s12+s8] =	stream.linear.scatter [tilespmem:s13], [sflag:$0x2], $0x4000, $0x38;
	[tilespmem:$0x10000] =	vst v63  }
.LBB1_10:
0x4d: {  	_ =	sfence.sel $0x180000  }
0x4e: {  	s2 =	simm.s32 $0x1;
	[bflag:$0x0] =	sbarrier.arrive $0xFFFF  }
0x4f: {  	s31 =	simm.s32 $0x2;
	[sflag:s2] =	ssyncpa.u1 $0x1  }
0x50: {  	[sflag:s31] =	ssyncpa.u1 $0x1  }
0x51: {  	p0 =	sne.s32 s0, $0x0;
	_ =	strace $0x90000047  }
0x52: {  	s0 =	sadd.s32 @!p0 $0x100000, s1;
	[bflag:$0x2] =	sbarrier.arrive $0xFFFF  }
0x53: {  	[sflag:s0] =	ssyncadd.tile.s32 @!p0 $0x1;
	_ =	shalt  }
.Lfunc_end1:
_tile_overlayer_lowered:
.L_overlay_start_2:
0x54: {  	(tag) =	ssettag $0x2  }
0x55: {  	s0 =	rddreg [dreg:$0x0];
	s2 =	stileid.u32  }
0x56: {  	s1 =	rddreg [dreg:$0x1];
	p0 =	sne.s32 s2, $0x0  }
0x57: {  	s3 =	rddreg [dreg:$0x2];
	[bflag:$0x3] =	sbarrier.arrive $0xFFFF;
	s2 =	simm.s32 @!p0 $0x1C01  }
0x58: {  	[timem:s3], [sflag:s2] =	dma.local @!p0 [hbm:s0], s1  }
0x59: {  	s0 =	simm.s32 @!p0 $0x1  }
0x5a: {  	_ =	swait.ge @!p0 [sflag:s0], s1  }
0x5b: {  	s1 =	ssub.s32 @!p0 $0x0, s1;
	[sflag:s0] =	ssyncset.done @!p0 $0x0  }
0x5c: {  	[sflag:s0] =	ssyncadd.s32 @!p0 s1  }
0x5d: {  	[bflag:$0x3] =	sbarrier.arrive $0xFFFF  }
0x5e: {  	_ =	shalt  }

// kernel: sparse-core-data-format-call.cloned.1.call-start
scs
called_computation_lowered:
.L_overlay_start_0:
0x0: {  	s1 =	sld [smem:$0x3FD9]  }
0x1: {  	s2 =	sld [smem:$0x3FFE];
	_ =	sdelay $0x1  }
0x2: {  	s3 =	srdreg.scid  }
0x3: {  	s0 =	sand.u32 $0x1, s3  }
0x4: {  	s17 =	sshll.u32 s0, $0xA;
	s1 =	sadd.s32 s2, s1  }
0x5: {  	s1 =	sadd.s32 s1, s17  }
0x6: {  	[smem:$0x3FAB] =	sst s1  }
0x7: {  	_ = 	snop  }
0x8: {  	(tm) =	ssettm $0x1  }
0x9: {  	s18 =	sld [smem:$0x3FFB];
	_ =	sdelay $0x3  }
0xa: {  	_ =	strace s18  }
0xb: {  	s1 =	sld [smem:$0x3FFC];
	_ =	sdelay $0x3  }
0xc: {  	_ =	strace s1  }
0xd: {  	s1 =	sld [smem:$0x3FFD];
	_ =	sdelay $0x3  }
0xe: {  	_ =	strace s1  }
0xf: {  	_ =	strace $0x8FFFFFFF  }
0x10: {  	s19 =	sld [smem:$0x3FDB];
	_ =	sdelay $0x1  }
0x11: {  	s20 =	simm.s32 $_scs_section_size  }
0x12: {  	s4 =	simm.s32 $_size__tile_overlayer_lowered;
	s5 =	simm.s32 $_tile_overlayer_lowered  }
0x13: {  	s23 =	simm.s32 $0x1BFF;
	s22 =	sshll.u32 s5, $0x1;
	s1 =	sadd.s32 s20, s19  }
0x14: {  	s6 =	simm.s32 $0x0;
	s21 =	sshll.u32 s4, $0x1;
	s4 =	sadd.s32 s22, s1  }
0x15: {  	[timem:s6], [sflag:s23] =	dma.local [hbm:s4], s21  }
0x16: {  	_ =	swait.ge [sflag:s23], s21  }
0x17: {  	s2 =	ssub.s32 $0x0, s21;
	[sflag:s23] =	ssyncset.done $0x0  }
0x18: {  	[sflag:s23] =	ssyncadd.s32 s2;
	_ =	sdelay $0x1  }
0x19: {  	s24 =	simm.s32 $0x1B8B  }
0x1a: {  	_ =	swait.ge [sflag:s24], $0x1  }
0x1b: {  	[sflag:s24] =	ssyncset.done $0x0  }
0x1c: {  	s26 =	simm.s32 $0x1B8E;
	s25 =	sld [smem:$0x3FFE];
	[sflag:s24] =	ssyncadd.s32 $0xFFFFFFFF  }
0x1d: {  	s27 =	simm.s32 $execute0_lowered;
	[smem:$0x3FD2] =	sst s26  }
0x1e: {  	s4 =	sshll.u32 s27, $0x1;
	_ =	strace $0x8000004F;
	[dreg:$0x1] =	wrdreg $0xFFFFFFFF  }
0x1f: {  	s28 =	simm.s32 $_size_execute0_lowered;
	s1 =	sadd.s32 s1, s4;
	[dreg:$0x0] =	wrdreg $0x0  }
0x20: {  	s4 =	sshll.u32 s28, $0x1;
	[dreg:$0x2] =	wrdreg s1  }
0x21: {  	[dreg:$0x3] =	wrdreg s4  }
0x22: {  	[dreg:$0x4] =	wrdreg $0xC0  }
0x23: {  	_ =	task [dreg:s6], $0x5FFFF  }
0x24: {  	[dreg:$0x1] =	wrdreg $0xFFFFFFFF  }
0x25: {  	[dreg:$0x0] =	wrdreg $0x60  }
0x26: {  	[dreg:$0x2] =	wrdreg s25  }
0x27: {  	[dreg:$0x3] =	wrdreg $0x9  }
0x28: {  	_ =	task.clear_ibuf [dreg:s6], $0x4FFFF;
	_ =	strace $0x9000004F  }
0x29: {  	s29 =	simm.s32 $0x9;
	_ =	strace $0x80000051  }
0x2a: {  	_ =	swait.ge [sflag:s29], $0x1  }
0x2b: {  	[sflag:s29] =	ssyncadd.s32 $0xFFFFFFFF  }
0x2c: {  	_ =	strace $0x90000051  }
0x2d: {  	_ =	sfence  }
0x2e: {  	s30 =	sld [smem:$0x0];
	_ =	sdelay $0x2  }
0x2f: {  	s31 =	sshll.u32 s3, $0xD;
	s3 =	sshrl.u32 s3, $0x2  }
0x30: {  	s2 =	sand.u32 $0x4000, s31;
	s1 =	sadd.s32 s3, s30  }
0x31: {  	s0 =	sor.u32 s2, s0;
	s1 =	sshll.u32 s1, $0x11  }
0x32: {  	s0 =	sor.u32 s1, s0  }
0x33: {  	s0 =	sadd.s32 $0x8F2B, s0  }
0x34: {  	[sflag:s0] =	ssyncadd.remote.s32 $0x1  }
0x35: {  	_ =	sfence.sel $0xFFFF  }
0x36: {  	[dreg:$0x0] =	wrdreg $0xFFFFFFFF;
	(pc) =	sbr.abs _section_cstart, $3  }
0x37: {  	[dreg:$0x1] =	wrdreg $0xFFFFFFFF  }
0x38: {  	_ =	task.clear_ibuf [dreg:s6], $0x2FFFF;
	_ =	strace $0x9FFFFFFF  }
0x39: {  	(tm) =	ssettm $0x7FFFFFFF  }
tec
execute0_lowered:
.L_overlay_start_1:
0x0: {  	(tag) =	ssettag $0x1  }
0x1: {  	s0 =	srdreg.scid  }
0x2: {  	s1 =	sshll.u32 s0, $0x4  }
0x3: {  	s4 =	rddreg [dreg:$0x0];
	s0 =	stileid.u32;
	s1 =	sand.u32 $0x10, s1  }
0x4: {  	s7 =	simm.s32 $0x1;
	s8 =	simm.s32 $0x2;
	s2 =	sor.u32 s0, s1  }
0x5: {  	s9 =	simm.s32 $0x0;
	s12 =	simm.s32 $0x0;
	s2 =	sshll.u32 s2, $0x1  }
0x6: {  	s11 =	simm.s32 $0x0;
	s3 =	sadd.s32 $0x175800, s4;
	s6 =	ssub.s32 $0x4E2, s2  }
.Ltmp0:
0x7: {  	s4 =	sadd.s32 $0x7CB400, s4;
	s5 =	sand.u32 $0x3E, s6;
	(pc) =	sbr.rel .LBB1_1-.Ltmp0, $4  }
0x8: {  	s1 =	rddreg [dreg:$0x1];
	_ =	strace $0x80000050;
	p0 =	sne.s32 s5, $0x0  }
0x9: {  	s6 =	sshrl.u32 s6, $0x6;
	s5 =	simm.s32 $0x1;
	s7 =	simm.s32 @!p0 $0x0  }
0xa: {  	s10 =	smov.u32 s2;
	[sflag:s5] =	ssyncpa.u1 $0x0;
	s6 =	sadd.s32 s7, s6  }
0xb: {  	[sflag:s8] =	ssyncpa.u1 $0x0;
	s8 =	simm.s32 $0x0;
	s7 =	sadd.s32 $0x1, s6  }
.LBB1_9:
0xc: {  	s14 =	sadd.s32 $0x40, s10  }
0xd: {  	p1 =	sgt.s32 s14, $0x4E1  }
0xe: {  	s14 =	smov.u32 @p1 s2;
	p1 =	sne.s32 s11, s7  }
.Ltmp1:
0xf: {  	p0 =	slt.u32 s11, $0x2;
	(pc) =	sbr.rel @!p1 .LBB1_10-.Ltmp1, $4  }
0x10: {  	s13 =	simm.s32 @!p0 $0x2  }
0x11: {  	s15 =	sadd.s32 $0x1, s11;
	_ =	swait.ge @!p0 [sflag:s13], $0x4000  }
0x12: {  	s12 =	smov.u32 s10;
	s9 =	sadd.s32 $0x4000, s9;
	[sflag:s13] =	ssyncset.done @!p0 $0x0  }
0x13: {  	s11 =	smov.u32 s15;
	s10 =	smov.u32 s14;
	[sflag:s13] =	ssyncadd.s32 @!p0 $0xFFFFC000  }
.LBB1_1:
0x14: {  	p0 =	sge.u32 s11, s6  }
0x15: {  	s13 =	sxor.u32 @!p0 $0xFFFFFFFF, s11  }
0x16: {  	s31 =	sadd.s32 $0xFFFFFFFF, s11;
	s14 =	sshll.u32 @!p0 s10, $0xA;
	s13 =	sshll.u32 @!p0 s13, $0xE  }
0x17: {  	s15 =	simm.s32 @!p0 $0x0;
	s14 =	sadd.s32 @!p0 s3, s14;
	s13 =	sand.u32 @!p0 $0x4000, s13  }
0x18: {  	[tilespmem:s13], [sflag:$0x1] =	stream.linear.gather @!p0 [hbm4b:s14+s15], $0x4000, $0x38;
	[tilespmem:$0x10000] =	vst v63  }
0x19: {  	p0 =	sge.u32 s31, s6  }
.Ltmp2:
0x1a: {  	_ = 	snop;
	(pc) =	sbr.rel @p0 .LBB1_9-.Ltmp2, $1  }
0x1b: {  	_ =	sdelay $0x3  }
0x1c: {  	s13 =	sshll.u32 s9, $0x2  }
0x1d: {  	_ =	swait.ge [sflag:s5], $0x4000;
	s14 =	sshll.u32 s11, $0xE;
	s16 =	simm.s32 $0x0  }
0x1e: {  	p1 =	por $0x1, $0x1;
	s13 =	sand.u32 $0x10000, s13;
	[sflag:s5] =	ssyncset.done $0x0  }
0x1f: {  	s14 =	sand.u32 $0x4000, s14;
	s15 =	sshrl.u32 s13, $0x2;
	[sflag:s5] =	ssyncadd.s32 $0xFFFFC000  }
0x20: {  	s13 =	sor.u32 $0x8000, s14;
	s14 =	sadd.s32 $0x8040, s15;
	s15 =	sadd.s32 $0x40, s15  }
.LBB1_3:
0x21: {  	s16 =	sshll.u32 s16, $0x2  }
0x22: {  	p0 =	por p1, p1;
	s17 =	sshra.s32 s16, $0x2  }
0x23: {  	s18 =	simm.s32 $0x0;
	s16 =	sadd.s32 s17, s14;
	s17 =	sadd.s32 s17, s15  }
.LBB1_4:
0x24: {  	v0 =	vmov s17;
	_ =	sdelay $0x3  }
0x25: {  	s20 =	simm.s32 $0x0  }
0x26: {  	v6 =	vld.idx.msk [tilespmem:v0+s20+$0x30 ss:$0x1], $0xffff  }
0x27: {  	v7 =	vld.idx.msk [tilespmem:v0+s20+$0xFFFFFFC0 ss:$0x1], $0xffff  }
0x28: {  	v5 =	vld.idx.msk [tilespmem:v0+s20+$0xFFFFFFD0 ss:$0x1], $0xffff  }
0x29: {  	v4 =	vld.idx.msk [tilespmem:v0+s20+$0xFFFFFFE0 ss:$0x1], $0xffff  }
0x2a: {  	v3 =	vld.idx.msk [tilespmem:v0+s20+$0xFFFFFFF0 ss:$0x1], $0xffff  }
0x2b: {  	v1 =	vld.idx.msk [tilespmem:v0+s20+$0x0 ss:$0x1], $0xffff  }
0x2c: {  	v2 =	vld.idx.msk [tilespmem:v0+s20+$0x10 ss:$0x1], $0xffff;
	[tilespmem:s16+$0x30] =	vst v6  }
0x2d: {  	s19 =	simm.s32 $0x80;
	s21 =	simm.s32 $0x400;
	[tilespmem:s16+$0xFFFFFFC0] =	vst v7;
	v6 =	vld.idx.msk [tilespmem:v0+s20+$0x20 ss:$0x1], $0xffff;
	s20 =	smov.u32 s16  }
.LBB1_5:
0x2e: {  	p1 =	sne.s32 s21, $0xE00;
	v7 =	vld.idx.msk [tilespmem:v0+s19+$0x30 ss:$0x1], $0xffff;
	[tilespmem:s20+$0xFFFFFFD0] =	vst v5  }
0x2f: {  	v8 =	vld.idx.msk [tilespmem:v0+s19+$0xFFFFFFC0 ss:$0x1], $0xffff;
	[tilespmem:s20+$0xFFFFFFE0] =	vst v4  }
0x30: {  	v5 =	vld.idx.msk [tilespmem:v0+s19+$0xFFFFFFD0 ss:$0x1], $0xffff;
	[tilespmem:s20+$0xFFFFFFF0] =	vst v3  }
.Ltmp3:
0x31: {  	v4 =	vld.idx.msk [tilespmem:v0+s19+$0xFFFFFFE0 ss:$0x1], $0xffff;
	[tilespmem:s20+$0x0] =	vst v1;
	(pc) =	sbr.rel @p1 .LBB1_5-.Ltmp3, $4  }
0x32: {  	v3 =	vld.idx.msk [tilespmem:v0+s19+$0xFFFFFFF0 ss:$0x1], $0xffff;
	[tilespmem:s20+$0x10] =	vst v2  }
0x33: {  	v1 =	vld.idx.msk [tilespmem:v0+s19+$0x0 ss:$0x1], $0xffff;
	[tilespmem:s20+$0x20] =	vst v6;
	s20 =	sadd.s32 $0x400, s20  }
0x34: {  	v2 =	vld.idx.msk [tilespmem:v0+s19+$0x10 ss:$0x1], $0xffff;
	[tilespmem:s20+$0x30] =	vst v7  }
0x35: {  	[tilespmem:s20+$0xFFFFFFC0] =	vst v8;
	v6 =	vld.idx.msk [tilespmem:v0+s19+$0x20 ss:$0x1], $0xffff;
	s19 =	sshra.s32 s21, $0x2;
	s21 =	sadd.s32 $0x200, s21  }
0x36: {  	_ =	sdelay $0x2  }
0x37: {  	[tilespmem:s20+$0xFFFFFFD0] =	vst v5  }
0x38: {  	v56 =	vld.idx.msk [tilespmem:v0+s19+$0x30 ss:$0x1], $0xffff;
	[tilespmem:s20+$0xFFFFFFE0] =	vst v4  }
0x39: {  	v57 =	vld.idx.msk [tilespmem:v0+s19+$0xFFFFFFC0 ss:$0x1], $0xffff;
	[tilespmem:s20+$0xFFFFFFF0] =	vst v3  }
0x3a: {  	v58 =	vld.idx.msk [tilespmem:v0+s19+$0xFFFFFFD0 ss:$0x1], $0xffff;
	[tilespmem:s20+$0x0] =	vst v1  }
0x3b: {  	v59 =	vld.idx.msk [tilespmem:v0+s19+$0xFFFFFFE0 ss:$0x1], $0xffff;
	[tilespmem:s20+$0x10] =	vst v2  }
0x3c: {  	v60 =	vld.idx.msk [tilespmem:v0+s19+$0xFFFFFFF0 ss:$0x1], $0xffff;
	s31 =	sadd.s32 $0x400, s20;
	[tilespmem:s20+$0x20] =	vst v6  }
0x3d: {  	v61 =	vld.idx.msk [tilespmem:v0+s19+$0x0 ss:$0x1], $0xffff;
	[tilespmem:s31+$0x30] =	vst v56  }
0x3e: {  	v62 =	vld.idx.msk [tilespmem:v0+s19+$0x10 ss:$0x1], $0xffff;
	s18 =	sadd.s32 $0x1, s18;
	[tilespmem:s31+$0xFFFFFFC0] =	vst v57  }
0x3f: {  	v63 =	vld.idx.msk [tilespmem:v0+s19+$0x20 ss:$0x1], $0xffff;
	p1 =	sne.s32 s18, $0x8;
	[tilespmem:s31+$0xFFFFFFD0] =	vst v58  }
.Ltmp4:
0x40: {  	[tilespmem:s31+$0xFFFFFFE0] =	vst v59;
	(pc) =	sbr.rel @p1 .LBB1_4-.Ltmp4, $4  }
0x41: {  	[tilespmem:s31+$0xFFFFFFF0] =	vst v60  }
0x42: {  	[tilespmem:s31+$0x0] =	vst v61  }
0x43: {  	[tilespmem:s31+$0x10] =	vst v62  }
0x44: {  	s16 =	sadd.s32 $0x80, s16;
	s17 =	sadd.s32 $0x400, s17;
	[tilespmem:s31+$0x20] =	vst v63  }
.Ltmp5:
0x45: {  	(pc) =	sbr.rel @p0 .LBB1_3-.Ltmp5, $2  }
0x46: {  	_ =	sdelay $0x2  }
0x47: {  	s16 =	simm.s32 $0x2000;
	p1 =	por $0x0, $0x0  }
.Ltmp6:
0x48: {  	(pc) =	sbr.rel .LBB1_9-.Ltmp6, $4  }
0x49: {  	_ = 	snop  }
0x4a: {  	s12 =	sshll.u32 s12, $0xA  }
0x4b: {  	s12 =	sadd.s32 s4, s12  }
0x4c: {  	[hbm4b:s12+s8] =	stream.linear.scatter [tilespmem:s13], [sflag:$0x2], $0x4000, $0x38;
	[tilespmem:$0x10000] =	vst v63  }
.LBB1_10:
0x4d: {  	_ =	sfence.sel $0x180000  }
0x4e: {  	s2 =	simm.s32 $0x1;
	[bflag:$0x0] =	sbarrier.arrive $0xFFFF  }
0x4f: {  	s31 =	simm.s32 $0x2;
	[sflag:s2] =	ssyncpa.u1 $0x1  }
0x50: {  	[sflag:s31] =	ssyncpa.u1 $0x1  }
0x51: {  	p0 =	sne.s32 s0, $0x0;
	_ =	strace $0x90000050  }
0x52: {  	s0 =	sadd.s32 @!p0 $0x100000, s1;
	[bflag:$0x2] =	sbarrier.arrive $0xFFFF  }
0x53: {  	[sflag:s0] =	ssyncadd.tile.s32 @!p0 $0x1;
	_ =	shalt  }
.Lfunc_end1:
_tile_overlayer_lowered:
.L_overlay_start_2:
0x54: {  	(tag) =	ssettag $0x2  }
0x55: {  	s0 =	rddreg [dreg:$0x0];
	s2 =	stileid.u32  }
0x56: {  	s1 =	rddreg [dreg:$0x1];
	p0 =	sne.s32 s2, $0x0  }
0x57: {  	s3 =	rddreg [dreg:$0x2];
	[bflag:$0x3] =	sbarrier.arrive $0xFFFF;
	s2 =	simm.s32 @!p0 $0x1C01  }
0x58: {  	[timem:s3], [sflag:s2] =	dma.local @!p0 [hbm:s0], s1  }
0x59: {  	s0 =	simm.s32 @!p0 $0x1  }
0x5a: {  	_ =	swait.ge @!p0 [sflag:s0], s1  }
0x5b: {  	s1 =	ssub.s32 @!p0 $0x0, s1;
	[sflag:s0] =	ssyncset.done @!p0 $0x0  }
0x5c: {  	[sflag:s0] =	ssyncadd.s32 @!p0 s1  }
0x5d: {  	[bflag:$0x3] =	sbarrier.arrive $0xFFFF  }
0x5e: {  	_ =	shalt  }

</sc_bundles>
